<compile_context>
chip_gen: v7x
topology: tpu7x:2x2x1
jax: 0.10.2.dev20260603
libtpu: 0.0.44.dev20260713+nightly
codegen_flags: <defaults>
</compile_context>

<pallas_src>
import functools

import jax
import jax.numpy as jnp
from jax import lax
from jax.experimental import pallas as pl
from jax.experimental.pallas import tpu as pltpu
from jax.experimental.pallas import tpu_sc as plsc

B, T, D, S, P, R = 8, 2048, 256, 64, 2048, 16
SPAN_WIN = 32
NC, NS, L = 2, 16, 16
NW = NC * NS
SC_B = 4
CHUNK = (SC_B * P) // NW
WPB = P // CHUNK


def _pool_spans(starts_ref, lens_ref, encoded_ref, bidx, pooled_ref):
    neg = jnp.finfo(jnp.float32).min
    row_id = lax.broadcasted_iota(jnp.int32, (SPAN_WIN + 8, D), 0)

    for k in range(S // 8):
        group = []
        for j in range(8):
            s = k * 8 + j
            start = starts_ref[bidx, s]
            ln = lens_ref[bidx, s]
            base = (start // 8) * 8
            off = start - base
            rows = encoded_ref[0, pl.ds(base, SPAN_WIN + 8), :]
            in_span = (row_id - off).astype(jnp.uint32) < ln.astype(jnp.uint32)
            masked = jnp.where(in_span, rows, neg)
            group.append(jnp.max(masked, axis=0, keepdims=True))
        pooled_ref[k * 8:(k + 1) * 8, :] = jnp.concatenate(group, axis=0)


def _pool_project_kernel(starts_ref, lens_ref, encoded_ref, w_ref, b_ref,
                         h_ref, t_ref, pooled_ref, *, boff):
    bidx = pl.program_id(0) + boff
    _pool_spans(starts_ref, lens_ref, encoded_ref, bidx, pooled_ref)
    pooled = pooled_ref[...]
    h = jnp.dot(pooled, w_ref[:D, :], preferred_element_type=jnp.float32)
    h_ref[0, :, :] = h + b_ref[...][None, :]
    t_ref[0, :, :] = jnp.dot(pooled, w_ref[D:, :],
                             preferred_element_type=jnp.float32)


def _pool_project_score_kernel(starts_ref, lens_ref, encoded_ref, w_ref, b_ref,
                               head_ref, tail_ref, out_ref, pooled_ref):
    bidx = pl.program_id(0)
    _pool_spans(starts_ref, lens_ref, encoded_ref, bidx, pooled_ref)
    pooled = pooled_ref[...]
    h = jnp.dot(pooled, w_ref[:D, :],
                preferred_element_type=jnp.float32) + b_ref[...][None, :]
    t = jnp.dot(pooled, w_ref[D:, :], preferred_element_type=jnp.float32)
    ht = jnp.concatenate([h, t], axis=0)
    span_id = lax.broadcasted_iota(jnp.int32, (P, 2 * S), 1)
    sel = ((span_id == head_ref[bidx, :][:, None])
           | (span_id == tail_ref[bidx, :][:, None] + S))
    out_ref[0] = jnp.dot(sel.astype(jnp.float32), ht,
                         preferred_element_type=jnp.float32)


def _pair_gather_kernel(h_hbm, t_hbm, head_hbm, tail_hbm, out_hbm,
                        h_v, t_v, idxh_v, idxt_v, out_v,
                        sem0, sem1, sem2, sem3):
    wid = lax.axis_index("s") * NC + lax.axis_index("c")
    bidx = wid // WPB
    src_b = bidx + (B - SC_B)
    col = pl.multiple_of((wid % WPB) * CHUNK, CHUNK)
    cps = (pltpu.async_copy(h_hbm.at[bidx], h_v, sem0),
           pltpu.async_copy(t_hbm.at[bidx], t_v, sem1),
           pltpu.async_copy(head_hbm.at[src_b, pl.ds(col, CHUNK)], idxh_v, sem2),
           pltpu.async_copy(tail_hbm.at[src_b, pl.ds(col, CHUNK)], idxt_v, sem3))
    for cp in cps:
        cp.wait()

    def group_body(g, _):
        off = pl.multiple_of(g * L, L)
        rows_h = idxh_v[pl.ds(off, L)]
        rows_t = idxt_v[pl.ds(off, L)]
        for j in range(L):
            i = off + j
            vh = h_v[rows_h[j], :]
            vt = t_v[rows_t[j], :]
            out_v[i, :] = vh + vt
        return 0

    lax.fori_loop(0, CHUNK // L, group_body, 0)

    pltpu.sync_copy(out_v, out_hbm.at[bidx, pl.ds(col, CHUNK), :])


def kernel(encoded, span_starts, span_lengths, pair_head, pair_tail, W, b):
    TC_B = B - SC_B
    starts32 = span_starts.astype(jnp.int32)
    lens32 = span_lengths.astype(jnp.int32)
    head32 = pair_head.astype(jnp.int32)
    tail32 = pair_tail.astype(jnp.int32)

    sc_grid_spec = pltpu.PrefetchScalarGridSpec(
        num_scalar_prefetch=2,
        grid=(SC_B,),
        in_specs=[
            pl.BlockSpec((1, T, D), lambda b_, *_: (b_ + B - SC_B, 0, 0)),
            pl.BlockSpec((2 * D, R), lambda b_, *_: (0, 0)),
            pl.BlockSpec((R,), lambda b_, *_: (0,)),
        ],
        out_specs=[
            pl.BlockSpec((1, S, R), lambda b_, *_: (b_, 0, 0)),
            pl.BlockSpec((1, S, R), lambda b_, *_: (b_, 0, 0)),
        ],
        scratch_shapes=[pltpu.VMEM((S, D), jnp.float32)],
    )
    h, t = pl.pallas_call(
        functools.partial(_pool_project_kernel, boff=TC_B),
        grid_spec=sc_grid_spec,
        out_shape=[
            jax.ShapeDtypeStruct((SC_B, S, R), jnp.float32),
            jax.ShapeDtypeStruct((SC_B, S, R), jnp.float32),
        ],
    )(starts32, lens32, encoded, W, b)

    mesh = plsc.VectorSubcoreMesh(core_axis_name="c", subcore_axis_name="s",
                                  num_cores=NC)
    gather = pl.kernel(
        _pair_gather_kernel,
        out_type=jax.ShapeDtypeStruct((SC_B, P, R), jnp.float32),
        mesh=mesh,
        compiler_params=pltpu.CompilerParams(needs_layout_passes=False),
        scratch_types=[
            pltpu.VMEM((S, R), jnp.float32),
            pltpu.VMEM((S, R), jnp.float32),
            pltpu.VMEM((CHUNK,), jnp.int32),
            pltpu.VMEM((CHUNK,), jnp.int32),
            pltpu.VMEM((CHUNK, R), jnp.float32),
            pltpu.SemaphoreType.DMA,
            pltpu.SemaphoreType.DMA,
            pltpu.SemaphoreType.DMA,
            pltpu.SemaphoreType.DMA,
        ],
    )
    sc_scores = gather(h, t, head32, tail32)

    tc_grid_spec = pltpu.PrefetchScalarGridSpec(
        num_scalar_prefetch=2,
        grid=(TC_B,),
        in_specs=[
            pl.BlockSpec((1, T, D), lambda b_, *_: (b_, 0, 0)),
            pl.BlockSpec((2 * D, R), lambda b_, *_: (0, 0)),
            pl.BlockSpec((R,), lambda b_, *_: (0,)),
            pl.BlockSpec((TC_B, P), lambda b_, *_: (0, 0)),
            pl.BlockSpec((TC_B, P), lambda b_, *_: (0, 0)),
        ],
        out_specs=pl.BlockSpec((1, P, R), lambda b_, *_: (b_, 0, 0)),
        scratch_shapes=[pltpu.VMEM((S, D), jnp.float32)],
    )
    tc_scores = pl.pallas_call(
        _pool_project_score_kernel,
        grid_spec=tc_grid_spec,
        out_shape=jax.ShapeDtypeStruct((TC_B, P, R), jnp.float32),
    )(starts32, lens32, encoded, W, b, head32[:TC_B], tail32[:TC_B])
    return jnp.concatenate([tc_scores, sc_scores], axis=0)

# --- scband reference (transcript-rebuilt; emitter-appended) ---
"""Pipeline reference for scband-redecoder-89635967468130 (READ-ONLY COPY).

The authoritative reference and input builder live on the scoring server;
editing this copy changes nothing except your own understanding.
"""

import jax, jax.numpy as jnp
import numpy as np

B, T, D, S, P, R = 8, 2048, 256, 64, 2048, 16

def setup_inputs(seed: int = 0):
    key = jax.random.key(seed)
    ks = jax.random.split(key, 7)
    encoded = jax.random.normal(ks[0], (B, T, D), dtype=jnp.float32)
    span_starts = jax.random.randint(ks[1], (B, S), 0, T - 32)
    span_lengths = jax.random.randint(ks[2], (B, S), 1, 32)
    pair_head = jax.random.randint(ks[3], (B, P), 0, S)
    pair_tail = jax.random.randint(ks[4], (B, P), 0, S)
    W = jax.random.normal(ks[5], (2 * D, R), dtype=jnp.float32) * 0.02
    b = jnp.zeros((R,), dtype=jnp.float32)
    return {"encoded": encoded, "span_starts": span_starts, "span_lengths": span_lengths,
            "pair_head": pair_head, "pair_tail": pair_tail, "W": W, "b": b}

def _forward(encoded, W, b, span_starts, span_lengths, pair_head, pair_tail):
    Bq, Tq, Dq = encoded.shape
    pos = jnp.arange(Tq)
    span_ends = span_starts + span_lengths
    neg_inf = jnp.finfo(encoded.dtype).min
    # pool each span with a max over its token range (pooling_fn='max'),
    # sequential over spans to bound peak memory (mirrors per-span torch loop)
    def pool_one(se):
        start, end = se  # each [B]
        mask = (pos[None, :] >= start[:, None]) & (pos[None, :] < end[:, None])  # [B, T]
        return jnp.where(mask[:, :, None], encoded, neg_inf).max(axis=1)  # [B, D]
    span_pooled = jax.lax.map(pool_one, (span_starts.T, span_ends.T))  # [S, B, D]
    span_pooled = jnp.transpose(span_pooled, (1, 0, 2))  # [B, S, D]
    batch_idx = jnp.arange(Bq)[:, None]
    head_rep = span_pooled[batch_idx, pair_head]  # [B, P, D] gather
    tail_rep = span_pooled[batch_idx, pair_tail]  # [B, P, D] gather
    pair_rep = jnp.concatenate([head_rep, tail_rep], axis=-1)  # [B, P, 2D] = pair_pooled
    scores = pair_rep @ W + b  # self.linear (dropout p=0.0 is identity)
    return scores

def reference(encoded, span_starts, span_lengths, pair_head, pair_tail, W, b):
    return _forward(encoded, W, b, span_starts, span_lengths, pair_head, pair_tail)

if __name__ == "__main__":
    import jax
    _d = setup_inputs()
    print(jax.jit(kernel)(*tuple(_d.values())))

</pallas_src>

<mosaic_0001>
#map = affine_map<(d0, d1) -> (0, 0, 0)>
#map1 = affine_map<(d0, d1) -> (0, 0)>
module attributes {stable_mosaic.version = 14 : i64} {
  func.func @_pair_gather_kernel(%arg0: i32, %arg1: i32, %arg2: memref<4x64x16xf32, #tpu.memory_space<hbm>>, %arg3: memref<4x64x16xf32, #tpu.memory_space<hbm>>, %arg4: memref<8x2048xi32, #tpu.memory_space<hbm>>, %arg5: memref<8x2048xi32, #tpu.memory_space<hbm>>, %arg6: memref<4x2048x16xf32, #tpu.memory_space<hbm>>, %arg7: memref<64x16xf32, #tpu.memory_space<vmem>>, %arg8: memref<64x16xf32, #tpu.memory_space<vmem>>, %arg9: memref<256xi32, #tpu.memory_space<vmem>>, %arg10: memref<256xi32, #tpu.memory_space<vmem>>, %arg11: memref<256x16xf32, #tpu.memory_space<vmem>>, %arg12: memref<!tpu.dma_semaphore, #tpu.memory_space<semaphore_mem>>, %arg13: memref<!tpu.dma_semaphore, #tpu.memory_space<semaphore_mem>>, %arg14: memref<!tpu.dma_semaphore, #tpu.memory_space<semaphore_mem>>, %arg15: memref<!tpu.dma_semaphore, #tpu.memory_space<semaphore_mem>>) attributes {dimension_semantics = [#tpu.dimension_semantics<core_parallel>, #tpu.dimension_semantics<subcore_parallel>], iteration_bounds = array<i64: 2, 16>, scalar_prefetch = 0 : i64, scratch_operands = 9 : i64, tpu.core_type = #tpu.core_type<sc_vector_subcore>, window_params = [{transform_indices = #map}, {transform_indices = #map}, {transform_indices = #map1}, {transform_indices = #map1}, {transform_indices = #map}]} {
    %mul3A = arith.constant 2 : i32
    %mul3A_0 = arith.muli %arg1, %mul3A : i32
    %add3A = arith.addi %mul3A_0, %arg0 : i32
    %jit3A = arith.constant 8 : i32
    %div3A = arith.divsi %add3A, %jit3A : i32
    %sign3A = arith.constant 0 : i32
    %sign3A_1 = arith.cmpi sgt, %add3A, %sign3A : i32
    %sign3A_2 = arith.extui %sign3A_1 : i1 to i32
    %sign3A_3 = arith.constant 0 : i32
    %sign3A_4 = arith.cmpi slt, %add3A, %sign3A_3 : i32
    %sign3A_5 = arith.extui %sign3A_4 : i1 to i32
    %sign3A_6 = arith.subi %sign3A_2, %sign3A_5 : i32
    %sign3A_7 = arith.constant 0 : i32
    %sign3A_8 = arith.cmpi sgt, %jit3A, %sign3A_7 : i32
    %sign3A_9 = arith.extui %sign3A_8 : i1 to i32
    %sign3A_10 = arith.constant 0 : i32
    %sign3A_11 = arith.cmpi slt, %jit3A, %sign3A_10 : i32
    %sign3A_12 = arith.extui %sign3A_11 : i1 to i32
    %sign3A_13 = arith.subi %sign3A_9, %sign3A_12 : i32
    %ne3A = arith.cmpi ne, %sign3A_6, %sign3A_13 : i32
    %rem3A = arith.remsi %add3A, %jit3A : i32
    %ne3A_14 = arith.constant 0 : i32
    %ne3A_15 = arith.cmpi ne, %rem3A, %ne3A_14 : i32
    %and3A = arith.andi %ne3A, %ne3A_15 : i1
    %sub3A = arith.constant 1 : i32
    %sub3A_16 = arith.subi %div3A, %sub3A : i32
    %select_n3A = arith.select %and3A, %sub3A_16, %div3A : i32
    %add3A_17 = arith.constant 4 : i32
    %add3A_18 = arith.addi %select_n3A, %add3A_17 : i32
    %jit3A_19 = arith.constant 8 : i32
    %eq3A = arith.constant 0 : i32
    %eq3A_20 = arith.cmpi eq, %jit3A_19, %eq3A : i32
    %jit3A_21 = arith.constant 1 : i32
    %select_n3A_22 = arith.select %eq3A_20, %jit3A_21, %jit3A_19 : i32
    %rem3A_23 = arith.remsi %add3A, %select_n3A_22 : i32
    %ne3A_24 = arith.constant 0 : i32
    %ne3A_25 = arith.cmpi ne, %rem3A_23, %ne3A_24 : i32
    %lt3A = arith.constant 0 : i32
    %lt3A_26 = arith.cmpi slt, %rem3A_23, %lt3A : i32
    %lt3A_27 = arith.constant 0 : i32
    %lt3A_28 = arith.cmpi slt, %select_n3A_22, %lt3A_27 : i32
    %ne3A_29 = arith.xori %lt3A_26, %lt3A_28 : i1
    %and3A_30 = arith.andi %ne3A_29, %ne3A_25 : i1
    %add3A_31 = arith.addi %rem3A_23, %select_n3A_22 : i32
    %select_n3A_32 = arith.select %and3A_30, %add3A_31, %rem3A_23 : i32
    %mul3A_33 = arith.constant 256 : i32
    %mul3A_34 = arith.muli %select_n3A_32, %mul3A_33 : i32
    %multiple_of3A = tpu.assume_multiple %mul3A_34, 256 : i32
    %dma_start3A = arith.constant 0 : i32
    %dma_start3A_35 = arith.constant 0 : i32
    %dma_start3A_36 = tpu.memref_slice %arg2[%select_n3A, %dma_start3A, %dma_start3A_35] : memref<4x64x16xf32, #tpu.memory_space<hbm>> -> memref<1x64x16xf32, #tpu.memory_space<hbm>>
    %dma_start3A_37 = tpu.memref_squeeze %dma_start3A_36 : memref<1x64x16xf32, #tpu.memory_space<hbm>> -> memref<64x16xf32, #tpu.memory_space<hbm>>
    %dma_start3A_38 = arith.constant 0 : i32
    %dma_start3A_39 = arith.constant 0 : i32
    %dma_start3A_40 = tpu.memref_slice %arg2[%select_n3A, %dma_start3A_38, %dma_start3A_39] : memref<4x64x16xf32, #tpu.memory_space<hbm>> -> memref<1x64x16xf32, #tpu.memory_space<hbm>>
    %dma_start3A_41 = tpu.memref_squeeze %dma_start3A_40 : memref<1x64x16xf32, #tpu.memory_space<hbm>> -> memref<64x16xf32, #tpu.memory_space<hbm>>
    tpu.enqueue_dma source(%dma_start3A_41 : memref<64x16xf32, #tpu.memory_space<hbm>>) target(%arg7 : memref<64x16xf32, #tpu.memory_space<vmem>>) target_semaphore(%arg12 : memref<!tpu.dma_semaphore, #tpu.memory_space<semaphore_mem>>)
    %dma_start3A_42 = arith.constant 0 : i32
    %dma_start3A_43 = arith.constant 0 : i32
    %dma_start3A_44 = tpu.memref_slice %arg3[%select_n3A, %dma_start3A_42, %dma_start3A_43] : memref<4x64x16xf32, #tpu.memory_space<hbm>> -> memref<1x64x16xf32, #tpu.memory_space<hbm>>
    %dma_start3A_45 = tpu.memref_squeeze %dma_start3A_44 : memref<1x64x16xf32, #tpu.memory_space<hbm>> -> memref<64x16xf32, #tpu.memory_space<hbm>>
    %dma_start3A_46 = arith.constant 0 : i32
    %dma_start3A_47 = arith.constant 0 : i32
    %dma_start3A_48 = tpu.memref_slice %arg3[%select_n3A, %dma_start3A_46, %dma_start3A_47] : memref<4x64x16xf32, #tpu.memory_space<hbm>> -> memref<1x64x16xf32, #tpu.memory_space<hbm>>
    %dma_start3A_49 = tpu.memref_squeeze %dma_start3A_48 : memref<1x64x16xf32, #tpu.memory_space<hbm>> -> memref<64x16xf32, #tpu.memory_space<hbm>>
    tpu.enqueue_dma source(%dma_start3A_49 : memref<64x16xf32, #tpu.memory_space<hbm>>) target(%arg8 : memref<64x16xf32, #tpu.memory_space<vmem>>) target_semaphore(%arg13 : memref<!tpu.dma_semaphore, #tpu.memory_space<semaphore_mem>>)
    %dma_start3A_50 = tpu.memref_slice %arg4[%add3A_18, %multiple_of3A] : memref<8x2048xi32, #tpu.memory_space<hbm>> -> memref<1x256xi32, #tpu.memory_space<hbm>>
    %dma_start3A_51 = tpu.memref_squeeze %dma_start3A_50 : memref<1x256xi32, #tpu.memory_space<hbm>> -> memref<256xi32, #tpu.memory_space<hbm>>
    %dma_start3A_52 = tpu.memref_slice %arg4[%add3A_18, %multiple_of3A] : memref<8x2048xi32, #tpu.memory_space<hbm>> -> memref<1x256xi32, #tpu.memory_space<hbm>>
    %dma_start3A_53 = tpu.memref_squeeze %dma_start3A_52 : memref<1x256xi32, #tpu.memory_space<hbm>> -> memref<256xi32, #tpu.memory_space<hbm>>
    tpu.enqueue_dma source(%dma_start3A_53 : memref<256xi32, #tpu.memory_space<hbm>>) target(%arg9 : memref<256xi32, #tpu.memory_space<vmem>>) target_semaphore(%arg14 : memref<!tpu.dma_semaphore, #tpu.memory_space<semaphore_mem>>)
    %dma_start3A_54 = tpu.memref_slice %arg5[%add3A_18, %multiple_of3A] : memref<8x2048xi32, #tpu.memory_space<hbm>> -> memref<1x256xi32, #tpu.memory_space<hbm>>
    %dma_start3A_55 = tpu.memref_squeeze %dma_start3A_54 : memref<1x256xi32, #tpu.memory_space<hbm>> -> memref<256xi32, #tpu.memory_space<hbm>>
    %dma_start3A_56 = tpu.memref_slice %arg5[%add3A_18, %multiple_of3A] : memref<8x2048xi32, #tpu.memory_space<hbm>> -> memref<1x256xi32, #tpu.memory_space<hbm>>
    %dma_start3A_57 = tpu.memref_squeeze %dma_start3A_56 : memref<1x256xi32, #tpu.memory_space<hbm>> -> memref<256xi32, #tpu.memory_space<hbm>>
    tpu.enqueue_dma source(%dma_start3A_57 : memref<256xi32, #tpu.memory_space<hbm>>) target(%arg10 : memref<256xi32, #tpu.memory_space<vmem>>) target_semaphore(%arg15 : memref<!tpu.dma_semaphore, #tpu.memory_space<semaphore_mem>>)
    %dma_wait3A = arith.constant 0 : i32
    %dma_wait3A_58 = arith.constant 0 : i32
    %dma_wait3A_59 = tpu.memref_slice %arg2[%select_n3A, %dma_wait3A, %dma_wait3A_58] : memref<4x64x16xf32, #tpu.memory_space<hbm>> -> memref<1x64x16xf32, #tpu.memory_space<hbm>>
    %dma_wait3A_60 = tpu.memref_squeeze %dma_wait3A_59 : memref<1x64x16xf32, #tpu.memory_space<hbm>> -> memref<64x16xf32, #tpu.memory_space<hbm>>
    %dma_wait3A_61 = arith.constant 0 : i32
    %dma_wait3A_62 = arith.constant 0 : i32
    %dma_wait3A_63 = tpu.memref_slice %arg2[%select_n3A, %dma_wait3A_61, %dma_wait3A_62] : memref<4x64x16xf32, #tpu.memory_space<hbm>> -> memref<1x64x16xf32, #tpu.memory_space<hbm>>
    %dma_wait3A_64 = tpu.memref_squeeze %dma_wait3A_63 : memref<1x64x16xf32, #tpu.memory_space<hbm>> -> memref<64x16xf32, #tpu.memory_space<hbm>>
    tpu.wait_dma2 semaphore(%arg12 : memref<!tpu.dma_semaphore, #tpu.memory_space<semaphore_mem>>) src(%dma_wait3A_64 : memref<64x16xf32, #tpu.memory_space<hbm>>) dst(%arg7 : memref<64x16xf32, #tpu.memory_space<vmem>>)
    %dma_wait3A_65 = arith.constant 0 : i32
    %dma_wait3A_66 = arith.constant 0 : i32
    %dma_wait3A_67 = tpu.memref_slice %arg3[%select_n3A, %dma_wait3A_65, %dma_wait3A_66] : memref<4x64x16xf32, #tpu.memory_space<hbm>> -> memref<1x64x16xf32, #tpu.memory_space<hbm>>
    %dma_wait3A_68 = tpu.memref_squeeze %dma_wait3A_67 : memref<1x64x16xf32, #tpu.memory_space<hbm>> -> memref<64x16xf32, #tpu.memory_space<hbm>>
    %dma_wait3A_69 = arith.constant 0 : i32
    %dma_wait3A_70 = arith.constant 0 : i32
    %dma_wait3A_71 = tpu.memref_slice %arg3[%select_n3A, %dma_wait3A_69, %dma_wait3A_70] : memref<4x64x16xf32, #tpu.memory_space<hbm>> -> memref<1x64x16xf32, #tpu.memory_space<hbm>>
    %dma_wait3A_72 = tpu.memref_squeeze %dma_wait3A_71 : memref<1x64x16xf32, #tpu.memory_space<hbm>> -> memref<64x16xf32, #tpu.memory_space<hbm>>
    tpu.wait_dma2 semaphore(%arg13 : memref<!tpu.dma_semaphore, #tpu.memory_space<semaphore_mem>>) src(%dma_wait3A_72 : memref<64x16xf32, #tpu.memory_space<hbm>>) dst(%arg8 : memref<64x16xf32, #tpu.memory_space<vmem>>)
    %dma_wait3A_73 = tpu.memref_slice %arg4[%add3A_18, %multiple_of3A] : memref<8x2048xi32, #tpu.memory_space<hbm>> -> memref<1x256xi32, #tpu.memory_space<hbm>>
    %dma_wait3A_74 = tpu.memref_squeeze %dma_wait3A_73 : memref<1x256xi32, #tpu.memory_space<hbm>> -> memref<256xi32, #tpu.memory_space<hbm>>
    %dma_wait3A_75 = tpu.memref_slice %arg4[%add3A_18, %multiple_of3A] : memref<8x2048xi32, #tpu.memory_space<hbm>> -> memref<1x256xi32, #tpu.memory_space<hbm>>
    %dma_wait3A_76 = tpu.memref_squeeze %dma_wait3A_75 : memref<1x256xi32, #tpu.memory_space<hbm>> -> memref<256xi32, #tpu.memory_space<hbm>>
    tpu.wait_dma2 semaphore(%arg14 : memref<!tpu.dma_semaphore, #tpu.memory_space<semaphore_mem>>) src(%dma_wait3A_76 : memref<256xi32, #tpu.memory_space<hbm>>) dst(%arg9 : memref<256xi32, #tpu.memory_space<vmem>>)
    %dma_wait3A_77 = tpu.memref_slice %arg5[%add3A_18, %multiple_of3A] : memref<8x2048xi32, #tpu.memory_space<hbm>> -> memref<1x256xi32, #tpu.memory_space<hbm>>
    %dma_wait3A_78 = tpu.memref_squeeze %dma_wait3A_77 : memref<1x256xi32, #tpu.memory_space<hbm>> -> memref<256xi32, #tpu.memory_space<hbm>>
    %dma_wait3A_79 = tpu.memref_slice %arg5[%add3A_18, %multiple_of3A] : memref<8x2048xi32, #tpu.memory_space<hbm>> -> memref<1x256xi32, #tpu.memory_space<hbm>>
    %dma_wait3A_80 = tpu.memref_squeeze %dma_wait3A_79 : memref<1x256xi32, #tpu.memory_space<hbm>> -> memref<256xi32, #tpu.memory_space<hbm>>
    tpu.wait_dma2 semaphore(%arg15 : memref<!tpu.dma_semaphore, #tpu.memory_space<semaphore_mem>>) src(%dma_wait3A_80 : memref<256xi32, #tpu.memory_space<hbm>>) dst(%arg10 : memref<256xi32, #tpu.memory_space<vmem>>)
    %scan3A = arith.constant 0 : i32
    %scan3A_81 = arith.constant 0 : i32
    %scan3A_82 = arith.constant 16 : i32
    %scan3A_83 = arith.addi %scan3A_81, %scan3A_82 : i32
    %scan3A_84 = arith.constant 1 : i32
    %scan3A_85 = scf.for %scan3A_87 = %scan3A_81 to %scan3A_83 step %scan3A_84 iter_args(%scan3A_88 = %scan3A) -> (i32)  : i32 {
      %mul3A_89 = arith.constant 16 : i32
      %mul3A_90 = arith.muli %scan3A_87, %mul3A_89 : i32
      %multiple_of3A_91 = tpu.assume_multiple %mul3A_90, 16 : i32
      %get3A = arith.index_cast %multiple_of3A_91 : i32 to index
      %get3A_92 = tpu.vector_load %arg9[%get3A] {strides = array<i32>} : memref<256xi32, #tpu.memory_space<vmem>>, vector<16xi32>,
      %get3A_93 = arith.index_cast %multiple_of3A_91 : i32 to index
      %get3A_94 = tpu.vector_load %arg10[%get3A_93] {strides = array<i32>} : memref<256xi32, #tpu.memory_space<vmem>>, vector<16xi32>,
      %add3A_95 = arith.constant 0 : i32
      %add3A_96 = arith.addi %multiple_of3A_91, %add3A_95 : i32
      %slice3A = vector.extract_strided_slice %get3A_92 {offsets = [0], sizes = [1], strides = [1]} : vector<16xi32> to vector<1xi32>
      %squeeze3A = vector.extract %slice3A[0] : i32 from vector<1xi32>
      %get3A_97 = arith.index_cast %squeeze3A : i32 to index
      %get3A_98 = arith.constant 0 : index
      %get3A_99 = tpu.vector_load %arg7[%get3A_97, %get3A_98] {strides = array<i32>} : memref<64x16xf32, #tpu.memory_space<vmem>>, vector<16xf32>,
      %slice3A_100 = vector.extract_strided_slice %get3A_94 {offsets = [0], sizes = [1], strides = [1]} : vector<16xi32> to vector<1xi32>
      %squeeze3A_101 = vector.extract %slice3A_100[0] : i32 from vector<1xi32>
      %get3A_102 = arith.index_cast %squeeze3A_101 : i32 to index
      %get3A_103 = arith.constant 0 : index
      %get3A_104 = tpu.vector_load %arg8[%get3A_102, %get3A_103] {strides = array<i32>} : memref<64x16xf32, #tpu.memory_space<vmem>>, vector<16xf32>,
      %add3A_105 = arith.addf %get3A_99, %get3A_104 : vector<16xf32>
      %swap3A = arith.index_cast %add3A_96 : i32 to index
      %swap3A_106 = arith.constant 0 : index
      %swap3A_107 = tpu.vector_load %arg11[%swap3A, %swap3A_106] {strides = array<i32>} : memref<256x16xf32, #tpu.memory_space<vmem>>, vector<16xf32>,
      tpu.vector_store %arg11[%swap3A, %swap3A_106], %add3A_105 {strides = array<i32>} : memref<256x16xf32, #tpu.memory_space<vmem>>, vector<16xf32>,
      %add3A_108 = arith.constant 1 : i32
      %add3A_109 = arith.addi %multiple_of3A_91, %add3A_108 : i32
      %slice3A_110 = vector.extract_strided_slice %get3A_92 {offsets = [1], sizes = [1], strides = [1]} : vector<16xi32> to vector<1xi32>
      %squeeze3A_111 = vector.extract %slice3A_110[0] : i32 from vector<1xi32>
      %get3A_112 = arith.index_cast %squeeze3A_111 : i32 to index
      %get3A_113 = arith.constant 0 : index
      %get3A_114 = tpu.vector_load %arg7[%get3A_112, %get3A_113] {strides = array<i32>} : memref<64x16xf32, #tpu.memory_space<vmem>>, vector<16xf32>,
      %slice3A_115 = vector.extract_strided_slice %get3A_94 {offsets = [1], sizes = [1], strides = [1]} : vector<16xi32> to vector<1xi32>
      %squeeze3A_116 = vector.extract %slice3A_115[0] : i32 from vector<1xi32>
      %get3A_117 = arith.index_cast %squeeze3A_116 : i32 to index
      %get3A_118 = arith.constant 0 : index
      %get3A_119 = tpu.vector_load %arg8[%get3A_117, %get3A_118] {strides = array<i32>} : memref<64x16xf32, #tpu.memory_space<vmem>>, vector<16xf32>,
      %add3A_120 = arith.addf %get3A_114, %get3A_119 : vector<16xf32>
      %swap3A_121 = arith.index_cast %add3A_109 : i32 to index
      %swap3A_122 = arith.constant 0 : index
      %swap3A_123 = tpu.vector_load %arg11[%swap3A_121, %swap3A_122] {strides = array<i32>} : memref<256x16xf32, #tpu.memory_space<vmem>>, vector<16xf32>,
      tpu.vector_store %arg11[%swap3A_121, %swap3A_122], %add3A_120 {strides = array<i32>} : memref<256x16xf32, #tpu.memory_space<vmem>>, vector<16xf32>,
      %add3A_124 = arith.constant 2 : i32
      %add3A_125 = arith.addi %multiple_of3A_91, %add3A_124 : i32
      %slice3A_126 = vector.extract_strided_slice %get3A_92 {offsets = [2], sizes = [1], strides = [1]} : vector<16xi32> to vector<1xi32>
      %squeeze3A_127 = vector.extract %slice3A_126[0] : i32 from vector<1xi32>
      %get3A_128 = arith.index_cast %squeeze3A_127 : i32 to index
      %get3A_129 = arith.constant 0 : index
      %get3A_130 = tpu.vector_load %arg7[%get3A_128, %get3A_129] {strides = array<i32>} : memref<64x16xf32, #tpu.memory_space<vmem>>, vector<16xf32>,
      %slice3A_131 = vector.extract_strided_slice %get3A_94 {offsets = [2], sizes = [1], strides = [1]} : vector<16xi32> to vector<1xi32>
      %squeeze3A_132 = vector.extract %slice3A_131[0] : i32 from vector<1xi32>
      %get3A_133 = arith.index_cast %squeeze3A_132 : i32 to index
      %get3A_134 = arith.constant 0 : index
      %get3A_135 = tpu.vector_load %arg8[%get3A_133, %get3A_134] {strides = array<i32>} : memref<64x16xf32, #tpu.memory_space<vmem>>, vector<16xf32>,
      %add3A_136 = arith.addf %get3A_130, %get3A_135 : vector<16xf32>
      %swap3A_137 = arith.index_cast %add3A_125 : i32 to index
      %swap3A_138 = arith.constant 0 : index
      %swap3A_139 = tpu.vector_load %arg11[%swap3A_137, %swap3A_138] {strides = array<i32>} : memref<256x16xf32, #tpu.memory_space<vmem>>, vector<16xf32>,
      tpu.vector_store %arg11[%swap3A_137, %swap3A_138], %add3A_136 {strides = array<i32>} : memref<256x16xf32, #tpu.memory_space<vmem>>, vector<16xf32>,
      %add3A_140 = arith.constant 3 : i32
      %add3A_141 = arith.addi %multiple_of3A_91, %add3A_140 : i32
      %slice3A_142 = vector.extract_strided_slice %get3A_92 {offsets = [3], sizes = [1], strides = [1]} : vector<16xi32> to vector<1xi32>
      %squeeze3A_143 = vector.extract %slice3A_142[0] : i32 from vector<1xi32>
      %get3A_144 = arith.index_cast %squeeze3A_143 : i32 to index
      %get3A_145 = arith.constant 0 : index
      %get3A_146 = tpu.vector_load %arg7[%get3A_144, %get3A_145] {strides = array<i32>} : memref<64x16xf32, #tpu.memory_space<vmem>>, vector<16xf32>,
      %slice3A_147 = vector.extract_strided_slice %get3A_94 {offsets = [3], sizes = [1], strides = [1]} : vector<16xi32> to vector<1xi32>
      %squeeze3A_148 = vector.extract %slice3A_147[0] : i32 from vector<1xi32>
      %get3A_149 = arith.index_cast %squeeze3A_148 : i32 to index
      %get3A_150 = arith.constant 0 : index
      %get3A_151 = tpu.vector_load %arg8[%get3A_149, %get3A_150] {strides = array<i32>} : memref<64x16xf32, #tpu.memory_space<vmem>>, vector<16xf32>,
      %add3A_152 = arith.addf %get3A_146, %get3A_151 : vector<16xf32>
      %swap3A_153 = arith.index_cast %add3A_141 : i32 to index
      %swap3A_154 = arith.constant 0 : index
      %swap3A_155 = tpu.vector_load %arg11[%swap3A_153, %swap3A_154] {strides = array<i32>} : memref<256x16xf32, #tpu.memory_space<vmem>>, vector<16xf32>,
      tpu.vector_store %arg11[%swap3A_153, %swap3A_154], %add3A_152 {strides = array<i32>} : memref<256x16xf32, #tpu.memory_space<vmem>>, vector<16xf32>,
      %add3A_156 = arith.constant 4 : i32
      %add3A_157 = arith.addi %multiple_of3A_91, %add3A_156 : i32
      %slice3A_158 = vector.extract_strided_slice %get3A_92 {offsets = [4], sizes = [1], strides = [1]} : vector<16xi32> to vector<1xi32>
      %squeeze3A_159 = vector.extract %slice3A_158[0] : i32 from vector<1xi32>
      %get3A_160 = arith.index_cast %squeeze3A_159 : i32 to index
      %get3A_161 = arith.constant 0 : index
      %get3A_162 = tpu.vector_load %arg7[%get3A_160, %get3A_161] {strides = array<i32>} : memref<64x16xf32, #tpu.memory_space<vmem>>, vector<16xf32>,
      %slice3A_163 = vector.extract_strided_slice %get3A_94 {offsets = [4], sizes = [1], strides = [1]} : vector<16xi32> to vector<1xi32>
      %squeeze3A_164 = vector.extract %slice3A_163[0] : i32 from vector<1xi32>
      %get3A_165 = arith.index_cast %squeeze3A_164 : i32 to index
      %get3A_166 = arith.constant 0 : index
      %get3A_167 = tpu.vector_load %arg8[%get3A_165, %get3A_166] {strides = array<i32>} : memref<64x16xf32, #tpu.memory_space<vmem>>, vector<16xf32>,
      %add3A_168 = arith.addf %get3A_162, %get3A_167 : vector<16xf32>
      %swap3A_169 = arith.index_cast %add3A_157 : i32 to index
      %swap3A_170 = arith.constant 0 : index
      %swap3A_171 = tpu.vector_load %arg11[%swap3A_169, %swap3A_170] {strides = array<i32>} : memref<256x16xf32, #tpu.memory_space<vmem>>, vector<16xf32>,
      tpu.vector_store %arg11[%swap3A_169, %swap3A_170], %add3A_168 {strides = array<i32>} : memref<256x16xf32, #tpu.memory_space<vmem>>, vector<16xf32>,
      %add3A_172 = arith.constant 5 : i32
      %add3A_173 = arith.addi %multiple_of3A_91, %add3A_172 : i32
      %slice3A_174 = vector.extract_strided_slice %get3A_92 {offsets = [5], sizes = [1], strides = [1]} : vector<16xi32> to vector<1xi32>
      %squeeze3A_175 = vector.extract %slice3A_174[0] : i32 from vector<1xi32>
      %get3A_176 = arith.index_cast %squeeze3A_175 : i32 to index
      %get3A_177 = arith.constant 0 : index
      %get3A_178 = tpu.vector_load %arg7[%get3A_176, %get3A_177] {strides = array<i32>} : memref<64x16xf32, #tpu.memory_space<vmem>>, vector<16xf32>,
      %slice3A_179 = vector.extract_strided_slice %get3A_94 {offsets = [5], sizes = [1], strides = [1]} : vector<16xi32> to vector<1xi32>
      %squeeze3A_180 = vector.extract %slice3A_179[0] : i32 from vector<1xi32>
      %get3A_181 = arith.index_cast %squeeze3A_180 : i32 to index
      %get3A_182 = arith.constant 0 : index
      %get3A_183 = tpu.vector_load %arg8[%get3A_181, %get3A_182] {strides = array<i32>} : memref<64x16xf32, #tpu.memory_space<vmem>>, vector<16xf32>,
      %add3A_184 = arith.addf %get3A_178, %get3A_183 : vector<16xf32>
      %swap3A_185 = arith.index_cast %add3A_173 : i32 to index
      %swap3A_186 = arith.constant 0 : index
      %swap3A_187 = tpu.vector_load %arg11[%swap3A_185, %swap3A_186] {strides = array<i32>} : memref<256x16xf32, #tpu.memory_space<vmem>>, vector<16xf32>,
      tpu.vector_store %arg11[%swap3A_185, %swap3A_186], %add3A_184 {strides = array<i32>} : memref<256x16xf32, #tpu.memory_space<vmem>>, vector<16xf32>,
      %add3A_188 = arith.constant 6 : i32
      %add3A_189 = arith.addi %multiple_of3A_91, %add3A_188 : i32
      %slice3A_190 = vector.extract_strided_slice %get3A_92 {offsets = [6], sizes = [1], strides = [1]} : vector<16xi32> to vector<1xi32>
      %squeeze3A_191 = vector.extract %slice3A_190[0] : i32 from vector<1xi32>
      %get3A_192 = arith.index_cast %squeeze3A_191 : i32 to index
      %get3A_193 = arith.constant 0 : index
      %get3A_194 = tpu.vector_load %arg7[%get3A_192, %get3A_193] {strides = array<i32>} : memref<64x16xf32, #tpu.memory_space<vmem>>, vector<16xf32>,
      %slice3A_195 = vector.extract_strided_slice %get3A_94 {offsets = [6], sizes = [1], strides = [1]} : vector<16xi32> to vector<1xi32>
      %squeeze3A_196 = vector.extract %slice3A_195[0] : i32 from vector<1xi32>
      %get3A_197 = arith.index_cast %squeeze3A_196 : i32 to index
      %get3A_198 = arith.constant 0 : index
      %get3A_199 = tpu.vector_load %arg8[%get3A_197, %get3A_198] {strides = array<i32>} : memref<64x16xf32, #tpu.memory_space<vmem>>, vector<16xf32>,
      %add3A_200 = arith.addf %get3A_194, %get3A_199 : vector<16xf32>
      %swap3A_201 = arith.index_cast %add3A_189 : i32 to index
      %swap3A_202 = arith.constant 0 : index
      %swap3A_203 = tpu.vector_load %arg11[%swap3A_201, %swap3A_202] {strides = array<i32>} : memref<256x16xf32, #tpu.memory_space<vmem>>, vector<16xf32>,
      tpu.vector_store %arg11[%swap3A_201, %swap3A_202], %add3A_200 {strides = array<i32>} : memref<256x16xf32, #tpu.memory_space<vmem>>, vector<16xf32>,
      %add3A_204 = arith.constant 7 : i32
      %add3A_205 = arith.addi %multiple_of3A_91, %add3A_204 : i32
      %slice3A_206 = vector.extract_strided_slice %get3A_92 {offsets = [7], sizes = [1], strides = [1]} : vector<16xi32> to vector<1xi32>
      %squeeze3A_207 = vector.extract %slice3A_206[0] : i32 from vector<1xi32>
      %get3A_208 = arith.index_cast %squeeze3A_207 : i32 to index
      %get3A_209 = arith.constant 0 : index
      %get3A_210 = tpu.vector_load %arg7[%get3A_208, %get3A_209] {strides = array<i32>} : memref<64x16xf32, #tpu.memory_space<vmem>>, vector<16xf32>,
      %slice3A_211 = vector.extract_strided_slice %get3A_94 {offsets = [7], sizes = [1], strides = [1]} : vector<16xi32> to vector<1xi32>
      %squeeze3A_212 = vector.extract %slice3A_211[0] : i32 from vector<1xi32>
      %get3A_213 = arith.index_cast %squeeze3A_212 : i32 to index
      %get3A_214 = arith.constant 0 : index
      %get3A_215 = tpu.vector_load %arg8[%get3A_213, %get3A_214] {strides = array<i32>} : memref<64x16xf32, #tpu.memory_space<vmem>>, vector<16xf32>,
      %add3A_216 = arith.addf %get3A_210, %get3A_215 : vector<16xf32>
      %swap3A_217 = arith.index_cast %add3A_205 : i32 to index
      %swap3A_218 = arith.constant 0 : index
      %swap3A_219 = tpu.vector_load %arg11[%swap3A_217, %swap3A_218] {strides = array<i32>} : memref<256x16xf32, #tpu.memory_space<vmem>>, vector<16xf32>,
      tpu.vector_store %arg11[%swap3A_217, %swap3A_218], %add3A_216 {strides = array<i32>} : memref<256x16xf32, #tpu.memory_space<vmem>>, vector<16xf32>,
      %add3A_220 = arith.constant 8 : i32
      %add3A_221 = arith.addi %multiple_of3A_91, %add3A_220 : i32
      %slice3A_222 = vector.extract_strided_slice %get3A_92 {offsets = [8], sizes = [1], strides = [1]} : vector<16xi32> to vector<1xi32>
      %squeeze3A_223 = vector.extract %slice3A_222[0] : i32 from vector<1xi32>
      %get3A_224 = arith.index_cast %squeeze3A_223 : i32 to index
      %get3A_225 = arith.constant 0 : index
      %get3A_226 = tpu.vector_load %arg7[%get3A_224, %get3A_225] {strides = array<i32>} : memref<64x16xf32, #tpu.memory_space<vmem>>, vector<16xf32>,
      %slice3A_227 = vector.extract_strided_slice %get3A_94 {offsets = [8], sizes = [1], strides = [1]} : vector<16xi32> to vector<1xi32>
      %squeeze3A_228 = vector.extract %slice3A_227[0] : i32 from vector<1xi32>
      %get3A_229 = arith.index_cast %squeeze3A_228 : i32 to index
      %get3A_230 = arith.constant 0 : index
      %get3A_231 = tpu.vector_load %arg8[%get3A_229, %get3A_230] {strides = array<i32>} : memref<64x16xf32, #tpu.memory_space<vmem>>, vector<16xf32>,
      %add3A_232 = arith.addf %get3A_226, %get3A_231 : vector<16xf32>
      %swap3A_233 = arith.index_cast %add3A_221 : i32 to index
      %swap3A_234 = arith.constant 0 : index
      %swap3A_235 = tpu.vector_load %arg11[%swap3A_233, %swap3A_234] {strides = array<i32>} : memref<256x16xf32, #tpu.memory_space<vmem>>, vector<16xf32>,
      tpu.vector_store %arg11[%swap3A_233, %swap3A_234], %add3A_232 {strides = array<i32>} : memref<256x16xf32, #tpu.memory_space<vmem>>, vector<16xf32>,
      %add3A_236 = arith.constant 9 : i32
      %add3A_237 = arith.addi %multiple_of3A_91, %add3A_236 : i32
      %slice3A_238 = vector.extract_strided_slice %get3A_92 {offsets = [9], sizes = [1], strides = [1]} : vector<16xi32> to vector<1xi32>
      %squeeze3A_239 = vector.extract %slice3A_238[0] : i32 from vector<1xi32>
      %get3A_240 = arith.index_cast %squeeze3A_239 : i32 to index
      %get3A_241 = arith.constant 0 : index
      %get3A_242 = tpu.vector_load %arg7[%get3A_240, %get3A_241] {strides = array<i32>} : memref<64x16xf32, #tpu.memory_space<vmem>>, vector<16xf32>,
      %slice3A_243 = vector.extract_strided_slice %get3A_94 {offsets = [9], sizes = [1], strides = [1]} : vector<16xi32> to vector<1xi32>
      %squeeze3A_244 = vector.extract %slice3A_243[0] : i32 from vector<1xi32>
      %get3A_245 = arith.index_cast %squeeze3A_244 : i32 to index
      %get3A_246 = arith.constant 0 : index
      %get3A_247 = tpu.vector_load %arg8[%get3A_245, %get3A_246] {strides = array<i32>} : memref<64x16xf32, #tpu.memory_space<vmem>>, vector<16xf32>,
      %add3A_248 = arith.addf %get3A_242, %get3A_247 : vector<16xf32>
      %swap3A_249 = arith.index_cast %add3A_237 : i32 to index
      %swap3A_250 = arith.constant 0 : index
      %swap3A_251 = tpu.vector_load %arg11[%swap3A_249, %swap3A_250] {strides = array<i32>} : memref<256x16xf32, #tpu.memory_space<vmem>>, vector<16xf32>,
      tpu.vector_store %arg11[%swap3A_249, %swap3A_250], %add3A_248 {strides = array<i32>} : memref<256x16xf32, #tpu.memory_space<vmem>>, vector<16xf32>,
      %add3A_252 = arith.constant 10 : i32
      %add3A_253 = arith.addi %multiple_of3A_91, %add3A_252 : i32
      %slice3A_254 = vector.extract_strided_slice %get3A_92 {offsets = [10], sizes = [1], strides = [1]} : vector<16xi32> to vector<1xi32>
      %squeeze3A_255 = vector.extract %slice3A_254[0] : i32 from vector<1xi32>
      %get3A_256 = arith.index_cast %squeeze3A_255 : i32 to index
      %get3A_257 = arith.constant 0 : index
      %get3A_258 = tpu.vector_load %arg7[%get3A_256, %get3A_257] {strides = array<i32>} : memref<64x16xf32, #tpu.memory_space<vmem>>, vector<16xf32>,
      %slice3A_259 = vector.extract_strided_slice %get3A_94 {offsets = [10], sizes = [1], strides = [1]} : vector<16xi32> to vector<1xi32>
      %squeeze3A_260 = vector.extract %slice3A_259[0] : i32 from vector<1xi32>
      %get3A_261 = arith.index_cast %squeeze3A_260 : i32 to index
      %get3A_262 = arith.constant 0 : index
      %get3A_263 = tpu.vector_load %arg8[%get3A_261, %get3A_262] {strides = array<i32>} : memref<64x16xf32, #tpu.memory_space<vmem>>, vector<16xf32>,
      %add3A_264 = arith.addf %get3A_258, %get3A_263 : vector<16xf32>
      %swap3A_265 = arith.index_cast %add3A_253 : i32 to index
      %swap3A_266 = arith.constant 0 : index
      %swap3A_267 = tpu.vector_load %arg11[%swap3A_265, %swap3A_266] {strides = array<i32>} : memref<256x16xf32, #tpu.memory_space<vmem>>, vector<16xf32>,
      tpu.vector_store %arg11[%swap3A_265, %swap3A_266], %add3A_264 {strides = array<i32>} : memref<256x16xf32, #tpu.memory_space<vmem>>, vector<16xf32>,
      %add3A_268 = arith.constant 11 : i32
      %add3A_269 = arith.addi %multiple_of3A_91, %add3A_268 : i32
      %slice3A_270 = vector.extract_strided_slice %get3A_92 {offsets = [11], sizes = [1], strides = [1]} : vector<16xi32> to vector<1xi32>
      %squeeze3A_271 = vector.extract %slice3A_270[0] : i32 from vector<1xi32>
      %get3A_272 = arith.index_cast %squeeze3A_271 : i32 to index
      %get3A_273 = arith.constant 0 : index
      %get3A_274 = tpu.vector_load %arg7[%get3A_272, %get3A_273] {strides = array<i32>} : memref<64x16xf32, #tpu.memory_space<vmem>>, vector<16xf32>,
      %slice3A_275 = vector.extract_strided_slice %get3A_94 {offsets = [11], sizes = [1], strides = [1]} : vector<16xi32> to vector<1xi32>
      %squeeze3A_276 = vector.extract %slice3A_275[0] : i32 from vector<1xi32>
      %get3A_277 = arith.index_cast %squeeze3A_276 : i32 to index
      %get3A_278 = arith.constant 0 : index
      %get3A_279 = tpu.vector_load %arg8[%get3A_277, %get3A_278] {strides = array<i32>} : memref<64x16xf32, #tpu.memory_space<vmem>>, vector<16xf32>,
      %add3A_280 = arith.addf %get3A_274, %get3A_279 : vector<16xf32>
      %swap3A_281 = arith.index_cast %add3A_269 : i32 to index
      %swap3A_282 = arith.constant 0 : index
      %swap3A_283 = tpu.vector_load %arg11[%swap3A_281, %swap3A_282] {strides = array<i32>} : memref<256x16xf32, #tpu.memory_space<vmem>>, vector<16xf32>,
      tpu.vector_store %arg11[%swap3A_281, %swap3A_282], %add3A_280 {strides = array<i32>} : memref<256x16xf32, #tpu.memory_space<vmem>>, vector<16xf32>,
      %add3A_284 = arith.constant 12 : i32
      %add3A_285 = arith.addi %multiple_of3A_91, %add3A_284 : i32
      %slice3A_286 = vector.extract_strided_slice %get3A_92 {offsets = [12], sizes = [1], strides = [1]} : vector<16xi32> to vector<1xi32>
      %squeeze3A_287 = vector.extract %slice3A_286[0] : i32 from vector<1xi32>
      %get3A_288 = arith.index_cast %squeeze3A_287 : i32 to index
      %get3A_289 = arith.constant 0 : index
      %get3A_290 = tpu.vector_load %arg7[%get3A_288, %get3A_289] {strides = array<i32>} : memref<64x16xf32, #tpu.memory_space<vmem>>, vector<16xf32>,
      %slice3A_291 = vector.extract_strided_slice %get3A_94 {offsets = [12], sizes = [1], strides = [1]} : vector<16xi32> to vector<1xi32>
      %squeeze3A_292 = vector.extract %slice3A_291[0] : i32 from vector<1xi32>
      %get3A_293 = arith.index_cast %squeeze3A_292 : i32 to index
      %get3A_294 = arith.constant 0 : index
      %get3A_295 = tpu.vector_load %arg8[%get3A_293, %get3A_294] {strides = array<i32>} : memref<64x16xf32, #tpu.memory_space<vmem>>, vector<16xf32>,
      %add3A_296 = arith.addf %get3A_290, %get3A_295 : vector<16xf32>
      %swap3A_297 = arith.index_cast %add3A_285 : i32 to index
      %swap3A_298 = arith.constant 0 : index
      %swap3A_299 = tpu.vector_load %arg11[%swap3A_297, %swap3A_298] {strides = array<i32>} : memref<256x16xf32, #tpu.memory_space<vmem>>, vector<16xf32>,
      tpu.vector_store %arg11[%swap3A_297, %swap3A_298], %add3A_296 {strides = array<i32>} : memref<256x16xf32, #tpu.memory_space<vmem>>, vector<16xf32>,
      %add3A_300 = arith.constant 13 : i32
      %add3A_301 = arith.addi %multiple_of3A_91, %add3A_300 : i32
      %slice3A_302 = vector.extract_strided_slice %get3A_92 {offsets = [13], sizes = [1], strides = [1]} : vector<16xi32> to vector<1xi32>
      %squeeze3A_303 = vector.extract %slice3A_302[0] : i32 from vector<1xi32>
      %get3A_304 = arith.index_cast %squeeze3A_303 : i32 to index
      %get3A_305 = arith.constant 0 : index
      %get3A_306 = tpu.vector_load %arg7[%get3A_304, %get3A_305] {strides = array<i32>} : memref<64x16xf32, #tpu.memory_space<vmem>>, vector<16xf32>,
      %slice3A_307 = vector.extract_strided_slice %get3A_94 {offsets = [13], sizes = [1], strides = [1]} : vector<16xi32> to vector<1xi32>
      %squeeze3A_308 = vector.extract %slice3A_307[0] : i32 from vector<1xi32>
      %get3A_309 = arith.index_cast %squeeze3A_308 : i32 to index
      %get3A_310 = arith.constant 0 : index
      %get3A_311 = tpu.vector_load %arg8[%get3A_309, %get3A_310] {strides = array<i32>} : memref<64x16xf32, #tpu.memory_space<vmem>>, vector<16xf32>,
      %add3A_312 = arith.addf %get3A_306, %get3A_311 : vector<16xf32>
      %swap3A_313 = arith.index_cast %add3A_301 : i32 to index
      %swap3A_314 = arith.constant 0 : index
      %swap3A_315 = tpu.vector_load %arg11[%swap3A_313, %swap3A_314] {strides = array<i32>} : memref<256x16xf32, #tpu.memory_space<vmem>>, vector<16xf32>,
      tpu.vector_store %arg11[%swap3A_313, %swap3A_314], %add3A_312 {strides = array<i32>} : memref<256x16xf32, #tpu.memory_space<vmem>>, vector<16xf32>,
      %add3A_316 = arith.constant 14 : i32
      %add3A_317 = arith.addi %multiple_of3A_91, %add3A_316 : i32
      %slice3A_318 = vector.extract_strided_slice %get3A_92 {offsets = [14], sizes = [1], strides = [1]} : vector<16xi32> to vector<1xi32>
      %squeeze3A_319 = vector.extract %slice3A_318[0] : i32 from vector<1xi32>
      %get3A_320 = arith.index_cast %squeeze3A_319 : i32 to index
      %get3A_321 = arith.constant 0 : index
      %get3A_322 = tpu.vector_load %arg7[%get3A_320, %get3A_321] {strides = array<i32>} : memref<64x16xf32, #tpu.memory_space<vmem>>, vector<16xf32>,
      %slice3A_323 = vector.extract_strided_slice %get3A_94 {offsets = [14], sizes = [1], strides = [1]} : vector<16xi32> to vector<1xi32>
      %squeeze3A_324 = vector.extract %slice3A_323[0] : i32 from vector<1xi32>
      %get3A_325 = arith.index_cast %squeeze3A_324 : i32 to index
      %get3A_326 = arith.constant 0 : index
      %get3A_327 = tpu.vector_load %arg8[%get3A_325, %get3A_326] {strides = array<i32>} : memref<64x16xf32, #tpu.memory_space<vmem>>, vector<16xf32>,
      %add3A_328 = arith.addf %get3A_322, %get3A_327 : vector<16xf32>
      %swap3A_329 = arith.index_cast %add3A_317 : i32 to index
      %swap3A_330 = arith.constant 0 : index
      %swap3A_331 = tpu.vector_load %arg11[%swap3A_329, %swap3A_330] {strides = array<i32>} : memref<256x16xf32, #tpu.memory_space<vmem>>, vector<16xf32>,
      tpu.vector_store %arg11[%swap3A_329, %swap3A_330], %add3A_328 {strides = array<i32>} : memref<256x16xf32, #tpu.memory_space<vmem>>, vector<16xf32>,
      %add3A_332 = arith.constant 15 : i32
      %add3A_333 = arith.addi %multiple_of3A_91, %add3A_332 : i32
      %slice3A_334 = vector.extract_strided_slice %get3A_92 {offsets = [15], sizes = [1], strides = [1]} : vector<16xi32> to vector<1xi32>
      %squeeze3A_335 = vector.extract %slice3A_334[0] : i32 from vector<1xi32>
      %get3A_336 = arith.index_cast %squeeze3A_335 : i32 to index
      %get3A_337 = arith.constant 0 : index
      %get3A_338 = tpu.vector_load %arg7[%get3A_336, %get3A_337] {strides = array<i32>} : memref<64x16xf32, #tpu.memory_space<vmem>>, vector<16xf32>,
      %slice3A_339 = vector.extract_strided_slice %get3A_94 {offsets = [15], sizes = [1], strides = [1]} : vector<16xi32> to vector<1xi32>
      %squeeze3A_340 = vector.extract %slice3A_339[0] : i32 from vector<1xi32>
      %get3A_341 = arith.index_cast %squeeze3A_340 : i32 to index
      %get3A_342 = arith.constant 0 : index
      %get3A_343 = tpu.vector_load %arg8[%get3A_341, %get3A_342] {strides = array<i32>} : memref<64x16xf32, #tpu.memory_space<vmem>>, vector<16xf32>,
      %add3A_344 = arith.addf %get3A_338, %get3A_343 : vector<16xf32>
      %swap3A_345 = arith.index_cast %add3A_333 : i32 to index
      %swap3A_346 = arith.constant 0 : index
      %swap3A_347 = tpu.vector_load %arg11[%swap3A_345, %swap3A_346] {strides = array<i32>} : memref<256x16xf32, #tpu.memory_space<vmem>>, vector<16xf32>,
      tpu.vector_store %arg11[%swap3A_345, %swap3A_346], %add3A_344 {strides = array<i32>} : memref<256x16xf32, #tpu.memory_space<vmem>>, vector<16xf32>,
      %scan3A_348 = arith.constant 0 : i32
      scf.yield %scan3A_348 : i32
    }
    %scan3A_86 = arith.constant 16 : i32
    "tpu.region"() ({
      %run_scoped3A = tpu.sem_alloc : memref<!tpu.dma_semaphore, #tpu.memory_space<semaphore_mem>>
      %dma_start3A_87 = arith.constant 0 : i32
      %dma_start3A_88 = tpu.memref_slice %arg6[%select_n3A, %multiple_of3A, %dma_start3A_87] : memref<4x2048x16xf32, #tpu.memory_space<hbm>> -> memref<1x256x16xf32, #tpu.memory_space<hbm>>
      %dma_start3A_89 = tpu.memref_squeeze %dma_start3A_88 : memref<1x256x16xf32, #tpu.memory_space<hbm>> -> memref<256x16xf32, #tpu.memory_space<hbm>>
      %dma_start3A_90 = arith.constant 0 : i32
      %dma_start3A_91 = tpu.memref_slice %arg6[%select_n3A, %multiple_of3A, %dma_start3A_90] : memref<4x2048x16xf32, #tpu.memory_space<hbm>> -> memref<1x256x16xf32, #tpu.memory_space<hbm>>
      %dma_start3A_92 = tpu.memref_squeeze %dma_start3A_91 : memref<1x256x16xf32, #tpu.memory_space<hbm>> -> memref<256x16xf32, #tpu.memory_space<hbm>>
      tpu.enqueue_dma source(%arg11 : memref<256x16xf32, #tpu.memory_space<vmem>>) target(%dma_start3A_92 : memref<256x16xf32, #tpu.memory_space<hbm>>) target_semaphore(%run_scoped3A : memref<!tpu.dma_semaphore, #tpu.memory_space<semaphore_mem>>)
      %dma_wait3A_93 = arith.constant 0 : i32
      %dma_wait3A_94 = tpu.memref_slice %arg6[%select_n3A, %multiple_of3A, %dma_wait3A_93] : memref<4x2048x16xf32, #tpu.memory_space<hbm>> -> memref<1x256x16xf32, #tpu.memory_space<hbm>>
      %dma_wait3A_95 = tpu.memref_squeeze %dma_wait3A_94 : memref<1x256x16xf32, #tpu.memory_space<hbm>> -> memref<256x16xf32, #tpu.memory_space<hbm>>
      %dma_wait3A_96 = arith.constant 0 : i32
      %dma_wait3A_97 = tpu.memref_slice %arg6[%select_n3A, %multiple_of3A, %dma_wait3A_96] : memref<4x2048x16xf32, #tpu.memory_space<hbm>> -> memref<1x256x16xf32, #tpu.memory_space<hbm>>
      %dma_wait3A_98 = tpu.memref_squeeze %dma_wait3A_97 : memref<1x256x16xf32, #tpu.memory_space<hbm>> -> memref<256x16xf32, #tpu.memory_space<hbm>>
      tpu.wait_dma2 semaphore(%run_scoped3A : memref<!tpu.dma_semaphore, #tpu.memory_space<semaphore_mem>>) src(%arg11 : memref<256x16xf32, #tpu.memory_space<vmem>>) dst(%dma_wait3A_98 : memref<256x16xf32, #tpu.memory_space<hbm>>)
      tpu.yield
    }) : () -> ()
    return
  }
}

module attributes {stable_mosaic.version = 14 : i64} {
  func.func @_pool_project_score_kernel(%arg0: i32, %arg1: memref<8x64xi32, #tpu.memory_space<smem>>, %arg2: memref<8x64xi32, #tpu.memory_space<smem>>, %arg3: memref<1x2048x256xf32, #tpu.memory_space<vmem>>, %arg4: memref<512x16xf32, #tpu.memory_space<vmem>>, %arg5: memref<16xf32, #tpu.memory_space<vmem>>, %arg6: memref<4x2048xi32, #tpu.memory_space<vmem>>, %arg7: memref<4x2048xi32, #tpu.memory_space<vmem>>, %arg8: memref<1x2048x16xf32, #tpu.memory_space<vmem>>, %arg9: memref<64x256xf32, #tpu.memory_space<vmem>>) attributes {dimension_semantics = [#tpu.dimension_semantics<arbitrary>], iteration_bounds = array<i64: 4>, scalar_prefetch = 2 : i64, scratch_operands = 1 : i64, tpu.core_type = #tpu.core_type<tc>, window_params = [{transform_indices = @transform_0, window_bounds = array<i64: 1, 2048, 256>}, {pipeline_mode = #tpu.pipeline_mode<synchronous>, transform_indices = @transform_1, window_bounds = array<i64: 512, 16>}, {pipeline_mode = #tpu.pipeline_mode<synchronous>, transform_indices = @transform_2, window_bounds = array<i64: 16>}, {pipeline_mode = #tpu.pipeline_mode<synchronous>, transform_indices = @transform_3, window_bounds = array<i64: 4, 2048>}, {pipeline_mode = #tpu.pipeline_mode<synchronous>, transform_indices = @transform_4, window_bounds = array<i64: 4, 2048>}, {transform_indices = @transform_5, window_bounds = array<i64: 1, 2048, 16>}]} {
    %iota3A = tpu.iota {dimensions = array<i32: 0>} : vector<40x256xi32>
    %get3A = arith.index_cast %arg0 : i32 to index
    %get3A_0 = arith.constant 0 : index
    %get3A_1 = memref.load %arg1[%get3A, %get3A_0] : memref<8x64xi32, #tpu.memory_space<smem>>
    %get3A_2 = arith.index_cast %arg0 : i32 to index
    %get3A_3 = arith.constant 0 : index
    %get3A_4 = memref.load %arg2[%get3A_2, %get3A_3] : memref<8x64xi32, #tpu.memory_space<smem>>
    %jit3A = arith.constant 8 : i32
    %div3A = arith.divsi %get3A_1, %jit3A : i32
    %sign3A = arith.constant 0 : i32
    %sign3A_5 = arith.cmpi sgt, %get3A_1, %sign3A : i32
    %sign3A_6 = arith.extui %sign3A_5 : i1 to i32
    %sign3A_7 = arith.constant 0 : i32
    %sign3A_8 = arith.cmpi slt, %get3A_1, %sign3A_7 : i32
    %sign3A_9 = arith.extui %sign3A_8 : i1 to i32
    %sign3A_10 = arith.subi %sign3A_6, %sign3A_9 : i32
    %sign3A_11 = arith.constant 0 : i32
    %sign3A_12 = arith.cmpi sgt, %jit3A, %sign3A_11 : i32
    %sign3A_13 = arith.extui %sign3A_12 : i1 to i32
    %sign3A_14 = arith.constant 0 : i32
    %sign3A_15 = arith.cmpi slt, %jit3A, %sign3A_14 : i32
    %sign3A_16 = arith.extui %sign3A_15 : i1 to i32
    %sign3A_17 = arith.subi %sign3A_13, %sign3A_16 : i32
    %ne3A = arith.cmpi ne, %sign3A_10, %sign3A_17 : i32
    %rem3A = arith.remsi %get3A_1, %jit3A : i32
    %ne3A_18 = arith.constant 0 : i32
    %ne3A_19 = arith.cmpi ne, %rem3A, %ne3A_18 : i32
    %and3A = arith.andi %ne3A, %ne3A_19 : i1
    %sub3A = arith.constant 1 : i32
    %sub3A_20 = arith.subi %div3A, %sub3A : i32
    %select_n3A = arith.select %and3A, %sub3A_20, %div3A : i32
    %mul3A = arith.constant 8 : i32
    %mul3A_21 = arith.muli %select_n3A, %mul3A : i32
    %sub3A_22 = arith.subi %get3A_1, %mul3A_21 : i32
    %get3A_23 = arith.constant 0 : index
    %get3A_24 = arith.index_cast %mul3A_21 : i32 to index
    %get3A_25 = arith.constant 0 : index
    %get3A_26 = vector.load %arg3[%get3A_23, %get3A_24, %get3A_25] : memref<1x2048x256xf32, #tpu.memory_space<vmem>>, vector<1x40x256xf32>
    %get3A_27 = vector.shape_cast %get3A_26 : vector<1x40x256xf32> to vector<40x256xf32>
    %sub3A_28 = vector.broadcast %sub3A_22 : i32 to vector<40x256xi32>
    %sub3A_29 = arith.subi %iota3A, %sub3A_28 : vector<40x256xi32>
    %lt3A = vector.broadcast %get3A_4 : i32 to vector<40x256xi32>
    %lt3A_30 = arith.cmpi ult, %sub3A_29, %lt3A : vector<40x256xi32>
    %jit3A_31 = arith.constant -3.40282347E+38 : f32
    %broadcast_in_dim3A = vector.broadcast %jit3A_31 : f32 to vector<40x256xf32>
    %select_n3A_32 = arith.select %lt3A_30, %get3A_27, %broadcast_in_dim3A : vector<40x256xi1>, vector<40x256xf32>
    %reduce_max3A = arith.constant dense<0xFF800000> : vector<256xf32>
    %reduce_max3A_33 = vector.multi_reduction <maximumf>, %select_n3A_32, %reduce_max3A [0] : vector<40x256xf32> to vector<256xf32>
    %broadcast_in_dim3A_34 = vector.shape_cast %reduce_max3A_33 : vector<256xf32> to vector<1x256xf32>
    %get3A_35 = arith.index_cast %arg0 : i32 to index
    %get3A_36 = arith.constant 1 : index
    %get3A_37 = memref.load %arg1[%get3A_35, %get3A_36] : memref<8x64xi32, #tpu.memory_space<smem>>
    %get3A_38 = arith.index_cast %arg0 : i32 to index
    %get3A_39 = arith.constant 1 : index
    %get3A_40 = memref.load %arg2[%get3A_38, %get3A_39] : memref<8x64xi32, #tpu.memory_space<smem>>
    %jit3A_41 = arith.constant 8 : i32
    %div3A_42 = arith.divsi %get3A_37, %jit3A_41 : i32
    %sign3A_43 = arith.constant 0 : i32
    %sign3A_44 = arith.cmpi sgt, %get3A_37, %sign3A_43 : i32
    %sign3A_45 = arith.extui %sign3A_44 : i1 to i32
    %sign3A_46 = arith.constant 0 : i32
    %sign3A_47 = arith.cmpi slt, %get3A_37, %sign3A_46 : i32
    %sign3A_48 = arith.extui %sign3A_47 : i1 to i32
    %sign3A_49 = arith.subi %sign3A_45, %sign3A_48 : i32
    %sign3A_50 = arith.constant 0 : i32
    %sign3A_51 = arith.cmpi sgt, %jit3A_41, %sign3A_50 : i32
    %sign3A_52 = arith.extui %sign3A_51 : i1 to i32
    %sign3A_53 = arith.constant 0 : i32
    %sign3A_54 = arith.cmpi slt, %jit3A_41, %sign3A_53 : i32
    %sign3A_55 = arith.extui %sign3A_54 : i1 to i32
    %sign3A_56 = arith.subi %sign3A_52, %sign3A_55 : i32
    %ne3A_57 = arith.cmpi ne, %sign3A_49, %sign3A_56 : i32
    %rem3A_58 = arith.remsi %get3A_37, %jit3A_41 : i32
    %ne3A_59 = arith.constant 0 : i32
    %ne3A_60 = arith.cmpi ne, %rem3A_58, %ne3A_59 : i32
    %and3A_61 = arith.andi %ne3A_57, %ne3A_60 : i1
    %sub3A_62 = arith.constant 1 : i32
    %sub3A_63 = arith.subi %div3A_42, %sub3A_62 : i32
    %select_n3A_64 = arith.select %and3A_61, %sub3A_63, %div3A_42 : i32
    %mul3A_65 = arith.constant 8 : i32
    %mul3A_66 = arith.muli %select_n3A_64, %mul3A_65 : i32
    %sub3A_67 = arith.subi %get3A_37, %mul3A_66 : i32
    %get3A_68 = arith.constant 0 : index
    %get3A_69 = arith.index_cast %mul3A_66 : i32 to index
    %get3A_70 = arith.constant 0 : index
    %get3A_71 = vector.load %arg3[%get3A_68, %get3A_69, %get3A_70] : memref<1x2048x256xf32, #tpu.memory_space<vmem>>, vector<1x40x256xf32>
    %get3A_72 = vector.shape_cast %get3A_71 : vector<1x40x256xf32> to vector<40x256xf32>
    %sub3A_73 = vector.broadcast %sub3A_67 : i32 to vector<40x256xi32>
    %sub3A_74 = arith.subi %iota3A, %sub3A_73 : vector<40x256xi32>
    %lt3A_75 = vector.broadcast %get3A_40 : i32 to vector<40x256xi32>
    %lt3A_76 = arith.cmpi ult, %sub3A_74, %lt3A_75 : vector<40x256xi32>
    %jit3A_77 = arith.constant -3.40282347E+38 : f32
    %broadcast_in_dim3A_78 = vector.broadcast %jit3A_77 : f32 to vector<40x256xf32>
    %select_n3A_79 = arith.select %lt3A_76, %get3A_72, %broadcast_in_dim3A_78 : vector<40x256xi1>, vector<40x256xf32>
    %reduce_max3A_80 = arith.constant dense<0xFF800000> : vector<256xf32>
    %reduce_max3A_81 = vector.multi_reduction <maximumf>, %select_n3A_79, %reduce_max3A_80 [0] : vector<40x256xf32> to vector<256xf32>
    %broadcast_in_dim3A_82 = vector.shape_cast %reduce_max3A_81 : vector<256xf32> to vector<1x256xf32>
    %get3A_83 = arith.index_cast %arg0 : i32 to index
    %get3A_84 = arith.constant 2 : index
    %get3A_85 = memref.load %arg1[%get3A_83, %get3A_84] : memref<8x64xi32, #tpu.memory_space<smem>>
    %get3A_86 = arith.index_cast %arg0 : i32 to index
    %get3A_87 = arith.constant 2 : index
    %get3A_88 = memref.load %arg2[%get3A_86, %get3A_87] : memref<8x64xi32, #tpu.memory_space<smem>>
    %jit3A_89 = arith.constant 8 : i32
    %div3A_90 = arith.divsi %get3A_85, %jit3A_89 : i32
    %sign3A_91 = arith.constant 0 : i32
    %sign3A_92 = arith.cmpi sgt, %get3A_85, %sign3A_91 : i32
    %sign3A_93 = arith.extui %sign3A_92 : i1 to i32
    %sign3A_94 = arith.constant 0 : i32
    %sign3A_95 = arith.cmpi slt, %get3A_85, %sign3A_94 : i32
    %sign3A_96 = arith.extui %sign3A_95 : i1 to i32
    %sign3A_97 = arith.subi %sign3A_93, %sign3A_96 : i32
    %sign3A_98 = arith.constant 0 : i32
    %sign3A_99 = arith.cmpi sgt, %jit3A_89, %sign3A_98 : i32
    %sign3A_100 = arith.extui %sign3A_99 : i1 to i32
    %sign3A_101 = arith.constant 0 : i32
    %sign3A_102 = arith.cmpi slt, %jit3A_89, %sign3A_101 : i32
    %sign3A_103 = arith.extui %sign3A_102 : i1 to i32
    %sign3A_104 = arith.subi %sign3A_100, %sign3A_103 : i32
    %ne3A_105 = arith.cmpi ne, %sign3A_97, %sign3A_104 : i32
    %rem3A_106 = arith.remsi %get3A_85, %jit3A_89 : i32
    %ne3A_107 = arith.constant 0 : i32
    %ne3A_108 = arith.cmpi ne, %rem3A_106, %ne3A_107 : i32
    %and3A_109 = arith.andi %ne3A_105, %ne3A_108 : i1
    %sub3A_110 = arith.constant 1 : i32
    %sub3A_111 = arith.subi %div3A_90, %sub3A_110 : i32
    %select_n3A_112 = arith.select %and3A_109, %sub3A_111, %div3A_90 : i32
    %mul3A_113 = arith.constant 8 : i32
    %mul3A_114 = arith.muli %select_n3A_112, %mul3A_113 : i32
    %sub3A_115 = arith.subi %get3A_85, %mul3A_114 : i32
    %get3A_116 = arith.constant 0 : index
    %get3A_117 = arith.index_cast %mul3A_114 : i32 to index
    %get3A_118 = arith.constant 0 : index
    %get3A_119 = vector.load %arg3[%get3A_116, %get3A_117, %get3A_118] : memref<1x2048x256xf32, #tpu.memory_space<vmem>>, vector<1x40x256xf32>
    %get3A_120 = vector.shape_cast %get3A_119 : vector<1x40x256xf32> to vector<40x256xf32>
    %sub3A_121 = vector.broadcast %sub3A_115 : i32 to vector<40x256xi32>
    %sub3A_122 = arith.subi %iota3A, %sub3A_121 : vector<40x256xi32>
    %lt3A_123 = vector.broadcast %get3A_88 : i32 to vector<40x256xi32>
    %lt3A_124 = arith.cmpi ult, %sub3A_122, %lt3A_123 : vector<40x256xi32>
    %jit3A_125 = arith.constant -3.40282347E+38 : f32
    %broadcast_in_dim3A_126 = vector.broadcast %jit3A_125 : f32 to vector<40x256xf32>
    %select_n3A_127 = arith.select %lt3A_124, %get3A_120, %broadcast_in_dim3A_126 : vector<40x256xi1>, vector<40x256xf32>
    %reduce_max3A_128 = arith.constant dense<0xFF800000> : vector<256xf32>
    %reduce_max3A_129 = vector.multi_reduction <maximumf>, %select_n3A_127, %reduce_max3A_128 [0] : vector<40x256xf32> to vector<256xf32>
    %broadcast_in_dim3A_130 = vector.shape_cast %reduce_max3A_129 : vector<256xf32> to vector<1x256xf32>
    %get3A_131 = arith.index_cast %arg0 : i32 to index
    %get3A_132 = arith.constant 3 : index
    %get3A_133 = memref.load %arg1[%get3A_131, %get3A_132] : memref<8x64xi32, #tpu.memory_space<smem>>
    %get3A_134 = arith.index_cast %arg0 : i32 to index
    %get3A_135 = arith.constant 3 : index
    %get3A_136 = memref.load %arg2[%get3A_134, %get3A_135] : memref<8x64xi32, #tpu.memory_space<smem>>
    %jit3A_137 = arith.constant 8 : i32
    %div3A_138 = arith.divsi %get3A_133, %jit3A_137 : i32
    %sign3A_139 = arith.constant 0 : i32
    %sign3A_140 = arith.cmpi sgt, %get3A_133, %sign3A_139 : i32
    %sign3A_141 = arith.extui %sign3A_140 : i1 to i32
    %sign3A_142 = arith.constant 0 : i32
    %sign3A_143 = arith.cmpi slt, %get3A_133, %sign3A_142 : i32
    %sign3A_144 = arith.extui %sign3A_143 : i1 to i32
    %sign3A_145 = arith.subi %sign3A_141, %sign3A_144 : i32
    %sign3A_146 = arith.constant 0 : i32
    %sign3A_147 = arith.cmpi sgt, %jit3A_137, %sign3A_146 : i32
    %sign3A_148 = arith.extui %sign3A_147 : i1 to i32
    %sign3A_149 = arith.constant 0 : i32
    %sign3A_150 = arith.cmpi slt, %jit3A_137, %sign3A_149 : i32
    %sign3A_151 = arith.extui %sign3A_150 : i1 to i32
    %sign3A_152 = arith.subi %sign3A_148, %sign3A_151 : i32
    %ne3A_153 = arith.cmpi ne, %sign3A_145, %sign3A_152 : i32
    %rem3A_154 = arith.remsi %get3A_133, %jit3A_137 : i32
    %ne3A_155 = arith.constant 0 : i32
    %ne3A_156 = arith.cmpi ne, %rem3A_154, %ne3A_155 : i32
    %and3A_157 = arith.andi %ne3A_153, %ne3A_156 : i1
    %sub3A_158 = arith.constant 1 : i32
    %sub3A_159 = arith.subi %div3A_138, %sub3A_158 : i32
    %select_n3A_160 = arith.select %and3A_157, %sub3A_159, %div3A_138 : i32
    %mul3A_161 = arith.constant 8 : i32
    %mul3A_162 = arith.muli %select_n3A_160, %mul3A_161 : i32
    %sub3A_163 = arith.subi %get3A_133, %mul3A_162 : i32
    %get3A_164 = arith.constant 0 : index
    %get3A_165 = arith.index_cast %mul3A_162 : i32 to index
    %get3A_166 = arith.constant 0 : index
    %get3A_167 = vector.load %arg3[%get3A_164, %get3A_165, %get3A_166] : memref<1x2048x256xf32, #tpu.memory_space<vmem>>, vector<1x40x256xf32>
    %get3A_168 = vector.shape_cast %get3A_167 : vector<1x40x256xf32> to vector<40x256xf32>
    %sub3A_169 = vector.broadcast %sub3A_163 : i32 to vector<40x256xi32>
    %sub3A_170 = arith.subi %iota3A, %sub3A_169 : vector<40x256xi32>
    %lt3A_171 = vector.broadcast %get3A_136 : i32 to vector<40x256xi32>
    %lt3A_172 = arith.cmpi ult, %sub3A_170, %lt3A_171 : vector<40x256xi32>
    %jit3A_173 = arith.constant -3.40282347E+38 : f32
    %broadcast_in_dim3A_174 = vector.broadcast %jit3A_173 : f32 to vector<40x256xf32>
    %select_n3A_175 = arith.select %lt3A_172, %get3A_168, %broadcast_in_dim3A_174 : vector<40x256xi1>, vector<40x256xf32>
    %reduce_max3A_176 = arith.constant dense<0xFF800000> : vector<256xf32>
    %reduce_max3A_177 = vector.multi_reduction <maximumf>, %select_n3A_175, %reduce_max3A_176 [0] : vector<40x256xf32> to vector<256xf32>
    %broadcast_in_dim3A_178 = vector.shape_cast %reduce_max3A_177 : vector<256xf32> to vector<1x256xf32>
    %get3A_179 = arith.index_cast %arg0 : i32 to index
    %get3A_180 = arith.constant 4 : index
    %get3A_181 = memref.load %arg1[%get3A_179, %get3A_180] : memref<8x64xi32, #tpu.memory_space<smem>>
    %get3A_182 = arith.index_cast %arg0 : i32 to index
    %get3A_183 = arith.constant 4 : index
    %get3A_184 = memref.load %arg2[%get3A_182, %get3A_183] : memref<8x64xi32, #tpu.memory_space<smem>>
    %jit3A_185 = arith.constant 8 : i32
    %div3A_186 = arith.divsi %get3A_181, %jit3A_185 : i32
    %sign3A_187 = arith.constant 0 : i32
    %sign3A_188 = arith.cmpi sgt, %get3A_181, %sign3A_187 : i32
    %sign3A_189 = arith.extui %sign3A_188 : i1 to i32
    %sign3A_190 = arith.constant 0 : i32
    %sign3A_191 = arith.cmpi slt, %get3A_181, %sign3A_190 : i32
    %sign3A_192 = arith.extui %sign3A_191 : i1 to i32
    %sign3A_193 = arith.subi %sign3A_189, %sign3A_192 : i32
    %sign3A_194 = arith.constant 0 : i32
    %sign3A_195 = arith.cmpi sgt, %jit3A_185, %sign3A_194 : i32
    %sign3A_196 = arith.extui %sign3A_195 : i1 to i32
    %sign3A_197 = arith.constant 0 : i32
    %sign3A_198 = arith.cmpi slt, %jit3A_185, %sign3A_197 : i32
    %sign3A_199 = arith.extui %sign3A_198 : i1 to i32
    %sign3A_200 = arith.subi %sign3A_196, %sign3A_199 : i32
    %ne3A_201 = arith.cmpi ne, %sign3A_193, %sign3A_200 : i32
    %rem3A_202 = arith.remsi %get3A_181, %jit3A_185 : i32
    %ne3A_203 = arith.constant 0 : i32
    %ne3A_204 = arith.cmpi ne, %rem3A_202, %ne3A_203 : i32
    %and3A_205 = arith.andi %ne3A_201, %ne3A_204 : i1
    %sub3A_206 = arith.constant 1 : i32
    %sub3A_207 = arith.subi %div3A_186, %sub3A_206 : i32
    %select_n3A_208 = arith.select %and3A_205, %sub3A_207, %div3A_186 : i32
    %mul3A_209 = arith.constant 8 : i32
    %mul3A_210 = arith.muli %select_n3A_208, %mul3A_209 : i32
    %sub3A_211 = arith.subi %get3A_181, %mul3A_210 : i32
    %get3A_212 = arith.constant 0 : index
    %get3A_213 = arith.index_cast %mul3A_210 : i32 to index
    %get3A_214 = arith.constant 0 : index
    %get3A_215 = vector.load %arg3[%get3A_212, %get3A_213, %get3A_214] : memref<1x2048x256xf32, #tpu.memory_space<vmem>>, vector<1x40x256xf32>
    %get3A_216 = vector.shape_cast %get3A_215 : vector<1x40x256xf32> to vector<40x256xf32>
    %sub3A_217 = vector.broadcast %sub3A_211 : i32 to vector<40x256xi32>
    %sub3A_218 = arith.subi %iota3A, %sub3A_217 : vector<40x256xi32>
    %lt3A_219 = vector.broadcast %get3A_184 : i32 to vector<40x256xi32>
    %lt3A_220 = arith.cmpi ult, %sub3A_218, %lt3A_219 : vector<40x256xi32>
    %jit3A_221 = arith.constant -3.40282347E+38 : f32
    %broadcast_in_dim3A_222 = vector.broadcast %jit3A_221 : f32 to vector<40x256xf32>
    %select_n3A_223 = arith.select %lt3A_220, %get3A_216, %broadcast_in_dim3A_222 : vector<40x256xi1>, vector<40x256xf32>
    %reduce_max3A_224 = arith.constant dense<0xFF800000> : vector<256xf32>
    %reduce_max3A_225 = vector.multi_reduction <maximumf>, %select_n3A_223, %reduce_max3A_224 [0] : vector<40x256xf32> to vector<256xf32>
    %broadcast_in_dim3A_226 = vector.shape_cast %reduce_max3A_225 : vector<256xf32> to vector<1x256xf32>
    %get3A_227 = arith.index_cast %arg0 : i32 to index
    %get3A_228 = arith.constant 5 : index
    %get3A_229 = memref.load %arg1[%get3A_227, %get3A_228] : memref<8x64xi32, #tpu.memory_space<smem>>
    %get3A_230 = arith.index_cast %arg0 : i32 to index
    %get3A_231 = arith.constant 5 : index
    %get3A_232 = memref.load %arg2[%get3A_230, %get3A_231] : memref<8x64xi32, #tpu.memory_space<smem>>
    %jit3A_233 = arith.constant 8 : i32
    %div3A_234 = arith.divsi %get3A_229, %jit3A_233 : i32
    %sign3A_235 = arith.constant 0 : i32
    %sign3A_236 = arith.cmpi sgt, %get3A_229, %sign3A_235 : i32
    %sign3A_237 = arith.extui %sign3A_236 : i1 to i32
    %sign3A_238 = arith.constant 0 : i32
    %sign3A_239 = arith.cmpi slt, %get3A_229, %sign3A_238 : i32
    %sign3A_240 = arith.extui %sign3A_239 : i1 to i32
    %sign3A_241 = arith.subi %sign3A_237, %sign3A_240 : i32
    %sign3A_242 = arith.constant 0 : i32
    %sign3A_243 = arith.cmpi sgt, %jit3A_233, %sign3A_242 : i32
    %sign3A_244 = arith.extui %sign3A_243 : i1 to i32
    %sign3A_245 = arith.constant 0 : i32
    %sign3A_246 = arith.cmpi slt, %jit3A_233, %sign3A_245 : i32
    %sign3A_247 = arith.extui %sign3A_246 : i1 to i32
    %sign3A_248 = arith.subi %sign3A_244, %sign3A_247 : i32
    %ne3A_249 = arith.cmpi ne, %sign3A_241, %sign3A_248 : i32
    %rem3A_250 = arith.remsi %get3A_229, %jit3A_233 : i32
    %ne3A_251 = arith.constant 0 : i32
    %ne3A_252 = arith.cmpi ne, %rem3A_250, %ne3A_251 : i32
    %and3A_253 = arith.andi %ne3A_249, %ne3A_252 : i1
    %sub3A_254 = arith.constant 1 : i32
    %sub3A_255 = arith.subi %div3A_234, %sub3A_254 : i32
    %select_n3A_256 = arith.select %and3A_253, %sub3A_255, %div3A_234 : i32
    %mul3A_257 = arith.constant 8 : i32
    %mul3A_258 = arith.muli %select_n3A_256, %mul3A_257 : i32
    %sub3A_259 = arith.subi %get3A_229, %mul3A_258 : i32
    %get3A_260 = arith.constant 0 : index
    %get3A_261 = arith.index_cast %mul3A_258 : i32 to index
    %get3A_262 = arith.constant 0 : index
    %get3A_263 = vector.load %arg3[%get3A_260, %get3A_261, %get3A_262] : memref<1x2048x256xf32, #tpu.memory_space<vmem>>, vector<1x40x256xf32>
    %get3A_264 = vector.shape_cast %get3A_263 : vector<1x40x256xf32> to vector<40x256xf32>
    %sub3A_265 = vector.broadcast %sub3A_259 : i32 to vector<40x256xi32>
    %sub3A_266 = arith.subi %iota3A, %sub3A_265 : vector<40x256xi32>
    %lt3A_267 = vector.broadcast %get3A_232 : i32 to vector<40x256xi32>
    %lt3A_268 = arith.cmpi ult, %sub3A_266, %lt3A_267 : vector<40x256xi32>
    %jit3A_269 = arith.constant -3.40282347E+38 : f32
    %broadcast_in_dim3A_270 = vector.broadcast %jit3A_269 : f32 to vector<40x256xf32>
    %select_n3A_271 = arith.select %lt3A_268, %get3A_264, %broadcast_in_dim3A_270 : vector<40x256xi1>, vector<40x256xf32>
    %reduce_max3A_272 = arith.constant dense<0xFF800000> : vector<256xf32>
    %reduce_max3A_273 = vector.multi_reduction <maximumf>, %select_n3A_271, %reduce_max3A_272 [0] : vector<40x256xf32> to vector<256xf32>
    %broadcast_in_dim3A_274 = vector.shape_cast %reduce_max3A_273 : vector<256xf32> to vector<1x256xf32>
    %get3A_275 = arith.index_cast %arg0 : i32 to index
    %get3A_276 = arith.constant 6 : index
    %get3A_277 = memref.load %arg1[%get3A_275, %get3A_276] : memref<8x64xi32, #tpu.memory_space<smem>>
    %get3A_278 = arith.index_cast %arg0 : i32 to index
    %get3A_279 = arith.constant 6 : index
    %get3A_280 = memref.load %arg2[%get3A_278, %get3A_279] : memref<8x64xi32, #tpu.memory_space<smem>>
    %jit3A_281 = arith.constant 8 : i32
    %div3A_282 = arith.divsi %get3A_277, %jit3A_281 : i32
    %sign3A_283 = arith.constant 0 : i32
    %sign3A_284 = arith.cmpi sgt, %get3A_277, %sign3A_283 : i32
    %sign3A_285 = arith.extui %sign3A_284 : i1 to i32
    %sign3A_286 = arith.constant 0 : i32
    %sign3A_287 = arith.cmpi slt, %get3A_277, %sign3A_286 : i32
    %sign3A_288 = arith.extui %sign3A_287 : i1 to i32
    %sign3A_289 = arith.subi %sign3A_285, %sign3A_288 : i32
    %sign3A_290 = arith.constant 0 : i32
    %sign3A_291 = arith.cmpi sgt, %jit3A_281, %sign3A_290 : i32
    %sign3A_292 = arith.extui %sign3A_291 : i1 to i32
    %sign3A_293 = arith.constant 0 : i32
    %sign3A_294 = arith.cmpi slt, %jit3A_281, %sign3A_293 : i32
    %sign3A_295 = arith.extui %sign3A_294 : i1 to i32
    %sign3A_296 = arith.subi %sign3A_292, %sign3A_295 : i32
    %ne3A_297 = arith.cmpi ne, %sign3A_289, %sign3A_296 : i32
    %rem3A_298 = arith.remsi %get3A_277, %jit3A_281 : i32
    %ne3A_299 = arith.constant 0 : i32
    %ne3A_300 = arith.cmpi ne, %rem3A_298, %ne3A_299 : i32
    %and3A_301 = arith.andi %ne3A_297, %ne3A_300 : i1
    %sub3A_302 = arith.constant 1 : i32
    %sub3A_303 = arith.subi %div3A_282, %sub3A_302 : i32
    %select_n3A_304 = arith.select %and3A_301, %sub3A_303, %div3A_282 : i32
    %mul3A_305 = arith.constant 8 : i32
    %mul3A_306 = arith.muli %select_n3A_304, %mul3A_305 : i32
    %sub3A_307 = arith.subi %get3A_277, %mul3A_306 : i32
    %get3A_308 = arith.constant 0 : index
    %get3A_309 = arith.index_cast %mul3A_306 : i32 to index
    %get3A_310 = arith.constant 0 : index
    %get3A_311 = vector.load %arg3[%get3A_308, %get3A_309, %get3A_310] : memref<1x2048x256xf32, #tpu.memory_space<vmem>>, vector<1x40x256xf32>
    %get3A_312 = vector.shape_cast %get3A_311 : vector<1x40x256xf32> to vector<40x256xf32>
    %sub3A_313 = vector.broadcast %sub3A_307 : i32 to vector<40x256xi32>
    %sub3A_314 = arith.subi %iota3A, %sub3A_313 : vector<40x256xi32>
    %lt3A_315 = vector.broadcast %get3A_280 : i32 to vector<40x256xi32>
    %lt3A_316 = arith.cmpi ult, %sub3A_314, %lt3A_315 : vector<40x256xi32>
    %jit3A_317 = arith.constant -3.40282347E+38 : f32
    %broadcast_in_dim3A_318 = vector.broadcast %jit3A_317 : f32 to vector<40x256xf32>
    %select_n3A_319 = arith.select %lt3A_316, %get3A_312, %broadcast_in_dim3A_318 : vector<40x256xi1>, vector<40x256xf32>
    %reduce_max3A_320 = arith.constant dense<0xFF800000> : vector<256xf32>
    %reduce_max3A_321 = vector.multi_reduction <maximumf>, %select_n3A_319, %reduce_max3A_320 [0] : vector<40x256xf32> to vector<256xf32>
    %broadcast_in_dim3A_322 = vector.shape_cast %reduce_max3A_321 : vector<256xf32> to vector<1x256xf32>
    %get3A_323 = arith.index_cast %arg0 : i32 to index
    %get3A_324 = arith.constant 7 : index
    %get3A_325 = memref.load %arg1[%get3A_323, %get3A_324] : memref<8x64xi32, #tpu.memory_space<smem>>
    %get3A_326 = arith.index_cast %arg0 : i32 to index
    %get3A_327 = arith.constant 7 : index
    %get3A_328 = memref.load %arg2[%get3A_326, %get3A_327] : memref<8x64xi32, #tpu.memory_space<smem>>
    %jit3A_329 = arith.constant 8 : i32
    %div3A_330 = arith.divsi %get3A_325, %jit3A_329 : i32
    %sign3A_331 = arith.constant 0 : i32
    %sign3A_332 = arith.cmpi sgt, %get3A_325, %sign3A_331 : i32
    %sign3A_333 = arith.extui %sign3A_332 : i1 to i32
    %sign3A_334 = arith.constant 0 : i32
    %sign3A_335 = arith.cmpi slt, %get3A_325, %sign3A_334 : i32
    %sign3A_336 = arith.extui %sign3A_335 : i1 to i32
    %sign3A_337 = arith.subi %sign3A_333, %sign3A_336 : i32
    %sign3A_338 = arith.constant 0 : i32
    %sign3A_339 = arith.cmpi sgt, %jit3A_329, %sign3A_338 : i32
    %sign3A_340 = arith.extui %sign3A_339 : i1 to i32
    %sign3A_341 = arith.constant 0 : i32
    %sign3A_342 = arith.cmpi slt, %jit3A_329, %sign3A_341 : i32
    %sign3A_343 = arith.extui %sign3A_342 : i1 to i32
    %sign3A_344 = arith.subi %sign3A_340, %sign3A_343 : i32
    %ne3A_345 = arith.cmpi ne, %sign3A_337, %sign3A_344 : i32
    %rem3A_346 = arith.remsi %get3A_325, %jit3A_329 : i32
    %ne3A_347 = arith.constant 0 : i32
    %ne3A_348 = arith.cmpi ne, %rem3A_346, %ne3A_347 : i32
    %and3A_349 = arith.andi %ne3A_345, %ne3A_348 : i1
    %sub3A_350 = arith.constant 1 : i32
    %sub3A_351 = arith.subi %div3A_330, %sub3A_350 : i32
    %select_n3A_352 = arith.select %and3A_349, %sub3A_351, %div3A_330 : i32
    %mul3A_353 = arith.constant 8 : i32
    %mul3A_354 = arith.muli %select_n3A_352, %mul3A_353 : i32
    %sub3A_355 = arith.subi %get3A_325, %mul3A_354 : i32
    %get3A_356 = arith.constant 0 : index
    %get3A_357 = arith.index_cast %mul3A_354 : i32 to index
    %get3A_358 = arith.constant 0 : index
    %get3A_359 = vector.load %arg3[%get3A_356, %get3A_357, %get3A_358] : memref<1x2048x256xf32, #tpu.memory_space<vmem>>, vector<1x40x256xf32>
    %get3A_360 = vector.shape_cast %get3A_359 : vector<1x40x256xf32> to vector<40x256xf32>
    %sub3A_361 = vector.broadcast %sub3A_355 : i32 to vector<40x256xi32>
    %sub3A_362 = arith.subi %iota3A, %sub3A_361 : vector<40x256xi32>
    %lt3A_363 = vector.broadcast %get3A_328 : i32 to vector<40x256xi32>
    %lt3A_364 = arith.cmpi ult, %sub3A_362, %lt3A_363 : vector<40x256xi32>
    %jit3A_365 = arith.constant -3.40282347E+38 : f32
    %broadcast_in_dim3A_366 = vector.broadcast %jit3A_365 : f32 to vector<40x256xf32>
    %select_n3A_367 = arith.select %lt3A_364, %get3A_360, %broadcast_in_dim3A_366 : vector<40x256xi1>, vector<40x256xf32>
    %reduce_max3A_368 = arith.constant dense<0xFF800000> : vector<256xf32>
    %reduce_max3A_369 = vector.multi_reduction <maximumf>, %select_n3A_367, %reduce_max3A_368 [0] : vector<40x256xf32> to vector<256xf32>
    %broadcast_in_dim3A_370 = vector.shape_cast %reduce_max3A_369 : vector<256xf32> to vector<1x256xf32>
    %concatenate3A = tpu.concatenate %broadcast_in_dim3A_34, %broadcast_in_dim3A_82, %broadcast_in_dim3A_130, %broadcast_in_dim3A_178, %broadcast_in_dim3A_226, %broadcast_in_dim3A_274, %broadcast_in_dim3A_322, %broadcast_in_dim3A_370 in 0 : vector<1x256xf32>, vector<1x256xf32>, vector<1x256xf32>, vector<1x256xf32>, vector<1x256xf32>, vector<1x256xf32>, vector<1x256xf32>, vector<1x256xf32> -> vector<8x256xf32>
    %swap3A = arith.constant 0 : index
    %swap3A_371 = arith.constant 0 : index
    %swap3A_372 = vector.load %arg9[%swap3A, %swap3A_371] : memref<64x256xf32, #tpu.memory_space<vmem>>, vector<8x256xf32>
    tpu.vector_store %arg9[%swap3A, %swap3A_371], %concatenate3A {strides = array<i32>} : memref<64x256xf32, #tpu.memory_space<vmem>>, vector<8x256xf32>,
    %get3A_373 = arith.index_cast %arg0 : i32 to index
    %get3A_374 = arith.constant 8 : index
    %get3A_375 = memref.load %arg1[%get3A_373, %get3A_374] : memref<8x64xi32, #tpu.memory_space<smem>>
    %get3A_376 = arith.index_cast %arg0 : i32 to index
    %get3A_377 = arith.constant 8 : index
    %get3A_378 = memref.load %arg2[%get3A_376, %get3A_377] : memref<8x64xi32, #tpu.memory_space<smem>>
    %jit3A_379 = arith.constant 8 : i32
    %div3A_380 = arith.divsi %get3A_375, %jit3A_379 : i32
    %sign3A_381 = arith.constant 0 : i32
    %sign3A_382 = arith.cmpi sgt, %get3A_375, %sign3A_381 : i32
    %sign3A_383 = arith.extui %sign3A_382 : i1 to i32
    %sign3A_384 = arith.constant 0 : i32
    %sign3A_385 = arith.cmpi slt, %get3A_375, %sign3A_384 : i32
    %sign3A_386 = arith.extui %sign3A_385 : i1 to i32
    %sign3A_387 = arith.subi %sign3A_383, %sign3A_386 : i32
    %sign3A_388 = arith.constant 0 : i32
    %sign3A_389 = arith.cmpi sgt, %jit3A_379, %sign3A_388 : i32
    %sign3A_390 = arith.extui %sign3A_389 : i1 to i32
    %sign3A_391 = arith.constant 0 : i32
    %sign3A_392 = arith.cmpi slt, %jit3A_379, %sign3A_391 : i32
    %sign3A_393 = arith.extui %sign3A_392 : i1 to i32
    %sign3A_394 = arith.subi %sign3A_390, %sign3A_393 : i32
    %ne3A_395 = arith.cmpi ne, %sign3A_387, %sign3A_394 : i32
    %rem3A_396 = arith.remsi %get3A_375, %jit3A_379 : i32
    %ne3A_397 = arith.constant 0 : i32
    %ne3A_398 = arith.cmpi ne, %rem3A_396, %ne3A_397 : i32
    %and3A_399 = arith.andi %ne3A_395, %ne3A_398 : i1
    %sub3A_400 = arith.constant 1 : i32
    %sub3A_401 = arith.subi %div3A_380, %sub3A_400 : i32
    %select_n3A_402 = arith.select %and3A_399, %sub3A_401, %div3A_380 : i32
    %mul3A_403 = arith.constant 8 : i32
    %mul3A_404 = arith.muli %select_n3A_402, %mul3A_403 : i32
    %sub3A_405 = arith.subi %get3A_375, %mul3A_404 : i32
    %get3A_406 = arith.constant 0 : index
    %get3A_407 = arith.index_cast %mul3A_404 : i32 to index
    %get3A_408 = arith.constant 0 : index
    %get3A_409 = vector.load %arg3[%get3A_406, %get3A_407, %get3A_408] : memref<1x2048x256xf32, #tpu.memory_space<vmem>>, vector<1x40x256xf32>
    %get3A_410 = vector.shape_cast %get3A_409 : vector<1x40x256xf32> to vector<40x256xf32>
    %sub3A_411 = vector.broadcast %sub3A_405 : i32 to vector<40x256xi32>
    %sub3A_412 = arith.subi %iota3A, %sub3A_411 : vector<40x256xi32>
    %lt3A_413 = vector.broadcast %get3A_378 : i32 to vector<40x256xi32>
    %lt3A_414 = arith.cmpi ult, %sub3A_412, %lt3A_413 : vector<40x256xi32>
    %jit3A_415 = arith.constant -3.40282347E+38 : f32
    %broadcast_in_dim3A_416 = vector.broadcast %jit3A_415 : f32 to vector<40x256xf32>
    %select_n3A_417 = arith.select %lt3A_414, %get3A_410, %broadcast_in_dim3A_416 : vector<40x256xi1>, vector<40x256xf32>
    %reduce_max3A_418 = arith.constant dense<0xFF800000> : vector<256xf32>
    %reduce_max3A_419 = vector.multi_reduction <maximumf>, %select_n3A_417, %reduce_max3A_418 [0] : vector<40x256xf32> to vector<256xf32>
    %broadcast_in_dim3A_420 = vector.shape_cast %reduce_max3A_419 : vector<256xf32> to vector<1x256xf32>
    %get3A_421 = arith.index_cast %arg0 : i32 to index
    %get3A_422 = arith.constant 9 : index
    %get3A_423 = memref.load %arg1[%get3A_421, %get3A_422] : memref<8x64xi32, #tpu.memory_space<smem>>
    %get3A_424 = arith.index_cast %arg0 : i32 to index
    %get3A_425 = arith.constant 9 : index
    %get3A_426 = memref.load %arg2[%get3A_424, %get3A_425] : memref<8x64xi32, #tpu.memory_space<smem>>
    %jit3A_427 = arith.constant 8 : i32
    %div3A_428 = arith.divsi %get3A_423, %jit3A_427 : i32
    %sign3A_429 = arith.constant 0 : i32
    %sign3A_430 = arith.cmpi sgt, %get3A_423, %sign3A_429 : i32
    %sign3A_431 = arith.extui %sign3A_430 : i1 to i32
    %sign3A_432 = arith.constant 0 : i32
    %sign3A_433 = arith.cmpi slt, %get3A_423, %sign3A_432 : i32
    %sign3A_434 = arith.extui %sign3A_433 : i1 to i32
    %sign3A_435 = arith.subi %sign3A_431, %sign3A_434 : i32
    %sign3A_436 = arith.constant 0 : i32
    %sign3A_437 = arith.cmpi sgt, %jit3A_427, %sign3A_436 : i32
    %sign3A_438 = arith.extui %sign3A_437 : i1 to i32
    %sign3A_439 = arith.constant 0 : i32
    %sign3A_440 = arith.cmpi slt, %jit3A_427, %sign3A_439 : i32
    %sign3A_441 = arith.extui %sign3A_440 : i1 to i32
    %sign3A_442 = arith.subi %sign3A_438, %sign3A_441 : i32
    %ne3A_443 = arith.cmpi ne, %sign3A_435, %sign3A_442 : i32
    %rem3A_444 = arith.remsi %get3A_423, %jit3A_427 : i32
    %ne3A_445 = arith.constant 0 : i32
    %ne3A_446 = arith.cmpi ne, %rem3A_444, %ne3A_445 : i32
    %and3A_447 = arith.andi %ne3A_443, %ne3A_446 : i1
    %sub3A_448 = arith.constant 1 : i32
    %sub3A_449 = arith.subi %div3A_428, %sub3A_448 : i32
    %select_n3A_450 = arith.select %and3A_447, %sub3A_449, %div3A_428 : i32
    %mul3A_451 = arith.constant 8 : i32
    %mul3A_452 = arith.muli %select_n3A_450, %mul3A_451 : i32
    %sub3A_453 = arith.subi %get3A_423, %mul3A_452 : i32
    %get3A_454 = arith.constant 0 : index
    %get3A_455 = arith.index_cast %mul3A_452 : i32 to index
    %get3A_456 = arith.constant 0 : index
    %get3A_457 = vector.load %arg3[%get3A_454, %get3A_455, %get3A_456] : memref<1x2048x256xf32, #tpu.memory_space<vmem>>, vector<1x40x256xf32>
    %get3A_458 = vector.shape_cast %get3A_457 : vector<1x40x256xf32> to vector<40x256xf32>
    %sub3A_459 = vector.broadcast %sub3A_453 : i32 to vector<40x256xi32>
    %sub3A_460 = arith.subi %iota3A, %sub3A_459 : vector<40x256xi32>
    %lt3A_461 = vector.broadcast %get3A_426 : i32 to vector<40x256xi32>
    %lt3A_462 = arith.cmpi ult, %sub3A_460, %lt3A_461 : vector<40x256xi32>
    %jit3A_463 = arith.constant -3.40282347E+38 : f32
    %broadcast_in_dim3A_464 = vector.broadcast %jit3A_463 : f32 to vector<40x256xf32>
    %select_n3A_465 = arith.select %lt3A_462, %get3A_458, %broadcast_in_dim3A_464 : vector<40x256xi1>, vector<40x256xf32>
    %reduce_max3A_466 = arith.constant dense<0xFF800000> : vector<256xf32>
    %reduce_max3A_467 = vector.multi_reduction <maximumf>, %select_n3A_465, %reduce_max3A_466 [0] : vector<40x256xf32> to vector<256xf32>
    %broadcast_in_dim3A_468 = vector.shape_cast %reduce_max3A_467 : vector<256xf32> to vector<1x256xf32>
    %get3A_469 = arith.index_cast %arg0 : i32 to index
    %get3A_470 = arith.constant 10 : index
    %get3A_471 = memref.load %arg1[%get3A_469, %get3A_470] : memref<8x64xi32, #tpu.memory_space<smem>>
    %get3A_472 = arith.index_cast %arg0 : i32 to index
    %get3A_473 = arith.constant 10 : index
    %get3A_474 = memref.load %arg2[%get3A_472, %get3A_473] : memref<8x64xi32, #tpu.memory_space<smem>>
    %jit3A_475 = arith.constant 8 : i32
    %div3A_476 = arith.divsi %get3A_471, %jit3A_475 : i32
    %sign3A_477 = arith.constant 0 : i32
    %sign3A_478 = arith.cmpi sgt, %get3A_471, %sign3A_477 : i32
    %sign3A_479 = arith.extui %sign3A_478 : i1 to i32
    %sign3A_480 = arith.constant 0 : i32
    %sign3A_481 = arith.cmpi slt, %get3A_471, %sign3A_480 : i32
    %sign3A_482 = arith.extui %sign3A_481 : i1 to i32
    %sign3A_483 = arith.subi %sign3A_479, %sign3A_482 : i32
    %sign3A_484 = arith.constant 0 : i32
    %sign3A_485 = arith.cmpi sgt, %jit3A_475, %sign3A_484 : i32
    %sign3A_486 = arith.extui %sign3A_485 : i1 to i32
    %sign3A_487 = arith.constant 0 : i32
    %sign3A_488 = arith.cmpi slt, %jit3A_475, %sign3A_487 : i32
    %sign3A_489 = arith.extui %sign3A_488 : i1 to i32
    %sign3A_490 = arith.subi %sign3A_486, %sign3A_489 : i32
    %ne3A_491 = arith.cmpi ne, %sign3A_483, %sign3A_490 : i32
    %rem3A_492 = arith.remsi %get3A_471, %jit3A_475 : i32
    %ne3A_493 = arith.constant 0 : i32
    %ne3A_494 = arith.cmpi ne, %rem3A_492, %ne3A_493 : i32
    %and3A_495 = arith.andi %ne3A_491, %ne3A_494 : i1
    %sub3A_496 = arith.constant 1 : i32
    %sub3A_497 = arith.subi %div3A_476, %sub3A_496 : i32
    %select_n3A_498 = arith.select %and3A_495, %sub3A_497, %div3A_476 : i32
    %mul3A_499 = arith.constant 8 : i32
    %mul3A_500 = arith.muli %select_n3A_498, %mul3A_499 : i32
    %sub3A_501 = arith.subi %get3A_471, %mul3A_500 : i32
    %get3A_502 = arith.constant 0 : index
    %get3A_503 = arith.index_cast %mul3A_500 : i32 to index
    %get3A_504 = arith.constant 0 : index
    %get3A_505 = vector.load %arg3[%get3A_502, %get3A_503, %get3A_504] : memref<1x2048x256xf32, #tpu.memory_space<vmem>>, vector<1x40x256xf32>
    %get3A_506 = vector.shape_cast %get3A_505 : vector<1x40x256xf32> to vector<40x256xf32>
    %sub3A_507 = vector.broadcast %sub3A_501 : i32 to vector<40x256xi32>
    %sub3A_508 = arith.subi %iota3A, %sub3A_507 : vector<40x256xi32>
    %lt3A_509 = vector.broadcast %get3A_474 : i32 to vector<40x256xi32>
    %lt3A_510 = arith.cmpi ult, %sub3A_508, %lt3A_509 : vector<40x256xi32>
    %jit3A_511 = arith.constant -3.40282347E+38 : f32
    %broadcast_in_dim3A_512 = vector.broadcast %jit3A_511 : f32 to vector<40x256xf32>
    %select_n3A_513 = arith.select %lt3A_510, %get3A_506, %broadcast_in_dim3A_512 : vector<40x256xi1>, vector<40x256xf32>
    %reduce_max3A_514 = arith.constant dense<0xFF800000> : vector<256xf32>
    %reduce_max3A_515 = vector.multi_reduction <maximumf>, %select_n3A_513, %reduce_max3A_514 [0] : vector<40x256xf32> to vector<256xf32>
    %broadcast_in_dim3A_516 = vector.shape_cast %reduce_max3A_515 : vector<256xf32> to vector<1x256xf32>
    %get3A_517 = arith.index_cast %arg0 : i32 to index
    %get3A_518 = arith.constant 11 : index
    %get3A_519 = memref.load %arg1[%get3A_517, %get3A_518] : memref<8x64xi32, #tpu.memory_space<smem>>
    %get3A_520 = arith.index_cast %arg0 : i32 to index
    %get3A_521 = arith.constant 11 : index
    %get3A_522 = memref.load %arg2[%get3A_520, %get3A_521] : memref<8x64xi32, #tpu.memory_space<smem>>
    %jit3A_523 = arith.constant 8 : i32
    %div3A_524 = arith.divsi %get3A_519, %jit3A_523 : i32
    %sign3A_525 = arith.constant 0 : i32
    %sign3A_526 = arith.cmpi sgt, %get3A_519, %sign3A_525 : i32
    %sign3A_527 = arith.extui %sign3A_526 : i1 to i32
    %sign3A_528 = arith.constant 0 : i32
    %sign3A_529 = arith.cmpi slt, %get3A_519, %sign3A_528 : i32
    %sign3A_530 = arith.extui %sign3A_529 : i1 to i32
    %sign3A_531 = arith.subi %sign3A_527, %sign3A_530 : i32
    %sign3A_532 = arith.constant 0 : i32
    %sign3A_533 = arith.cmpi sgt, %jit3A_523, %sign3A_532 : i32
    %sign3A_534 = arith.extui %sign3A_533 : i1 to i32
    %sign3A_535 = arith.constant 0 : i32
    %sign3A_536 = arith.cmpi slt, %jit3A_523, %sign3A_535 : i32
    %sign3A_537 = arith.extui %sign3A_536 : i1 to i32
    %sign3A_538 = arith.subi %sign3A_534, %sign3A_537 : i32
    %ne3A_539 = arith.cmpi ne, %sign3A_531, %sign3A_538 : i32
    %rem3A_540 = arith.remsi %get3A_519, %jit3A_523 : i32
    %ne3A_541 = arith.constant 0 : i32
    %ne3A_542 = arith.cmpi ne, %rem3A_540, %ne3A_541 : i32
    %and3A_543 = arith.andi %ne3A_539, %ne3A_542 : i1
    %sub3A_544 = arith.constant 1 : i32
    %sub3A_545 = arith.subi %div3A_524, %sub3A_544 : i32
    %select_n3A_546 = arith.select %and3A_543, %sub3A_545, %div3A_524 : i32
    %mul3A_547 = arith.constant 8 : i32
    %mul3A_548 = arith.muli %select_n3A_546, %mul3A_547 : i32
    %sub3A_549 = arith.subi %get3A_519, %mul3A_548 : i32
    %get3A_550 = arith.constant 0 : index
    %get3A_551 = arith.index_cast %mul3A_548 : i32 to index
    %get3A_552 = arith.constant 0 : index
    %get3A_553 = vector.load %arg3[%get3A_550, %get3A_551, %get3A_552] : memref<1x2048x256xf32, #tpu.memory_space<vmem>>, vector<1x40x256xf32>
    %get3A_554 = vector.shape_cast %get3A_553 : vector<1x40x256xf32> to vector<40x256xf32>
    %sub3A_555 = vector.broadcast %sub3A_549 : i32 to vector<40x256xi32>
    %sub3A_556 = arith.subi %iota3A, %sub3A_555 : vector<40x256xi32>
    %lt3A_557 = vector.broadcast %get3A_522 : i32 to vector<40x256xi32>
    %lt3A_558 = arith.cmpi ult, %sub3A_556, %lt3A_557 : vector<40x256xi32>
    %jit3A_559 = arith.constant -3.40282347E+38 : f32
    %broadcast_in_dim3A_560 = vector.broadcast %jit3A_559 : f32 to vector<40x256xf32>
    %select_n3A_561 = arith.select %lt3A_558, %get3A_554, %broadcast_in_dim3A_560 : vector<40x256xi1>, vector<40x256xf32>
    %reduce_max3A_562 = arith.constant dense<0xFF800000> : vector<256xf32>
    %reduce_max3A_563 = vector.multi_reduction <maximumf>, %select_n3A_561, %reduce_max3A_562 [0] : vector<40x256xf32> to vector<256xf32>
    %broadcast_in_dim3A_564 = vector.shape_cast %reduce_max3A_563 : vector<256xf32> to vector<1x256xf32>
    %get3A_565 = arith.index_cast %arg0 : i32 to index
    %get3A_566 = arith.constant 12 : index
    %get3A_567 = memref.load %arg1[%get3A_565, %get3A_566] : memref<8x64xi32, #tpu.memory_space<smem>>
    %get3A_568 = arith.index_cast %arg0 : i32 to index
    %get3A_569 = arith.constant 12 : index
    %get3A_570 = memref.load %arg2[%get3A_568, %get3A_569] : memref<8x64xi32, #tpu.memory_space<smem>>
    %jit3A_571 = arith.constant 8 : i32
    %div3A_572 = arith.divsi %get3A_567, %jit3A_571 : i32
    %sign3A_573 = arith.constant 0 : i32
    %sign3A_574 = arith.cmpi sgt, %get3A_567, %sign3A_573 : i32
    %sign3A_575 = arith.extui %sign3A_574 : i1 to i32
    %sign3A_576 = arith.constant 0 : i32
    %sign3A_577 = arith.cmpi slt, %get3A_567, %sign3A_576 : i32
    %sign3A_578 = arith.extui %sign3A_577 : i1 to i32
    %sign3A_579 = arith.subi %sign3A_575, %sign3A_578 : i32
    %sign3A_580 = arith.constant 0 : i32
    %sign3A_581 = arith.cmpi sgt, %jit3A_571, %sign3A_580 : i32
    %sign3A_582 = arith.extui %sign3A_581 : i1 to i32
    %sign3A_583 = arith.constant 0 : i32
    %sign3A_584 = arith.cmpi slt, %jit3A_571, %sign3A_583 : i32
    %sign3A_585 = arith.extui %sign3A_584 : i1 to i32
    %sign3A_586 = arith.subi %sign3A_582, %sign3A_585 : i32
    %ne3A_587 = arith.cmpi ne, %sign3A_579, %sign3A_586 : i32
    %rem3A_588 = arith.remsi %get3A_567, %jit3A_571 : i32
    %ne3A_589 = arith.constant 0 : i32
    %ne3A_590 = arith.cmpi ne, %rem3A_588, %ne3A_589 : i32
    %and3A_591 = arith.andi %ne3A_587, %ne3A_590 : i1
    %sub3A_592 = arith.constant 1 : i32
    %sub3A_593 = arith.subi %div3A_572, %sub3A_592 : i32
    %select_n3A_594 = arith.select %and3A_591, %sub3A_593, %div3A_572 : i32
    %mul3A_595 = arith.constant 8 : i32
    %mul3A_596 = arith.muli %select_n3A_594, %mul3A_595 : i32
    %sub3A_597 = arith.subi %get3A_567, %mul3A_596 : i32
    %get3A_598 = arith.constant 0 : index
    %get3A_599 = arith.index_cast %mul3A_596 : i32 to index
    %get3A_600 = arith.constant 0 : index
    %get3A_601 = vector.load %arg3[%get3A_598, %get3A_599, %get3A_600] : memref<1x2048x256xf32, #tpu.memory_space<vmem>>, vector<1x40x256xf32>
    %get3A_602 = vector.shape_cast %get3A_601 : vector<1x40x256xf32> to vector<40x256xf32>
    %sub3A_603 = vector.broadcast %sub3A_597 : i32 to vector<40x256xi32>
    %sub3A_604 = arith.subi %iota3A, %sub3A_603 : vector<40x256xi32>
    %lt3A_605 = vector.broadcast %get3A_570 : i32 to vector<40x256xi32>
    %lt3A_606 = arith.cmpi ult, %sub3A_604, %lt3A_605 : vector<40x256xi32>
    %jit3A_607 = arith.constant -3.40282347E+38 : f32
    %broadcast_in_dim3A_608 = vector.broadcast %jit3A_607 : f32 to vector<40x256xf32>
    %select_n3A_609 = arith.select %lt3A_606, %get3A_602, %broadcast_in_dim3A_608 : vector<40x256xi1>, vector<40x256xf32>
    %reduce_max3A_610 = arith.constant dense<0xFF800000> : vector<256xf32>
    %reduce_max3A_611 = vector.multi_reduction <maximumf>, %select_n3A_609, %reduce_max3A_610 [0] : vector<40x256xf32> to vector<256xf32>
    %broadcast_in_dim3A_612 = vector.shape_cast %reduce_max3A_611 : vector<256xf32> to vector<1x256xf32>
    %get3A_613 = arith.index_cast %arg0 : i32 to index
    %get3A_614 = arith.constant 13 : index
    %get3A_615 = memref.load %arg1[%get3A_613, %get3A_614] : memref<8x64xi32, #tpu.memory_space<smem>>
    %get3A_616 = arith.index_cast %arg0 : i32 to index
    %get3A_617 = arith.constant 13 : index
    %get3A_618 = memref.load %arg2[%get3A_616, %get3A_617] : memref<8x64xi32, #tpu.memory_space<smem>>
    %jit3A_619 = arith.constant 8 : i32
    %div3A_620 = arith.divsi %get3A_615, %jit3A_619 : i32
    %sign3A_621 = arith.constant 0 : i32
    %sign3A_622 = arith.cmpi sgt, %get3A_615, %sign3A_621 : i32
    %sign3A_623 = arith.extui %sign3A_622 : i1 to i32
    %sign3A_624 = arith.constant 0 : i32
    %sign3A_625 = arith.cmpi slt, %get3A_615, %sign3A_624 : i32
    %sign3A_626 = arith.extui %sign3A_625 : i1 to i32
    %sign3A_627 = arith.subi %sign3A_623, %sign3A_626 : i32
    %sign3A_628 = arith.constant 0 : i32
    %sign3A_629 = arith.cmpi sgt, %jit3A_619, %sign3A_628 : i32
    %sign3A_630 = arith.extui %sign3A_629 : i1 to i32
    %sign3A_631 = arith.constant 0 : i32
    %sign3A_632 = arith.cmpi slt, %jit3A_619, %sign3A_631 : i32
    %sign3A_633 = arith.extui %sign3A_632 : i1 to i32
    %sign3A_634 = arith.subi %sign3A_630, %sign3A_633 : i32
    %ne3A_635 = arith.cmpi ne, %sign3A_627, %sign3A_634 : i32
    %rem3A_636 = arith.remsi %get3A_615, %jit3A_619 : i32
    %ne3A_637 = arith.constant 0 : i32
    %ne3A_638 = arith.cmpi ne, %rem3A_636, %ne3A_637 : i32
    %and3A_639 = arith.andi %ne3A_635, %ne3A_638 : i1
    %sub3A_640 = arith.constant 1 : i32
    %sub3A_641 = arith.subi %div3A_620, %sub3A_640 : i32
    %select_n3A_642 = arith.select %and3A_639, %sub3A_641, %div3A_620 : i32
    %mul3A_643 = arith.constant 8 : i32
    %mul3A_644 = arith.muli %select_n3A_642, %mul3A_643 : i32
    %sub3A_645 = arith.subi %get3A_615, %mul3A_644 : i32
    %get3A_646 = arith.constant 0 : index
    %get3A_647 = arith.index_cast %mul3A_644 : i32 to index
    %get3A_648 = arith.constant 0 : index
    %get3A_649 = vector.load %arg3[%get3A_646, %get3A_647, %get3A_648] : memref<1x2048x256xf32, #tpu.memory_space<vmem>>, vector<1x40x256xf32>
    %get3A_650 = vector.shape_cast %get3A_649 : vector<1x40x256xf32> to vector<40x256xf32>
    %sub3A_651 = vector.broadcast %sub3A_645 : i32 to vector<40x256xi32>
    %sub3A_652 = arith.subi %iota3A, %sub3A_651 : vector<40x256xi32>
    %lt3A_653 = vector.broadcast %get3A_618 : i32 to vector<40x256xi32>
    %lt3A_654 = arith.cmpi ult, %sub3A_652, %lt3A_653 : vector<40x256xi32>
    %jit3A_655 = arith.constant -3.40282347E+38 : f32
    %broadcast_in_dim3A_656 = vector.broadcast %jit3A_655 : f32 to vector<40x256xf32>
    %select_n3A_657 = arith.select %lt3A_654, %get3A_650, %broadcast_in_dim3A_656 : vector<40x256xi1>, vector<40x256xf32>
    %reduce_max3A_658 = arith.constant dense<0xFF800000> : vector<256xf32>
    %reduce_max3A_659 = vector.multi_reduction <maximumf>, %select_n3A_657, %reduce_max3A_658 [0] : vector<40x256xf32> to vector<256xf32>
    %broadcast_in_dim3A_660 = vector.shape_cast %reduce_max3A_659 : vector<256xf32> to vector<1x256xf32>
    %get3A_661 = arith.index_cast %arg0 : i32 to index
    %get3A_662 = arith.constant 14 : index
    %get3A_663 = memref.load %arg1[%get3A_661, %get3A_662] : memref<8x64xi32, #tpu.memory_space<smem>>
    %get3A_664 = arith.index_cast %arg0 : i32 to index
    %get3A_665 = arith.constant 14 : index
    %get3A_666 = memref.load %arg2[%get3A_664, %get3A_665] : memref<8x64xi32, #tpu.memory_space<smem>>
    %jit3A_667 = arith.constant 8 : i32
    %div3A_668 = arith.divsi %get3A_663, %jit3A_667 : i32
    %sign3A_669 = arith.constant 0 : i32
    %sign3A_670 = arith.cmpi sgt, %get3A_663, %sign3A_669 : i32
    %sign3A_671 = arith.extui %sign3A_670 : i1 to i32
    %sign3A_672 = arith.constant 0 : i32
    %sign3A_673 = arith.cmpi slt, %get3A_663, %sign3A_672 : i32
    %sign3A_674 = arith.extui %sign3A_673 : i1 to i32
    %sign3A_675 = arith.subi %sign3A_671, %sign3A_674 : i32
    %sign3A_676 = arith.constant 0 : i32
    %sign3A_677 = arith.cmpi sgt, %jit3A_667, %sign3A_676 : i32
    %sign3A_678 = arith.extui %sign3A_677 : i1 to i32
    %sign3A_679 = arith.constant 0 : i32
    %sign3A_680 = arith.cmpi slt, %jit3A_667, %sign3A_679 : i32
    %sign3A_681 = arith.extui %sign3A_680 : i1 to i32
    %sign3A_682 = arith.subi %sign3A_678, %sign3A_681 : i32
    %ne3A_683 = arith.cmpi ne, %sign3A_675, %sign3A_682 : i32
    %rem3A_684 = arith.remsi %get3A_663, %jit3A_667 : i32
    %ne3A_685 = arith.constant 0 : i32
    %ne3A_686 = arith.cmpi ne, %rem3A_684, %ne3A_685 : i32
    %and3A_687 = arith.andi %ne3A_683, %ne3A_686 : i1
    %sub3A_688 = arith.constant 1 : i32
    %sub3A_689 = arith.subi %div3A_668, %sub3A_688 : i32
    %select_n3A_690 = arith.select %and3A_687, %sub3A_689, %div3A_668 : i32
    %mul3A_691 = arith.constant 8 : i32
    %mul3A_692 = arith.muli %select_n3A_690, %mul3A_691 : i32
    %sub3A_693 = arith.subi %get3A_663, %mul3A_692 : i32
    %get3A_694 = arith.constant 0 : index
    %get3A_695 = arith.index_cast %mul3A_692 : i32 to index
    %get3A_696 = arith.constant 0 : index
    %get3A_697 = vector.load %arg3[%get3A_694, %get3A_695, %get3A_696] : memref<1x2048x256xf32, #tpu.memory_space<vmem>>, vector<1x40x256xf32>
    %get3A_698 = vector.shape_cast %get3A_697 : vector<1x40x256xf32> to vector<40x256xf32>
    %sub3A_699 = vector.broadcast %sub3A_693 : i32 to vector<40x256xi32>
    %sub3A_700 = arith.subi %iota3A, %sub3A_699 : vector<40x256xi32>
    %lt3A_701 = vector.broadcast %get3A_666 : i32 to vector<40x256xi32>
    %lt3A_702 = arith.cmpi ult, %sub3A_700, %lt3A_701 : vector<40x256xi32>
    %jit3A_703 = arith.constant -3.40282347E+38 : f32
    %broadcast_in_dim3A_704 = vector.broadcast %jit3A_703 : f32 to vector<40x256xf32>
    %select_n3A_705 = arith.select %lt3A_702, %get3A_698, %broadcast_in_dim3A_704 : vector<40x256xi1>, vector<40x256xf32>
    %reduce_max3A_706 = arith.constant dense<0xFF800000> : vector<256xf32>
    %reduce_max3A_707 = vector.multi_reduction <maximumf>, %select_n3A_705, %reduce_max3A_706 [0] : vector<40x256xf32> to vector<256xf32>
    %broadcast_in_dim3A_708 = vector.shape_cast %reduce_max3A_707 : vector<256xf32> to vector<1x256xf32>
    %get3A_709 = arith.index_cast %arg0 : i32 to index
    %get3A_710 = arith.constant 15 : index
    %get3A_711 = memref.load %arg1[%get3A_709, %get3A_710] : memref<8x64xi32, #tpu.memory_space<smem>>
    %get3A_712 = arith.index_cast %arg0 : i32 to index
    %get3A_713 = arith.constant 15 : index
    %get3A_714 = memref.load %arg2[%get3A_712, %get3A_713] : memref<8x64xi32, #tpu.memory_space<smem>>
    %jit3A_715 = arith.constant 8 : i32
    %div3A_716 = arith.divsi %get3A_711, %jit3A_715 : i32
    %sign3A_717 = arith.constant 0 : i32
    %sign3A_718 = arith.cmpi sgt, %get3A_711, %sign3A_717 : i32
    %sign3A_719 = arith.extui %sign3A_718 : i1 to i32
    %sign3A_720 = arith.constant 0 : i32
    %sign3A_721 = arith.cmpi slt, %get3A_711, %sign3A_720 : i32
    %sign3A_722 = arith.extui %sign3A_721 : i1 to i32
    %sign3A_723 = arith.subi %sign3A_719, %sign3A_722 : i32
    %sign3A_724 = arith.constant 0 : i32
    %sign3A_725 = arith.cmpi sgt, %jit3A_715, %sign3A_724 : i32
    %sign3A_726 = arith.extui %sign3A_725 : i1 to i32
    %sign3A_727 = arith.constant 0 : i32
    %sign3A_728 = arith.cmpi slt, %jit3A_715, %sign3A_727 : i32
    %sign3A_729 = arith.extui %sign3A_728 : i1 to i32
    %sign3A_730 = arith.subi %sign3A_726, %sign3A_729 : i32
    %ne3A_731 = arith.cmpi ne, %sign3A_723, %sign3A_730 : i32
    %rem3A_732 = arith.remsi %get3A_711, %jit3A_715 : i32
    %ne3A_733 = arith.constant 0 : i32
    %ne3A_734 = arith.cmpi ne, %rem3A_732, %ne3A_733 : i32
    %and3A_735 = arith.andi %ne3A_731, %ne3A_734 : i1
    %sub3A_736 = arith.constant 1 : i32
    %sub3A_737 = arith.subi %div3A_716, %sub3A_736 : i32
    %select_n3A_738 = arith.select %and3A_735, %sub3A_737, %div3A_716 : i32
    %mul3A_739 = arith.constant 8 : i32
    %mul3A_740 = arith.muli %select_n3A_738, %mul3A_739 : i32
    %sub3A_741 = arith.subi %get3A_711, %mul3A_740 : i32
    %get3A_742 = arith.constant 0 : index
    %get3A_743 = arith.index_cast %mul3A_740 : i32 to index
    %get3A_744 = arith.constant 0 : index
    %get3A_745 = vector.load %arg3[%get3A_742, %get3A_743, %get3A_744] : memref<1x2048x256xf32, #tpu.memory_space<vmem>>, vector<1x40x256xf32>
    %get3A_746 = vector.shape_cast %get3A_745 : vector<1x40x256xf32> to vector<40x256xf32>
    %sub3A_747 = vector.broadcast %sub3A_741 : i32 to vector<40x256xi32>
    %sub3A_748 = arith.subi %iota3A, %sub3A_747 : vector<40x256xi32>
    %lt3A_749 = vector.broadcast %get3A_714 : i32 to vector<40x256xi32>
    %lt3A_750 = arith.cmpi ult, %sub3A_748, %lt3A_749 : vector<40x256xi32>
    %jit3A_751 = arith.constant -3.40282347E+38 : f32
    %broadcast_in_dim3A_752 = vector.broadcast %jit3A_751 : f32 to vector<40x256xf32>
    %select_n3A_753 = arith.select %lt3A_750, %get3A_746, %broadcast_in_dim3A_752 : vector<40x256xi1>, vector<40x256xf32>
    %reduce_max3A_754 = arith.constant dense<0xFF800000> : vector<256xf32>
    %reduce_max3A_755 = vector.multi_reduction <maximumf>, %select_n3A_753, %reduce_max3A_754 [0] : vector<40x256xf32> to vector<256xf32>
    %broadcast_in_dim3A_756 = vector.shape_cast %reduce_max3A_755 : vector<256xf32> to vector<1x256xf32>
    %concatenate3A_757 = tpu.concatenate %broadcast_in_dim3A_420, %broadcast_in_dim3A_468, %broadcast_in_dim3A_516, %broadcast_in_dim3A_564, %broadcast_in_dim3A_612, %broadcast_in_dim3A_660, %broadcast_in_dim3A_708, %broadcast_in_dim3A_756 in 0 : vector<1x256xf32>, vector<1x256xf32>, vector<1x256xf32>, vector<1x256xf32>, vector<1x256xf32>, vector<1x256xf32>, vector<1x256xf32>, vector<1x256xf32> -> vector<8x256xf32>
    %swap3A_758 = arith.constant 8 : index
    %swap3A_759 = arith.constant 0 : index
    %swap3A_760 = vector.load %arg9[%swap3A_758, %swap3A_759] : memref<64x256xf32, #tpu.memory_space<vmem>>, vector<8x256xf32>
    tpu.vector_store %arg9[%swap3A_758, %swap3A_759], %concatenate3A_757 {strides = array<i32>} : memref<64x256xf32, #tpu.memory_space<vmem>>, vector<8x256xf32>,
    %get3A_761 = arith.index_cast %arg0 : i32 to index
    %get3A_762 = arith.constant 16 : index
    %get3A_763 = memref.load %arg1[%get3A_761, %get3A_762] : memref<8x64xi32, #tpu.memory_space<smem>>
    %get3A_764 = arith.index_cast %arg0 : i32 to index
    %get3A_765 = arith.constant 16 : index
    %get3A_766 = memref.load %arg2[%get3A_764, %get3A_765] : memref<8x64xi32, #tpu.memory_space<smem>>
    %jit3A_767 = arith.constant 8 : i32
    %div3A_768 = arith.divsi %get3A_763, %jit3A_767 : i32
    %sign3A_769 = arith.constant 0 : i32
    %sign3A_770 = arith.cmpi sgt, %get3A_763, %sign3A_769 : i32
    %sign3A_771 = arith.extui %sign3A_770 : i1 to i32
    %sign3A_772 = arith.constant 0 : i32
    %sign3A_773 = arith.cmpi slt, %get3A_763, %sign3A_772 : i32
    %sign3A_774 = arith.extui %sign3A_773 : i1 to i32
    %sign3A_775 = arith.subi %sign3A_771, %sign3A_774 : i32
    %sign3A_776 = arith.constant 0 : i32
    %sign3A_777 = arith.cmpi sgt, %jit3A_767, %sign3A_776 : i32
    %sign3A_778 = arith.extui %sign3A_777 : i1 to i32
    %sign3A_779 = arith.constant 0 : i32
    %sign3A_780 = arith.cmpi slt, %jit3A_767, %sign3A_779 : i32
    %sign3A_781 = arith.extui %sign3A_780 : i1 to i32
    %sign3A_782 = arith.subi %sign3A_778, %sign3A_781 : i32
    %ne3A_783 = arith.cmpi ne, %sign3A_775, %sign3A_782 : i32
    %rem3A_784 = arith.remsi %get3A_763, %jit3A_767 : i32
    %ne3A_785 = arith.constant 0 : i32
    %ne3A_786 = arith.cmpi ne, %rem3A_784, %ne3A_785 : i32
    %and3A_787 = arith.andi %ne3A_783, %ne3A_786 : i1
    %sub3A_788 = arith.constant 1 : i32
    %sub3A_789 = arith.subi %div3A_768, %sub3A_788 : i32
    %select_n3A_790 = arith.select %and3A_787, %sub3A_789, %div3A_768 : i32
    %mul3A_791 = arith.constant 8 : i32
    %mul3A_792 = arith.muli %select_n3A_790, %mul3A_791 : i32
    %sub3A_793 = arith.subi %get3A_763, %mul3A_792 : i32
    %get3A_794 = arith.constant 0 : index
    %get3A_795 = arith.index_cast %mul3A_792 : i32 to index
    %get3A_796 = arith.constant 0 : index
    %get3A_797 = vector.load %arg3[%get3A_794, %get3A_795, %get3A_796] : memref<1x2048x256xf32, #tpu.memory_space<vmem>>, vector<1x40x256xf32>
    %get3A_798 = vector.shape_cast %get3A_797 : vector<1x40x256xf32> to vector<40x256xf32>
    %sub3A_799 = vector.broadcast %sub3A_793 : i32 to vector<40x256xi32>
    %sub3A_800 = arith.subi %iota3A, %sub3A_799 : vector<40x256xi32>
    %lt3A_801 = vector.broadcast %get3A_766 : i32 to vector<40x256xi32>
    %lt3A_802 = arith.cmpi ult, %sub3A_800, %lt3A_801 : vector<40x256xi32>
    %jit3A_803 = arith.constant -3.40282347E+38 : f32
    %broadcast_in_dim3A_804 = vector.broadcast %jit3A_803 : f32 to vector<40x256xf32>
    %select_n3A_805 = arith.select %lt3A_802, %get3A_798, %broadcast_in_dim3A_804 : vector<40x256xi1>, vector<40x256xf32>
    %reduce_max3A_806 = arith.constant dense<0xFF800000> : vector<256xf32>
    %reduce_max3A_807 = vector.multi_reduction <maximumf>, %select_n3A_805, %reduce_max3A_806 [0] : vector<40x256xf32> to vector<256xf32>
    %broadcast_in_dim3A_808 = vector.shape_cast %reduce_max3A_807 : vector<256xf32> to vector<1x256xf32>
    %get3A_809 = arith.index_cast %arg0 : i32 to index
    %get3A_810 = arith.constant 17 : index
    %get3A_811 = memref.load %arg1[%get3A_809, %get3A_810] : memref<8x64xi32, #tpu.memory_space<smem>>
    %get3A_812 = arith.index_cast %arg0 : i32 to index
    %get3A_813 = arith.constant 17 : index
    %get3A_814 = memref.load %arg2[%get3A_812, %get3A_813] : memref<8x64xi32, #tpu.memory_space<smem>>
    %jit3A_815 = arith.constant 8 : i32
    %div3A_816 = arith.divsi %get3A_811, %jit3A_815 : i32
    %sign3A_817 = arith.constant 0 : i32
    %sign3A_818 = arith.cmpi sgt, %get3A_811, %sign3A_817 : i32
    %sign3A_819 = arith.extui %sign3A_818 : i1 to i32
    %sign3A_820 = arith.constant 0 : i32
    %sign3A_821 = arith.cmpi slt, %get3A_811, %sign3A_820 : i32
    %sign3A_822 = arith.extui %sign3A_821 : i1 to i32
    %sign3A_823 = arith.subi %sign3A_819, %sign3A_822 : i32
    %sign3A_824 = arith.constant 0 : i32
    %sign3A_825 = arith.cmpi sgt, %jit3A_815, %sign3A_824 : i32
    %sign3A_826 = arith.extui %sign3A_825 : i1 to i32
    %sign3A_827 = arith.constant 0 : i32
    %sign3A_828 = arith.cmpi slt, %jit3A_815, %sign3A_827 : i32
    %sign3A_829 = arith.extui %sign3A_828 : i1 to i32
    %sign3A_830 = arith.subi %sign3A_826, %sign3A_829 : i32
    %ne3A_831 = arith.cmpi ne, %sign3A_823, %sign3A_830 : i32
    %rem3A_832 = arith.remsi %get3A_811, %jit3A_815 : i32
    %ne3A_833 = arith.constant 0 : i32
    %ne3A_834 = arith.cmpi ne, %rem3A_832, %ne3A_833 : i32
    %and3A_835 = arith.andi %ne3A_831, %ne3A_834 : i1
    %sub3A_836 = arith.constant 1 : i32
    %sub3A_837 = arith.subi %div3A_816, %sub3A_836 : i32
    %select_n3A_838 = arith.select %and3A_835, %sub3A_837, %div3A_816 : i32
    %mul3A_839 = arith.constant 8 : i32
    %mul3A_840 = arith.muli %select_n3A_838, %mul3A_839 : i32
    %sub3A_841 = arith.subi %get3A_811, %mul3A_840 : i32
    %get3A_842 = arith.constant 0 : index
    %get3A_843 = arith.index_cast %mul3A_840 : i32 to index
    %get3A_844 = arith.constant 0 : index
    %get3A_845 = vector.load %arg3[%get3A_842, %get3A_843, %get3A_844] : memref<1x2048x256xf32, #tpu.memory_space<vmem>>, vector<1x40x256xf32>
    %get3A_846 = vector.shape_cast %get3A_845 : vector<1x40x256xf32> to vector<40x256xf32>
    %sub3A_847 = vector.broadcast %sub3A_841 : i32 to vector<40x256xi32>
    %sub3A_848 = arith.subi %iota3A, %sub3A_847 : vector<40x256xi32>
    %lt3A_849 = vector.broadcast %get3A_814 : i32 to vector<40x256xi32>
    %lt3A_850 = arith.cmpi ult, %sub3A_848, %lt3A_849 : vector<40x256xi32>
    %jit3A_851 = arith.constant -3.40282347E+38 : f32
    %broadcast_in_dim3A_852 = vector.broadcast %jit3A_851 : f32 to vector<40x256xf32>
    %select_n3A_853 = arith.select %lt3A_850, %get3A_846, %broadcast_in_dim3A_852 : vector<40x256xi1>, vector<40x256xf32>
    %reduce_max3A_854 = arith.constant dense<0xFF800000> : vector<256xf32>
    %reduce_max3A_855 = vector.multi_reduction <maximumf>, %select_n3A_853, %reduce_max3A_854 [0] : vector<40x256xf32> to vector<256xf32>
    %broadcast_in_dim3A_856 = vector.shape_cast %reduce_max3A_855 : vector<256xf32> to vector<1x256xf32>
    %get3A_857 = arith.index_cast %arg0 : i32 to index
    %get3A_858 = arith.constant 18 : index
    %get3A_859 = memref.load %arg1[%get3A_857, %get3A_858] : memref<8x64xi32, #tpu.memory_space<smem>>
    %get3A_860 = arith.index_cast %arg0 : i32 to index
    %get3A_861 = arith.constant 18 : index
    %get3A_862 = memref.load %arg2[%get3A_860, %get3A_861] : memref<8x64xi32, #tpu.memory_space<smem>>
    %jit3A_863 = arith.constant 8 : i32
    %div3A_864 = arith.divsi %get3A_859, %jit3A_863 : i32
    %sign3A_865 = arith.constant 0 : i32
    %sign3A_866 = arith.cmpi sgt, %get3A_859, %sign3A_865 : i32
    %sign3A_867 = arith.extui %sign3A_866 : i1 to i32
    %sign3A_868 = arith.constant 0 : i32
    %sign3A_869 = arith.cmpi slt, %get3A_859, %sign3A_868 : i32
    %sign3A_870 = arith.extui %sign3A_869 : i1 to i32
    %sign3A_871 = arith.subi %sign3A_867, %sign3A_870 : i32
    %sign3A_872 = arith.constant 0 : i32
    %sign3A_873 = arith.cmpi sgt, %jit3A_863, %sign3A_872 : i32
    %sign3A_874 = arith.extui %sign3A_873 : i1 to i32
    %sign3A_875 = arith.constant 0 : i32
    %sign3A_876 = arith.cmpi slt, %jit3A_863, %sign3A_875 : i32
    %sign3A_877 = arith.extui %sign3A_876 : i1 to i32
    %sign3A_878 = arith.subi %sign3A_874, %sign3A_877 : i32
    %ne3A_879 = arith.cmpi ne, %sign3A_871, %sign3A_878 : i32
    %rem3A_880 = arith.remsi %get3A_859, %jit3A_863 : i32
    %ne3A_881 = arith.constant 0 : i32
    %ne3A_882 = arith.cmpi ne, %rem3A_880, %ne3A_881 : i32
    %and3A_883 = arith.andi %ne3A_879, %ne3A_882 : i1
    %sub3A_884 = arith.constant 1 : i32
    %sub3A_885 = arith.subi %div3A_864, %sub3A_884 : i32
    %select_n3A_886 = arith.select %and3A_883, %sub3A_885, %div3A_864 : i32
    %mul3A_887 = arith.constant 8 : i32
    %mul3A_888 = arith.muli %select_n3A_886, %mul3A_887 : i32
    %sub3A_889 = arith.subi %get3A_859, %mul3A_888 : i32
    %get3A_890 = arith.constant 0 : index
    %get3A_891 = arith.index_cast %mul3A_888 : i32 to index
    %get3A_892 = arith.constant 0 : index
    %get3A_893 = vector.load %arg3[%get3A_890, %get3A_891, %get3A_892] : memref<1x2048x256xf32, #tpu.memory_space<vmem>>, vector<1x40x256xf32>
    %get3A_894 = vector.shape_cast %get3A_893 : vector<1x40x256xf32> to vector<40x256xf32>
    %sub3A_895 = vector.broadcast %sub3A_889 : i32 to vector<40x256xi32>
    %sub3A_896 = arith.subi %iota3A, %sub3A_895 : vector<40x256xi32>
    %lt3A_897 = vector.broadcast %get3A_862 : i32 to vector<40x256xi32>
    %lt3A_898 = arith.cmpi ult, %sub3A_896, %lt3A_897 : vector<40x256xi32>
    %jit3A_899 = arith.constant -3.40282347E+38 : f32
    %broadcast_in_dim3A_900 = vector.broadcast %jit3A_899 : f32 to vector<40x256xf32>
    %select_n3A_901 = arith.select %lt3A_898, %get3A_894, %broadcast_in_dim3A_900 : vector<40x256xi1>, vector<40x256xf32>
    %reduce_max3A_902 = arith.constant dense<0xFF800000> : vector<256xf32>
    %reduce_max3A_903 = vector.multi_reduction <maximumf>, %select_n3A_901, %reduce_max3A_902 [0] : vector<40x256xf32> to vector<256xf32>
    %broadcast_in_dim3A_904 = vector.shape_cast %reduce_max3A_903 : vector<256xf32> to vector<1x256xf32>
    %get3A_905 = arith.index_cast %arg0 : i32 to index
    %get3A_906 = arith.constant 19 : index
    %get3A_907 = memref.load %arg1[%get3A_905, %get3A_906] : memref<8x64xi32, #tpu.memory_space<smem>>
    %get3A_908 = arith.index_cast %arg0 : i32 to index
    %get3A_909 = arith.constant 19 : index
    %get3A_910 = memref.load %arg2[%get3A_908, %get3A_909] : memref<8x64xi32, #tpu.memory_space<smem>>
    %jit3A_911 = arith.constant 8 : i32
    %div3A_912 = arith.divsi %get3A_907, %jit3A_911 : i32
    %sign3A_913 = arith.constant 0 : i32
    %sign3A_914 = arith.cmpi sgt, %get3A_907, %sign3A_913 : i32
    %sign3A_915 = arith.extui %sign3A_914 : i1 to i32
    %sign3A_916 = arith.constant 0 : i32
    %sign3A_917 = arith.cmpi slt, %get3A_907, %sign3A_916 : i32
    %sign3A_918 = arith.extui %sign3A_917 : i1 to i32
    %sign3A_919 = arith.subi %sign3A_915, %sign3A_918 : i32
    %sign3A_920 = arith.constant 0 : i32
    %sign3A_921 = arith.cmpi sgt, %jit3A_911, %sign3A_920 : i32
    %sign3A_922 = arith.extui %sign3A_921 : i1 to i32
    %sign3A_923 = arith.constant 0 : i32
    %sign3A_924 = arith.cmpi slt, %jit3A_911, %sign3A_923 : i32
    %sign3A_925 = arith.extui %sign3A_924 : i1 to i32
    %sign3A_926 = arith.subi %sign3A_922, %sign3A_925 : i32
    %ne3A_927 = arith.cmpi ne, %sign3A_919, %sign3A_926 : i32
    %rem3A_928 = arith.remsi %get3A_907, %jit3A_911 : i32
    %ne3A_929 = arith.constant 0 : i32
    %ne3A_930 = arith.cmpi ne, %rem3A_928, %ne3A_929 : i32
    %and3A_931 = arith.andi %ne3A_927, %ne3A_930 : i1
    %sub3A_932 = arith.constant 1 : i32
    %sub3A_933 = arith.subi %div3A_912, %sub3A_932 : i32
    %select_n3A_934 = arith.select %and3A_931, %sub3A_933, %div3A_912 : i32
    %mul3A_935 = arith.constant 8 : i32
    %mul3A_936 = arith.muli %select_n3A_934, %mul3A_935 : i32
    %sub3A_937 = arith.subi %get3A_907, %mul3A_936 : i32
    %get3A_938 = arith.constant 0 : index
    %get3A_939 = arith.index_cast %mul3A_936 : i32 to index
    %get3A_940 = arith.constant 0 : index
    %get3A_941 = vector.load %arg3[%get3A_938, %get3A_939, %get3A_940] : memref<1x2048x256xf32, #tpu.memory_space<vmem>>, vector<1x40x256xf32>
    %get3A_942 = vector.shape_cast %get3A_941 : vector<1x40x256xf32> to vector<40x256xf32>
    %sub3A_943 = vector.broadcast %sub3A_937 : i32 to vector<40x256xi32>
    %sub3A_944 = arith.subi %iota3A, %sub3A_943 : vector<40x256xi32>
    %lt3A_945 = vector.broadcast %get3A_910 : i32 to vector<40x256xi32>
    %lt3A_946 = arith.cmpi ult, %sub3A_944, %lt3A_945 : vector<40x256xi32>
    %jit3A_947 = arith.constant -3.40282347E+38 : f32
    %broadcast_in_dim3A_948 = vector.broadcast %jit3A_947 : f32 to vector<40x256xf32>
    %select_n3A_949 = arith.select %lt3A_946, %get3A_942, %broadcast_in_dim3A_948 : vector<40x256xi1>, vector<40x256xf32>
    %reduce_max3A_950 = arith.constant dense<0xFF800000> : vector<256xf32>
    %reduce_max3A_951 = vector.multi_reduction <maximumf>, %select_n3A_949, %reduce_max3A_950 [0] : vector<40x256xf32> to vector<256xf32>
    %broadcast_in_dim3A_952 = vector.shape_cast %reduce_max3A_951 : vector<256xf32> to vector<1x256xf32>
    %get3A_953 = arith.index_cast %arg0 : i32 to index
    %get3A_954 = arith.constant 20 : index
    %get3A_955 = memref.load %arg1[%get3A_953, %get3A_954] : memref<8x64xi32, #tpu.memory_space<smem>>
    %get3A_956 = arith.index_cast %arg0 : i32 to index
    %get3A_957 = arith.constant 20 : index
    %get3A_958 = memref.load %arg2[%get3A_956, %get3A_957] : memref<8x64xi32, #tpu.memory_space<smem>>
    %jit3A_959 = arith.constant 8 : i32
    %div3A_960 = arith.divsi %get3A_955, %jit3A_959 : i32
    %sign3A_961 = arith.constant 0 : i32
    %sign3A_962 = arith.cmpi sgt, %get3A_955, %sign3A_961 : i32
    %sign3A_963 = arith.extui %sign3A_962 : i1 to i32
    %sign3A_964 = arith.constant 0 : i32
    %sign3A_965 = arith.cmpi slt, %get3A_955, %sign3A_964 : i32
    %sign3A_966 = arith.extui %sign3A_965 : i1 to i32
    %sign3A_967 = arith.subi %sign3A_963, %sign3A_966 : i32
    %sign3A_968 = arith.constant 0 : i32
    %sign3A_969 = arith.cmpi sgt, %jit3A_959, %sign3A_968 : i32
    %sign3A_970 = arith.extui %sign3A_969 : i1 to i32
    %sign3A_971 = arith.constant 0 : i32
    %sign3A_972 = arith.cmpi slt, %jit3A_959, %sign3A_971 : i32
    %sign3A_973 = arith.extui %sign3A_972 : i1 to i32
    %sign3A_974 = arith.subi %sign3A_970, %sign3A_973 : i32
    %ne3A_975 = arith.cmpi ne, %sign3A_967, %sign3A_974 : i32
    %rem3A_976 = arith.remsi %get3A_955, %jit3A_959 : i32
    %ne3A_977 = arith.constant 0 : i32
    %ne3A_978 = arith.cmpi ne, %rem3A_976, %ne3A_977 : i32
    %and3A_979 = arith.andi %ne3A_975, %ne3A_978 : i1
    %sub3A_980 = arith.constant 1 : i32
    %sub3A_981 = arith.subi %div3A_960, %sub3A_980 : i32
    %select_n3A_982 = arith.select %and3A_979, %sub3A_981, %div3A_960 : i32
    %mul3A_983 = arith.constant 8 : i32
    %mul3A_984 = arith.muli %select_n3A_982, %mul3A_983 : i32
    %sub3A_985 = arith.subi %get3A_955, %mul3A_984 : i32
    %get3A_986 = arith.constant 0 : index
    %get3A_987 = arith.index_cast %mul3A_984 : i32 to index
    %get3A_988 = arith.constant 0 : index
    %get3A_989 = vector.load %arg3[%get3A_986, %get3A_987, %get3A_988] : memref<1x2048x256xf32, #tpu.memory_space<vmem>>, vector<1x40x256xf32>
    %get3A_990 = vector.shape_cast %get3A_989 : vector<1x40x256xf32> to vector<40x256xf32>
    %sub3A_991 = vector.broadcast %sub3A_985 : i32 to vector<40x256xi32>
    %sub3A_992 = arith.subi %iota3A, %sub3A_991 : vector<40x256xi32>
    %lt3A_993 = vector.broadcast %get3A_958 : i32 to vector<40x256xi32>
    %lt3A_994 = arith.cmpi ult, %sub3A_992, %lt3A_993 : vector<40x256xi32>
    %jit3A_995 = arith.constant -3.40282347E+38 : f32
    %broadcast_in_dim3A_996 = vector.broadcast %jit3A_995 : f32 to vector<40x256xf32>
    %select_n3A_997 = arith.select %lt3A_994, %get3A_990, %broadcast_in_dim3A_996 : vector<40x256xi1>, vector<40x256xf32>
    %reduce_max3A_998 = arith.constant dense<0xFF800000> : vector<256xf32>
    %reduce_max3A_999 = vector.multi_reduction <maximumf>, %select_n3A_997, %reduce_max3A_998 [0] : vector<40x256xf32> to vector<256xf32>
    %broadcast_in_dim3A_1000 = vector.shape_cast %reduce_max3A_999 : vector<256xf32> to vector<1x256xf32>
    %get3A_1001 = arith.index_cast %arg0 : i32 to index
    %get3A_1002 = arith.constant 21 : index
    %get3A_1003 = memref.load %arg1[%get3A_1001, %get3A_1002] : memref<8x64xi32, #tpu.memory_space<smem>>
    %get3A_1004 = arith.index_cast %arg0 : i32 to index
    %get3A_1005 = arith.constant 21 : index
    %get3A_1006 = memref.load %arg2[%get3A_1004, %get3A_1005] : memref<8x64xi32, #tpu.memory_space<smem>>
    %jit3A_1007 = arith.constant 8 : i32
    %div3A_1008 = arith.divsi %get3A_1003, %jit3A_1007 : i32
    %sign3A_1009 = arith.constant 0 : i32
    %sign3A_1010 = arith.cmpi sgt, %get3A_1003, %sign3A_1009 : i32
    %sign3A_1011 = arith.extui %sign3A_1010 : i1 to i32
    %sign3A_1012 = arith.constant 0 : i32
    %sign3A_1013 = arith.cmpi slt, %get3A_1003, %sign3A_1012 : i32
    %sign3A_1014 = arith.extui %sign3A_1013 : i1 to i32
    %sign3A_1015 = arith.subi %sign3A_1011, %sign3A_1014 : i32
    %sign3A_1016 = arith.constant 0 : i32
    %sign3A_1017 = arith.cmpi sgt, %jit3A_1007, %sign3A_1016 : i32
    %sign3A_1018 = arith.extui %sign3A_1017 : i1 to i32
    %sign3A_1019 = arith.constant 0 : i32
    %sign3A_1020 = arith.cmpi slt, %jit3A_1007, %sign3A_1019 : i32
    %sign3A_1021 = arith.extui %sign3A_1020 : i1 to i32
    %sign3A_1022 = arith.subi %sign3A_1018, %sign3A_1021 : i32
    %ne3A_1023 = arith.cmpi ne, %sign3A_1015, %sign3A_1022 : i32
    %rem3A_1024 = arith.remsi %get3A_1003, %jit3A_1007 : i32
    %ne3A_1025 = arith.constant 0 : i32
    %ne3A_1026 = arith.cmpi ne, %rem3A_1024, %ne3A_1025 : i32
    %and3A_1027 = arith.andi %ne3A_1023, %ne3A_1026 : i1
    %sub3A_1028 = arith.constant 1 : i32
    %sub3A_1029 = arith.subi %div3A_1008, %sub3A_1028 : i32
    %select_n3A_1030 = arith.select %and3A_1027, %sub3A_1029, %div3A_1008 : i32
    %mul3A_1031 = arith.constant 8 : i32
    %mul3A_1032 = arith.muli %select_n3A_1030, %mul3A_1031 : i32
    %sub3A_1033 = arith.subi %get3A_1003, %mul3A_1032 : i32
    %get3A_1034 = arith.constant 0 : index
    %get3A_1035 = arith.index_cast %mul3A_1032 : i32 to index
    %get3A_1036 = arith.constant 0 : index
    %get3A_1037 = vector.load %arg3[%get3A_1034, %get3A_1035, %get3A_1036] : memref<1x2048x256xf32, #tpu.memory_space<vmem>>, vector<1x40x256xf32>
    %get3A_1038 = vector.shape_cast %get3A_1037 : vector<1x40x256xf32> to vector<40x256xf32>
    %sub3A_1039 = vector.broadcast %sub3A_1033 : i32 to vector<40x256xi32>
    %sub3A_1040 = arith.subi %iota3A, %sub3A_1039 : vector<40x256xi32>
    %lt3A_1041 = vector.broadcast %get3A_1006 : i32 to vector<40x256xi32>
    %lt3A_1042 = arith.cmpi ult, %sub3A_1040, %lt3A_1041 : vector<40x256xi32>
    %jit3A_1043 = arith.constant -3.40282347E+38 : f32
    %broadcast_in_dim3A_1044 = vector.broadcast %jit3A_1043 : f32 to vector<40x256xf32>
    %select_n3A_1045 = arith.select %lt3A_1042, %get3A_1038, %broadcast_in_dim3A_1044 : vector<40x256xi1>, vector<40x256xf32>
    %reduce_max3A_1046 = arith.constant dense<0xFF800000> : vector<256xf32>
    %reduce_max3A_1047 = vector.multi_reduction <maximumf>, %select_n3A_1045, %reduce_max3A_1046 [0] : vector<40x256xf32> to vector<256xf32>
    %broadcast_in_dim3A_1048 = vector.shape_cast %reduce_max3A_1047 : vector<256xf32> to vector<1x256xf32>
    %get3A_1049 = arith.index_cast %arg0 : i32 to index
    %get3A_1050 = arith.constant 22 : index
    %get3A_1051 = memref.load %arg1[%get3A_1049, %get3A_1050] : memref<8x64xi32, #tpu.memory_space<smem>>
    %get3A_1052 = arith.index_cast %arg0 : i32 to index
    %get3A_1053 = arith.constant 22 : index
    %get3A_1054 = memref.load %arg2[%get3A_1052, %get3A_1053] : memref<8x64xi32, #tpu.memory_space<smem>>
    %jit3A_1055 = arith.constant 8 : i32
    %div3A_1056 = arith.divsi %get3A_1051, %jit3A_1055 : i32
    %sign3A_1057 = arith.constant 0 : i32
    %sign3A_1058 = arith.cmpi sgt, %get3A_1051, %sign3A_1057 : i32
    %sign3A_1059 = arith.extui %sign3A_1058 : i1 to i32
    %sign3A_1060 = arith.constant 0 : i32
    %sign3A_1061 = arith.cmpi slt, %get3A_1051, %sign3A_1060 : i32
    %sign3A_1062 = arith.extui %sign3A_1061 : i1 to i32
    %sign3A_1063 = arith.subi %sign3A_1059, %sign3A_1062 : i32
    %sign3A_1064 = arith.constant 0 : i32
    %sign3A_1065 = arith.cmpi sgt, %jit3A_1055, %sign3A_1064 : i32
    %sign3A_1066 = arith.extui %sign3A_1065 : i1 to i32
    %sign3A_1067 = arith.constant 0 : i32
    %sign3A_1068 = arith.cmpi slt, %jit3A_1055, %sign3A_1067 : i32
    %sign3A_1069 = arith.extui %sign3A_1068 : i1 to i32
    %sign3A_1070 = arith.subi %sign3A_1066, %sign3A_1069 : i32
    %ne3A_1071 = arith.cmpi ne, %sign3A_1063, %sign3A_1070 : i32
    %rem3A_1072 = arith.remsi %get3A_1051, %jit3A_1055 : i32
    %ne3A_1073 = arith.constant 0 : i32
    %ne3A_1074 = arith.cmpi ne, %rem3A_1072, %ne3A_1073 : i32
    %and3A_1075 = arith.andi %ne3A_1071, %ne3A_1074 : i1
    %sub3A_1076 = arith.constant 1 : i32
    %sub3A_1077 = arith.subi %div3A_1056, %sub3A_1076 : i32
    %select_n3A_1078 = arith.select %and3A_1075, %sub3A_1077, %div3A_1056 : i32
    %mul3A_1079 = arith.constant 8 : i32
    %mul3A_1080 = arith.muli %select_n3A_1078, %mul3A_1079 : i32
    %sub3A_1081 = arith.subi %get3A_1051, %mul3A_1080 : i32
    %get3A_1082 = arith.constant 0 : index
    %get3A_1083 = arith.index_cast %mul3A_1080 : i32 to index
    %get3A_1084 = arith.constant 0 : index
    %get3A_1085 = vector.load %arg3[%get3A_1082, %get3A_1083, %get3A_1084] : memref<1x2048x256xf32, #tpu.memory_space<vmem>>, vector<1x40x256xf32>
    %get3A_1086 = vector.shape_cast %get3A_1085 : vector<1x40x256xf32> to vector<40x256xf32>
    %sub3A_1087 = vector.broadcast %sub3A_1081 : i32 to vector<40x256xi32>
    %sub3A_1088 = arith.subi %iota3A, %sub3A_1087 : vector<40x256xi32>
    %lt3A_1089 = vector.broadcast %get3A_1054 : i32 to vector<40x256xi32>
    %lt3A_1090 = arith.cmpi ult, %sub3A_1088, %lt3A_1089 : vector<40x256xi32>
    %jit3A_1091 = arith.constant -3.40282347E+38 : f32
    %broadcast_in_dim3A_1092 = vector.broadcast %jit3A_1091 : f32 to vector<40x256xf32>
    %select_n3A_1093 = arith.select %lt3A_1090, %get3A_1086, %broadcast_in_dim3A_1092 : vector<40x256xi1>, vector<40x256xf32>
    %reduce_max3A_1094 = arith.constant dense<0xFF800000> : vector<256xf32>
    %reduce_max3A_1095 = vector.multi_reduction <maximumf>, %select_n3A_1093, %reduce_max3A_1094 [0] : vector<40x256xf32> to vector<256xf32>
    %broadcast_in_dim3A_1096 = vector.shape_cast %reduce_max3A_1095 : vector<256xf32> to vector<1x256xf32>
    %get3A_1097 = arith.index_cast %arg0 : i32 to index
    %get3A_1098 = arith.constant 23 : index
    %get3A_1099 = memref.load %arg1[%get3A_1097, %get3A_1098] : memref<8x64xi32, #tpu.memory_space<smem>>
    %get3A_1100 = arith.index_cast %arg0 : i32 to index
    %get3A_1101 = arith.constant 23 : index
    %get3A_1102 = memref.load %arg2[%get3A_1100, %get3A_1101] : memref<8x64xi32, #tpu.memory_space<smem>>
    %jit3A_1103 = arith.constant 8 : i32
    %div3A_1104 = arith.divsi %get3A_1099, %jit3A_1103 : i32
    %sign3A_1105 = arith.constant 0 : i32
    %sign3A_1106 = arith.cmpi sgt, %get3A_1099, %sign3A_1105 : i32
    %sign3A_1107 = arith.extui %sign3A_1106 : i1 to i32
    %sign3A_1108 = arith.constant 0 : i32
    %sign3A_1109 = arith.cmpi slt, %get3A_1099, %sign3A_1108 : i32
    %sign3A_1110 = arith.extui %sign3A_1109 : i1 to i32
    %sign3A_1111 = arith.subi %sign3A_1107, %sign3A_1110 : i32
    %sign3A_1112 = arith.constant 0 : i32
    %sign3A_1113 = arith.cmpi sgt, %jit3A_1103, %sign3A_1112 : i32
    %sign3A_1114 = arith.extui %sign3A_1113 : i1 to i32
    %sign3A_1115 = arith.constant 0 : i32
    %sign3A_1116 = arith.cmpi slt, %jit3A_1103, %sign3A_1115 : i32
    %sign3A_1117 = arith.extui %sign3A_1116 : i1 to i32
    %sign3A_1118 = arith.subi %sign3A_1114, %sign3A_1117 : i32
    %ne3A_1119 = arith.cmpi ne, %sign3A_1111, %sign3A_1118 : i32
    %rem3A_1120 = arith.remsi %get3A_1099, %jit3A_1103 : i32
    %ne3A_1121 = arith.constant 0 : i32
    %ne3A_1122 = arith.cmpi ne, %rem3A_1120, %ne3A_1121 : i32
    %and3A_1123 = arith.andi %ne3A_1119, %ne3A_1122 : i1
    %sub3A_1124 = arith.constant 1 : i32
    %sub3A_1125 = arith.subi %div3A_1104, %sub3A_1124 : i32
    %select_n3A_1126 = arith.select %and3A_1123, %sub3A_1125, %div3A_1104 : i32
    %mul3A_1127 = arith.constant 8 : i32
    %mul3A_1128 = arith.muli %select_n3A_1126, %mul3A_1127 : i32
    %sub3A_1129 = arith.subi %get3A_1099, %mul3A_1128 : i32
    %get3A_1130 = arith.constant 0 : index
    %get3A_1131 = arith.index_cast %mul3A_1128 : i32 to index
    %get3A_1132 = arith.constant 0 : index
    %get3A_1133 = vector.load %arg3[%get3A_1130, %get3A_1131, %get3A_1132] : memref<1x2048x256xf32, #tpu.memory_space<vmem>>, vector<1x40x256xf32>
    %get3A_1134 = vector.shape_cast %get3A_1133 : vector<1x40x256xf32> to vector<40x256xf32>
    %sub3A_1135 = vector.broadcast %sub3A_1129 : i32 to vector<40x256xi32>
    %sub3A_1136 = arith.subi %iota3A, %sub3A_1135 : vector<40x256xi32>
    %lt3A_1137 = vector.broadcast %get3A_1102 : i32 to vector<40x256xi32>
    %lt3A_1138 = arith.cmpi ult, %sub3A_1136, %lt3A_1137 : vector<40x256xi32>
    %jit3A_1139 = arith.constant -3.40282347E+38 : f32
    %broadcast_in_dim3A_1140 = vector.broadcast %jit3A_1139 : f32 to vector<40x256xf32>
    %select_n3A_1141 = arith.select %lt3A_1138, %get3A_1134, %broadcast_in_dim3A_1140 : vector<40x256xi1>, vector<40x256xf32>
    %reduce_max3A_1142 = arith.constant dense<0xFF800000> : vector<256xf32>
    %reduce_max3A_1143 = vector.multi_reduction <maximumf>, %select_n3A_1141, %reduce_max3A_1142 [0] : vector<40x256xf32> to vector<256xf32>
    %broadcast_in_dim3A_1144 = vector.shape_cast %reduce_max3A_1143 : vector<256xf32> to vector<1x256xf32>
    %concatenate3A_1145 = tpu.concatenate %broadcast_in_dim3A_808, %broadcast_in_dim3A_856, %broadcast_in_dim3A_904, %broadcast_in_dim3A_952, %broadcast_in_dim3A_1000, %broadcast_in_dim3A_1048, %broadcast_in_dim3A_1096, %broadcast_in_dim3A_1144 in 0 : vector<1x256xf32>, vector<1x256xf32>, vector<1x256xf32>, vector<1x256xf32>, vector<1x256xf32>, vector<1x256xf32>, vector<1x256xf32>, vector<1x256xf32> -> vector<8x256xf32>
    %swap3A_1146 = arith.constant 16 : index
    %swap3A_1147 = arith.constant 0 : index
    %swap3A_1148 = vector.load %arg9[%swap3A_1146, %swap3A_1147] : memref<64x256xf32, #tpu.memory_space<vmem>>, vector<8x256xf32>
    tpu.vector_store %arg9[%swap3A_1146, %swap3A_1147], %concatenate3A_1145 {strides = array<i32>} : memref<64x256xf32, #tpu.memory_space<vmem>>, vector<8x256xf32>,
    %get3A_1149 = arith.index_cast %arg0 : i32 to index
    %get3A_1150 = arith.constant 24 : index
    %get3A_1151 = memref.load %arg1[%get3A_1149, %get3A_1150] : memref<8x64xi32, #tpu.memory_space<smem>>
    %get3A_1152 = arith.index_cast %arg0 : i32 to index
    %get3A_1153 = arith.constant 24 : index
    %get3A_1154 = memref.load %arg2[%get3A_1152, %get3A_1153] : memref<8x64xi32, #tpu.memory_space<smem>>
    %jit3A_1155 = arith.constant 8 : i32
    %div3A_1156 = arith.divsi %get3A_1151, %jit3A_1155 : i32
    %sign3A_1157 = arith.constant 0 : i32
    %sign3A_1158 = arith.cmpi sgt, %get3A_1151, %sign3A_1157 : i32
    %sign3A_1159 = arith.extui %sign3A_1158 : i1 to i32
    %sign3A_1160 = arith.constant 0 : i32
    %sign3A_1161 = arith.cmpi slt, %get3A_1151, %sign3A_1160 : i32
    %sign3A_1162 = arith.extui %sign3A_1161 : i1 to i32
    %sign3A_1163 = arith.subi %sign3A_1159, %sign3A_1162 : i32
    %sign3A_1164 = arith.constant 0 : i32
    %sign3A_1165 = arith.cmpi sgt, %jit3A_1155, %sign3A_1164 : i32
    %sign3A_1166 = arith.extui %sign3A_1165 : i1 to i32
    %sign3A_1167 = arith.constant 0 : i32
    %sign3A_1168 = arith.cmpi slt, %jit3A_1155, %sign3A_1167 : i32
    %sign3A_1169 = arith.extui %sign3A_1168 : i1 to i32
    %sign3A_1170 = arith.subi %sign3A_1166, %sign3A_1169 : i32
    %ne3A_1171 = arith.cmpi ne, %sign3A_1163, %sign3A_1170 : i32
    %rem3A_1172 = arith.remsi %get3A_1151, %jit3A_1155 : i32
    %ne3A_1173 = arith.constant 0 : i32
    %ne3A_1174 = arith.cmpi ne, %rem3A_1172, %ne3A_1173 : i32
    %and3A_1175 = arith.andi %ne3A_1171, %ne3A_1174 : i1
    %sub3A_1176 = arith.constant 1 : i32
    %sub3A_1177 = arith.subi %div3A_1156, %sub3A_1176 : i32
    %select_n3A_1178 = arith.select %and3A_1175, %sub3A_1177, %div3A_1156 : i32
    %mul3A_1179 = arith.constant 8 : i32
    %mul3A_1180 = arith.muli %select_n3A_1178, %mul3A_1179 : i32
    %sub3A_1181 = arith.subi %get3A_1151, %mul3A_1180 : i32
    %get3A_1182 = arith.constant 0 : index
    %get3A_1183 = arith.index_cast %mul3A_1180 : i32 to index
    %get3A_1184 = arith.constant 0 : index
    %get3A_1185 = vector.load %arg3[%get3A_1182, %get3A_1183, %get3A_1184] : memref<1x2048x256xf32, #tpu.memory_space<vmem>>, vector<1x40x256xf32>
    %get3A_1186 = vector.shape_cast %get3A_1185 : vector<1x40x256xf32> to vector<40x256xf32>
    %sub3A_1187 = vector.broadcast %sub3A_1181 : i32 to vector<40x256xi32>
    %sub3A_1188 = arith.subi %iota3A, %sub3A_1187 : vector<40x256xi32>
    %lt3A_1189 = vector.broadcast %get3A_1154 : i32 to vector<40x256xi32>
    %lt3A_1190 = arith.cmpi ult, %sub3A_1188, %lt3A_1189 : vector<40x256xi32>
    %jit3A_1191 = arith.constant -3.40282347E+38 : f32
    %broadcast_in_dim3A_1192 = vector.broadcast %jit3A_1191 : f32 to vector<40x256xf32>
    %select_n3A_1193 = arith.select %lt3A_1190, %get3A_1186, %broadcast_in_dim3A_1192 : vector<40x256xi1>, vector<40x256xf32>
    %reduce_max3A_1194 = arith.constant dense<0xFF800000> : vector<256xf32>
    %reduce_max3A_1195 = vector.multi_reduction <maximumf>, %select_n3A_1193, %reduce_max3A_1194 [0] : vector<40x256xf32> to vector<256xf32>
    %broadcast_in_dim3A_1196 = vector.shape_cast %reduce_max3A_1195 : vector<256xf32> to vector<1x256xf32>
    %get3A_1197 = arith.index_cast %arg0 : i32 to index
    %get3A_1198 = arith.constant 25 : index
    %get3A_1199 = memref.load %arg1[%get3A_1197, %get3A_1198] : memref<8x64xi32, #tpu.memory_space<smem>>
    %get3A_1200 = arith.index_cast %arg0 : i32 to index
    %get3A_1201 = arith.constant 25 : index
    %get3A_1202 = memref.load %arg2[%get3A_1200, %get3A_1201] : memref<8x64xi32, #tpu.memory_space<smem>>
    %jit3A_1203 = arith.constant 8 : i32
    %div3A_1204 = arith.divsi %get3A_1199, %jit3A_1203 : i32
    %sign3A_1205 = arith.constant 0 : i32
    %sign3A_1206 = arith.cmpi sgt, %get3A_1199, %sign3A_1205 : i32
    %sign3A_1207 = arith.extui %sign3A_1206 : i1 to i32
    %sign3A_1208 = arith.constant 0 : i32
    %sign3A_1209 = arith.cmpi slt, %get3A_1199, %sign3A_1208 : i32
    %sign3A_1210 = arith.extui %sign3A_1209 : i1 to i32
    %sign3A_1211 = arith.subi %sign3A_1207, %sign3A_1210 : i32
    %sign3A_1212 = arith.constant 0 : i32
    %sign3A_1213 = arith.cmpi sgt, %jit3A_1203, %sign3A_1212 : i32
    %sign3A_1214 = arith.extui %sign3A_1213 : i1 to i32
    %sign3A_1215 = arith.constant 0 : i32
    %sign3A_1216 = arith.cmpi slt, %jit3A_1203, %sign3A_1215 : i32
    %sign3A_1217 = arith.extui %sign3A_1216 : i1 to i32
    %sign3A_1218 = arith.subi %sign3A_1214, %sign3A_1217 : i32
    %ne3A_1219 = arith.cmpi ne, %sign3A_1211, %sign3A_1218 : i32
    %rem3A_1220 = arith.remsi %get3A_1199, %jit3A_1203 : i32
    %ne3A_1221 = arith.constant 0 : i32
    %ne3A_1222 = arith.cmpi ne, %rem3A_1220, %ne3A_1221 : i32
    %and3A_1223 = arith.andi %ne3A_1219, %ne3A_1222 : i1
    %sub3A_1224 = arith.constant 1 : i32
    %sub3A_1225 = arith.subi %div3A_1204, %sub3A_1224 : i32
    %select_n3A_1226 = arith.select %and3A_1223, %sub3A_1225, %div3A_1204 : i32
    %mul3A_1227 = arith.constant 8 : i32
    %mul3A_1228 = arith.muli %select_n3A_1226, %mul3A_1227 : i32
    %sub3A_1229 = arith.subi %get3A_1199, %mul3A_1228 : i32
    %get3A_1230 = arith.constant 0 : index
    %get3A_1231 = arith.index_cast %mul3A_1228 : i32 to index
    %get3A_1232 = arith.constant 0 : index
    %get3A_1233 = vector.load %arg3[%get3A_1230, %get3A_1231, %get3A_1232] : memref<1x2048x256xf32, #tpu.memory_space<vmem>>, vector<1x40x256xf32>
    %get3A_1234 = vector.shape_cast %get3A_1233 : vector<1x40x256xf32> to vector<40x256xf32>
    %sub3A_1235 = vector.broadcast %sub3A_1229 : i32 to vector<40x256xi32>
    %sub3A_1236 = arith.subi %iota3A, %sub3A_1235 : vector<40x256xi32>
    %lt3A_1237 = vector.broadcast %get3A_1202 : i32 to vector<40x256xi32>
    %lt3A_1238 = arith.cmpi ult, %sub3A_1236, %lt3A_1237 : vector<40x256xi32>
    %jit3A_1239 = arith.constant -3.40282347E+38 : f32
    %broadcast_in_dim3A_1240 = vector.broadcast %jit3A_1239 : f32 to vector<40x256xf32>
    %select_n3A_1241 = arith.select %lt3A_1238, %get3A_1234, %broadcast_in_dim3A_1240 : vector<40x256xi1>, vector<40x256xf32>
    %reduce_max3A_1242 = arith.constant dense<0xFF800000> : vector<256xf32>
    %reduce_max3A_1243 = vector.multi_reduction <maximumf>, %select_n3A_1241, %reduce_max3A_1242 [0] : vector<40x256xf32> to vector<256xf32>
    %broadcast_in_dim3A_1244 = vector.shape_cast %reduce_max3A_1243 : vector<256xf32> to vector<1x256xf32>
    %get3A_1245 = arith.index_cast %arg0 : i32 to index
    %get3A_1246 = arith.constant 26 : index
    %get3A_1247 = memref.load %arg1[%get3A_1245, %get3A_1246] : memref<8x64xi32, #tpu.memory_space<smem>>
    %get3A_1248 = arith.index_cast %arg0 : i32 to index
    %get3A_1249 = arith.constant 26 : index
    %get3A_1250 = memref.load %arg2[%get3A_1248, %get3A_1249] : memref<8x64xi32, #tpu.memory_space<smem>>
    %jit3A_1251 = arith.constant 8 : i32
    %div3A_1252 = arith.divsi %get3A_1247, %jit3A_1251 : i32
    %sign3A_1253 = arith.constant 0 : i32
    %sign3A_1254 = arith.cmpi sgt, %get3A_1247, %sign3A_1253 : i32
    %sign3A_1255 = arith.extui %sign3A_1254 : i1 to i32
    %sign3A_1256 = arith.constant 0 : i32
    %sign3A_1257 = arith.cmpi slt, %get3A_1247, %sign3A_1256 : i32
    %sign3A_1258 = arith.extui %sign3A_1257 : i1 to i32
    %sign3A_1259 = arith.subi %sign3A_1255, %sign3A_1258 : i32
    %sign3A_1260 = arith.constant 0 : i32
    %sign3A_1261 = arith.cmpi sgt, %jit3A_1251, %sign3A_1260 : i32
    %sign3A_1262 = arith.extui %sign3A_1261 : i1 to i32
    %sign3A_1263 = arith.constant 0 : i32
    %sign3A_1264 = arith.cmpi slt, %jit3A_1251, %sign3A_1263 : i32
    %sign3A_1265 = arith.extui %sign3A_1264 : i1 to i32
    %sign3A_1266 = arith.subi %sign3A_1262, %sign3A_1265 : i32
    %ne3A_1267 = arith.cmpi ne, %sign3A_1259, %sign3A_1266 : i32
    %rem3A_1268 = arith.remsi %get3A_1247, %jit3A_1251 : i32
    %ne3A_1269 = arith.constant 0 : i32
    %ne3A_1270 = arith.cmpi ne, %rem3A_1268, %ne3A_1269 : i32
    %and3A_1271 = arith.andi %ne3A_1267, %ne3A_1270 : i1
    %sub3A_1272 = arith.constant 1 : i32
    %sub3A_1273 = arith.subi %div3A_1252, %sub3A_1272 : i32
    %select_n3A_1274 = arith.select %and3A_1271, %sub3A_1273, %div3A_1252 : i32
    %mul3A_1275 = arith.constant 8 : i32
    %mul3A_1276 = arith.muli %select_n3A_1274, %mul3A_1275 : i32
    %sub3A_1277 = arith.subi %get3A_1247, %mul3A_1276 : i32
    %get3A_1278 = arith.constant 0 : index
    %get3A_1279 = arith.index_cast %mul3A_1276 : i32 to index
    %get3A_1280 = arith.constant 0 : index
    %get3A_1281 = vector.load %arg3[%get3A_1278, %get3A_1279, %get3A_1280] : memref<1x2048x256xf32, #tpu.memory_space<vmem>>, vector<1x40x256xf32>
    %get3A_1282 = vector.shape_cast %get3A_1281 : vector<1x40x256xf32> to vector<40x256xf32>
    %sub3A_1283 = vector.broadcast %sub3A_1277 : i32 to vector<40x256xi32>
    %sub3A_1284 = arith.subi %iota3A, %sub3A_1283 : vector<40x256xi32>
    %lt3A_1285 = vector.broadcast %get3A_1250 : i32 to vector<40x256xi32>
    %lt3A_1286 = arith.cmpi ult, %sub3A_1284, %lt3A_1285 : vector<40x256xi32>
    %jit3A_1287 = arith.constant -3.40282347E+38 : f32
    %broadcast_in_dim3A_1288 = vector.broadcast %jit3A_1287 : f32 to vector<40x256xf32>
    %select_n3A_1289 = arith.select %lt3A_1286, %get3A_1282, %broadcast_in_dim3A_1288 : vector<40x256xi1>, vector<40x256xf32>
    %reduce_max3A_1290 = arith.constant dense<0xFF800000> : vector<256xf32>
    %reduce_max3A_1291 = vector.multi_reduction <maximumf>, %select_n3A_1289, %reduce_max3A_1290 [0] : vector<40x256xf32> to vector<256xf32>
    %broadcast_in_dim3A_1292 = vector.shape_cast %reduce_max3A_1291 : vector<256xf32> to vector<1x256xf32>
    %get3A_1293 = arith.index_cast %arg0 : i32 to index
    %get3A_1294 = arith.constant 27 : index
    %get3A_1295 = memref.load %arg1[%get3A_1293, %get3A_1294] : memref<8x64xi32, #tpu.memory_space<smem>>
    %get3A_1296 = arith.index_cast %arg0 : i32 to index
    %get3A_1297 = arith.constant 27 : index
    %get3A_1298 = memref.load %arg2[%get3A_1296, %get3A_1297] : memref<8x64xi32, #tpu.memory_space<smem>>
    %jit3A_1299 = arith.constant 8 : i32
    %div3A_1300 = arith.divsi %get3A_1295, %jit3A_1299 : i32
    %sign3A_1301 = arith.constant 0 : i32
    %sign3A_1302 = arith.cmpi sgt, %get3A_1295, %sign3A_1301 : i32
    %sign3A_1303 = arith.extui %sign3A_1302 : i1 to i32
    %sign3A_1304 = arith.constant 0 : i32
    %sign3A_1305 = arith.cmpi slt, %get3A_1295, %sign3A_1304 : i32
    %sign3A_1306 = arith.extui %sign3A_1305 : i1 to i32
    %sign3A_1307 = arith.subi %sign3A_1303, %sign3A_1306 : i32
    %sign3A_1308 = arith.constant 0 : i32
    %sign3A_1309 = arith.cmpi sgt, %jit3A_1299, %sign3A_1308 : i32
    %sign3A_1310 = arith.extui %sign3A_1309 : i1 to i32
    %sign3A_1311 = arith.constant 0 : i32
    %sign3A_1312 = arith.cmpi slt, %jit3A_1299, %sign3A_1311 : i32
    %sign3A_1313 = arith.extui %sign3A_1312 : i1 to i32
    %sign3A_1314 = arith.subi %sign3A_1310, %sign3A_1313 : i32
    %ne3A_1315 = arith.cmpi ne, %sign3A_1307, %sign3A_1314 : i32
    %rem3A_1316 = arith.remsi %get3A_1295, %jit3A_1299 : i32
    %ne3A_1317 = arith.constant 0 : i32
    %ne3A_1318 = arith.cmpi ne, %rem3A_1316, %ne3A_1317 : i32
    %and3A_1319 = arith.andi %ne3A_1315, %ne3A_1318 : i1
    %sub3A_1320 = arith.constant 1 : i32
    %sub3A_1321 = arith.subi %div3A_1300, %sub3A_1320 : i32
    %select_n3A_1322 = arith.select %and3A_1319, %sub3A_1321, %div3A_1300 : i32
    %mul3A_1323 = arith.constant 8 : i32
    %mul3A_1324 = arith.muli %select_n3A_1322, %mul3A_1323 : i32
    %sub3A_1325 = arith.subi %get3A_1295, %mul3A_1324 : i32
    %get3A_1326 = arith.constant 0 : index
    %get3A_1327 = arith.index_cast %mul3A_1324 : i32 to index
    %get3A_1328 = arith.constant 0 : index
    %get3A_1329 = vector.load %arg3[%get3A_1326, %get3A_1327, %get3A_1328] : memref<1x2048x256xf32, #tpu.memory_space<vmem>>, vector<1x40x256xf32>
    %get3A_1330 = vector.shape_cast %get3A_1329 : vector<1x40x256xf32> to vector<40x256xf32>
    %sub3A_1331 = vector.broadcast %sub3A_1325 : i32 to vector<40x256xi32>
    %sub3A_1332 = arith.subi %iota3A, %sub3A_1331 : vector<40x256xi32>
    %lt3A_1333 = vector.broadcast %get3A_1298 : i32 to vector<40x256xi32>
    %lt3A_1334 = arith.cmpi ult, %sub3A_1332, %lt3A_1333 : vector<40x256xi32>
    %jit3A_1335 = arith.constant -3.40282347E+38 : f32
    %broadcast_in_dim3A_1336 = vector.broadcast %jit3A_1335 : f32 to vector<40x256xf32>
    %select_n3A_1337 = arith.select %lt3A_1334, %get3A_1330, %broadcast_in_dim3A_1336 : vector<40x256xi1>, vector<40x256xf32>
    %reduce_max3A_1338 = arith.constant dense<0xFF800000> : vector<256xf32>
    %reduce_max3A_1339 = vector.multi_reduction <maximumf>, %select_n3A_1337, %reduce_max3A_1338 [0] : vector<40x256xf32> to vector<256xf32>
    %broadcast_in_dim3A_1340 = vector.shape_cast %reduce_max3A_1339 : vector<256xf32> to vector<1x256xf32>
    %get3A_1341 = arith.index_cast %arg0 : i32 to index
    %get3A_1342 = arith.constant 28 : index
    %get3A_1343 = memref.load %arg1[%get3A_1341, %get3A_1342] : memref<8x64xi32, #tpu.memory_space<smem>>
    %get3A_1344 = arith.index_cast %arg0 : i32 to index
    %get3A_1345 = arith.constant 28 : index
    %get3A_1346 = memref.load %arg2[%get3A_1344, %get3A_1345] : memref<8x64xi32, #tpu.memory_space<smem>>
    %jit3A_1347 = arith.constant 8 : i32
    %div3A_1348 = arith.divsi %get3A_1343, %jit3A_1347 : i32
    %sign3A_1349 = arith.constant 0 : i32
    %sign3A_1350 = arith.cmpi sgt, %get3A_1343, %sign3A_1349 : i32
    %sign3A_1351 = arith.extui %sign3A_1350 : i1 to i32
    %sign3A_1352 = arith.constant 0 : i32
    %sign3A_1353 = arith.cmpi slt, %get3A_1343, %sign3A_1352 : i32
    %sign3A_1354 = arith.extui %sign3A_1353 : i1 to i32
    %sign3A_1355 = arith.subi %sign3A_1351, %sign3A_1354 : i32
    %sign3A_1356 = arith.constant 0 : i32
    %sign3A_1357 = arith.cmpi sgt, %jit3A_1347, %sign3A_1356 : i32
    %sign3A_1358 = arith.extui %sign3A_1357 : i1 to i32
    %sign3A_1359 = arith.constant 0 : i32
    %sign3A_1360 = arith.cmpi slt, %jit3A_1347, %sign3A_1359 : i32
    %sign3A_1361 = arith.extui %sign3A_1360 : i1 to i32
    %sign3A_1362 = arith.subi %sign3A_1358, %sign3A_1361 : i32
    %ne3A_1363 = arith.cmpi ne, %sign3A_1355, %sign3A_1362 : i32
    %rem3A_1364 = arith.remsi %get3A_1343, %jit3A_1347 : i32
    %ne3A_1365 = arith.constant 0 : i32
    %ne3A_1366 = arith.cmpi ne, %rem3A_1364, %ne3A_1365 : i32
    %and3A_1367 = arith.andi %ne3A_1363, %ne3A_1366 : i1
    %sub3A_1368 = arith.constant 1 : i32
    %sub3A_1369 = arith.subi %div3A_1348, %sub3A_1368 : i32
    %select_n3A_1370 = arith.select %and3A_1367, %sub3A_1369, %div3A_1348 : i32
    %mul3A_1371 = arith.constant 8 : i32
    %mul3A_1372 = arith.muli %select_n3A_1370, %mul3A_1371 : i32
    %sub3A_1373 = arith.subi %get3A_1343, %mul3A_1372 : i32
    %get3A_1374 = arith.constant 0 : index
    %get3A_1375 = arith.index_cast %mul3A_1372 : i32 to index
    %get3A_1376 = arith.constant 0 : index
    %get3A_1377 = vector.load %arg3[%get3A_1374, %get3A_1375, %get3A_1376] : memref<1x2048x256xf32, #tpu.memory_space<vmem>>, vector<1x40x256xf32>
    %get3A_1378 = vector.shape_cast %get3A_1377 : vector<1x40x256xf32> to vector<40x256xf32>
    %sub3A_1379 = vector.broadcast %sub3A_1373 : i32 to vector<40x256xi32>
    %sub3A_1380 = arith.subi %iota3A, %sub3A_1379 : vector<40x256xi32>
    %lt3A_1381 = vector.broadcast %get3A_1346 : i32 to vector<40x256xi32>
    %lt3A_1382 = arith.cmpi ult, %sub3A_1380, %lt3A_1381 : vector<40x256xi32>
    %jit3A_1383 = arith.constant -3.40282347E+38 : f32
    %broadcast_in_dim3A_1384 = vector.broadcast %jit3A_1383 : f32 to vector<40x256xf32>
    %select_n3A_1385 = arith.select %lt3A_1382, %get3A_1378, %broadcast_in_dim3A_1384 : vector<40x256xi1>, vector<40x256xf32>
    %reduce_max3A_1386 = arith.constant dense<0xFF800000> : vector<256xf32>
    %reduce_max3A_1387 = vector.multi_reduction <maximumf>, %select_n3A_1385, %reduce_max3A_1386 [0] : vector<40x256xf32> to vector<256xf32>
    %broadcast_in_dim3A_1388 = vector.shape_cast %reduce_max3A_1387 : vector<256xf32> to vector<1x256xf32>
    %get3A_1389 = arith.index_cast %arg0 : i32 to index
    %get3A_1390 = arith.constant 29 : index
    %get3A_1391 = memref.load %arg1[%get3A_1389, %get3A_1390] : memref<8x64xi32, #tpu.memory_space<smem>>
    %get3A_1392 = arith.index_cast %arg0 : i32 to index
    %get3A_1393 = arith.constant 29 : index
    %get3A_1394 = memref.load %arg2[%get3A_1392, %get3A_1393] : memref<8x64xi32, #tpu.memory_space<smem>>
    %jit3A_1395 = arith.constant 8 : i32
    %div3A_1396 = arith.divsi %get3A_1391, %jit3A_1395 : i32
    %sign3A_1397 = arith.constant 0 : i32
    %sign3A_1398 = arith.cmpi sgt, %get3A_1391, %sign3A_1397 : i32
    %sign3A_1399 = arith.extui %sign3A_1398 : i1 to i32
    %sign3A_1400 = arith.constant 0 : i32
    %sign3A_1401 = arith.cmpi slt, %get3A_1391, %sign3A_1400 : i32
    %sign3A_1402 = arith.extui %sign3A_1401 : i1 to i32
    %sign3A_1403 = arith.subi %sign3A_1399, %sign3A_1402 : i32
    %sign3A_1404 = arith.constant 0 : i32
    %sign3A_1405 = arith.cmpi sgt, %jit3A_1395, %sign3A_1404 : i32
    %sign3A_1406 = arith.extui %sign3A_1405 : i1 to i32
    %sign3A_1407 = arith.constant 0 : i32
    %sign3A_1408 = arith.cmpi slt, %jit3A_1395, %sign3A_1407 : i32
    %sign3A_1409 = arith.extui %sign3A_1408 : i1 to i32
    %sign3A_1410 = arith.subi %sign3A_1406, %sign3A_1409 : i32
    %ne3A_1411 = arith.cmpi ne, %sign3A_1403, %sign3A_1410 : i32
    %rem3A_1412 = arith.remsi %get3A_1391, %jit3A_1395 : i32
    %ne3A_1413 = arith.constant 0 : i32
    %ne3A_1414 = arith.cmpi ne, %rem3A_1412, %ne3A_1413 : i32
    %and3A_1415 = arith.andi %ne3A_1411, %ne3A_1414 : i1
    %sub3A_1416 = arith.constant 1 : i32
    %sub3A_1417 = arith.subi %div3A_1396, %sub3A_1416 : i32
    %select_n3A_1418 = arith.select %and3A_1415, %sub3A_1417, %div3A_1396 : i32
    %mul3A_1419 = arith.constant 8 : i32
    %mul3A_1420 = arith.muli %select_n3A_1418, %mul3A_1419 : i32
    %sub3A_1421 = arith.subi %get3A_1391, %mul3A_1420 : i32
    %get3A_1422 = arith.constant 0 : index
    %get3A_1423 = arith.index_cast %mul3A_1420 : i32 to index
    %get3A_1424 = arith.constant 0 : index
    %get3A_1425 = vector.load %arg3[%get3A_1422, %get3A_1423, %get3A_1424] : memref<1x2048x256xf32, #tpu.memory_space<vmem>>, vector<1x40x256xf32>
    %get3A_1426 = vector.shape_cast %get3A_1425 : vector<1x40x256xf32> to vector<40x256xf32>
    %sub3A_1427 = vector.broadcast %sub3A_1421 : i32 to vector<40x256xi32>
    %sub3A_1428 = arith.subi %iota3A, %sub3A_1427 : vector<40x256xi32>
    %lt3A_1429 = vector.broadcast %get3A_1394 : i32 to vector<40x256xi32>
    %lt3A_1430 = arith.cmpi ult, %sub3A_1428, %lt3A_1429 : vector<40x256xi32>
    %jit3A_1431 = arith.constant -3.40282347E+38 : f32
    %broadcast_in_dim3A_1432 = vector.broadcast %jit3A_1431 : f32 to vector<40x256xf32>
    %select_n3A_1433 = arith.select %lt3A_1430, %get3A_1426, %broadcast_in_dim3A_1432 : vector<40x256xi1>, vector<40x256xf32>
    %reduce_max3A_1434 = arith.constant dense<0xFF800000> : vector<256xf32>
    %reduce_max3A_1435 = vector.multi_reduction <maximumf>, %select_n3A_1433, %reduce_max3A_1434 [0] : vector<40x256xf32> to vector<256xf32>
    %broadcast_in_dim3A_1436 = vector.shape_cast %reduce_max3A_1435 : vector<256xf32> to vector<1x256xf32>
    %get3A_1437 = arith.index_cast %arg0 : i32 to index
    %get3A_1438 = arith.constant 30 : index
    %get3A_1439 = memref.load %arg1[%get3A_1437, %get3A_1438] : memref<8x64xi32, #tpu.memory_space<smem>>
    %get3A_1440 = arith.index_cast %arg0 : i32 to index
    %get3A_1441 = arith.constant 30 : index
    %get3A_1442 = memref.load %arg2[%get3A_1440, %get3A_1441] : memref<8x64xi32, #tpu.memory_space<smem>>
    %jit3A_1443 = arith.constant 8 : i32
    %div3A_1444 = arith.divsi %get3A_1439, %jit3A_1443 : i32
    %sign3A_1445 = arith.constant 0 : i32
    %sign3A_1446 = arith.cmpi sgt, %get3A_1439, %sign3A_1445 : i32
    %sign3A_1447 = arith.extui %sign3A_1446 : i1 to i32
    %sign3A_1448 = arith.constant 0 : i32
    %sign3A_1449 = arith.cmpi slt, %get3A_1439, %sign3A_1448 : i32
    %sign3A_1450 = arith.extui %sign3A_1449 : i1 to i32
    %sign3A_1451 = arith.subi %sign3A_1447, %sign3A_1450 : i32
    %sign3A_1452 = arith.constant 0 : i32
    %sign3A_1453 = arith.cmpi sgt, %jit3A_1443, %sign3A_1452 : i32
    %sign3A_1454 = arith.extui %sign3A_1453 : i1 to i32
    %sign3A_1455 = arith.constant 0 : i32
    %sign3A_1456 = arith.cmpi slt, %jit3A_1443, %sign3A_1455 : i32
    %sign3A_1457 = arith.extui %sign3A_1456 : i1 to i32
    %sign3A_1458 = arith.subi %sign3A_1454, %sign3A_1457 : i32
    %ne3A_1459 = arith.cmpi ne, %sign3A_1451, %sign3A_1458 : i32
    %rem3A_1460 = arith.remsi %get3A_1439, %jit3A_1443 : i32
    %ne3A_1461 = arith.constant 0 : i32
    %ne3A_1462 = arith.cmpi ne, %rem3A_1460, %ne3A_1461 : i32
    %and3A_1463 = arith.andi %ne3A_1459, %ne3A_1462 : i1
    %sub3A_1464 = arith.constant 1 : i32
    %sub3A_1465 = arith.subi %div3A_1444, %sub3A_1464 : i32
    %select_n3A_1466 = arith.select %and3A_1463, %sub3A_1465, %div3A_1444 : i32
    %mul3A_1467 = arith.constant 8 : i32
    %mul3A_1468 = arith.muli %select_n3A_1466, %mul3A_1467 : i32
    %sub3A_1469 = arith.subi %get3A_1439, %mul3A_1468 : i32
    %get3A_1470 = arith.constant 0 : index
    %get3A_1471 = arith.index_cast %mul3A_1468 : i32 to index
    %get3A_1472 = arith.constant 0 : index
    %get3A_1473 = vector.load %arg3[%get3A_1470, %get3A_1471, %get3A_1472] : memref<1x2048x256xf32, #tpu.memory_space<vmem>>, vector<1x40x256xf32>
    %get3A_1474 = vector.shape_cast %get3A_1473 : vector<1x40x256xf32> to vector<40x256xf32>
    %sub3A_1475 = vector.broadcast %sub3A_1469 : i32 to vector<40x256xi32>
    %sub3A_1476 = arith.subi %iota3A, %sub3A_1475 : vector<40x256xi32>
    %lt3A_1477 = vector.broadcast %get3A_1442 : i32 to vector<40x256xi32>
    %lt3A_1478 = arith.cmpi ult, %sub3A_1476, %lt3A_1477 : vector<40x256xi32>
    %jit3A_1479 = arith.constant -3.40282347E+38 : f32
    %broadcast_in_dim3A_1480 = vector.broadcast %jit3A_1479 : f32 to vector<40x256xf32>
    %select_n3A_1481 = arith.select %lt3A_1478, %get3A_1474, %broadcast_in_dim3A_1480 : vector<40x256xi1>, vector<40x256xf32>
    %reduce_max3A_1482 = arith.constant dense<0xFF800000> : vector<256xf32>
    %reduce_max3A_1483 = vector.multi_reduction <maximumf>, %select_n3A_1481, %reduce_max3A_1482 [0] : vector<40x256xf32> to vector<256xf32>
    %broadcast_in_dim3A_1484 = vector.shape_cast %reduce_max3A_1483 : vector<256xf32> to vector<1x256xf32>
    %get3A_1485 = arith.index_cast %arg0 : i32 to index
    %get3A_1486 = arith.constant 31 : index
    %get3A_1487 = memref.load %arg1[%get3A_1485, %get3A_1486] : memref<8x64xi32, #tpu.memory_space<smem>>
    %get3A_1488 = arith.index_cast %arg0 : i32 to index
    %get3A_1489 = arith.constant 31 : index
    %get3A_1490 = memref.load %arg2[%get3A_1488, %get3A_1489] : memref<8x64xi32, #tpu.memory_space<smem>>
    %jit3A_1491 = arith.constant 8 : i32
    %div3A_1492 = arith.divsi %get3A_1487, %jit3A_1491 : i32
    %sign3A_1493 = arith.constant 0 : i32
    %sign3A_1494 = arith.cmpi sgt, %get3A_1487, %sign3A_1493 : i32
    %sign3A_1495 = arith.extui %sign3A_1494 : i1 to i32
    %sign3A_1496 = arith.constant 0 : i32
    %sign3A_1497 = arith.cmpi slt, %get3A_1487, %sign3A_1496 : i32
    %sign3A_1498 = arith.extui %sign3A_1497 : i1 to i32
    %sign3A_1499 = arith.subi %sign3A_1495, %sign3A_1498 : i32
    %sign3A_1500 = arith.constant 0 : i32
    %sign3A_1501 = arith.cmpi sgt, %jit3A_1491, %sign3A_1500 : i32
    %sign3A_1502 = arith.extui %sign3A_1501 : i1 to i32
    %sign3A_1503 = arith.constant 0 : i32
    %sign3A_1504 = arith.cmpi slt, %jit3A_1491, %sign3A_1503 : i32
    %sign3A_1505 = arith.extui %sign3A_1504 : i1 to i32
    %sign3A_1506 = arith.subi %sign3A_1502, %sign3A_1505 : i32
    %ne3A_1507 = arith.cmpi ne, %sign3A_1499, %sign3A_1506 : i32
    %rem3A_1508 = arith.remsi %get3A_1487, %jit3A_1491 : i32
    %ne3A_1509 = arith.constant 0 : i32
    %ne3A_1510 = arith.cmpi ne, %rem3A_1508, %ne3A_1509 : i32
    %and3A_1511 = arith.andi %ne3A_1507, %ne3A_1510 : i1
    %sub3A_1512 = arith.constant 1 : i32
    %sub3A_1513 = arith.subi %div3A_1492, %sub3A_1512 : i32
    %select_n3A_1514 = arith.select %and3A_1511, %sub3A_1513, %div3A_1492 : i32
    %mul3A_1515 = arith.constant 8 : i32
    %mul3A_1516 = arith.muli %select_n3A_1514, %mul3A_1515 : i32
    %sub3A_1517 = arith.subi %get3A_1487, %mul3A_1516 : i32
    %get3A_1518 = arith.constant 0 : index
    %get3A_1519 = arith.index_cast %mul3A_1516 : i32 to index
    %get3A_1520 = arith.constant 0 : index
    %get3A_1521 = vector.load %arg3[%get3A_1518, %get3A_1519, %get3A_1520] : memref<1x2048x256xf32, #tpu.memory_space<vmem>>, vector<1x40x256xf32>
    %get3A_1522 = vector.shape_cast %get3A_1521 : vector<1x40x256xf32> to vector<40x256xf32>
    %sub3A_1523 = vector.broadcast %sub3A_1517 : i32 to vector<40x256xi32>
    %sub3A_1524 = arith.subi %iota3A, %sub3A_1523 : vector<40x256xi32>
    %lt3A_1525 = vector.broadcast %get3A_1490 : i32 to vector<40x256xi32>
    %lt3A_1526 = arith.cmpi ult, %sub3A_1524, %lt3A_1525 : vector<40x256xi32>
    %jit3A_1527 = arith.constant -3.40282347E+38 : f32
    %broadcast_in_dim3A_1528 = vector.broadcast %jit3A_1527 : f32 to vector<40x256xf32>
    %select_n3A_1529 = arith.select %lt3A_1526, %get3A_1522, %broadcast_in_dim3A_1528 : vector<40x256xi1>, vector<40x256xf32>
    %reduce_max3A_1530 = arith.constant dense<0xFF800000> : vector<256xf32>
    %reduce_max3A_1531 = vector.multi_reduction <maximumf>, %select_n3A_1529, %reduce_max3A_1530 [0] : vector<40x256xf32> to vector<256xf32>
    %broadcast_in_dim3A_1532 = vector.shape_cast %reduce_max3A_1531 : vector<256xf32> to vector<1x256xf32>
    %concatenate3A_1533 = tpu.concatenate %broadcast_in_dim3A_1196, %broadcast_in_dim3A_1244, %broadcast_in_dim3A_1292, %broadcast_in_dim3A_1340, %broadcast_in_dim3A_1388, %broadcast_in_dim3A_1436, %broadcast_in_dim3A_1484, %broadcast_in_dim3A_1532 in 0 : vector<1x256xf32>, vector<1x256xf32>, vector<1x256xf32>, vector<1x256xf32>, vector<1x256xf32>, vector<1x256xf32>, vector<1x256xf32>, vector<1x256xf32> -> vector<8x256xf32>
    %swap3A_1534 = arith.constant 24 : index
    %swap3A_1535 = arith.constant 0 : index
    %swap3A_1536 = vector.load %arg9[%swap3A_1534, %swap3A_1535] : memref<64x256xf32, #tpu.memory_space<vmem>>, vector<8x256xf32>
    tpu.vector_store %arg9[%swap3A_1534, %swap3A_1535], %concatenate3A_1533 {strides = array<i32>} : memref<64x256xf32, #tpu.memory_space<vmem>>, vector<8x256xf32>,
    %get3A_1537 = arith.index_cast %arg0 : i32 to index
    %get3A_1538 = arith.constant 32 : index
    %get3A_1539 = memref.load %arg1[%get3A_1537, %get3A_1538] : memref<8x64xi32, #tpu.memory_space<smem>>
    %get3A_1540 = arith.index_cast %arg0 : i32 to index
    %get3A_1541 = arith.constant 32 : index
    %get3A_1542 = memref.load %arg2[%get3A_1540, %get3A_1541] : memref<8x64xi32, #tpu.memory_space<smem>>
    %jit3A_1543 = arith.constant 8 : i32
    %div3A_1544 = arith.divsi %get3A_1539, %jit3A_1543 : i32
    %sign3A_1545 = arith.constant 0 : i32
    %sign3A_1546 = arith.cmpi sgt, %get3A_1539, %sign3A_1545 : i32
    %sign3A_1547 = arith.extui %sign3A_1546 : i1 to i32
    %sign3A_1548 = arith.constant 0 : i32
    %sign3A_1549 = arith.cmpi slt, %get3A_1539, %sign3A_1548 : i32
    %sign3A_1550 = arith.extui %sign3A_1549 : i1 to i32
    %sign3A_1551 = arith.subi %sign3A_1547, %sign3A_1550 : i32
    %sign3A_1552 = arith.constant 0 : i32
    %sign3A_1553 = arith.cmpi sgt, %jit3A_1543, %sign3A_1552 : i32
    %sign3A_1554 = arith.extui %sign3A_1553 : i1 to i32
    %sign3A_1555 = arith.constant 0 : i32
    %sign3A_1556 = arith.cmpi slt, %jit3A_1543, %sign3A_1555 : i32
    %sign3A_1557 = arith.extui %sign3A_1556 : i1 to i32
    %sign3A_1558 = arith.subi %sign3A_1554, %sign3A_1557 : i32
    %ne3A_1559 = arith.cmpi ne, %sign3A_1551, %sign3A_1558 : i32
    %rem3A_1560 = arith.remsi %get3A_1539, %jit3A_1543 : i32
    %ne3A_1561 = arith.constant 0 : i32
    %ne3A_1562 = arith.cmpi ne, %rem3A_1560, %ne3A_1561 : i32
    %and3A_1563 = arith.andi %ne3A_1559, %ne3A_1562 : i1
    %sub3A_1564 = arith.constant 1 : i32
    %sub3A_1565 = arith.subi %div3A_1544, %sub3A_1564 : i32
    %select_n3A_1566 = arith.select %and3A_1563, %sub3A_1565, %div3A_1544 : i32
    %mul3A_1567 = arith.constant 8 : i32
    %mul3A_1568 = arith.muli %select_n3A_1566, %mul3A_1567 : i32
    %sub3A_1569 = arith.subi %get3A_1539, %mul3A_1568 : i32
    %get3A_1570 = arith.constant 0 : index
    %get3A_1571 = arith.index_cast %mul3A_1568 : i32 to index
    %get3A_1572 = arith.constant 0 : index
    %get3A_1573 = vector.load %arg3[%get3A_1570, %get3A_1571, %get3A_1572] : memref<1x2048x256xf32, #tpu.memory_space<vmem>>, vector<1x40x256xf32>
    %get3A_1574 = vector.shape_cast %get3A_1573 : vector<1x40x256xf32> to vector<40x256xf32>
    %sub3A_1575 = vector.broadcast %sub3A_1569 : i32 to vector<40x256xi32>
    %sub3A_1576 = arith.subi %iota3A, %sub3A_1575 : vector<40x256xi32>
    %lt3A_1577 = vector.broadcast %get3A_1542 : i32 to vector<40x256xi32>
    %lt3A_1578 = arith.cmpi ult, %sub3A_1576, %lt3A_1577 : vector<40x256xi32>
    %jit3A_1579 = arith.constant -3.40282347E+38 : f32
    %broadcast_in_dim3A_1580 = vector.broadcast %jit3A_1579 : f32 to vector<40x256xf32>
    %select_n3A_1581 = arith.select %lt3A_1578, %get3A_1574, %broadcast_in_dim3A_1580 : vector<40x256xi1>, vector<40x256xf32>
    %reduce_max3A_1582 = arith.constant dense<0xFF800000> : vector<256xf32>
    %reduce_max3A_1583 = vector.multi_reduction <maximumf>, %select_n3A_1581, %reduce_max3A_1582 [0] : vector<40x256xf32> to vector<256xf32>
    %broadcast_in_dim3A_1584 = vector.shape_cast %reduce_max3A_1583 : vector<256xf32> to vector<1x256xf32>
    %get3A_1585 = arith.index_cast %arg0 : i32 to index
    %get3A_1586 = arith.constant 33 : index
    %get3A_1587 = memref.load %arg1[%get3A_1585, %get3A_1586] : memref<8x64xi32, #tpu.memory_space<smem>>
    %get3A_1588 = arith.index_cast %arg0 : i32 to index
    %get3A_1589 = arith.constant 33 : index
    %get3A_1590 = memref.load %arg2[%get3A_1588, %get3A_1589] : memref<8x64xi32, #tpu.memory_space<smem>>
    %jit3A_1591 = arith.constant 8 : i32
    %div3A_1592 = arith.divsi %get3A_1587, %jit3A_1591 : i32
    %sign3A_1593 = arith.constant 0 : i32
    %sign3A_1594 = arith.cmpi sgt, %get3A_1587, %sign3A_1593 : i32
    %sign3A_1595 = arith.extui %sign3A_1594 : i1 to i32
    %sign3A_1596 = arith.constant 0 : i32
    %sign3A_1597 = arith.cmpi slt, %get3A_1587, %sign3A_1596 : i32
    %sign3A_1598 = arith.extui %sign3A_1597 : i1 to i32
    %sign3A_1599 = arith.subi %sign3A_1595, %sign3A_1598 : i32
    %sign3A_1600 = arith.constant 0 : i32
    %sign3A_1601 = arith.cmpi sgt, %jit3A_1591, %sign3A_1600 : i32
    %sign3A_1602 = arith.extui %sign3A_1601 : i1 to i32
    %sign3A_1603 = arith.constant 0 : i32
    %sign3A_1604 = arith.cmpi slt, %jit3A_1591, %sign3A_1603 : i32
    %sign3A_1605 = arith.extui %sign3A_1604 : i1 to i32
    %sign3A_1606 = arith.subi %sign3A_1602, %sign3A_1605 : i32
    %ne3A_1607 = arith.cmpi ne, %sign3A_1599, %sign3A_1606 : i32
    %rem3A_1608 = arith.remsi %get3A_1587, %jit3A_1591 : i32
    %ne3A_1609 = arith.constant 0 : i32
    %ne3A_1610 = arith.cmpi ne, %rem3A_1608, %ne3A_1609 : i32
    %and3A_1611 = arith.andi %ne3A_1607, %ne3A_1610 : i1
    %sub3A_1612 = arith.constant 1 : i32
    %sub3A_1613 = arith.subi %div3A_1592, %sub3A_1612 : i32
    %select_n3A_1614 = arith.select %and3A_1611, %sub3A_1613, %div3A_1592 : i32
    %mul3A_1615 = arith.constant 8 : i32
    %mul3A_1616 = arith.muli %select_n3A_1614, %mul3A_1615 : i32
    %sub3A_1617 = arith.subi %get3A_1587, %mul3A_1616 : i32
    %get3A_1618 = arith.constant 0 : index
    %get3A_1619 = arith.index_cast %mul3A_1616 : i32 to index
    %get3A_1620 = arith.constant 0 : index
    %get3A_1621 = vector.load %arg3[%get3A_1618, %get3A_1619, %get3A_1620] : memref<1x2048x256xf32, #tpu.memory_space<vmem>>, vector<1x40x256xf32>
    %get3A_1622 = vector.shape_cast %get3A_1621 : vector<1x40x256xf32> to vector<40x256xf32>
    %sub3A_1623 = vector.broadcast %sub3A_1617 : i32 to vector<40x256xi32>
    %sub3A_1624 = arith.subi %iota3A, %sub3A_1623 : vector<40x256xi32>
    %lt3A_1625 = vector.broadcast %get3A_1590 : i32 to vector<40x256xi32>
    %lt3A_1626 = arith.cmpi ult, %sub3A_1624, %lt3A_1625 : vector<40x256xi32>
    %jit3A_1627 = arith.constant -3.40282347E+38 : f32
    %broadcast_in_dim3A_1628 = vector.broadcast %jit3A_1627 : f32 to vector<40x256xf32>
    %select_n3A_1629 = arith.select %lt3A_1626, %get3A_1622, %broadcast_in_dim3A_1628 : vector<40x256xi1>, vector<40x256xf32>
    %reduce_max3A_1630 = arith.constant dense<0xFF800000> : vector<256xf32>
    %reduce_max3A_1631 = vector.multi_reduction <maximumf>, %select_n3A_1629, %reduce_max3A_1630 [0] : vector<40x256xf32> to vector<256xf32>
    %broadcast_in_dim3A_1632 = vector.shape_cast %reduce_max3A_1631 : vector<256xf32> to vector<1x256xf32>
    %get3A_1633 = arith.index_cast %arg0 : i32 to index
    %get3A_1634 = arith.constant 34 : index
    %get3A_1635 = memref.load %arg1[%get3A_1633, %get3A_1634] : memref<8x64xi32, #tpu.memory_space<smem>>
    %get3A_1636 = arith.index_cast %arg0 : i32 to index
    %get3A_1637 = arith.constant 34 : index
    %get3A_1638 = memref.load %arg2[%get3A_1636, %get3A_1637] : memref<8x64xi32, #tpu.memory_space<smem>>
    %jit3A_1639 = arith.constant 8 : i32
    %div3A_1640 = arith.divsi %get3A_1635, %jit3A_1639 : i32
    %sign3A_1641 = arith.constant 0 : i32
    %sign3A_1642 = arith.cmpi sgt, %get3A_1635, %sign3A_1641 : i32
    %sign3A_1643 = arith.extui %sign3A_1642 : i1 to i32
    %sign3A_1644 = arith.constant 0 : i32
    %sign3A_1645 = arith.cmpi slt, %get3A_1635, %sign3A_1644 : i32
    %sign3A_1646 = arith.extui %sign3A_1645 : i1 to i32
    %sign3A_1647 = arith.subi %sign3A_1643, %sign3A_1646 : i32
    %sign3A_1648 = arith.constant 0 : i32
    %sign3A_1649 = arith.cmpi sgt, %jit3A_1639, %sign3A_1648 : i32
    %sign3A_1650 = arith.extui %sign3A_1649 : i1 to i32
    %sign3A_1651 = arith.constant 0 : i32
    %sign3A_1652 = arith.cmpi slt, %jit3A_1639, %sign3A_1651 : i32
    %sign3A_1653 = arith.extui %sign3A_1652 : i1 to i32
    %sign3A_1654 = arith.subi %sign3A_1650, %sign3A_1653 : i32
    %ne3A_1655 = arith.cmpi ne, %sign3A_1647, %sign3A_1654 : i32
    %rem3A_1656 = arith.remsi %get3A_1635, %jit3A_1639 : i32
    %ne3A_1657 = arith.constant 0 : i32
    %ne3A_1658 = arith.cmpi ne, %rem3A_1656, %ne3A_1657 : i32
    %and3A_1659 = arith.andi %ne3A_1655, %ne3A_1658 : i1
    %sub3A_1660 = arith.constant 1 : i32
    %sub3A_1661 = arith.subi %div3A_1640, %sub3A_1660 : i32
    %select_n3A_1662 = arith.select %and3A_1659, %sub3A_1661, %div3A_1640 : i32
    %mul3A_1663 = arith.constant 8 : i32
    %mul3A_1664 = arith.muli %select_n3A_1662, %mul3A_1663 : i32
    %sub3A_1665 = arith.subi %get3A_1635, %mul3A_1664 : i32
    %get3A_1666 = arith.constant 0 : index
    %get3A_1667 = arith.index_cast %mul3A_1664 : i32 to index
    %get3A_1668 = arith.constant 0 : index
    %get3A_1669 = vector.load %arg3[%get3A_1666, %get3A_1667, %get3A_1668] : memref<1x2048x256xf32, #tpu.memory_space<vmem>>, vector<1x40x256xf32>
    %get3A_1670 = vector.shape_cast %get3A_1669 : vector<1x40x256xf32> to vector<40x256xf32>
    %sub3A_1671 = vector.broadcast %sub3A_1665 : i32 to vector<40x256xi32>
    %sub3A_1672 = arith.subi %iota3A, %sub3A_1671 : vector<40x256xi32>
    %lt3A_1673 = vector.broadcast %get3A_1638 : i32 to vector<40x256xi32>
    %lt3A_1674 = arith.cmpi ult, %sub3A_1672, %lt3A_1673 : vector<40x256xi32>
    %jit3A_1675 = arith.constant -3.40282347E+38 : f32
    %broadcast_in_dim3A_1676 = vector.broadcast %jit3A_1675 : f32 to vector<40x256xf32>
    %select_n3A_1677 = arith.select %lt3A_1674, %get3A_1670, %broadcast_in_dim3A_1676 : vector<40x256xi1>, vector<40x256xf32>
    %reduce_max3A_1678 = arith.constant dense<0xFF800000> : vector<256xf32>
    %reduce_max3A_1679 = vector.multi_reduction <maximumf>, %select_n3A_1677, %reduce_max3A_1678 [0] : vector<40x256xf32> to vector<256xf32>
    %broadcast_in_dim3A_1680 = vector.shape_cast %reduce_max3A_1679 : vector<256xf32> to vector<1x256xf32>
    %get3A_1681 = arith.index_cast %arg0 : i32 to index
    %get3A_1682 = arith.constant 35 : index
    %get3A_1683 = memref.load %arg1[%get3A_1681, %get3A_1682] : memref<8x64xi32, #tpu.memory_space<smem>>
    %get3A_1684 = arith.index_cast %arg0 : i32 to index
    %get3A_1685 = arith.constant 35 : index
    %get3A_1686 = memref.load %arg2[%get3A_1684, %get3A_1685] : memref<8x64xi32, #tpu.memory_space<smem>>
    %jit3A_1687 = arith.constant 8 : i32
    %div3A_1688 = arith.divsi %get3A_1683, %jit3A_1687 : i32
    %sign3A_1689 = arith.constant 0 : i32
    %sign3A_1690 = arith.cmpi sgt, %get3A_1683, %sign3A_1689 : i32
    %sign3A_1691 = arith.extui %sign3A_1690 : i1 to i32
    %sign3A_1692 = arith.constant 0 : i32
    %sign3A_1693 = arith.cmpi slt, %get3A_1683, %sign3A_1692 : i32
    %sign3A_1694 = arith.extui %sign3A_1693 : i1 to i32
    %sign3A_1695 = arith.subi %sign3A_1691, %sign3A_1694 : i32
    %sign3A_1696 = arith.constant 0 : i32
    %sign3A_1697 = arith.cmpi sgt, %jit3A_1687, %sign3A_1696 : i32
    %sign3A_1698 = arith.extui %sign3A_1697 : i1 to i32
    %sign3A_1699 = arith.constant 0 : i32
    %sign3A_1700 = arith.cmpi slt, %jit3A_1687, %sign3A_1699 : i32
    %sign3A_1701 = arith.extui %sign3A_1700 : i1 to i32
    %sign3A_1702 = arith.subi %sign3A_1698, %sign3A_1701 : i32
    %ne3A_1703 = arith.cmpi ne, %sign3A_1695, %sign3A_1702 : i32
    %rem3A_1704 = arith.remsi %get3A_1683, %jit3A_1687 : i32
    %ne3A_1705 = arith.constant 0 : i32
    %ne3A_1706 = arith.cmpi ne, %rem3A_1704, %ne3A_1705 : i32
    %and3A_1707 = arith.andi %ne3A_1703, %ne3A_1706 : i1
    %sub3A_1708 = arith.constant 1 : i32
    %sub3A_1709 = arith.subi %div3A_1688, %sub3A_1708 : i32
    %select_n3A_1710 = arith.select %and3A_1707, %sub3A_1709, %div3A_1688 : i32
    %mul3A_1711 = arith.constant 8 : i32
    %mul3A_1712 = arith.muli %select_n3A_1710, %mul3A_1711 : i32
    %sub3A_1713 = arith.subi %get3A_1683, %mul3A_1712 : i32
    %get3A_1714 = arith.constant 0 : index
    %get3A_1715 = arith.index_cast %mul3A_1712 : i32 to index
    %get3A_1716 = arith.constant 0 : index
    %get3A_1717 = vector.load %arg3[%get3A_1714, %get3A_1715, %get3A_1716] : memref<1x2048x256xf32, #tpu.memory_space<vmem>>, vector<1x40x256xf32>
    %get3A_1718 = vector.shape_cast %get3A_1717 : vector<1x40x256xf32> to vector<40x256xf32>
    %sub3A_1719 = vector.broadcast %sub3A_1713 : i32 to vector<40x256xi32>
    %sub3A_1720 = arith.subi %iota3A, %sub3A_1719 : vector<40x256xi32>
    %lt3A_1721 = vector.broadcast %get3A_1686 : i32 to vector<40x256xi32>
    %lt3A_1722 = arith.cmpi ult, %sub3A_1720, %lt3A_1721 : vector<40x256xi32>
    %jit3A_1723 = arith.constant -3.40282347E+38 : f32
    %broadcast_in_dim3A_1724 = vector.broadcast %jit3A_1723 : f32 to vector<40x256xf32>
    %select_n3A_1725 = arith.select %lt3A_1722, %get3A_1718, %broadcast_in_dim3A_1724 : vector<40x256xi1>, vector<40x256xf32>
    %reduce_max3A_1726 = arith.constant dense<0xFF800000> : vector<256xf32>
    %reduce_max3A_1727 = vector.multi_reduction <maximumf>, %select_n3A_1725, %reduce_max3A_1726 [0] : vector<40x256xf32> to vector<256xf32>
    %broadcast_in_dim3A_1728 = vector.shape_cast %reduce_max3A_1727 : vector<256xf32> to vector<1x256xf32>
    %get3A_1729 = arith.index_cast %arg0 : i32 to index
    %get3A_1730 = arith.constant 36 : index
    %get3A_1731 = memref.load %arg1[%get3A_1729, %get3A_1730] : memref<8x64xi32, #tpu.memory_space<smem>>
    %get3A_1732 = arith.index_cast %arg0 : i32 to index
    %get3A_1733 = arith.constant 36 : index
    %get3A_1734 = memref.load %arg2[%get3A_1732, %get3A_1733] : memref<8x64xi32, #tpu.memory_space<smem>>
    %jit3A_1735 = arith.constant 8 : i32
    %div3A_1736 = arith.divsi %get3A_1731, %jit3A_1735 : i32
    %sign3A_1737 = arith.constant 0 : i32
    %sign3A_1738 = arith.cmpi sgt, %get3A_1731, %sign3A_1737 : i32
    %sign3A_1739 = arith.extui %sign3A_1738 : i1 to i32
    %sign3A_1740 = arith.constant 0 : i32
    %sign3A_1741 = arith.cmpi slt, %get3A_1731, %sign3A_1740 : i32
    %sign3A_1742 = arith.extui %sign3A_1741 : i1 to i32
    %sign3A_1743 = arith.subi %sign3A_1739, %sign3A_1742 : i32
    %sign3A_1744 = arith.constant 0 : i32
    %sign3A_1745 = arith.cmpi sgt, %jit3A_1735, %sign3A_1744 : i32
    %sign3A_1746 = arith.extui %sign3A_1745 : i1 to i32
    %sign3A_1747 = arith.constant 0 : i32
    %sign3A_1748 = arith.cmpi slt, %jit3A_1735, %sign3A_1747 : i32
    %sign3A_1749 = arith.extui %sign3A_1748 : i1 to i32
    %sign3A_1750 = arith.subi %sign3A_1746, %sign3A_1749 : i32
    %ne3A_1751 = arith.cmpi ne, %sign3A_1743, %sign3A_1750 : i32
    %rem3A_1752 = arith.remsi %get3A_1731, %jit3A_1735 : i32
    %ne3A_1753 = arith.constant 0 : i32
    %ne3A_1754 = arith.cmpi ne, %rem3A_1752, %ne3A_1753 : i32
    %and3A_1755 = arith.andi %ne3A_1751, %ne3A_1754 : i1
    %sub3A_1756 = arith.constant 1 : i32
    %sub3A_1757 = arith.subi %div3A_1736, %sub3A_1756 : i32
    %select_n3A_1758 = arith.select %and3A_1755, %sub3A_1757, %div3A_1736 : i32
    %mul3A_1759 = arith.constant 8 : i32
    %mul3A_1760 = arith.muli %select_n3A_1758, %mul3A_1759 : i32
    %sub3A_1761 = arith.subi %get3A_1731, %mul3A_1760 : i32
    %get3A_1762 = arith.constant 0 : index
    %get3A_1763 = arith.index_cast %mul3A_1760 : i32 to index
    %get3A_1764 = arith.constant 0 : index
    %get3A_1765 = vector.load %arg3[%get3A_1762, %get3A_1763, %get3A_1764] : memref<1x2048x256xf32, #tpu.memory_space<vmem>>, vector<1x40x256xf32>
    %get3A_1766 = vector.shape_cast %get3A_1765 : vector<1x40x256xf32> to vector<40x256xf32>
    %sub3A_1767 = vector.broadcast %sub3A_1761 : i32 to vector<40x256xi32>
    %sub3A_1768 = arith.subi %iota3A, %sub3A_1767 : vector<40x256xi32>
    %lt3A_1769 = vector.broadcast %get3A_1734 : i32 to vector<40x256xi32>
    %lt3A_1770 = arith.cmpi ult, %sub3A_1768, %lt3A_1769 : vector<40x256xi32>
    %jit3A_1771 = arith.constant -3.40282347E+38 : f32
    %broadcast_in_dim3A_1772 = vector.broadcast %jit3A_1771 : f32 to vector<40x256xf32>
    %select_n3A_1773 = arith.select %lt3A_1770, %get3A_1766, %broadcast_in_dim3A_1772 : vector<40x256xi1>, vector<40x256xf32>
    %reduce_max3A_1774 = arith.constant dense<0xFF800000> : vector<256xf32>
    %reduce_max3A_1775 = vector.multi_reduction <maximumf>, %select_n3A_1773, %reduce_max3A_1774 [0] : vector<40x256xf32> to vector<256xf32>
    %broadcast_in_dim3A_1776 = vector.shape_cast %reduce_max3A_1775 : vector<256xf32> to vector<1x256xf32>
    %get3A_1777 = arith.index_cast %arg0 : i32 to index
    %get3A_1778 = arith.constant 37 : index
    %get3A_1779 = memref.load %arg1[%get3A_1777, %get3A_1778] : memref<8x64xi32, #tpu.memory_space<smem>>
    %get3A_1780 = arith.index_cast %arg0 : i32 to index
    %get3A_1781 = arith.constant 37 : index
    %get3A_1782 = memref.load %arg2[%get3A_1780, %get3A_1781] : memref<8x64xi32, #tpu.memory_space<smem>>
    %jit3A_1783 = arith.constant 8 : i32
    %div3A_1784 = arith.divsi %get3A_1779, %jit3A_1783 : i32
    %sign3A_1785 = arith.constant 0 : i32
    %sign3A_1786 = arith.cmpi sgt, %get3A_1779, %sign3A_1785 : i32
    %sign3A_1787 = arith.extui %sign3A_1786 : i1 to i32
    %sign3A_1788 = arith.constant 0 : i32
    %sign3A_1789 = arith.cmpi slt, %get3A_1779, %sign3A_1788 : i32
    %sign3A_1790 = arith.extui %sign3A_1789 : i1 to i32
    %sign3A_1791 = arith.subi %sign3A_1787, %sign3A_1790 : i32
    %sign3A_1792 = arith.constant 0 : i32
    %sign3A_1793 = arith.cmpi sgt, %jit3A_1783, %sign3A_1792 : i32
    %sign3A_1794 = arith.extui %sign3A_1793 : i1 to i32
    %sign3A_1795 = arith.constant 0 : i32
    %sign3A_1796 = arith.cmpi slt, %jit3A_1783, %sign3A_1795 : i32
    %sign3A_1797 = arith.extui %sign3A_1796 : i1 to i32
    %sign3A_1798 = arith.subi %sign3A_1794, %sign3A_1797 : i32
    %ne3A_1799 = arith.cmpi ne, %sign3A_1791, %sign3A_1798 : i32
    %rem3A_1800 = arith.remsi %get3A_1779, %jit3A_1783 : i32
    %ne3A_1801 = arith.constant 0 : i32
    %ne3A_1802 = arith.cmpi ne, %rem3A_1800, %ne3A_1801 : i32
    %and3A_1803 = arith.andi %ne3A_1799, %ne3A_1802 : i1
    %sub3A_1804 = arith.constant 1 : i32
    %sub3A_1805 = arith.subi %div3A_1784, %sub3A_1804 : i32
    %select_n3A_1806 = arith.select %and3A_1803, %sub3A_1805, %div3A_1784 : i32
    %mul3A_1807 = arith.constant 8 : i32
    %mul3A_1808 = arith.muli %select_n3A_1806, %mul3A_1807 : i32
    %sub3A_1809 = arith.subi %get3A_1779, %mul3A_1808 : i32
    %get3A_1810 = arith.constant 0 : index
    %get3A_1811 = arith.index_cast %mul3A_1808 : i32 to index
    %get3A_1812 = arith.constant 0 : index
    %get3A_1813 = vector.load %arg3[%get3A_1810, %get3A_1811, %get3A_1812] : memref<1x2048x256xf32, #tpu.memory_space<vmem>>, vector<1x40x256xf32>
    %get3A_1814 = vector.shape_cast %get3A_1813 : vector<1x40x256xf32> to vector<40x256xf32>
    %sub3A_1815 = vector.broadcast %sub3A_1809 : i32 to vector<40x256xi32>
    %sub3A_1816 = arith.subi %iota3A, %sub3A_1815 : vector<40x256xi32>
    %lt3A_1817 = vector.broadcast %get3A_1782 : i32 to vector<40x256xi32>
    %lt3A_1818 = arith.cmpi ult, %sub3A_1816, %lt3A_1817 : vector<40x256xi32>
    %jit3A_1819 = arith.constant -3.40282347E+38 : f32
    %broadcast_in_dim3A_1820 = vector.broadcast %jit3A_1819 : f32 to vector<40x256xf32>
    %select_n3A_1821 = arith.select %lt3A_1818, %get3A_1814, %broadcast_in_dim3A_1820 : vector<40x256xi1>, vector<40x256xf32>
    %reduce_max3A_1822 = arith.constant dense<0xFF800000> : vector<256xf32>
    %reduce_max3A_1823 = vector.multi_reduction <maximumf>, %select_n3A_1821, %reduce_max3A_1822 [0] : vector<40x256xf32> to vector<256xf32>
    %broadcast_in_dim3A_1824 = vector.shape_cast %reduce_max3A_1823 : vector<256xf32> to vector<1x256xf32>
    %get3A_1825 = arith.index_cast %arg0 : i32 to index
    %get3A_1826 = arith.constant 38 : index
    %get3A_1827 = memref.load %arg1[%get3A_1825, %get3A_1826] : memref<8x64xi32, #tpu.memory_space<smem>>
    %get3A_1828 = arith.index_cast %arg0 : i32 to index
    %get3A_1829 = arith.constant 38 : index
    %get3A_1830 = memref.load %arg2[%get3A_1828, %get3A_1829] : memref<8x64xi32, #tpu.memory_space<smem>>
    %jit3A_1831 = arith.constant 8 : i32
    %div3A_1832 = arith.divsi %get3A_1827, %jit3A_1831 : i32
    %sign3A_1833 = arith.constant 0 : i32
    %sign3A_1834 = arith.cmpi sgt, %get3A_1827, %sign3A_1833 : i32
    %sign3A_1835 = arith.extui %sign3A_1834 : i1 to i32
    %sign3A_1836 = arith.constant 0 : i32
    %sign3A_1837 = arith.cmpi slt, %get3A_1827, %sign3A_1836 : i32
    %sign3A_1838 = arith.extui %sign3A_1837 : i1 to i32
    %sign3A_1839 = arith.subi %sign3A_1835, %sign3A_1838 : i32
    %sign3A_1840 = arith.constant 0 : i32
    %sign3A_1841 = arith.cmpi sgt, %jit3A_1831, %sign3A_1840 : i32
    %sign3A_1842 = arith.extui %sign3A_1841 : i1 to i32
    %sign3A_1843 = arith.constant 0 : i32
    %sign3A_1844 = arith.cmpi slt, %jit3A_1831, %sign3A_1843 : i32
    %sign3A_1845 = arith.extui %sign3A_1844 : i1 to i32
    %sign3A_1846 = arith.subi %sign3A_1842, %sign3A_1845 : i32
    %ne3A_1847 = arith.cmpi ne, %sign3A_1839, %sign3A_1846 : i32
    %rem3A_1848 = arith.remsi %get3A_1827, %jit3A_1831 : i32
    %ne3A_1849 = arith.constant 0 : i32
    %ne3A_1850 = arith.cmpi ne, %rem3A_1848, %ne3A_1849 : i32
    %and3A_1851 = arith.andi %ne3A_1847, %ne3A_1850 : i1
    %sub3A_1852 = arith.constant 1 : i32
    %sub3A_1853 = arith.subi %div3A_1832, %sub3A_1852 : i32
    %select_n3A_1854 = arith.select %and3A_1851, %sub3A_1853, %div3A_1832 : i32
    %mul3A_1855 = arith.constant 8 : i32
    %mul3A_1856 = arith.muli %select_n3A_1854, %mul3A_1855 : i32
    %sub3A_1857 = arith.subi %get3A_1827, %mul3A_1856 : i32
    %get3A_1858 = arith.constant 0 : index
    %get3A_1859 = arith.index_cast %mul3A_1856 : i32 to index
    %get3A_1860 = arith.constant 0 : index
    %get3A_1861 = vector.load %arg3[%get3A_1858, %get3A_1859, %get3A_1860] : memref<1x2048x256xf32, #tpu.memory_space<vmem>>, vector<1x40x256xf32>
    %get3A_1862 = vector.shape_cast %get3A_1861 : vector<1x40x256xf32> to vector<40x256xf32>
    %sub3A_1863 = vector.broadcast %sub3A_1857 : i32 to vector<40x256xi32>
    %sub3A_1864 = arith.subi %iota3A, %sub3A_1863 : vector<40x256xi32>
    %lt3A_1865 = vector.broadcast %get3A_1830 : i32 to vector<40x256xi32>
    %lt3A_1866 = arith.cmpi ult, %sub3A_1864, %lt3A_1865 : vector<40x256xi32>
    %jit3A_1867 = arith.constant -3.40282347E+38 : f32
    %broadcast_in_dim3A_1868 = vector.broadcast %jit3A_1867 : f32 to vector<40x256xf32>
    %select_n3A_1869 = arith.select %lt3A_1866, %get3A_1862, %broadcast_in_dim3A_1868 : vector<40x256xi1>, vector<40x256xf32>
    %reduce_max3A_1870 = arith.constant dense<0xFF800000> : vector<256xf32>
    %reduce_max3A_1871 = vector.multi_reduction <maximumf>, %select_n3A_1869, %reduce_max3A_1870 [0] : vector<40x256xf32> to vector<256xf32>
    %broadcast_in_dim3A_1872 = vector.shape_cast %reduce_max3A_1871 : vector<256xf32> to vector<1x256xf32>
    %get3A_1873 = arith.index_cast %arg0 : i32 to index
    %get3A_1874 = arith.constant 39 : index
    %get3A_1875 = memref.load %arg1[%get3A_1873, %get3A_1874] : memref<8x64xi32, #tpu.memory_space<smem>>
    %get3A_1876 = arith.index_cast %arg0 : i32 to index
    %get3A_1877 = arith.constant 39 : index
    %get3A_1878 = memref.load %arg2[%get3A_1876, %get3A_1877] : memref<8x64xi32, #tpu.memory_space<smem>>
    %jit3A_1879 = arith.constant 8 : i32
    %div3A_1880 = arith.divsi %get3A_1875, %jit3A_1879 : i32
    %sign3A_1881 = arith.constant 0 : i32
    %sign3A_1882 = arith.cmpi sgt, %get3A_1875, %sign3A_1881 : i32
    %sign3A_1883 = arith.extui %sign3A_1882 : i1 to i32
    %sign3A_1884 = arith.constant 0 : i32
    %sign3A_1885 = arith.cmpi slt, %get3A_1875, %sign3A_1884 : i32
    %sign3A_1886 = arith.extui %sign3A_1885 : i1 to i32
    %sign3A_1887 = arith.subi %sign3A_1883, %sign3A_1886 : i32
    %sign3A_1888 = arith.constant 0 : i32
    %sign3A_1889 = arith.cmpi sgt, %jit3A_1879, %sign3A_1888 : i32
    %sign3A_1890 = arith.extui %sign3A_1889 : i1 to i32
    %sign3A_1891 = arith.constant 0 : i32
    %sign3A_1892 = arith.cmpi slt, %jit3A_1879, %sign3A_1891 : i32
    %sign3A_1893 = arith.extui %sign3A_1892 : i1 to i32
    %sign3A_1894 = arith.subi %sign3A_1890, %sign3A_1893 : i32
    %ne3A_1895 = arith.cmpi ne, %sign3A_1887, %sign3A_1894 : i32
    %rem3A_1896 = arith.remsi %get3A_1875, %jit3A_1879 : i32
    %ne3A_1897 = arith.constant 0 : i32
    %ne3A_1898 = arith.cmpi ne, %rem3A_1896, %ne3A_1897 : i32
    %and3A_1899 = arith.andi %ne3A_1895, %ne3A_1898 : i1
    %sub3A_1900 = arith.constant 1 : i32
    %sub3A_1901 = arith.subi %div3A_1880, %sub3A_1900 : i32
    %select_n3A_1902 = arith.select %and3A_1899, %sub3A_1901, %div3A_1880 : i32
    %mul3A_1903 = arith.constant 8 : i32
    %mul3A_1904 = arith.muli %select_n3A_1902, %mul3A_1903 : i32
    %sub3A_1905 = arith.subi %get3A_1875, %mul3A_1904 : i32
    %get3A_1906 = arith.constant 0 : index
    %get3A_1907 = arith.index_cast %mul3A_1904 : i32 to index
    %get3A_1908 = arith.constant 0 : index
    %get3A_1909 = vector.load %arg3[%get3A_1906, %get3A_1907, %get3A_1908] : memref<1x2048x256xf32, #tpu.memory_space<vmem>>, vector<1x40x256xf32>
    %get3A_1910 = vector.shape_cast %get3A_1909 : vector<1x40x256xf32> to vector<40x256xf32>
    %sub3A_1911 = vector.broadcast %sub3A_1905 : i32 to vector<40x256xi32>
    %sub3A_1912 = arith.subi %iota3A, %sub3A_1911 : vector<40x256xi32>
    %lt3A_1913 = vector.broadcast %get3A_1878 : i32 to vector<40x256xi32>
    %lt3A_1914 = arith.cmpi ult, %sub3A_1912, %lt3A_1913 : vector<40x256xi32>
    %jit3A_1915 = arith.constant -3.40282347E+38 : f32
    %broadcast_in_dim3A_1916 = vector.broadcast %jit3A_1915 : f32 to vector<40x256xf32>
    %select_n3A_1917 = arith.select %lt3A_1914, %get3A_1910, %broadcast_in_dim3A_1916 : vector<40x256xi1>, vector<40x256xf32>
    %reduce_max3A_1918 = arith.constant dense<0xFF800000> : vector<256xf32>
    %reduce_max3A_1919 = vector.multi_reduction <maximumf>, %select_n3A_1917, %reduce_max3A_1918 [0] : vector<40x256xf32> to vector<256xf32>
    %broadcast_in_dim3A_1920 = vector.shape_cast %reduce_max3A_1919 : vector<256xf32> to vector<1x256xf32>
    %concatenate3A_1921 = tpu.concatenate %broadcast_in_dim3A_1584, %broadcast_in_dim3A_1632, %broadcast_in_dim3A_1680, %broadcast_in_dim3A_1728, %broadcast_in_dim3A_1776, %broadcast_in_dim3A_1824, %broadcast_in_dim3A_1872, %broadcast_in_dim3A_1920 in 0 : vector<1x256xf32>, vector<1x256xf32>, vector<1x256xf32>, vector<1x256xf32>, vector<1x256xf32>, vector<1x256xf32>, vector<1x256xf32>, vector<1x256xf32> -> vector<8x256xf32>
    %swap3A_1922 = arith.constant 32 : index
    %swap3A_1923 = arith.constant 0 : index
    %swap3A_1924 = vector.load %arg9[%swap3A_1922, %swap3A_1923] : memref<64x256xf32, #tpu.memory_space<vmem>>, vector<8x256xf32>
    tpu.vector_store %arg9[%swap3A_1922, %swap3A_1923], %concatenate3A_1921 {strides = array<i32>} : memref<64x256xf32, #tpu.memory_space<vmem>>, vector<8x256xf32>,
    %get3A_1925 = arith.index_cast %arg0 : i32 to index
    %get3A_1926 = arith.constant 40 : index
    %get3A_1927 = memref.load %arg1[%get3A_1925, %get3A_1926] : memref<8x64xi32, #tpu.memory_space<smem>>
    %get3A_1928 = arith.index_cast %arg0 : i32 to index
    %get3A_1929 = arith.constant 40 : index
    %get3A_1930 = memref.load %arg2[%get3A_1928, %get3A_1929] : memref<8x64xi32, #tpu.memory_space<smem>>
    %jit3A_1931 = arith.constant 8 : i32
    %div3A_1932 = arith.divsi %get3A_1927, %jit3A_1931 : i32
    %sign3A_1933 = arith.constant 0 : i32
    %sign3A_1934 = arith.cmpi sgt, %get3A_1927, %sign3A_1933 : i32
    %sign3A_1935 = arith.extui %sign3A_1934 : i1 to i32
    %sign3A_1936 = arith.constant 0 : i32
    %sign3A_1937 = arith.cmpi slt, %get3A_1927, %sign3A_1936 : i32
    %sign3A_1938 = arith.extui %sign3A_1937 : i1 to i32
    %sign3A_1939 = arith.subi %sign3A_1935, %sign3A_1938 : i32
    %sign3A_1940 = arith.constant 0 : i32
    %sign3A_1941 = arith.cmpi sgt, %jit3A_1931, %sign3A_1940 : i32
    %sign3A_1942 = arith.extui %sign3A_1941 : i1 to i32
    %sign3A_1943 = arith.constant 0 : i32
    %sign3A_1944 = arith.cmpi slt, %jit3A_1931, %sign3A_1943 : i32
    %sign3A_1945 = arith.extui %sign3A_1944 : i1 to i32
    %sign3A_1946 = arith.subi %sign3A_1942, %sign3A_1945 : i32
    %ne3A_1947 = arith.cmpi ne, %sign3A_1939, %sign3A_1946 : i32
    %rem3A_1948 = arith.remsi %get3A_1927, %jit3A_1931 : i32
    %ne3A_1949 = arith.constant 0 : i32
    %ne3A_1950 = arith.cmpi ne, %rem3A_1948, %ne3A_1949 : i32
    %and3A_1951 = arith.andi %ne3A_1947, %ne3A_1950 : i1
    %sub3A_1952 = arith.constant 1 : i32
    %sub3A_1953 = arith.subi %div3A_1932, %sub3A_1952 : i32
    %select_n3A_1954 = arith.select %and3A_1951, %sub3A_1953, %div3A_1932 : i32
    %mul3A_1955 = arith.constant 8 : i32
    %mul3A_1956 = arith.muli %select_n3A_1954, %mul3A_1955 : i32
    %sub3A_1957 = arith.subi %get3A_1927, %mul3A_1956 : i32
    %get3A_1958 = arith.constant 0 : index
    %get3A_1959 = arith.index_cast %mul3A_1956 : i32 to index
    %get3A_1960 = arith.constant 0 : index
    %get3A_1961 = vector.load %arg3[%get3A_1958, %get3A_1959, %get3A_1960] : memref<1x2048x256xf32, #tpu.memory_space<vmem>>, vector<1x40x256xf32>
    %get3A_1962 = vector.shape_cast %get3A_1961 : vector<1x40x256xf32> to vector<40x256xf32>
    %sub3A_1963 = vector.broadcast %sub3A_1957 : i32 to vector<40x256xi32>
    %sub3A_1964 = arith.subi %iota3A, %sub3A_1963 : vector<40x256xi32>
    %lt3A_1965 = vector.broadcast %get3A_1930 : i32 to vector<40x256xi32>
    %lt3A_1966 = arith.cmpi ult, %sub3A_1964, %lt3A_1965 : vector<40x256xi32>
    %jit3A_1967 = arith.constant -3.40282347E+38 : f32
    %broadcast_in_dim3A_1968 = vector.broadcast %jit3A_1967 : f32 to vector<40x256xf32>
    %select_n3A_1969 = arith.select %lt3A_1966, %get3A_1962, %broadcast_in_dim3A_1968 : vector<40x256xi1>, vector<40x256xf32>
    %reduce_max3A_1970 = arith.constant dense<0xFF800000> : vector<256xf32>
    %reduce_max3A_1971 = vector.multi_reduction <maximumf>, %select_n3A_1969, %reduce_max3A_1970 [0] : vector<40x256xf32> to vector<256xf32>
    %broadcast_in_dim3A_1972 = vector.shape_cast %reduce_max3A_1971 : vector<256xf32> to vector<1x256xf32>
    %get3A_1973 = arith.index_cast %arg0 : i32 to index
    %get3A_1974 = arith.constant 41 : index
    %get3A_1975 = memref.load %arg1[%get3A_1973, %get3A_1974] : memref<8x64xi32, #tpu.memory_space<smem>>
    %get3A_1976 = arith.index_cast %arg0 : i32 to index
    %get3A_1977 = arith.constant 41 : index
    %get3A_1978 = memref.load %arg2[%get3A_1976, %get3A_1977] : memref<8x64xi32, #tpu.memory_space<smem>>
    %jit3A_1979 = arith.constant 8 : i32
    %div3A_1980 = arith.divsi %get3A_1975, %jit3A_1979 : i32
    %sign3A_1981 = arith.constant 0 : i32
    %sign3A_1982 = arith.cmpi sgt, %get3A_1975, %sign3A_1981 : i32
    %sign3A_1983 = arith.extui %sign3A_1982 : i1 to i32
    %sign3A_1984 = arith.constant 0 : i32
    %sign3A_1985 = arith.cmpi slt, %get3A_1975, %sign3A_1984 : i32
    %sign3A_1986 = arith.extui %sign3A_1985 : i1 to i32
    %sign3A_1987 = arith.subi %sign3A_1983, %sign3A_1986 : i32
    %sign3A_1988 = arith.constant 0 : i32
    %sign3A_1989 = arith.cmpi sgt, %jit3A_1979, %sign3A_1988 : i32
    %sign3A_1990 = arith.extui %sign3A_1989 : i1 to i32
    %sign3A_1991 = arith.constant 0 : i32
    %sign3A_1992 = arith.cmpi slt, %jit3A_1979, %sign3A_1991 : i32
    %sign3A_1993 = arith.extui %sign3A_1992 : i1 to i32
    %sign3A_1994 = arith.subi %sign3A_1990, %sign3A_1993 : i32
    %ne3A_1995 = arith.cmpi ne, %sign3A_1987, %sign3A_1994 : i32
    %rem3A_1996 = arith.remsi %get3A_1975, %jit3A_1979 : i32
    %ne3A_1997 = arith.constant 0 : i32
    %ne3A_1998 = arith.cmpi ne, %rem3A_1996, %ne3A_1997 : i32
    %and3A_1999 = arith.andi %ne3A_1995, %ne3A_1998 : i1
    %sub3A_2000 = arith.constant 1 : i32
    %sub3A_2001 = arith.subi %div3A_1980, %sub3A_2000 : i32
    %select_n3A_2002 = arith.select %and3A_1999, %sub3A_2001, %div3A_1980 : i32
    %mul3A_2003 = arith.constant 8 : i32
    %mul3A_2004 = arith.muli %select_n3A_2002, %mul3A_2003 : i32
    %sub3A_2005 = arith.subi %get3A_1975, %mul3A_2004 : i32
    %get3A_2006 = arith.constant 0 : index
    %get3A_2007 = arith.index_cast %mul3A_2004 : i32 to index
    %get3A_2008 = arith.constant 0 : index
    %get3A_2009 = vector.load %arg3[%get3A_2006, %get3A_2007, %get3A_2008] : memref<1x2048x256xf32, #tpu.memory_space<vmem>>, vector<1x40x256xf32>
    %get3A_2010 = vector.shape_cast %get3A_2009 : vector<1x40x256xf32> to vector<40x256xf32>
    %sub3A_2011 = vector.broadcast %sub3A_2005 : i32 to vector<40x256xi32>
    %sub3A_2012 = arith.subi %iota3A, %sub3A_2011 : vector<40x256xi32>
    %lt3A_2013 = vector.broadcast %get3A_1978 : i32 to vector<40x256xi32>
    %lt3A_2014 = arith.cmpi ult, %sub3A_2012, %lt3A_2013 : vector<40x256xi32>
    %jit3A_2015 = arith.constant -3.40282347E+38 : f32
    %broadcast_in_dim3A_2016 = vector.broadcast %jit3A_2015 : f32 to vector<40x256xf32>
    %select_n3A_2017 = arith.select %lt3A_2014, %get3A_2010, %broadcast_in_dim3A_2016 : vector<40x256xi1>, vector<40x256xf32>
    %reduce_max3A_2018 = arith.constant dense<0xFF800000> : vector<256xf32>
    %reduce_max3A_2019 = vector.multi_reduction <maximumf>, %select_n3A_2017, %reduce_max3A_2018 [0] : vector<40x256xf32> to vector<256xf32>
    %broadcast_in_dim3A_2020 = vector.shape_cast %reduce_max3A_2019 : vector<256xf32> to vector<1x256xf32>
    %get3A_2021 = arith.index_cast %arg0 : i32 to index
    %get3A_2022 = arith.constant 42 : index
    %get3A_2023 = memref.load %arg1[%get3A_2021, %get3A_2022] : memref<8x64xi32, #tpu.memory_space<smem>>
    %get3A_2024 = arith.index_cast %arg0 : i32 to index
    %get3A_2025 = arith.constant 42 : index
    %get3A_2026 = memref.load %arg2[%get3A_2024, %get3A_2025] : memref<8x64xi32, #tpu.memory_space<smem>>
    %jit3A_2027 = arith.constant 8 : i32
    %div3A_2028 = arith.divsi %get3A_2023, %jit3A_2027 : i32
    %sign3A_2029 = arith.constant 0 : i32
    %sign3A_2030 = arith.cmpi sgt, %get3A_2023, %sign3A_2029 : i32
    %sign3A_2031 = arith.extui %sign3A_2030 : i1 to i32
    %sign3A_2032 = arith.constant 0 : i32
    %sign3A_2033 = arith.cmpi slt, %get3A_2023, %sign3A_2032 : i32
    %sign3A_2034 = arith.extui %sign3A_2033 : i1 to i32
    %sign3A_2035 = arith.subi %sign3A_2031, %sign3A_2034 : i32
    %sign3A_2036 = arith.constant 0 : i32
    %sign3A_2037 = arith.cmpi sgt, %jit3A_2027, %sign3A_2036 : i32
    %sign3A_2038 = arith.extui %sign3A_2037 : i1 to i32
    %sign3A_2039 = arith.constant 0 : i32
    %sign3A_2040 = arith.cmpi slt, %jit3A_2027, %sign3A_2039 : i32
    %sign3A_2041 = arith.extui %sign3A_2040 : i1 to i32
    %sign3A_2042 = arith.subi %sign3A_2038, %sign3A_2041 : i32
    %ne3A_2043 = arith.cmpi ne, %sign3A_2035, %sign3A_2042 : i32
    %rem3A_2044 = arith.remsi %get3A_2023, %jit3A_2027 : i32
    %ne3A_2045 = arith.constant 0 : i32
    %ne3A_2046 = arith.cmpi ne, %rem3A_2044, %ne3A_2045 : i32
    %and3A_2047 = arith.andi %ne3A_2043, %ne3A_2046 : i1
    %sub3A_2048 = arith.constant 1 : i32
    %sub3A_2049 = arith.subi %div3A_2028, %sub3A_2048 : i32
    %select_n3A_2050 = arith.select %and3A_2047, %sub3A_2049, %div3A_2028 : i32
    %mul3A_2051 = arith.constant 8 : i32
    %mul3A_2052 = arith.muli %select_n3A_2050, %mul3A_2051 : i32
    %sub3A_2053 = arith.subi %get3A_2023, %mul3A_2052 : i32
    %get3A_2054 = arith.constant 0 : index
    %get3A_2055 = arith.index_cast %mul3A_2052 : i32 to index
    %get3A_2056 = arith.constant 0 : index
    %get3A_2057 = vector.load %arg3[%get3A_2054, %get3A_2055, %get3A_2056] : memref<1x2048x256xf32, #tpu.memory_space<vmem>>, vector<1x40x256xf32>
    %get3A_2058 = vector.shape_cast %get3A_2057 : vector<1x40x256xf32> to vector<40x256xf32>
    %sub3A_2059 = vector.broadcast %sub3A_2053 : i32 to vector<40x256xi32>
    %sub3A_2060 = arith.subi %iota3A, %sub3A_2059 : vector<40x256xi32>
    %lt3A_2061 = vector.broadcast %get3A_2026 : i32 to vector<40x256xi32>
    %lt3A_2062 = arith.cmpi ult, %sub3A_2060, %lt3A_2061 : vector<40x256xi32>
    %jit3A_2063 = arith.constant -3.40282347E+38 : f32
    %broadcast_in_dim3A_2064 = vector.broadcast %jit3A_2063 : f32 to vector<40x256xf32>
    %select_n3A_2065 = arith.select %lt3A_2062, %get3A_2058, %broadcast_in_dim3A_2064 : vector<40x256xi1>, vector<40x256xf32>
    %reduce_max3A_2066 = arith.constant dense<0xFF800000> : vector<256xf32>
    %reduce_max3A_2067 = vector.multi_reduction <maximumf>, %select_n3A_2065, %reduce_max3A_2066 [0] : vector<40x256xf32> to vector<256xf32>
    %broadcast_in_dim3A_2068 = vector.shape_cast %reduce_max3A_2067 : vector<256xf32> to vector<1x256xf32>
    %get3A_2069 = arith.index_cast %arg0 : i32 to index
    %get3A_2070 = arith.constant 43 : index
    %get3A_2071 = memref.load %arg1[%get3A_2069, %get3A_2070] : memref<8x64xi32, #tpu.memory_space<smem>>
    %get3A_2072 = arith.index_cast %arg0 : i32 to index
    %get3A_2073 = arith.constant 43 : index
    %get3A_2074 = memref.load %arg2[%get3A_2072, %get3A_2073] : memref<8x64xi32, #tpu.memory_space<smem>>
    %jit3A_2075 = arith.constant 8 : i32
    %div3A_2076 = arith.divsi %get3A_2071, %jit3A_2075 : i32
    %sign3A_2077 = arith.constant 0 : i32
    %sign3A_2078 = arith.cmpi sgt, %get3A_2071, %sign3A_2077 : i32
    %sign3A_2079 = arith.extui %sign3A_2078 : i1 to i32
    %sign3A_2080 = arith.constant 0 : i32
    %sign3A_2081 = arith.cmpi slt, %get3A_2071, %sign3A_2080 : i32
    %sign3A_2082 = arith.extui %sign3A_2081 : i1 to i32
    %sign3A_2083 = arith.subi %sign3A_2079, %sign3A_2082 : i32
    %sign3A_2084 = arith.constant 0 : i32
    %sign3A_2085 = arith.cmpi sgt, %jit3A_2075, %sign3A_2084 : i32
    %sign3A_2086 = arith.extui %sign3A_2085 : i1 to i32
    %sign3A_2087 = arith.constant 0 : i32
    %sign3A_2088 = arith.cmpi slt, %jit3A_2075, %sign3A_2087 : i32
    %sign3A_2089 = arith.extui %sign3A_2088 : i1 to i32
    %sign3A_2090 = arith.subi %sign3A_2086, %sign3A_2089 : i32
    %ne3A_2091 = arith.cmpi ne, %sign3A_2083, %sign3A_2090 : i32
    %rem3A_2092 = arith.remsi %get3A_2071, %jit3A_2075 : i32
    %ne3A_2093 = arith.constant 0 : i32
    %ne3A_2094 = arith.cmpi ne, %rem3A_2092, %ne3A_2093 : i32
    %and3A_2095 = arith.andi %ne3A_2091, %ne3A_2094 : i1
    %sub3A_2096 = arith.constant 1 : i32
    %sub3A_2097 = arith.subi %div3A_2076, %sub3A_2096 : i32
    %select_n3A_2098 = arith.select %and3A_2095, %sub3A_2097, %div3A_2076 : i32
    %mul3A_2099 = arith.constant 8 : i32
    %mul3A_2100 = arith.muli %select_n3A_2098, %mul3A_2099 : i32
    %sub3A_2101 = arith.subi %get3A_2071, %mul3A_2100 : i32
    %get3A_2102 = arith.constant 0 : index
    %get3A_2103 = arith.index_cast %mul3A_2100 : i32 to index
    %get3A_2104 = arith.constant 0 : index
    %get3A_2105 = vector.load %arg3[%get3A_2102, %get3A_2103, %get3A_2104] : memref<1x2048x256xf32, #tpu.memory_space<vmem>>, vector<1x40x256xf32>
    %get3A_2106 = vector.shape_cast %get3A_2105 : vector<1x40x256xf32> to vector<40x256xf32>
    %sub3A_2107 = vector.broadcast %sub3A_2101 : i32 to vector<40x256xi32>
    %sub3A_2108 = arith.subi %iota3A, %sub3A_2107 : vector<40x256xi32>
    %lt3A_2109 = vector.broadcast %get3A_2074 : i32 to vector<40x256xi32>
    %lt3A_2110 = arith.cmpi ult, %sub3A_2108, %lt3A_2109 : vector<40x256xi32>
    %jit3A_2111 = arith.constant -3.40282347E+38 : f32
    %broadcast_in_dim3A_2112 = vector.broadcast %jit3A_2111 : f32 to vector<40x256xf32>
    %select_n3A_2113 = arith.select %lt3A_2110, %get3A_2106, %broadcast_in_dim3A_2112 : vector<40x256xi1>, vector<40x256xf32>
    %reduce_max3A_2114 = arith.constant dense<0xFF800000> : vector<256xf32>
    %reduce_max3A_2115 = vector.multi_reduction <maximumf>, %select_n3A_2113, %reduce_max3A_2114 [0] : vector<40x256xf32> to vector<256xf32>
    %broadcast_in_dim3A_2116 = vector.shape_cast %reduce_max3A_2115 : vector<256xf32> to vector<1x256xf32>
    %get3A_2117 = arith.index_cast %arg0 : i32 to index
    %get3A_2118 = arith.constant 44 : index
    %get3A_2119 = memref.load %arg1[%get3A_2117, %get3A_2118] : memref<8x64xi32, #tpu.memory_space<smem>>
    %get3A_2120 = arith.index_cast %arg0 : i32 to index
    %get3A_2121 = arith.constant 44 : index
    %get3A_2122 = memref.load %arg2[%get3A_2120, %get3A_2121] : memref<8x64xi32, #tpu.memory_space<smem>>
    %jit3A_2123 = arith.constant 8 : i32
    %div3A_2124 = arith.divsi %get3A_2119, %jit3A_2123 : i32
    %sign3A_2125 = arith.constant 0 : i32
    %sign3A_2126 = arith.cmpi sgt, %get3A_2119, %sign3A_2125 : i32
    %sign3A_2127 = arith.extui %sign3A_2126 : i1 to i32
    %sign3A_2128 = arith.constant 0 : i32
    %sign3A_2129 = arith.cmpi slt, %get3A_2119, %sign3A_2128 : i32
    %sign3A_2130 = arith.extui %sign3A_2129 : i1 to i32
    %sign3A_2131 = arith.subi %sign3A_2127, %sign3A_2130 : i32
    %sign3A_2132 = arith.constant 0 : i32
    %sign3A_2133 = arith.cmpi sgt, %jit3A_2123, %sign3A_2132 : i32
    %sign3A_2134 = arith.extui %sign3A_2133 : i1 to i32
    %sign3A_2135 = arith.constant 0 : i32
    %sign3A_2136 = arith.cmpi slt, %jit3A_2123, %sign3A_2135 : i32
    %sign3A_2137 = arith.extui %sign3A_2136 : i1 to i32
    %sign3A_2138 = arith.subi %sign3A_2134, %sign3A_2137 : i32
    %ne3A_2139 = arith.cmpi ne, %sign3A_2131, %sign3A_2138 : i32
    %rem3A_2140 = arith.remsi %get3A_2119, %jit3A_2123 : i32
    %ne3A_2141 = arith.constant 0 : i32
    %ne3A_2142 = arith.cmpi ne, %rem3A_2140, %ne3A_2141 : i32
    %and3A_2143 = arith.andi %ne3A_2139, %ne3A_2142 : i1
    %sub3A_2144 = arith.constant 1 : i32
    %sub3A_2145 = arith.subi %div3A_2124, %sub3A_2144 : i32
    %select_n3A_2146 = arith.select %and3A_2143, %sub3A_2145, %div3A_2124 : i32
    %mul3A_2147 = arith.constant 8 : i32
    %mul3A_2148 = arith.muli %select_n3A_2146, %mul3A_2147 : i32
    %sub3A_2149 = arith.subi %get3A_2119, %mul3A_2148 : i32
    %get3A_2150 = arith.constant 0 : index
    %get3A_2151 = arith.index_cast %mul3A_2148 : i32 to index
    %get3A_2152 = arith.constant 0 : index
    %get3A_2153 = vector.load %arg3[%get3A_2150, %get3A_2151, %get3A_2152] : memref<1x2048x256xf32, #tpu.memory_space<vmem>>, vector<1x40x256xf32>
    %get3A_2154 = vector.shape_cast %get3A_2153 : vector<1x40x256xf32> to vector<40x256xf32>
    %sub3A_2155 = vector.broadcast %sub3A_2149 : i32 to vector<40x256xi32>
    %sub3A_2156 = arith.subi %iota3A, %sub3A_2155 : vector<40x256xi32>
    %lt3A_2157 = vector.broadcast %get3A_2122 : i32 to vector<40x256xi32>
    %lt3A_2158 = arith.cmpi ult, %sub3A_2156, %lt3A_2157 : vector<40x256xi32>
    %jit3A_2159 = arith.constant -3.40282347E+38 : f32
    %broadcast_in_dim3A_2160 = vector.broadcast %jit3A_2159 : f32 to vector<40x256xf32>
    %select_n3A_2161 = arith.select %lt3A_2158, %get3A_2154, %broadcast_in_dim3A_2160 : vector<40x256xi1>, vector<40x256xf32>
    %reduce_max3A_2162 = arith.constant dense<0xFF800000> : vector<256xf32>
    %reduce_max3A_2163 = vector.multi_reduction <maximumf>, %select_n3A_2161, %reduce_max3A_2162 [0] : vector<40x256xf32> to vector<256xf32>
    %broadcast_in_dim3A_2164 = vector.shape_cast %reduce_max3A_2163 : vector<256xf32> to vector<1x256xf32>
    %get3A_2165 = arith.index_cast %arg0 : i32 to index
    %get3A_2166 = arith.constant 45 : index
    %get3A_2167 = memref.load %arg1[%get3A_2165, %get3A_2166] : memref<8x64xi32, #tpu.memory_space<smem>>
    %get3A_2168 = arith.index_cast %arg0 : i32 to index
    %get3A_2169 = arith.constant 45 : index
    %get3A_2170 = memref.load %arg2[%get3A_2168, %get3A_2169] : memref<8x64xi32, #tpu.memory_space<smem>>
    %jit3A_2171 = arith.constant 8 : i32
    %div3A_2172 = arith.divsi %get3A_2167, %jit3A_2171 : i32
    %sign3A_2173 = arith.constant 0 : i32
    %sign3A_2174 = arith.cmpi sgt, %get3A_2167, %sign3A_2173 : i32
    %sign3A_2175 = arith.extui %sign3A_2174 : i1 to i32
    %sign3A_2176 = arith.constant 0 : i32
    %sign3A_2177 = arith.cmpi slt, %get3A_2167, %sign3A_2176 : i32
    %sign3A_2178 = arith.extui %sign3A_2177 : i1 to i32
    %sign3A_2179 = arith.subi %sign3A_2175, %sign3A_2178 : i32
    %sign3A_2180 = arith.constant 0 : i32
    %sign3A_2181 = arith.cmpi sgt, %jit3A_2171, %sign3A_2180 : i32
    %sign3A_2182 = arith.extui %sign3A_2181 : i1 to i32
    %sign3A_2183 = arith.constant 0 : i32
    %sign3A_2184 = arith.cmpi slt, %jit3A_2171, %sign3A_2183 : i32
    %sign3A_2185 = arith.extui %sign3A_2184 : i1 to i32
    %sign3A_2186 = arith.subi %sign3A_2182, %sign3A_2185 : i32
    %ne3A_2187 = arith.cmpi ne, %sign3A_2179, %sign3A_2186 : i32
    %rem3A_2188 = arith.remsi %get3A_2167, %jit3A_2171 : i32
    %ne3A_2189 = arith.constant 0 : i32
    %ne3A_2190 = arith.cmpi ne, %rem3A_2188, %ne3A_2189 : i32
    %and3A_2191 = arith.andi %ne3A_2187, %ne3A_2190 : i1
    %sub3A_2192 = arith.constant 1 : i32
    %sub3A_2193 = arith.subi %div3A_2172, %sub3A_2192 : i32
    %select_n3A_2194 = arith.select %and3A_2191, %sub3A_2193, %div3A_2172 : i32
    %mul3A_2195 = arith.constant 8 : i32
    %mul3A_2196 = arith.muli %select_n3A_2194, %mul3A_2195 : i32
    %sub3A_2197 = arith.subi %get3A_2167, %mul3A_2196 : i32
    %get3A_2198 = arith.constant 0 : index
    %get3A_2199 = arith.index_cast %mul3A_2196 : i32 to index
    %get3A_2200 = arith.constant 0 : index
    %get3A_2201 = vector.load %arg3[%get3A_2198, %get3A_2199, %get3A_2200] : memref<1x2048x256xf32, #tpu.memory_space<vmem>>, vector<1x40x256xf32>
    %get3A_2202 = vector.shape_cast %get3A_2201 : vector<1x40x256xf32> to vector<40x256xf32>
    %sub3A_2203 = vector.broadcast %sub3A_2197 : i32 to vector<40x256xi32>
    %sub3A_2204 = arith.subi %iota3A, %sub3A_2203 : vector<40x256xi32>
    %lt3A_2205 = vector.broadcast %get3A_2170 : i32 to vector<40x256xi32>
    %lt3A_2206 = arith.cmpi ult, %sub3A_2204, %lt3A_2205 : vector<40x256xi32>
    %jit3A_2207 = arith.constant -3.40282347E+38 : f32
    %broadcast_in_dim3A_2208 = vector.broadcast %jit3A_2207 : f32 to vector<40x256xf32>
    %select_n3A_2209 = arith.select %lt3A_2206, %get3A_2202, %broadcast_in_dim3A_2208 : vector<40x256xi1>, vector<40x256xf32>
    %reduce_max3A_2210 = arith.constant dense<0xFF800000> : vector<256xf32>
    %reduce_max3A_2211 = vector.multi_reduction <maximumf>, %select_n3A_2209, %reduce_max3A_2210 [0] : vector<40x256xf32> to vector<256xf32>
    %broadcast_in_dim3A_2212 = vector.shape_cast %reduce_max3A_2211 : vector<256xf32> to vector<1x256xf32>
    %get3A_2213 = arith.index_cast %arg0 : i32 to index
    %get3A_2214 = arith.constant 46 : index
    %get3A_2215 = memref.load %arg1[%get3A_2213, %get3A_2214] : memref<8x64xi32, #tpu.memory_space<smem>>
    %get3A_2216 = arith.index_cast %arg0 : i32 to index
    %get3A_2217 = arith.constant 46 : index
    %get3A_2218 = memref.load %arg2[%get3A_2216, %get3A_2217] : memref<8x64xi32, #tpu.memory_space<smem>>
    %jit3A_2219 = arith.constant 8 : i32
    %div3A_2220 = arith.divsi %get3A_2215, %jit3A_2219 : i32
    %sign3A_2221 = arith.constant 0 : i32
    %sign3A_2222 = arith.cmpi sgt, %get3A_2215, %sign3A_2221 : i32
    %sign3A_2223 = arith.extui %sign3A_2222 : i1 to i32
    %sign3A_2224 = arith.constant 0 : i32
    %sign3A_2225 = arith.cmpi slt, %get3A_2215, %sign3A_2224 : i32
    %sign3A_2226 = arith.extui %sign3A_2225 : i1 to i32
    %sign3A_2227 = arith.subi %sign3A_2223, %sign3A_2226 : i32
    %sign3A_2228 = arith.constant 0 : i32
    %sign3A_2229 = arith.cmpi sgt, %jit3A_2219, %sign3A_2228 : i32
    %sign3A_2230 = arith.extui %sign3A_2229 : i1 to i32
    %sign3A_2231 = arith.constant 0 : i32
    %sign3A_2232 = arith.cmpi slt, %jit3A_2219, %sign3A_2231 : i32
    %sign3A_2233 = arith.extui %sign3A_2232 : i1 to i32
    %sign3A_2234 = arith.subi %sign3A_2230, %sign3A_2233 : i32
    %ne3A_2235 = arith.cmpi ne, %sign3A_2227, %sign3A_2234 : i32
    %rem3A_2236 = arith.remsi %get3A_2215, %jit3A_2219 : i32
    %ne3A_2237 = arith.constant 0 : i32
    %ne3A_2238 = arith.cmpi ne, %rem3A_2236, %ne3A_2237 : i32
    %and3A_2239 = arith.andi %ne3A_2235, %ne3A_2238 : i1
    %sub3A_2240 = arith.constant 1 : i32
    %sub3A_2241 = arith.subi %div3A_2220, %sub3A_2240 : i32
    %select_n3A_2242 = arith.select %and3A_2239, %sub3A_2241, %div3A_2220 : i32
    %mul3A_2243 = arith.constant 8 : i32
    %mul3A_2244 = arith.muli %select_n3A_2242, %mul3A_2243 : i32
    %sub3A_2245 = arith.subi %get3A_2215, %mul3A_2244 : i32
    %get3A_2246 = arith.constant 0 : index
    %get3A_2247 = arith.index_cast %mul3A_2244 : i32 to index
    %get3A_2248 = arith.constant 0 : index
    %get3A_2249 = vector.load %arg3[%get3A_2246, %get3A_2247, %get3A_2248] : memref<1x2048x256xf32, #tpu.memory_space<vmem>>, vector<1x40x256xf32>
    %get3A_2250 = vector.shape_cast %get3A_2249 : vector<1x40x256xf32> to vector<40x256xf32>
    %sub3A_2251 = vector.broadcast %sub3A_2245 : i32 to vector<40x256xi32>
    %sub3A_2252 = arith.subi %iota3A, %sub3A_2251 : vector<40x256xi32>
    %lt3A_2253 = vector.broadcast %get3A_2218 : i32 to vector<40x256xi32>
    %lt3A_2254 = arith.cmpi ult, %sub3A_2252, %lt3A_2253 : vector<40x256xi32>
    %jit3A_2255 = arith.constant -3.40282347E+38 : f32
    %broadcast_in_dim3A_2256 = vector.broadcast %jit3A_2255 : f32 to vector<40x256xf32>
    %select_n3A_2257 = arith.select %lt3A_2254, %get3A_2250, %broadcast_in_dim3A_2256 : vector<40x256xi1>, vector<40x256xf32>
    %reduce_max3A_2258 = arith.constant dense<0xFF800000> : vector<256xf32>
    %reduce_max3A_2259 = vector.multi_reduction <maximumf>, %select_n3A_2257, %reduce_max3A_2258 [0] : vector<40x256xf32> to vector<256xf32>
    %broadcast_in_dim3A_2260 = vector.shape_cast %reduce_max3A_2259 : vector<256xf32> to vector<1x256xf32>
    %get3A_2261 = arith.index_cast %arg0 : i32 to index
    %get3A_2262 = arith.constant 47 : index
    %get3A_2263 = memref.load %arg1[%get3A_2261, %get3A_2262] : memref<8x64xi32, #tpu.memory_space<smem>>
    %get3A_2264 = arith.index_cast %arg0 : i32 to index
    %get3A_2265 = arith.constant 47 : index
    %get3A_2266 = memref.load %arg2[%get3A_2264, %get3A_2265] : memref<8x64xi32, #tpu.memory_space<smem>>
    %jit3A_2267 = arith.constant 8 : i32
    %div3A_2268 = arith.divsi %get3A_2263, %jit3A_2267 : i32
    %sign3A_2269 = arith.constant 0 : i32
    %sign3A_2270 = arith.cmpi sgt, %get3A_2263, %sign3A_2269 : i32
    %sign3A_2271 = arith.extui %sign3A_2270 : i1 to i32
    %sign3A_2272 = arith.constant 0 : i32
    %sign3A_2273 = arith.cmpi slt, %get3A_2263, %sign3A_2272 : i32
    %sign3A_2274 = arith.extui %sign3A_2273 : i1 to i32
    %sign3A_2275 = arith.subi %sign3A_2271, %sign3A_2274 : i32
    %sign3A_2276 = arith.constant 0 : i32
    %sign3A_2277 = arith.cmpi sgt, %jit3A_2267, %sign3A_2276 : i32
    %sign3A_2278 = arith.extui %sign3A_2277 : i1 to i32
    %sign3A_2279 = arith.constant 0 : i32
    %sign3A_2280 = arith.cmpi slt, %jit3A_2267, %sign3A_2279 : i32
    %sign3A_2281 = arith.extui %sign3A_2280 : i1 to i32
    %sign3A_2282 = arith.subi %sign3A_2278, %sign3A_2281 : i32
    %ne3A_2283 = arith.cmpi ne, %sign3A_2275, %sign3A_2282 : i32
    %rem3A_2284 = arith.remsi %get3A_2263, %jit3A_2267 : i32
    %ne3A_2285 = arith.constant 0 : i32
    %ne3A_2286 = arith.cmpi ne, %rem3A_2284, %ne3A_2285 : i32
    %and3A_2287 = arith.andi %ne3A_2283, %ne3A_2286 : i1
    %sub3A_2288 = arith.constant 1 : i32
    %sub3A_2289 = arith.subi %div3A_2268, %sub3A_2288 : i32
    %select_n3A_2290 = arith.select %and3A_2287, %sub3A_2289, %div3A_2268 : i32
    %mul3A_2291 = arith.constant 8 : i32
    %mul3A_2292 = arith.muli %select_n3A_2290, %mul3A_2291 : i32
    %sub3A_2293 = arith.subi %get3A_2263, %mul3A_2292 : i32
    %get3A_2294 = arith.constant 0 : index
    %get3A_2295 = arith.index_cast %mul3A_2292 : i32 to index
    %get3A_2296 = arith.constant 0 : index
    %get3A_2297 = vector.load %arg3[%get3A_2294, %get3A_2295, %get3A_2296] : memref<1x2048x256xf32, #tpu.memory_space<vmem>>, vector<1x40x256xf32>
    %get3A_2298 = vector.shape_cast %get3A_2297 : vector<1x40x256xf32> to vector<40x256xf32>
    %sub3A_2299 = vector.broadcast %sub3A_2293 : i32 to vector<40x256xi32>
    %sub3A_2300 = arith.subi %iota3A, %sub3A_2299 : vector<40x256xi32>
    %lt3A_2301 = vector.broadcast %get3A_2266 : i32 to vector<40x256xi32>
    %lt3A_2302 = arith.cmpi ult, %sub3A_2300, %lt3A_2301 : vector<40x256xi32>
    %jit3A_2303 = arith.constant -3.40282347E+38 : f32
    %broadcast_in_dim3A_2304 = vector.broadcast %jit3A_2303 : f32 to vector<40x256xf32>
    %select_n3A_2305 = arith.select %lt3A_2302, %get3A_2298, %broadcast_in_dim3A_2304 : vector<40x256xi1>, vector<40x256xf32>
    %reduce_max3A_2306 = arith.constant dense<0xFF800000> : vector<256xf32>
    %reduce_max3A_2307 = vector.multi_reduction <maximumf>, %select_n3A_2305, %reduce_max3A_2306 [0] : vector<40x256xf32> to vector<256xf32>
    %broadcast_in_dim3A_2308 = vector.shape_cast %reduce_max3A_2307 : vector<256xf32> to vector<1x256xf32>
    %concatenate3A_2309 = tpu.concatenate %broadcast_in_dim3A_1972, %broadcast_in_dim3A_2020, %broadcast_in_dim3A_2068, %broadcast_in_dim3A_2116, %broadcast_in_dim3A_2164, %broadcast_in_dim3A_2212, %broadcast_in_dim3A_2260, %broadcast_in_dim3A_2308 in 0 : vector<1x256xf32>, vector<1x256xf32>, vector<1x256xf32>, vector<1x256xf32>, vector<1x256xf32>, vector<1x256xf32>, vector<1x256xf32>, vector<1x256xf32> -> vector<8x256xf32>
    %swap3A_2310 = arith.constant 40 : index
    %swap3A_2311 = arith.constant 0 : index
    %swap3A_2312 = vector.load %arg9[%swap3A_2310, %swap3A_2311] : memref<64x256xf32, #tpu.memory_space<vmem>>, vector<8x256xf32>
    tpu.vector_store %arg9[%swap3A_2310, %swap3A_2311], %concatenate3A_2309 {strides = array<i32>} : memref<64x256xf32, #tpu.memory_space<vmem>>, vector<8x256xf32>,
    %get3A_2313 = arith.index_cast %arg0 : i32 to index
    %get3A_2314 = arith.constant 48 : index
    %get3A_2315 = memref.load %arg1[%get3A_2313, %get3A_2314] : memref<8x64xi32, #tpu.memory_space<smem>>
    %get3A_2316 = arith.index_cast %arg0 : i32 to index
    %get3A_2317 = arith.constant 48 : index
    %get3A_2318 = memref.load %arg2[%get3A_2316, %get3A_2317] : memref<8x64xi32, #tpu.memory_space<smem>>
    %jit3A_2319 = arith.constant 8 : i32
    %div3A_2320 = arith.divsi %get3A_2315, %jit3A_2319 : i32
    %sign3A_2321 = arith.constant 0 : i32
    %sign3A_2322 = arith.cmpi sgt, %get3A_2315, %sign3A_2321 : i32
    %sign3A_2323 = arith.extui %sign3A_2322 : i1 to i32
    %sign3A_2324 = arith.constant 0 : i32
    %sign3A_2325 = arith.cmpi slt, %get3A_2315, %sign3A_2324 : i32
    %sign3A_2326 = arith.extui %sign3A_2325 : i1 to i32
    %sign3A_2327 = arith.subi %sign3A_2323, %sign3A_2326 : i32
    %sign3A_2328 = arith.constant 0 : i32
    %sign3A_2329 = arith.cmpi sgt, %jit3A_2319, %sign3A_2328 : i32
    %sign3A_2330 = arith.extui %sign3A_2329 : i1 to i32
    %sign3A_2331 = arith.constant 0 : i32
    %sign3A_2332 = arith.cmpi slt, %jit3A_2319, %sign3A_2331 : i32
    %sign3A_2333 = arith.extui %sign3A_2332 : i1 to i32
    %sign3A_2334 = arith.subi %sign3A_2330, %sign3A_2333 : i32
    %ne3A_2335 = arith.cmpi ne, %sign3A_2327, %sign3A_2334 : i32
    %rem3A_2336 = arith.remsi %get3A_2315, %jit3A_2319 : i32
    %ne3A_2337 = arith.constant 0 : i32
    %ne3A_2338 = arith.cmpi ne, %rem3A_2336, %ne3A_2337 : i32
    %and3A_2339 = arith.andi %ne3A_2335, %ne3A_2338 : i1
    %sub3A_2340 = arith.constant 1 : i32
    %sub3A_2341 = arith.subi %div3A_2320, %sub3A_2340 : i32
    %select_n3A_2342 = arith.select %and3A_2339, %sub3A_2341, %div3A_2320 : i32
    %mul3A_2343 = arith.constant 8 : i32
    %mul3A_2344 = arith.muli %select_n3A_2342, %mul3A_2343 : i32
    %sub3A_2345 = arith.subi %get3A_2315, %mul3A_2344 : i32
    %get3A_2346 = arith.constant 0 : index
    %get3A_2347 = arith.index_cast %mul3A_2344 : i32 to index
    %get3A_2348 = arith.constant 0 : index
    %get3A_2349 = vector.load %arg3[%get3A_2346, %get3A_2347, %get3A_2348] : memref<1x2048x256xf32, #tpu.memory_space<vmem>>, vector<1x40x256xf32>
    %get3A_2350 = vector.shape_cast %get3A_2349 : vector<1x40x256xf32> to vector<40x256xf32>
    %sub3A_2351 = vector.broadcast %sub3A_2345 : i32 to vector<40x256xi32>
    %sub3A_2352 = arith.subi %iota3A, %sub3A_2351 : vector<40x256xi32>
    %lt3A_2353 = vector.broadcast %get3A_2318 : i32 to vector<40x256xi32>
    %lt3A_2354 = arith.cmpi ult, %sub3A_2352, %lt3A_2353 : vector<40x256xi32>
    %jit3A_2355 = arith.constant -3.40282347E+38 : f32
    %broadcast_in_dim3A_2356 = vector.broadcast %jit3A_2355 : f32 to vector<40x256xf32>
    %select_n3A_2357 = arith.select %lt3A_2354, %get3A_2350, %broadcast_in_dim3A_2356 : vector<40x256xi1>, vector<40x256xf32>
    %reduce_max3A_2358 = arith.constant dense<0xFF800000> : vector<256xf32>
    %reduce_max3A_2359 = vector.multi_reduction <maximumf>, %select_n3A_2357, %reduce_max3A_2358 [0] : vector<40x256xf32> to vector<256xf32>
    %broadcast_in_dim3A_2360 = vector.shape_cast %reduce_max3A_2359 : vector<256xf32> to vector<1x256xf32>
    %get3A_2361 = arith.index_cast %arg0 : i32 to index
    %get3A_2362 = arith.constant 49 : index
    %get3A_2363 = memref.load %arg1[%get3A_2361, %get3A_2362] : memref<8x64xi32, #tpu.memory_space<smem>>
    %get3A_2364 = arith.index_cast %arg0 : i32 to index
    %get3A_2365 = arith.constant 49 : index
    %get3A_2366 = memref.load %arg2[%get3A_2364, %get3A_2365] : memref<8x64xi32, #tpu.memory_space<smem>>
    %jit3A_2367 = arith.constant 8 : i32
    %div3A_2368 = arith.divsi %get3A_2363, %jit3A_2367 : i32
    %sign3A_2369 = arith.constant 0 : i32
    %sign3A_2370 = arith.cmpi sgt, %get3A_2363, %sign3A_2369 : i32
    %sign3A_2371 = arith.extui %sign3A_2370 : i1 to i32
    %sign3A_2372 = arith.constant 0 : i32
    %sign3A_2373 = arith.cmpi slt, %get3A_2363, %sign3A_2372 : i32
    %sign3A_2374 = arith.extui %sign3A_2373 : i1 to i32
    %sign3A_2375 = arith.subi %sign3A_2371, %sign3A_2374 : i32
    %sign3A_2376 = arith.constant 0 : i32
    %sign3A_2377 = arith.cmpi sgt, %jit3A_2367, %sign3A_2376 : i32
    %sign3A_2378 = arith.extui %sign3A_2377 : i1 to i32
    %sign3A_2379 = arith.constant 0 : i32
    %sign3A_2380 = arith.cmpi slt, %jit3A_2367, %sign3A_2379 : i32
    %sign3A_2381 = arith.extui %sign3A_2380 : i1 to i32
    %sign3A_2382 = arith.subi %sign3A_2378, %sign3A_2381 : i32
    %ne3A_2383 = arith.cmpi ne, %sign3A_2375, %sign3A_2382 : i32
    %rem3A_2384 = arith.remsi %get3A_2363, %jit3A_2367 : i32
    %ne3A_2385 = arith.constant 0 : i32
    %ne3A_2386 = arith.cmpi ne, %rem3A_2384, %ne3A_2385 : i32
    %and3A_2387 = arith.andi %ne3A_2383, %ne3A_2386 : i1
    %sub3A_2388 = arith.constant 1 : i32
    %sub3A_2389 = arith.subi %div3A_2368, %sub3A_2388 : i32
    %select_n3A_2390 = arith.select %and3A_2387, %sub3A_2389, %div3A_2368 : i32
    %mul3A_2391 = arith.constant 8 : i32
    %mul3A_2392 = arith.muli %select_n3A_2390, %mul3A_2391 : i32
    %sub3A_2393 = arith.subi %get3A_2363, %mul3A_2392 : i32
    %get3A_2394 = arith.constant 0 : index
    %get3A_2395 = arith.index_cast %mul3A_2392 : i32 to index
    %get3A_2396 = arith.constant 0 : index
    %get3A_2397 = vector.load %arg3[%get3A_2394, %get3A_2395, %get3A_2396] : memref<1x2048x256xf32, #tpu.memory_space<vmem>>, vector<1x40x256xf32>
    %get3A_2398 = vector.shape_cast %get3A_2397 : vector<1x40x256xf32> to vector<40x256xf32>
    %sub3A_2399 = vector.broadcast %sub3A_2393 : i32 to vector<40x256xi32>
    %sub3A_2400 = arith.subi %iota3A, %sub3A_2399 : vector<40x256xi32>
    %lt3A_2401 = vector.broadcast %get3A_2366 : i32 to vector<40x256xi32>
    %lt3A_2402 = arith.cmpi ult, %sub3A_2400, %lt3A_2401 : vector<40x256xi32>
    %jit3A_2403 = arith.constant -3.40282347E+38 : f32
    %broadcast_in_dim3A_2404 = vector.broadcast %jit3A_2403 : f32 to vector<40x256xf32>
    %select_n3A_2405 = arith.select %lt3A_2402, %get3A_2398, %broadcast_in_dim3A_2404 : vector<40x256xi1>, vector<40x256xf32>
    %reduce_max3A_2406 = arith.constant dense<0xFF800000> : vector<256xf32>
    %reduce_max3A_2407 = vector.multi_reduction <maximumf>, %select_n3A_2405, %reduce_max3A_2406 [0] : vector<40x256xf32> to vector<256xf32>
    %broadcast_in_dim3A_2408 = vector.shape_cast %reduce_max3A_2407 : vector<256xf32> to vector<1x256xf32>
    %get3A_2409 = arith.index_cast %arg0 : i32 to index
    %get3A_2410 = arith.constant 50 : index
    %get3A_2411 = memref.load %arg1[%get3A_2409, %get3A_2410] : memref<8x64xi32, #tpu.memory_space<smem>>
    %get3A_2412 = arith.index_cast %arg0 : i32 to index
    %get3A_2413 = arith.constant 50 : index
    %get3A_2414 = memref.load %arg2[%get3A_2412, %get3A_2413] : memref<8x64xi32, #tpu.memory_space<smem>>
    %jit3A_2415 = arith.constant 8 : i32
    %div3A_2416 = arith.divsi %get3A_2411, %jit3A_2415 : i32
    %sign3A_2417 = arith.constant 0 : i32
    %sign3A_2418 = arith.cmpi sgt, %get3A_2411, %sign3A_2417 : i32
    %sign3A_2419 = arith.extui %sign3A_2418 : i1 to i32
    %sign3A_2420 = arith.constant 0 : i32
    %sign3A_2421 = arith.cmpi slt, %get3A_2411, %sign3A_2420 : i32
    %sign3A_2422 = arith.extui %sign3A_2421 : i1 to i32
    %sign3A_2423 = arith.subi %sign3A_2419, %sign3A_2422 : i32
    %sign3A_2424 = arith.constant 0 : i32
    %sign3A_2425 = arith.cmpi sgt, %jit3A_2415, %sign3A_2424 : i32
    %sign3A_2426 = arith.extui %sign3A_2425 : i1 to i32
    %sign3A_2427 = arith.constant 0 : i32
    %sign3A_2428 = arith.cmpi slt, %jit3A_2415, %sign3A_2427 : i32
    %sign3A_2429 = arith.extui %sign3A_2428 : i1 to i32
    %sign3A_2430 = arith.subi %sign3A_2426, %sign3A_2429 : i32
    %ne3A_2431 = arith.cmpi ne, %sign3A_2423, %sign3A_2430 : i32
    %rem3A_2432 = arith.remsi %get3A_2411, %jit3A_2415 : i32
    %ne3A_2433 = arith.constant 0 : i32
    %ne3A_2434 = arith.cmpi ne, %rem3A_2432, %ne3A_2433 : i32
    %and3A_2435 = arith.andi %ne3A_2431, %ne3A_2434 : i1
    %sub3A_2436 = arith.constant 1 : i32
    %sub3A_2437 = arith.subi %div3A_2416, %sub3A_2436 : i32
    %select_n3A_2438 = arith.select %and3A_2435, %sub3A_2437, %div3A_2416 : i32
    %mul3A_2439 = arith.constant 8 : i32
    %mul3A_2440 = arith.muli %select_n3A_2438, %mul3A_2439 : i32
    %sub3A_2441 = arith.subi %get3A_2411, %mul3A_2440 : i32
    %get3A_2442 = arith.constant 0 : index
    %get3A_2443 = arith.index_cast %mul3A_2440 : i32 to index
    %get3A_2444 = arith.constant 0 : index
    %get3A_2445 = vector.load %arg3[%get3A_2442, %get3A_2443, %get3A_2444] : memref<1x2048x256xf32, #tpu.memory_space<vmem>>, vector<1x40x256xf32>
    %get3A_2446 = vector.shape_cast %get3A_2445 : vector<1x40x256xf32> to vector<40x256xf32>
    %sub3A_2447 = vector.broadcast %sub3A_2441 : i32 to vector<40x256xi32>
    %sub3A_2448 = arith.subi %iota3A, %sub3A_2447 : vector<40x256xi32>
    %lt3A_2449 = vector.broadcast %get3A_2414 : i32 to vector<40x256xi32>
    %lt3A_2450 = arith.cmpi ult, %sub3A_2448, %lt3A_2449 : vector<40x256xi32>
    %jit3A_2451 = arith.constant -3.40282347E+38 : f32
    %broadcast_in_dim3A_2452 = vector.broadcast %jit3A_2451 : f32 to vector<40x256xf32>
    %select_n3A_2453 = arith.select %lt3A_2450, %get3A_2446, %broadcast_in_dim3A_2452 : vector<40x256xi1>, vector<40x256xf32>
    %reduce_max3A_2454 = arith.constant dense<0xFF800000> : vector<256xf32>
    %reduce_max3A_2455 = vector.multi_reduction <maximumf>, %select_n3A_2453, %reduce_max3A_2454 [0] : vector<40x256xf32> to vector<256xf32>
    %broadcast_in_dim3A_2456 = vector.shape_cast %reduce_max3A_2455 : vector<256xf32> to vector<1x256xf32>
    %get3A_2457 = arith.index_cast %arg0 : i32 to index
    %get3A_2458 = arith.constant 51 : index
    %get3A_2459 = memref.load %arg1[%get3A_2457, %get3A_2458] : memref<8x64xi32, #tpu.memory_space<smem>>
    %get3A_2460 = arith.index_cast %arg0 : i32 to index
    %get3A_2461 = arith.constant 51 : index
    %get3A_2462 = memref.load %arg2[%get3A_2460, %get3A_2461] : memref<8x64xi32, #tpu.memory_space<smem>>
    %jit3A_2463 = arith.constant 8 : i32
    %div3A_2464 = arith.divsi %get3A_2459, %jit3A_2463 : i32
    %sign3A_2465 = arith.constant 0 : i32
    %sign3A_2466 = arith.cmpi sgt, %get3A_2459, %sign3A_2465 : i32
    %sign3A_2467 = arith.extui %sign3A_2466 : i1 to i32
    %sign3A_2468 = arith.constant 0 : i32
    %sign3A_2469 = arith.cmpi slt, %get3A_2459, %sign3A_2468 : i32
    %sign3A_2470 = arith.extui %sign3A_2469 : i1 to i32
    %sign3A_2471 = arith.subi %sign3A_2467, %sign3A_2470 : i32
    %sign3A_2472 = arith.constant 0 : i32
    %sign3A_2473 = arith.cmpi sgt, %jit3A_2463, %sign3A_2472 : i32
    %sign3A_2474 = arith.extui %sign3A_2473 : i1 to i32
    %sign3A_2475 = arith.constant 0 : i32
    %sign3A_2476 = arith.cmpi slt, %jit3A_2463, %sign3A_2475 : i32
    %sign3A_2477 = arith.extui %sign3A_2476 : i1 to i32
    %sign3A_2478 = arith.subi %sign3A_2474, %sign3A_2477 : i32
    %ne3A_2479 = arith.cmpi ne, %sign3A_2471, %sign3A_2478 : i32
    %rem3A_2480 = arith.remsi %get3A_2459, %jit3A_2463 : i32
    %ne3A_2481 = arith.constant 0 : i32
    %ne3A_2482 = arith.cmpi ne, %rem3A_2480, %ne3A_2481 : i32
    %and3A_2483 = arith.andi %ne3A_2479, %ne3A_2482 : i1
    %sub3A_2484 = arith.constant 1 : i32
    %sub3A_2485 = arith.subi %div3A_2464, %sub3A_2484 : i32
    %select_n3A_2486 = arith.select %and3A_2483, %sub3A_2485, %div3A_2464 : i32
    %mul3A_2487 = arith.constant 8 : i32
    %mul3A_2488 = arith.muli %select_n3A_2486, %mul3A_2487 : i32
    %sub3A_2489 = arith.subi %get3A_2459, %mul3A_2488 : i32
    %get3A_2490 = arith.constant 0 : index
    %get3A_2491 = arith.index_cast %mul3A_2488 : i32 to index
    %get3A_2492 = arith.constant 0 : index
    %get3A_2493 = vector.load %arg3[%get3A_2490, %get3A_2491, %get3A_2492] : memref<1x2048x256xf32, #tpu.memory_space<vmem>>, vector<1x40x256xf32>
    %get3A_2494 = vector.shape_cast %get3A_2493 : vector<1x40x256xf32> to vector<40x256xf32>
    %sub3A_2495 = vector.broadcast %sub3A_2489 : i32 to vector<40x256xi32>
    %sub3A_2496 = arith.subi %iota3A, %sub3A_2495 : vector<40x256xi32>
    %lt3A_2497 = vector.broadcast %get3A_2462 : i32 to vector<40x256xi32>
    %lt3A_2498 = arith.cmpi ult, %sub3A_2496, %lt3A_2497 : vector<40x256xi32>
    %jit3A_2499 = arith.constant -3.40282347E+38 : f32
    %broadcast_in_dim3A_2500 = vector.broadcast %jit3A_2499 : f32 to vector<40x256xf32>
    %select_n3A_2501 = arith.select %lt3A_2498, %get3A_2494, %broadcast_in_dim3A_2500 : vector<40x256xi1>, vector<40x256xf32>
    %reduce_max3A_2502 = arith.constant dense<0xFF800000> : vector<256xf32>
    %reduce_max3A_2503 = vector.multi_reduction <maximumf>, %select_n3A_2501, %reduce_max3A_2502 [0] : vector<40x256xf32> to vector<256xf32>
    %broadcast_in_dim3A_2504 = vector.shape_cast %reduce_max3A_2503 : vector<256xf32> to vector<1x256xf32>
    %get3A_2505 = arith.index_cast %arg0 : i32 to index
    %get3A_2506 = arith.constant 52 : index
    %get3A_2507 = memref.load %arg1[%get3A_2505, %get3A_2506] : memref<8x64xi32, #tpu.memory_space<smem>>
    %get3A_2508 = arith.index_cast %arg0 : i32 to index
    %get3A_2509 = arith.constant 52 : index
    %get3A_2510 = memref.load %arg2[%get3A_2508, %get3A_2509] : memref<8x64xi32, #tpu.memory_space<smem>>
    %jit3A_2511 = arith.constant 8 : i32
    %div3A_2512 = arith.divsi %get3A_2507, %jit3A_2511 : i32
    %sign3A_2513 = arith.constant 0 : i32
    %sign3A_2514 = arith.cmpi sgt, %get3A_2507, %sign3A_2513 : i32
    %sign3A_2515 = arith.extui %sign3A_2514 : i1 to i32
    %sign3A_2516 = arith.constant 0 : i32
    %sign3A_2517 = arith.cmpi slt, %get3A_2507, %sign3A_2516 : i32
    %sign3A_2518 = arith.extui %sign3A_2517 : i1 to i32
    %sign3A_2519 = arith.subi %sign3A_2515, %sign3A_2518 : i32
    %sign3A_2520 = arith.constant 0 : i32
    %sign3A_2521 = arith.cmpi sgt, %jit3A_2511, %sign3A_2520 : i32
    %sign3A_2522 = arith.extui %sign3A_2521 : i1 to i32
    %sign3A_2523 = arith.constant 0 : i32
    %sign3A_2524 = arith.cmpi slt, %jit3A_2511, %sign3A_2523 : i32
    %sign3A_2525 = arith.extui %sign3A_2524 : i1 to i32
    %sign3A_2526 = arith.subi %sign3A_2522, %sign3A_2525 : i32
    %ne3A_2527 = arith.cmpi ne, %sign3A_2519, %sign3A_2526 : i32
    %rem3A_2528 = arith.remsi %get3A_2507, %jit3A_2511 : i32
    %ne3A_2529 = arith.constant 0 : i32
    %ne3A_2530 = arith.cmpi ne, %rem3A_2528, %ne3A_2529 : i32
    %and3A_2531 = arith.andi %ne3A_2527, %ne3A_2530 : i1
    %sub3A_2532 = arith.constant 1 : i32
    %sub3A_2533 = arith.subi %div3A_2512, %sub3A_2532 : i32
    %select_n3A_2534 = arith.select %and3A_2531, %sub3A_2533, %div3A_2512 : i32
    %mul3A_2535 = arith.constant 8 : i32
    %mul3A_2536 = arith.muli %select_n3A_2534, %mul3A_2535 : i32
    %sub3A_2537 = arith.subi %get3A_2507, %mul3A_2536 : i32
    %get3A_2538 = arith.constant 0 : index
    %get3A_2539 = arith.index_cast %mul3A_2536 : i32 to index
    %get3A_2540 = arith.constant 0 : index
    %get3A_2541 = vector.load %arg3[%get3A_2538, %get3A_2539, %get3A_2540] : memref<1x2048x256xf32, #tpu.memory_space<vmem>>, vector<1x40x256xf32>
    %get3A_2542 = vector.shape_cast %get3A_2541 : vector<1x40x256xf32> to vector<40x256xf32>
    %sub3A_2543 = vector.broadcast %sub3A_2537 : i32 to vector<40x256xi32>
    %sub3A_2544 = arith.subi %iota3A, %sub3A_2543 : vector<40x256xi32>
    %lt3A_2545 = vector.broadcast %get3A_2510 : i32 to vector<40x256xi32>
    %lt3A_2546 = arith.cmpi ult, %sub3A_2544, %lt3A_2545 : vector<40x256xi32>
    %jit3A_2547 = arith.constant -3.40282347E+38 : f32
    %broadcast_in_dim3A_2548 = vector.broadcast %jit3A_2547 : f32 to vector<40x256xf32>
    %select_n3A_2549 = arith.select %lt3A_2546, %get3A_2542, %broadcast_in_dim3A_2548 : vector<40x256xi1>, vector<40x256xf32>
    %reduce_max3A_2550 = arith.constant dense<0xFF800000> : vector<256xf32>
    %reduce_max3A_2551 = vector.multi_reduction <maximumf>, %select_n3A_2549, %reduce_max3A_2550 [0] : vector<40x256xf32> to vector<256xf32>
    %broadcast_in_dim3A_2552 = vector.shape_cast %reduce_max3A_2551 : vector<256xf32> to vector<1x256xf32>
    %get3A_2553 = arith.index_cast %arg0 : i32 to index
    %get3A_2554 = arith.constant 53 : index
    %get3A_2555 = memref.load %arg1[%get3A_2553, %get3A_2554] : memref<8x64xi32, #tpu.memory_space<smem>>
    %get3A_2556 = arith.index_cast %arg0 : i32 to index
    %get3A_2557 = arith.constant 53 : index
    %get3A_2558 = memref.load %arg2[%get3A_2556, %get3A_2557] : memref<8x64xi32, #tpu.memory_space<smem>>
    %jit3A_2559 = arith.constant 8 : i32
    %div3A_2560 = arith.divsi %get3A_2555, %jit3A_2559 : i32
    %sign3A_2561 = arith.constant 0 : i32
    %sign3A_2562 = arith.cmpi sgt, %get3A_2555, %sign3A_2561 : i32
    %sign3A_2563 = arith.extui %sign3A_2562 : i1 to i32
    %sign3A_2564 = arith.constant 0 : i32
    %sign3A_2565 = arith.cmpi slt, %get3A_2555, %sign3A_2564 : i32
    %sign3A_2566 = arith.extui %sign3A_2565 : i1 to i32
    %sign3A_2567 = arith.subi %sign3A_2563, %sign3A_2566 : i32
    %sign3A_2568 = arith.constant 0 : i32
    %sign3A_2569 = arith.cmpi sgt, %jit3A_2559, %sign3A_2568 : i32
    %sign3A_2570 = arith.extui %sign3A_2569 : i1 to i32
    %sign3A_2571 = arith.constant 0 : i32
    %sign3A_2572 = arith.cmpi slt, %jit3A_2559, %sign3A_2571 : i32
    %sign3A_2573 = arith.extui %sign3A_2572 : i1 to i32
    %sign3A_2574 = arith.subi %sign3A_2570, %sign3A_2573 : i32
    %ne3A_2575 = arith.cmpi ne, %sign3A_2567, %sign3A_2574 : i32
    %rem3A_2576 = arith.remsi %get3A_2555, %jit3A_2559 : i32
    %ne3A_2577 = arith.constant 0 : i32
    %ne3A_2578 = arith.cmpi ne, %rem3A_2576, %ne3A_2577 : i32
    %and3A_2579 = arith.andi %ne3A_2575, %ne3A_2578 : i1
    %sub3A_2580 = arith.constant 1 : i32
    %sub3A_2581 = arith.subi %div3A_2560, %sub3A_2580 : i32
    %select_n3A_2582 = arith.select %and3A_2579, %sub3A_2581, %div3A_2560 : i32
    %mul3A_2583 = arith.constant 8 : i32
    %mul3A_2584 = arith.muli %select_n3A_2582, %mul3A_2583 : i32
    %sub3A_2585 = arith.subi %get3A_2555, %mul3A_2584 : i32
    %get3A_2586 = arith.constant 0 : index
    %get3A_2587 = arith.index_cast %mul3A_2584 : i32 to index
    %get3A_2588 = arith.constant 0 : index
    %get3A_2589 = vector.load %arg3[%get3A_2586, %get3A_2587, %get3A_2588] : memref<1x2048x256xf32, #tpu.memory_space<vmem>>, vector<1x40x256xf32>
    %get3A_2590 = vector.shape_cast %get3A_2589 : vector<1x40x256xf32> to vector<40x256xf32>
    %sub3A_2591 = vector.broadcast %sub3A_2585 : i32 to vector<40x256xi32>
    %sub3A_2592 = arith.subi %iota3A, %sub3A_2591 : vector<40x256xi32>
    %lt3A_2593 = vector.broadcast %get3A_2558 : i32 to vector<40x256xi32>
    %lt3A_2594 = arith.cmpi ult, %sub3A_2592, %lt3A_2593 : vector<40x256xi32>
    %jit3A_2595 = arith.constant -3.40282347E+38 : f32
    %broadcast_in_dim3A_2596 = vector.broadcast %jit3A_2595 : f32 to vector<40x256xf32>
    %select_n3A_2597 = arith.select %lt3A_2594, %get3A_2590, %broadcast_in_dim3A_2596 : vector<40x256xi1>, vector<40x256xf32>
    %reduce_max3A_2598 = arith.constant dense<0xFF800000> : vector<256xf32>
    %reduce_max3A_2599 = vector.multi_reduction <maximumf>, %select_n3A_2597, %reduce_max3A_2598 [0] : vector<40x256xf32> to vector<256xf32>
    %broadcast_in_dim3A_2600 = vector.shape_cast %reduce_max3A_2599 : vector<256xf32> to vector<1x256xf32>
    %get3A_2601 = arith.index_cast %arg0 : i32 to index
    %get3A_2602 = arith.constant 54 : index
    %get3A_2603 = memref.load %arg1[%get3A_2601, %get3A_2602] : memref<8x64xi32, #tpu.memory_space<smem>>
    %get3A_2604 = arith.index_cast %arg0 : i32 to index
    %get3A_2605 = arith.constant 54 : index
    %get3A_2606 = memref.load %arg2[%get3A_2604, %get3A_2605] : memref<8x64xi32, #tpu.memory_space<smem>>
    %jit3A_2607 = arith.constant 8 : i32
    %div3A_2608 = arith.divsi %get3A_2603, %jit3A_2607 : i32
    %sign3A_2609 = arith.constant 0 : i32
    %sign3A_2610 = arith.cmpi sgt, %get3A_2603, %sign3A_2609 : i32
    %sign3A_2611 = arith.extui %sign3A_2610 : i1 to i32
    %sign3A_2612 = arith.constant 0 : i32
    %sign3A_2613 = arith.cmpi slt, %get3A_2603, %sign3A_2612 : i32
    %sign3A_2614 = arith.extui %sign3A_2613 : i1 to i32
    %sign3A_2615 = arith.subi %sign3A_2611, %sign3A_2614 : i32
    %sign3A_2616 = arith.constant 0 : i32
    %sign3A_2617 = arith.cmpi sgt, %jit3A_2607, %sign3A_2616 : i32
    %sign3A_2618 = arith.extui %sign3A_2617 : i1 to i32
    %sign3A_2619 = arith.constant 0 : i32
    %sign3A_2620 = arith.cmpi slt, %jit3A_2607, %sign3A_2619 : i32
    %sign3A_2621 = arith.extui %sign3A_2620 : i1 to i32
    %sign3A_2622 = arith.subi %sign3A_2618, %sign3A_2621 : i32
    %ne3A_2623 = arith.cmpi ne, %sign3A_2615, %sign3A_2622 : i32
    %rem3A_2624 = arith.remsi %get3A_2603, %jit3A_2607 : i32
    %ne3A_2625 = arith.constant 0 : i32
    %ne3A_2626 = arith.cmpi ne, %rem3A_2624, %ne3A_2625 : i32
    %and3A_2627 = arith.andi %ne3A_2623, %ne3A_2626 : i1
    %sub3A_2628 = arith.constant 1 : i32
    %sub3A_2629 = arith.subi %div3A_2608, %sub3A_2628 : i32
    %select_n3A_2630 = arith.select %and3A_2627, %sub3A_2629, %div3A_2608 : i32
    %mul3A_2631 = arith.constant 8 : i32
    %mul3A_2632 = arith.muli %select_n3A_2630, %mul3A_2631 : i32
    %sub3A_2633 = arith.subi %get3A_2603, %mul3A_2632 : i32
    %get3A_2634 = arith.constant 0 : index
    %get3A_2635 = arith.index_cast %mul3A_2632 : i32 to index
    %get3A_2636 = arith.constant 0 : index
    %get3A_2637 = vector.load %arg3[%get3A_2634, %get3A_2635, %get3A_2636] : memref<1x2048x256xf32, #tpu.memory_space<vmem>>, vector<1x40x256xf32>
    %get3A_2638 = vector.shape_cast %get3A_2637 : vector<1x40x256xf32> to vector<40x256xf32>
    %sub3A_2639 = vector.broadcast %sub3A_2633 : i32 to vector<40x256xi32>
    %sub3A_2640 = arith.subi %iota3A, %sub3A_2639 : vector<40x256xi32>
    %lt3A_2641 = vector.broadcast %get3A_2606 : i32 to vector<40x256xi32>
    %lt3A_2642 = arith.cmpi ult, %sub3A_2640, %lt3A_2641 : vector<40x256xi32>
    %jit3A_2643 = arith.constant -3.40282347E+38 : f32
    %broadcast_in_dim3A_2644 = vector.broadcast %jit3A_2643 : f32 to vector<40x256xf32>
    %select_n3A_2645 = arith.select %lt3A_2642, %get3A_2638, %broadcast_in_dim3A_2644 : vector<40x256xi1>, vector<40x256xf32>
    %reduce_max3A_2646 = arith.constant dense<0xFF800000> : vector<256xf32>
    %reduce_max3A_2647 = vector.multi_reduction <maximumf>, %select_n3A_2645, %reduce_max3A_2646 [0] : vector<40x256xf32> to vector<256xf32>
    %broadcast_in_dim3A_2648 = vector.shape_cast %reduce_max3A_2647 : vector<256xf32> to vector<1x256xf32>
    %get3A_2649 = arith.index_cast %arg0 : i32 to index
    %get3A_2650 = arith.constant 55 : index
    %get3A_2651 = memref.load %arg1[%get3A_2649, %get3A_2650] : memref<8x64xi32, #tpu.memory_space<smem>>
    %get3A_2652 = arith.index_cast %arg0 : i32 to index
    %get3A_2653 = arith.constant 55 : index
    %get3A_2654 = memref.load %arg2[%get3A_2652, %get3A_2653] : memref<8x64xi32, #tpu.memory_space<smem>>
    %jit3A_2655 = arith.constant 8 : i32
    %div3A_2656 = arith.divsi %get3A_2651, %jit3A_2655 : i32
    %sign3A_2657 = arith.constant 0 : i32
    %sign3A_2658 = arith.cmpi sgt, %get3A_2651, %sign3A_2657 : i32
    %sign3A_2659 = arith.extui %sign3A_2658 : i1 to i32
    %sign3A_2660 = arith.constant 0 : i32
    %sign3A_2661 = arith.cmpi slt, %get3A_2651, %sign3A_2660 : i32
    %sign3A_2662 = arith.extui %sign3A_2661 : i1 to i32
    %sign3A_2663 = arith.subi %sign3A_2659, %sign3A_2662 : i32
    %sign3A_2664 = arith.constant 0 : i32
    %sign3A_2665 = arith.cmpi sgt, %jit3A_2655, %sign3A_2664 : i32
    %sign3A_2666 = arith.extui %sign3A_2665 : i1 to i32
    %sign3A_2667 = arith.constant 0 : i32
    %sign3A_2668 = arith.cmpi slt, %jit3A_2655, %sign3A_2667 : i32
    %sign3A_2669 = arith.extui %sign3A_2668 : i1 to i32
    %sign3A_2670 = arith.subi %sign3A_2666, %sign3A_2669 : i32
    %ne3A_2671 = arith.cmpi ne, %sign3A_2663, %sign3A_2670 : i32
    %rem3A_2672 = arith.remsi %get3A_2651, %jit3A_2655 : i32
    %ne3A_2673 = arith.constant 0 : i32
    %ne3A_2674 = arith.cmpi ne, %rem3A_2672, %ne3A_2673 : i32
    %and3A_2675 = arith.andi %ne3A_2671, %ne3A_2674 : i1
    %sub3A_2676 = arith.constant 1 : i32
    %sub3A_2677 = arith.subi %div3A_2656, %sub3A_2676 : i32
    %select_n3A_2678 = arith.select %and3A_2675, %sub3A_2677, %div3A_2656 : i32
    %mul3A_2679 = arith.constant 8 : i32
    %mul3A_2680 = arith.muli %select_n3A_2678, %mul3A_2679 : i32
    %sub3A_2681 = arith.subi %get3A_2651, %mul3A_2680 : i32
    %get3A_2682 = arith.constant 0 : index
    %get3A_2683 = arith.index_cast %mul3A_2680 : i32 to index
    %get3A_2684 = arith.constant 0 : index
    %get3A_2685 = vector.load %arg3[%get3A_2682, %get3A_2683, %get3A_2684] : memref<1x2048x256xf32, #tpu.memory_space<vmem>>, vector<1x40x256xf32>
    %get3A_2686 = vector.shape_cast %get3A_2685 : vector<1x40x256xf32> to vector<40x256xf32>
    %sub3A_2687 = vector.broadcast %sub3A_2681 : i32 to vector<40x256xi32>
    %sub3A_2688 = arith.subi %iota3A, %sub3A_2687 : vector<40x256xi32>
    %lt3A_2689 = vector.broadcast %get3A_2654 : i32 to vector<40x256xi32>
    %lt3A_2690 = arith.cmpi ult, %sub3A_2688, %lt3A_2689 : vector<40x256xi32>
    %jit3A_2691 = arith.constant -3.40282347E+38 : f32
    %broadcast_in_dim3A_2692 = vector.broadcast %jit3A_2691 : f32 to vector<40x256xf32>
    %select_n3A_2693 = arith.select %lt3A_2690, %get3A_2686, %broadcast_in_dim3A_2692 : vector<40x256xi1>, vector<40x256xf32>
    %reduce_max3A_2694 = arith.constant dense<0xFF800000> : vector<256xf32>
    %reduce_max3A_2695 = vector.multi_reduction <maximumf>, %select_n3A_2693, %reduce_max3A_2694 [0] : vector<40x256xf32> to vector<256xf32>
    %broadcast_in_dim3A_2696 = vector.shape_cast %reduce_max3A_2695 : vector<256xf32> to vector<1x256xf32>
    %concatenate3A_2697 = tpu.concatenate %broadcast_in_dim3A_2360, %broadcast_in_dim3A_2408, %broadcast_in_dim3A_2456, %broadcast_in_dim3A_2504, %broadcast_in_dim3A_2552, %broadcast_in_dim3A_2600, %broadcast_in_dim3A_2648, %broadcast_in_dim3A_2696 in 0 : vector<1x256xf32>, vector<1x256xf32>, vector<1x256xf32>, vector<1x256xf32>, vector<1x256xf32>, vector<1x256xf32>, vector<1x256xf32>, vector<1x256xf32> -> vector<8x256xf32>
    %swap3A_2698 = arith.constant 48 : index
    %swap3A_2699 = arith.constant 0 : index
    %swap3A_2700 = vector.load %arg9[%swap3A_2698, %swap3A_2699] : memref<64x256xf32, #tpu.memory_space<vmem>>, vector<8x256xf32>
    tpu.vector_store %arg9[%swap3A_2698, %swap3A_2699], %concatenate3A_2697 {strides = array<i32>} : memref<64x256xf32, #tpu.memory_space<vmem>>, vector<8x256xf32>,
    %get3A_2701 = arith.index_cast %arg0 : i32 to index
    %get3A_2702 = arith.constant 56 : index
    %get3A_2703 = memref.load %arg1[%get3A_2701, %get3A_2702] : memref<8x64xi32, #tpu.memory_space<smem>>
    %get3A_2704 = arith.index_cast %arg0 : i32 to index
    %get3A_2705 = arith.constant 56 : index
    %get3A_2706 = memref.load %arg2[%get3A_2704, %get3A_2705] : memref<8x64xi32, #tpu.memory_space<smem>>
    %jit3A_2707 = arith.constant 8 : i32
    %div3A_2708 = arith.divsi %get3A_2703, %jit3A_2707 : i32
    %sign3A_2709 = arith.constant 0 : i32
    %sign3A_2710 = arith.cmpi sgt, %get3A_2703, %sign3A_2709 : i32
    %sign3A_2711 = arith.extui %sign3A_2710 : i1 to i32
    %sign3A_2712 = arith.constant 0 : i32
    %sign3A_2713 = arith.cmpi slt, %get3A_2703, %sign3A_2712 : i32
    %sign3A_2714 = arith.extui %sign3A_2713 : i1 to i32
    %sign3A_2715 = arith.subi %sign3A_2711, %sign3A_2714 : i32
    %sign3A_2716 = arith.constant 0 : i32
    %sign3A_2717 = arith.cmpi sgt, %jit3A_2707, %sign3A_2716 : i32
    %sign3A_2718 = arith.extui %sign3A_2717 : i1 to i32
    %sign3A_2719 = arith.constant 0 : i32
    %sign3A_2720 = arith.cmpi slt, %jit3A_2707, %sign3A_2719 : i32
    %sign3A_2721 = arith.extui %sign3A_2720 : i1 to i32
    %sign3A_2722 = arith.subi %sign3A_2718, %sign3A_2721 : i32
    %ne3A_2723 = arith.cmpi ne, %sign3A_2715, %sign3A_2722 : i32
    %rem3A_2724 = arith.remsi %get3A_2703, %jit3A_2707 : i32
    %ne3A_2725 = arith.constant 0 : i32
    %ne3A_2726 = arith.cmpi ne, %rem3A_2724, %ne3A_2725 : i32
    %and3A_2727 = arith.andi %ne3A_2723, %ne3A_2726 : i1
    %sub3A_2728 = arith.constant 1 : i32
    %sub3A_2729 = arith.subi %div3A_2708, %sub3A_2728 : i32
    %select_n3A_2730 = arith.select %and3A_2727, %sub3A_2729, %div3A_2708 : i32
    %mul3A_2731 = arith.constant 8 : i32
    %mul3A_2732 = arith.muli %select_n3A_2730, %mul3A_2731 : i32
    %sub3A_2733 = arith.subi %get3A_2703, %mul3A_2732 : i32
    %get3A_2734 = arith.constant 0 : index
    %get3A_2735 = arith.index_cast %mul3A_2732 : i32 to index
    %get3A_2736 = arith.constant 0 : index
    %get3A_2737 = vector.load %arg3[%get3A_2734, %get3A_2735, %get3A_2736] : memref<1x2048x256xf32, #tpu.memory_space<vmem>>, vector<1x40x256xf32>
    %get3A_2738 = vector.shape_cast %get3A_2737 : vector<1x40x256xf32> to vector<40x256xf32>
    %sub3A_2739 = vector.broadcast %sub3A_2733 : i32 to vector<40x256xi32>
    %sub3A_2740 = arith.subi %iota3A, %sub3A_2739 : vector<40x256xi32>
    %lt3A_2741 = vector.broadcast %get3A_2706 : i32 to vector<40x256xi32>
    %lt3A_2742 = arith.cmpi ult, %sub3A_2740, %lt3A_2741 : vector<40x256xi32>
    %jit3A_2743 = arith.constant -3.40282347E+38 : f32
    %broadcast_in_dim3A_2744 = vector.broadcast %jit3A_2743 : f32 to vector<40x256xf32>
    %select_n3A_2745 = arith.select %lt3A_2742, %get3A_2738, %broadcast_in_dim3A_2744 : vector<40x256xi1>, vector<40x256xf32>
    %reduce_max3A_2746 = arith.constant dense<0xFF800000> : vector<256xf32>
    %reduce_max3A_2747 = vector.multi_reduction <maximumf>, %select_n3A_2745, %reduce_max3A_2746 [0] : vector<40x256xf32> to vector<256xf32>
    %broadcast_in_dim3A_2748 = vector.shape_cast %reduce_max3A_2747 : vector<256xf32> to vector<1x256xf32>
    %get3A_2749 = arith.index_cast %arg0 : i32 to index
    %get3A_2750 = arith.constant 57 : index
    %get3A_2751 = memref.load %arg1[%get3A_2749, %get3A_2750] : memref<8x64xi32, #tpu.memory_space<smem>>
    %get3A_2752 = arith.index_cast %arg0 : i32 to index
    %get3A_2753 = arith.constant 57 : index
    %get3A_2754 = memref.load %arg2[%get3A_2752, %get3A_2753] : memref<8x64xi32, #tpu.memory_space<smem>>
    %jit3A_2755 = arith.constant 8 : i32
    %div3A_2756 = arith.divsi %get3A_2751, %jit3A_2755 : i32
    %sign3A_2757 = arith.constant 0 : i32
    %sign3A_2758 = arith.cmpi sgt, %get3A_2751, %sign3A_2757 : i32
    %sign3A_2759 = arith.extui %sign3A_2758 : i1 to i32
    %sign3A_2760 = arith.constant 0 : i32
    %sign3A_2761 = arith.cmpi slt, %get3A_2751, %sign3A_2760 : i32
    %sign3A_2762 = arith.extui %sign3A_2761 : i1 to i32
    %sign3A_2763 = arith.subi %sign3A_2759, %sign3A_2762 : i32
    %sign3A_2764 = arith.constant 0 : i32
    %sign3A_2765 = arith.cmpi sgt, %jit3A_2755, %sign3A_2764 : i32
    %sign3A_2766 = arith.extui %sign3A_2765 : i1 to i32
    %sign3A_2767 = arith.constant 0 : i32
    %sign3A_2768 = arith.cmpi slt, %jit3A_2755, %sign3A_2767 : i32
    %sign3A_2769 = arith.extui %sign3A_2768 : i1 to i32
    %sign3A_2770 = arith.subi %sign3A_2766, %sign3A_2769 : i32
    %ne3A_2771 = arith.cmpi ne, %sign3A_2763, %sign3A_2770 : i32
    %rem3A_2772 = arith.remsi %get3A_2751, %jit3A_2755 : i32
    %ne3A_2773 = arith.constant 0 : i32
    %ne3A_2774 = arith.cmpi ne, %rem3A_2772, %ne3A_2773 : i32
    %and3A_2775 = arith.andi %ne3A_2771, %ne3A_2774 : i1
    %sub3A_2776 = arith.constant 1 : i32
    %sub3A_2777 = arith.subi %div3A_2756, %sub3A_2776 : i32
    %select_n3A_2778 = arith.select %and3A_2775, %sub3A_2777, %div3A_2756 : i32
    %mul3A_2779 = arith.constant 8 : i32
    %mul3A_2780 = arith.muli %select_n3A_2778, %mul3A_2779 : i32
    %sub3A_2781 = arith.subi %get3A_2751, %mul3A_2780 : i32
    %get3A_2782 = arith.constant 0 : index
    %get3A_2783 = arith.index_cast %mul3A_2780 : i32 to index
    %get3A_2784 = arith.constant 0 : index
    %get3A_2785 = vector.load %arg3[%get3A_2782, %get3A_2783, %get3A_2784] : memref<1x2048x256xf32, #tpu.memory_space<vmem>>, vector<1x40x256xf32>
    %get3A_2786 = vector.shape_cast %get3A_2785 : vector<1x40x256xf32> to vector<40x256xf32>
    %sub3A_2787 = vector.broadcast %sub3A_2781 : i32 to vector<40x256xi32>
    %sub3A_2788 = arith.subi %iota3A, %sub3A_2787 : vector<40x256xi32>
    %lt3A_2789 = vector.broadcast %get3A_2754 : i32 to vector<40x256xi32>
    %lt3A_2790 = arith.cmpi ult, %sub3A_2788, %lt3A_2789 : vector<40x256xi32>
    %jit3A_2791 = arith.constant -3.40282347E+38 : f32
    %broadcast_in_dim3A_2792 = vector.broadcast %jit3A_2791 : f32 to vector<40x256xf32>
    %select_n3A_2793 = arith.select %lt3A_2790, %get3A_2786, %broadcast_in_dim3A_2792 : vector<40x256xi1>, vector<40x256xf32>
    %reduce_max3A_2794 = arith.constant dense<0xFF800000> : vector<256xf32>
    %reduce_max3A_2795 = vector.multi_reduction <maximumf>, %select_n3A_2793, %reduce_max3A_2794 [0] : vector<40x256xf32> to vector<256xf32>
    %broadcast_in_dim3A_2796 = vector.shape_cast %reduce_max3A_2795 : vector<256xf32> to vector<1x256xf32>
    %get3A_2797 = arith.index_cast %arg0 : i32 to index
    %get3A_2798 = arith.constant 58 : index
    %get3A_2799 = memref.load %arg1[%get3A_2797, %get3A_2798] : memref<8x64xi32, #tpu.memory_space<smem>>
    %get3A_2800 = arith.index_cast %arg0 : i32 to index
    %get3A_2801 = arith.constant 58 : index
    %get3A_2802 = memref.load %arg2[%get3A_2800, %get3A_2801] : memref<8x64xi32, #tpu.memory_space<smem>>
    %jit3A_2803 = arith.constant 8 : i32
    %div3A_2804 = arith.divsi %get3A_2799, %jit3A_2803 : i32
    %sign3A_2805 = arith.constant 0 : i32
    %sign3A_2806 = arith.cmpi sgt, %get3A_2799, %sign3A_2805 : i32
    %sign3A_2807 = arith.extui %sign3A_2806 : i1 to i32
    %sign3A_2808 = arith.constant 0 : i32
    %sign3A_2809 = arith.cmpi slt, %get3A_2799, %sign3A_2808 : i32
    %sign3A_2810 = arith.extui %sign3A_2809 : i1 to i32
    %sign3A_2811 = arith.subi %sign3A_2807, %sign3A_2810 : i32
    %sign3A_2812 = arith.constant 0 : i32
    %sign3A_2813 = arith.cmpi sgt, %jit3A_2803, %sign3A_2812 : i32
    %sign3A_2814 = arith.extui %sign3A_2813 : i1 to i32
    %sign3A_2815 = arith.constant 0 : i32
    %sign3A_2816 = arith.cmpi slt, %jit3A_2803, %sign3A_2815 : i32
    %sign3A_2817 = arith.extui %sign3A_2816 : i1 to i32
    %sign3A_2818 = arith.subi %sign3A_2814, %sign3A_2817 : i32
    %ne3A_2819 = arith.cmpi ne, %sign3A_2811, %sign3A_2818 : i32
    %rem3A_2820 = arith.remsi %get3A_2799, %jit3A_2803 : i32
    %ne3A_2821 = arith.constant 0 : i32
    %ne3A_2822 = arith.cmpi ne, %rem3A_2820, %ne3A_2821 : i32
    %and3A_2823 = arith.andi %ne3A_2819, %ne3A_2822 : i1
    %sub3A_2824 = arith.constant 1 : i32
    %sub3A_2825 = arith.subi %div3A_2804, %sub3A_2824 : i32
    %select_n3A_2826 = arith.select %and3A_2823, %sub3A_2825, %div3A_2804 : i32
    %mul3A_2827 = arith.constant 8 : i32
    %mul3A_2828 = arith.muli %select_n3A_2826, %mul3A_2827 : i32
    %sub3A_2829 = arith.subi %get3A_2799, %mul3A_2828 : i32
    %get3A_2830 = arith.constant 0 : index
    %get3A_2831 = arith.index_cast %mul3A_2828 : i32 to index
    %get3A_2832 = arith.constant 0 : index
    %get3A_2833 = vector.load %arg3[%get3A_2830, %get3A_2831, %get3A_2832] : memref<1x2048x256xf32, #tpu.memory_space<vmem>>, vector<1x40x256xf32>
    %get3A_2834 = vector.shape_cast %get3A_2833 : vector<1x40x256xf32> to vector<40x256xf32>
    %sub3A_2835 = vector.broadcast %sub3A_2829 : i32 to vector<40x256xi32>
    %sub3A_2836 = arith.subi %iota3A, %sub3A_2835 : vector<40x256xi32>
    %lt3A_2837 = vector.broadcast %get3A_2802 : i32 to vector<40x256xi32>
    %lt3A_2838 = arith.cmpi ult, %sub3A_2836, %lt3A_2837 : vector<40x256xi32>
    %jit3A_2839 = arith.constant -3.40282347E+38 : f32
    %broadcast_in_dim3A_2840 = vector.broadcast %jit3A_2839 : f32 to vector<40x256xf32>
    %select_n3A_2841 = arith.select %lt3A_2838, %get3A_2834, %broadcast_in_dim3A_2840 : vector<40x256xi1>, vector<40x256xf32>
    %reduce_max3A_2842 = arith.constant dense<0xFF800000> : vector<256xf32>
    %reduce_max3A_2843 = vector.multi_reduction <maximumf>, %select_n3A_2841, %reduce_max3A_2842 [0] : vector<40x256xf32> to vector<256xf32>
    %broadcast_in_dim3A_2844 = vector.shape_cast %reduce_max3A_2843 : vector<256xf32> to vector<1x256xf32>
    %get3A_2845 = arith.index_cast %arg0 : i32 to index
    %get3A_2846 = arith.constant 59 : index
    %get3A_2847 = memref.load %arg1[%get3A_2845, %get3A_2846] : memref<8x64xi32, #tpu.memory_space<smem>>
    %get3A_2848 = arith.index_cast %arg0 : i32 to index
    %get3A_2849 = arith.constant 59 : index
    %get3A_2850 = memref.load %arg2[%get3A_2848, %get3A_2849] : memref<8x64xi32, #tpu.memory_space<smem>>
    %jit3A_2851 = arith.constant 8 : i32
    %div3A_2852 = arith.divsi %get3A_2847, %jit3A_2851 : i32
    %sign3A_2853 = arith.constant 0 : i32
    %sign3A_2854 = arith.cmpi sgt, %get3A_2847, %sign3A_2853 : i32
    %sign3A_2855 = arith.extui %sign3A_2854 : i1 to i32
    %sign3A_2856 = arith.constant 0 : i32
    %sign3A_2857 = arith.cmpi slt, %get3A_2847, %sign3A_2856 : i32
    %sign3A_2858 = arith.extui %sign3A_2857 : i1 to i32
    %sign3A_2859 = arith.subi %sign3A_2855, %sign3A_2858 : i32
    %sign3A_2860 = arith.constant 0 : i32
    %sign3A_2861 = arith.cmpi sgt, %jit3A_2851, %sign3A_2860 : i32
    %sign3A_2862 = arith.extui %sign3A_2861 : i1 to i32
    %sign3A_2863 = arith.constant 0 : i32
    %sign3A_2864 = arith.cmpi slt, %jit3A_2851, %sign3A_2863 : i32
    %sign3A_2865 = arith.extui %sign3A_2864 : i1 to i32
    %sign3A_2866 = arith.subi %sign3A_2862, %sign3A_2865 : i32
    %ne3A_2867 = arith.cmpi ne, %sign3A_2859, %sign3A_2866 : i32
    %rem3A_2868 = arith.remsi %get3A_2847, %jit3A_2851 : i32
    %ne3A_2869 = arith.constant 0 : i32
    %ne3A_2870 = arith.cmpi ne, %rem3A_2868, %ne3A_2869 : i32
    %and3A_2871 = arith.andi %ne3A_2867, %ne3A_2870 : i1
    %sub3A_2872 = arith.constant 1 : i32
    %sub3A_2873 = arith.subi %div3A_2852, %sub3A_2872 : i32
    %select_n3A_2874 = arith.select %and3A_2871, %sub3A_2873, %div3A_2852 : i32
    %mul3A_2875 = arith.constant 8 : i32
    %mul3A_2876 = arith.muli %select_n3A_2874, %mul3A_2875 : i32
    %sub3A_2877 = arith.subi %get3A_2847, %mul3A_2876 : i32
    %get3A_2878 = arith.constant 0 : index
    %get3A_2879 = arith.index_cast %mul3A_2876 : i32 to index
    %get3A_2880 = arith.constant 0 : index
    %get3A_2881 = vector.load %arg3[%get3A_2878, %get3A_2879, %get3A_2880] : memref<1x2048x256xf32, #tpu.memory_space<vmem>>, vector<1x40x256xf32>
    %get3A_2882 = vector.shape_cast %get3A_2881 : vector<1x40x256xf32> to vector<40x256xf32>
    %sub3A_2883 = vector.broadcast %sub3A_2877 : i32 to vector<40x256xi32>
    %sub3A_2884 = arith.subi %iota3A, %sub3A_2883 : vector<40x256xi32>
    %lt3A_2885 = vector.broadcast %get3A_2850 : i32 to vector<40x256xi32>
    %lt3A_2886 = arith.cmpi ult, %sub3A_2884, %lt3A_2885 : vector<40x256xi32>
    %jit3A_2887 = arith.constant -3.40282347E+38 : f32
    %broadcast_in_dim3A_2888 = vector.broadcast %jit3A_2887 : f32 to vector<40x256xf32>
    %select_n3A_2889 = arith.select %lt3A_2886, %get3A_2882, %broadcast_in_dim3A_2888 : vector<40x256xi1>, vector<40x256xf32>
    %reduce_max3A_2890 = arith.constant dense<0xFF800000> : vector<256xf32>
    %reduce_max3A_2891 = vector.multi_reduction <maximumf>, %select_n3A_2889, %reduce_max3A_2890 [0] : vector<40x256xf32> to vector<256xf32>
    %broadcast_in_dim3A_2892 = vector.shape_cast %reduce_max3A_2891 : vector<256xf32> to vector<1x256xf32>
    %get3A_2893 = arith.index_cast %arg0 : i32 to index
    %get3A_2894 = arith.constant 60 : index
    %get3A_2895 = memref.load %arg1[%get3A_2893, %get3A_2894] : memref<8x64xi32, #tpu.memory_space<smem>>
    %get3A_2896 = arith.index_cast %arg0 : i32 to index
    %get3A_2897 = arith.constant 60 : index
    %get3A_2898 = memref.load %arg2[%get3A_2896, %get3A_2897] : memref<8x64xi32, #tpu.memory_space<smem>>
    %jit3A_2899 = arith.constant 8 : i32
    %div3A_2900 = arith.divsi %get3A_2895, %jit3A_2899 : i32
    %sign3A_2901 = arith.constant 0 : i32
    %sign3A_2902 = arith.cmpi sgt, %get3A_2895, %sign3A_2901 : i32
    %sign3A_2903 = arith.extui %sign3A_2902 : i1 to i32
    %sign3A_2904 = arith.constant 0 : i32
    %sign3A_2905 = arith.cmpi slt, %get3A_2895, %sign3A_2904 : i32
    %sign3A_2906 = arith.extui %sign3A_2905 : i1 to i32
    %sign3A_2907 = arith.subi %sign3A_2903, %sign3A_2906 : i32
    %sign3A_2908 = arith.constant 0 : i32
    %sign3A_2909 = arith.cmpi sgt, %jit3A_2899, %sign3A_2908 : i32
    %sign3A_2910 = arith.extui %sign3A_2909 : i1 to i32
    %sign3A_2911 = arith.constant 0 : i32
    %sign3A_2912 = arith.cmpi slt, %jit3A_2899, %sign3A_2911 : i32
    %sign3A_2913 = arith.extui %sign3A_2912 : i1 to i32
    %sign3A_2914 = arith.subi %sign3A_2910, %sign3A_2913 : i32
    %ne3A_2915 = arith.cmpi ne, %sign3A_2907, %sign3A_2914 : i32
    %rem3A_2916 = arith.remsi %get3A_2895, %jit3A_2899 : i32
    %ne3A_2917 = arith.constant 0 : i32
    %ne3A_2918 = arith.cmpi ne, %rem3A_2916, %ne3A_2917 : i32
    %and3A_2919 = arith.andi %ne3A_2915, %ne3A_2918 : i1
    %sub3A_2920 = arith.constant 1 : i32
    %sub3A_2921 = arith.subi %div3A_2900, %sub3A_2920 : i32
    %select_n3A_2922 = arith.select %and3A_2919, %sub3A_2921, %div3A_2900 : i32
    %mul3A_2923 = arith.constant 8 : i32
    %mul3A_2924 = arith.muli %select_n3A_2922, %mul3A_2923 : i32
    %sub3A_2925 = arith.subi %get3A_2895, %mul3A_2924 : i32
    %get3A_2926 = arith.constant 0 : index
    %get3A_2927 = arith.index_cast %mul3A_2924 : i32 to index
    %get3A_2928 = arith.constant 0 : index
    %get3A_2929 = vector.load %arg3[%get3A_2926, %get3A_2927, %get3A_2928] : memref<1x2048x256xf32, #tpu.memory_space<vmem>>, vector<1x40x256xf32>
    %get3A_2930 = vector.shape_cast %get3A_2929 : vector<1x40x256xf32> to vector<40x256xf32>
    %sub3A_2931 = vector.broadcast %sub3A_2925 : i32 to vector<40x256xi32>
    %sub3A_2932 = arith.subi %iota3A, %sub3A_2931 : vector<40x256xi32>
    %lt3A_2933 = vector.broadcast %get3A_2898 : i32 to vector<40x256xi32>
    %lt3A_2934 = arith.cmpi ult, %sub3A_2932, %lt3A_2933 : vector<40x256xi32>
    %jit3A_2935 = arith.constant -3.40282347E+38 : f32
    %broadcast_in_dim3A_2936 = vector.broadcast %jit3A_2935 : f32 to vector<40x256xf32>
    %select_n3A_2937 = arith.select %lt3A_2934, %get3A_2930, %broadcast_in_dim3A_2936 : vector<40x256xi1>, vector<40x256xf32>
    %reduce_max3A_2938 = arith.constant dense<0xFF800000> : vector<256xf32>
    %reduce_max3A_2939 = vector.multi_reduction <maximumf>, %select_n3A_2937, %reduce_max3A_2938 [0] : vector<40x256xf32> to vector<256xf32>
    %broadcast_in_dim3A_2940 = vector.shape_cast %reduce_max3A_2939 : vector<256xf32> to vector<1x256xf32>
    %get3A_2941 = arith.index_cast %arg0 : i32 to index
    %get3A_2942 = arith.constant 61 : index
    %get3A_2943 = memref.load %arg1[%get3A_2941, %get3A_2942] : memref<8x64xi32, #tpu.memory_space<smem>>
    %get3A_2944 = arith.index_cast %arg0 : i32 to index
    %get3A_2945 = arith.constant 61 : index
    %get3A_2946 = memref.load %arg2[%get3A_2944, %get3A_2945] : memref<8x64xi32, #tpu.memory_space<smem>>
    %jit3A_2947 = arith.constant 8 : i32
    %div3A_2948 = arith.divsi %get3A_2943, %jit3A_2947 : i32
    %sign3A_2949 = arith.constant 0 : i32
    %sign3A_2950 = arith.cmpi sgt, %get3A_2943, %sign3A_2949 : i32
    %sign3A_2951 = arith.extui %sign3A_2950 : i1 to i32
    %sign3A_2952 = arith.constant 0 : i32
    %sign3A_2953 = arith.cmpi slt, %get3A_2943, %sign3A_2952 : i32
    %sign3A_2954 = arith.extui %sign3A_2953 : i1 to i32
    %sign3A_2955 = arith.subi %sign3A_2951, %sign3A_2954 : i32
    %sign3A_2956 = arith.constant 0 : i32
    %sign3A_2957 = arith.cmpi sgt, %jit3A_2947, %sign3A_2956 : i32
    %sign3A_2958 = arith.extui %sign3A_2957 : i1 to i32
    %sign3A_2959 = arith.constant 0 : i32
    %sign3A_2960 = arith.cmpi slt, %jit3A_2947, %sign3A_2959 : i32
    %sign3A_2961 = arith.extui %sign3A_2960 : i1 to i32
    %sign3A_2962 = arith.subi %sign3A_2958, %sign3A_2961 : i32
    %ne3A_2963 = arith.cmpi ne, %sign3A_2955, %sign3A_2962 : i32
    %rem3A_2964 = arith.remsi %get3A_2943, %jit3A_2947 : i32
    %ne3A_2965 = arith.constant 0 : i32
    %ne3A_2966 = arith.cmpi ne, %rem3A_2964, %ne3A_2965 : i32
    %and3A_2967 = arith.andi %ne3A_2963, %ne3A_2966 : i1
    %sub3A_2968 = arith.constant 1 : i32
    %sub3A_2969 = arith.subi %div3A_2948, %sub3A_2968 : i32
    %select_n3A_2970 = arith.select %and3A_2967, %sub3A_2969, %div3A_2948 : i32
    %mul3A_2971 = arith.constant 8 : i32
    %mul3A_2972 = arith.muli %select_n3A_2970, %mul3A_2971 : i32
    %sub3A_2973 = arith.subi %get3A_2943, %mul3A_2972 : i32
    %get3A_2974 = arith.constant 0 : index
    %get3A_2975 = arith.index_cast %mul3A_2972 : i32 to index
    %get3A_2976 = arith.constant 0 : index
    %get3A_2977 = vector.load %arg3[%get3A_2974, %get3A_2975, %get3A_2976] : memref<1x2048x256xf32, #tpu.memory_space<vmem>>, vector<1x40x256xf32>
    %get3A_2978 = vector.shape_cast %get3A_2977 : vector<1x40x256xf32> to vector<40x256xf32>
    %sub3A_2979 = vector.broadcast %sub3A_2973 : i32 to vector<40x256xi32>
    %sub3A_2980 = arith.subi %iota3A, %sub3A_2979 : vector<40x256xi32>
    %lt3A_2981 = vector.broadcast %get3A_2946 : i32 to vector<40x256xi32>
    %lt3A_2982 = arith.cmpi ult, %sub3A_2980, %lt3A_2981 : vector<40x256xi32>
    %jit3A_2983 = arith.constant -3.40282347E+38 : f32
    %broadcast_in_dim3A_2984 = vector.broadcast %jit3A_2983 : f32 to vector<40x256xf32>
    %select_n3A_2985 = arith.select %lt3A_2982, %get3A_2978, %broadcast_in_dim3A_2984 : vector<40x256xi1>, vector<40x256xf32>
    %reduce_max3A_2986 = arith.constant dense<0xFF800000> : vector<256xf32>
    %reduce_max3A_2987 = vector.multi_reduction <maximumf>, %select_n3A_2985, %reduce_max3A_2986 [0] : vector<40x256xf32> to vector<256xf32>
    %broadcast_in_dim3A_2988 = vector.shape_cast %reduce_max3A_2987 : vector<256xf32> to vector<1x256xf32>
    %get3A_2989 = arith.index_cast %arg0 : i32 to index
    %get3A_2990 = arith.constant 62 : index
    %get3A_2991 = memref.load %arg1[%get3A_2989, %get3A_2990] : memref<8x64xi32, #tpu.memory_space<smem>>
    %get3A_2992 = arith.index_cast %arg0 : i32 to index
    %get3A_2993 = arith.constant 62 : index
    %get3A_2994 = memref.load %arg2[%get3A_2992, %get3A_2993] : memref<8x64xi32, #tpu.memory_space<smem>>
    %jit3A_2995 = arith.constant 8 : i32
    %div3A_2996 = arith.divsi %get3A_2991, %jit3A_2995 : i32
    %sign3A_2997 = arith.constant 0 : i32
    %sign3A_2998 = arith.cmpi sgt, %get3A_2991, %sign3A_2997 : i32
    %sign3A_2999 = arith.extui %sign3A_2998 : i1 to i32
    %sign3A_3000 = arith.constant 0 : i32
    %sign3A_3001 = arith.cmpi slt, %get3A_2991, %sign3A_3000 : i32
    %sign3A_3002 = arith.extui %sign3A_3001 : i1 to i32
    %sign3A_3003 = arith.subi %sign3A_2999, %sign3A_3002 : i32
    %sign3A_3004 = arith.constant 0 : i32
    %sign3A_3005 = arith.cmpi sgt, %jit3A_2995, %sign3A_3004 : i32
    %sign3A_3006 = arith.extui %sign3A_3005 : i1 to i32
    %sign3A_3007 = arith.constant 0 : i32
    %sign3A_3008 = arith.cmpi slt, %jit3A_2995, %sign3A_3007 : i32
    %sign3A_3009 = arith.extui %sign3A_3008 : i1 to i32
    %sign3A_3010 = arith.subi %sign3A_3006, %sign3A_3009 : i32
    %ne3A_3011 = arith.cmpi ne, %sign3A_3003, %sign3A_3010 : i32
    %rem3A_3012 = arith.remsi %get3A_2991, %jit3A_2995 : i32
    %ne3A_3013 = arith.constant 0 : i32
    %ne3A_3014 = arith.cmpi ne, %rem3A_3012, %ne3A_3013 : i32
    %and3A_3015 = arith.andi %ne3A_3011, %ne3A_3014 : i1
    %sub3A_3016 = arith.constant 1 : i32
    %sub3A_3017 = arith.subi %div3A_2996, %sub3A_3016 : i32
    %select_n3A_3018 = arith.select %and3A_3015, %sub3A_3017, %div3A_2996 : i32
    %mul3A_3019 = arith.constant 8 : i32
    %mul3A_3020 = arith.muli %select_n3A_3018, %mul3A_3019 : i32
    %sub3A_3021 = arith.subi %get3A_2991, %mul3A_3020 : i32
    %get3A_3022 = arith.constant 0 : index
    %get3A_3023 = arith.index_cast %mul3A_3020 : i32 to index
    %get3A_3024 = arith.constant 0 : index
    %get3A_3025 = vector.load %arg3[%get3A_3022, %get3A_3023, %get3A_3024] : memref<1x2048x256xf32, #tpu.memory_space<vmem>>, vector<1x40x256xf32>
    %get3A_3026 = vector.shape_cast %get3A_3025 : vector<1x40x256xf32> to vector<40x256xf32>
    %sub3A_3027 = vector.broadcast %sub3A_3021 : i32 to vector<40x256xi32>
    %sub3A_3028 = arith.subi %iota3A, %sub3A_3027 : vector<40x256xi32>
    %lt3A_3029 = vector.broadcast %get3A_2994 : i32 to vector<40x256xi32>
    %lt3A_3030 = arith.cmpi ult, %sub3A_3028, %lt3A_3029 : vector<40x256xi32>
    %jit3A_3031 = arith.constant -3.40282347E+38 : f32
    %broadcast_in_dim3A_3032 = vector.broadcast %jit3A_3031 : f32 to vector<40x256xf32>
    %select_n3A_3033 = arith.select %lt3A_3030, %get3A_3026, %broadcast_in_dim3A_3032 : vector<40x256xi1>, vector<40x256xf32>
    %reduce_max3A_3034 = arith.constant dense<0xFF800000> : vector<256xf32>
    %reduce_max3A_3035 = vector.multi_reduction <maximumf>, %select_n3A_3033, %reduce_max3A_3034 [0] : vector<40x256xf32> to vector<256xf32>
    %broadcast_in_dim3A_3036 = vector.shape_cast %reduce_max3A_3035 : vector<256xf32> to vector<1x256xf32>
    %get3A_3037 = arith.index_cast %arg0 : i32 to index
    %get3A_3038 = arith.constant 63 : index
    %get3A_3039 = memref.load %arg1[%get3A_3037, %get3A_3038] : memref<8x64xi32, #tpu.memory_space<smem>>
    %get3A_3040 = arith.index_cast %arg0 : i32 to index
    %get3A_3041 = arith.constant 63 : index
    %get3A_3042 = memref.load %arg2[%get3A_3040, %get3A_3041] : memref<8x64xi32, #tpu.memory_space<smem>>
    %jit3A_3043 = arith.constant 8 : i32
    %div3A_3044 = arith.divsi %get3A_3039, %jit3A_3043 : i32
    %sign3A_3045 = arith.constant 0 : i32
    %sign3A_3046 = arith.cmpi sgt, %get3A_3039, %sign3A_3045 : i32
    %sign3A_3047 = arith.extui %sign3A_3046 : i1 to i32
    %sign3A_3048 = arith.constant 0 : i32
    %sign3A_3049 = arith.cmpi slt, %get3A_3039, %sign3A_3048 : i32
    %sign3A_3050 = arith.extui %sign3A_3049 : i1 to i32
    %sign3A_3051 = arith.subi %sign3A_3047, %sign3A_3050 : i32
    %sign3A_3052 = arith.constant 0 : i32
    %sign3A_3053 = arith.cmpi sgt, %jit3A_3043, %sign3A_3052 : i32
    %sign3A_3054 = arith.extui %sign3A_3053 : i1 to i32
    %sign3A_3055 = arith.constant 0 : i32
    %sign3A_3056 = arith.cmpi slt, %jit3A_3043, %sign3A_3055 : i32
    %sign3A_3057 = arith.extui %sign3A_3056 : i1 to i32
    %sign3A_3058 = arith.subi %sign3A_3054, %sign3A_3057 : i32
    %ne3A_3059 = arith.cmpi ne, %sign3A_3051, %sign3A_3058 : i32
    %rem3A_3060 = arith.remsi %get3A_3039, %jit3A_3043 : i32
    %ne3A_3061 = arith.constant 0 : i32
    %ne3A_3062 = arith.cmpi ne, %rem3A_3060, %ne3A_3061 : i32
    %and3A_3063 = arith.andi %ne3A_3059, %ne3A_3062 : i1
    %sub3A_3064 = arith.constant 1 : i32
    %sub3A_3065 = arith.subi %div3A_3044, %sub3A_3064 : i32
    %select_n3A_3066 = arith.select %and3A_3063, %sub3A_3065, %div3A_3044 : i32
    %mul3A_3067 = arith.constant 8 : i32
    %mul3A_3068 = arith.muli %select_n3A_3066, %mul3A_3067 : i32
    %sub3A_3069 = arith.subi %get3A_3039, %mul3A_3068 : i32
    %get3A_3070 = arith.constant 0 : index
    %get3A_3071 = arith.index_cast %mul3A_3068 : i32 to index
    %get3A_3072 = arith.constant 0 : index
    %get3A_3073 = vector.load %arg3[%get3A_3070, %get3A_3071, %get3A_3072] : memref<1x2048x256xf32, #tpu.memory_space<vmem>>, vector<1x40x256xf32>
    %get3A_3074 = vector.shape_cast %get3A_3073 : vector<1x40x256xf32> to vector<40x256xf32>
    %sub3A_3075 = vector.broadcast %sub3A_3069 : i32 to vector<40x256xi32>
    %sub3A_3076 = arith.subi %iota3A, %sub3A_3075 : vector<40x256xi32>
    %lt3A_3077 = vector.broadcast %get3A_3042 : i32 to vector<40x256xi32>
    %lt3A_3078 = arith.cmpi ult, %sub3A_3076, %lt3A_3077 : vector<40x256xi32>
    %jit3A_3079 = arith.constant -3.40282347E+38 : f32
    %broadcast_in_dim3A_3080 = vector.broadcast %jit3A_3079 : f32 to vector<40x256xf32>
    %select_n3A_3081 = arith.select %lt3A_3078, %get3A_3074, %broadcast_in_dim3A_3080 : vector<40x256xi1>, vector<40x256xf32>
    %reduce_max3A_3082 = arith.constant dense<0xFF800000> : vector<256xf32>
    %reduce_max3A_3083 = vector.multi_reduction <maximumf>, %select_n3A_3081, %reduce_max3A_3082 [0] : vector<40x256xf32> to vector<256xf32>
    %broadcast_in_dim3A_3084 = vector.shape_cast %reduce_max3A_3083 : vector<256xf32> to vector<1x256xf32>
    %concatenate3A_3085 = tpu.concatenate %broadcast_in_dim3A_2748, %broadcast_in_dim3A_2796, %broadcast_in_dim3A_2844, %broadcast_in_dim3A_2892, %broadcast_in_dim3A_2940, %broadcast_in_dim3A_2988, %broadcast_in_dim3A_3036, %broadcast_in_dim3A_3084 in 0 : vector<1x256xf32>, vector<1x256xf32>, vector<1x256xf32>, vector<1x256xf32>, vector<1x256xf32>, vector<1x256xf32>, vector<1x256xf32>, vector<1x256xf32> -> vector<8x256xf32>
    %swap3A_3086 = arith.constant 56 : index
    %swap3A_3087 = arith.constant 0 : index
    %swap3A_3088 = vector.load %arg9[%swap3A_3086, %swap3A_3087] : memref<64x256xf32, #tpu.memory_space<vmem>>, vector<8x256xf32>
    tpu.vector_store %arg9[%swap3A_3086, %swap3A_3087], %concatenate3A_3085 {strides = array<i32>} : memref<64x256xf32, #tpu.memory_space<vmem>>, vector<8x256xf32>,
    %get3A_3089 = arith.constant 0 : index
    %get3A_3090 = arith.constant 0 : index
    %get3A_3091 = vector.load %arg9[%get3A_3089, %get3A_3090] : memref<64x256xf32, #tpu.memory_space<vmem>>, vector<64x256xf32>
    %get3A_3092 = arith.constant 0 : index
    %get3A_3093 = arith.constant 0 : index
    %get3A_3094 = vector.load %arg4[%get3A_3092, %get3A_3093] : memref<512x16xf32, #tpu.memory_space<vmem>>, vector<256x16xf32>
    %dot_general3A = arith.constant dense<0.000000e+00> : vector<64x16xf32>
    %dot_general3A_3095 = tpu.matmul %get3A_3091, %get3A_3094, %dot_general3A {dimension_numbers = #tpu.dot_dimension_numbers<[1], [0], [0], [1], [0, 0, 1, 1], [], []>, transpose_lhs_hint = false} : vector<64x256xf32>, vector<256x16xf32>, vector<64x16xf32> -> vector<64x16xf32>
    %get3A_3096 = arith.constant 0 : index
    %get3A_3097 = vector.load %arg5[%get3A_3096] : memref<16xf32, #tpu.memory_space<vmem>>, vector<16xf32>
    %broadcast_in_dim3A_3098 = vector.shape_cast %get3A_3097 : vector<16xf32> to vector<1x16xf32>
    %add3A = vector.broadcast %broadcast_in_dim3A_3098 : vector<1x16xf32> to vector<64x16xf32>
    %add3A_3099 = arith.addf %dot_general3A_3095, %add3A : vector<64x16xf32>
    %get3A_3100 = arith.constant 256 : index
    %get3A_3101 = arith.constant 0 : index
    %get3A_3102 = vector.load %arg4[%get3A_3100, %get3A_3101] : memref<512x16xf32, #tpu.memory_space<vmem>>, vector<256x16xf32>
    %dot_general3A_3103 = arith.constant dense<0.000000e+00> : vector<64x16xf32>
    %dot_general3A_3104 = tpu.matmul %get3A_3091, %get3A_3102, %dot_general3A_3103 {dimension_numbers = #tpu.dot_dimension_numbers<[1], [0], [0], [1], [0, 0, 1, 1], [], []>, transpose_lhs_hint = false} : vector<64x256xf32>, vector<256x16xf32>, vector<64x16xf32> -> vector<64x16xf32>
    %concatenate3A_3105 = tpu.concatenate %add3A_3099, %dot_general3A_3104 in 0 : vector<64x16xf32>, vector<64x16xf32> -> vector<128x16xf32>
    %iota3A_3106 = tpu.iota {dimensions = array<i32: 1>} : vector<2048x128xi32>
    %get3A_3107 = arith.index_cast %arg0 : i32 to index
    %get3A_3108 = arith.constant 0 : index
    %get3A_3109 = vector.load %arg6[%get3A_3107, %get3A_3108] : memref<4x2048xi32, #tpu.memory_space<vmem>>, vector<1x2048xi32>
    %get3A_3110 = vector.shape_cast %get3A_3109 : vector<1x2048xi32> to vector<2048xi32>
    %broadcast_in_dim3A_3111 = vector.shape_cast %get3A_3110 : vector<2048xi32> to vector<2048x1xi32>
    %eq3A = vector.broadcast %broadcast_in_dim3A_3111 : vector<2048x1xi32> to vector<2048x128xi32>
    %eq3A_3112 = arith.cmpi eq, %iota3A_3106, %eq3A : vector<2048x128xi32>
    %get3A_3113 = arith.index_cast %arg0 : i32 to index
    %get3A_3114 = arith.constant 0 : index
    %get3A_3115 = vector.load %arg7[%get3A_3113, %get3A_3114] : memref<4x2048xi32, #tpu.memory_space<vmem>>, vector<1x2048xi32>
    %get3A_3116 = vector.shape_cast %get3A_3115 : vector<1x2048xi32> to vector<2048xi32>
    %broadcast_in_dim3A_3117 = vector.shape_cast %get3A_3116 : vector<2048xi32> to vector<2048x1xi32>
    %add3A_3118 = arith.constant 64 : i32
    %add3A_3119 = vector.broadcast %add3A_3118 : i32 to vector<2048x1xi32>
    %add3A_3120 = arith.addi %broadcast_in_dim3A_3117, %add3A_3119 : vector<2048x1xi32>
    %eq3A_3121 = vector.broadcast %add3A_3120 : vector<2048x1xi32> to vector<2048x128xi32>
    %eq3A_3122 = arith.cmpi eq, %iota3A_3106, %eq3A_3121 : vector<2048x128xi32>
    %or3A = arith.ori %eq3A_3112, %eq3A_3122 : vector<2048x128xi1>
    %convert_element_type3A = arith.extui %or3A : vector<2048x128xi1> to vector<2048x128xi32>
    %convert_element_type3A_3123 = arith.sitofp %convert_element_type3A : vector<2048x128xi32> to vector<2048x128xf32>
    %dot_general3A_3124 = arith.constant dense<0.000000e+00> : vector<2048x16xf32>
    %dot_general3A_3125 = tpu.matmul %convert_element_type3A_3123, %concatenate3A_3105, %dot_general3A_3124 {dimension_numbers = #tpu.dot_dimension_numbers<[1], [0], [0], [1], [0, 0, 1, 1], [], []>, transpose_lhs_hint = false} : vector<2048x128xf32>, vector<128x16xf32>, vector<2048x16xf32> -> vector<2048x16xf32>
    %swap3A_3126 = arith.constant 0 : index
    %swap3A_3127 = arith.constant 0 : index
    %swap3A_3128 = arith.constant 0 : index
    %swap3A_3129 = vector.load %arg8[%swap3A_3126, %swap3A_3127, %swap3A_3128] : memref<1x2048x16xf32, #tpu.memory_space<vmem>>, vector<1x2048x16xf32>
    %swap3A_3130 = vector.shape_cast %swap3A_3129 : vector<1x2048x16xf32> to vector<2048x16xf32>
    %swap3A_3131 = vector.shape_cast %dot_general3A_3125 : vector<2048x16xf32> to vector<1x2048x16xf32>
    tpu.vector_store %arg8[%swap3A_3126, %swap3A_3127, %swap3A_3128], %swap3A_3131 {strides = array<i32>} : memref<1x2048x16xf32, #tpu.memory_space<vmem>>, vector<1x2048x16xf32>,
    return
  }
  func.func @transform_0(%arg0: i32, %arg1: memref<8x64xi32, #tpu.memory_space<smem>>, %arg2: memref<8x64xi32, #tpu.memory_space<smem>>) -> (i32, i32, i32) {
    %c0_i32 = arith.constant 0 : i32
    %c0_i32_0 = arith.constant 0 : i32
    %c0_i32_1 = arith.constant 0 : i32
    return %arg0, %c0_i32, %c0_i32_0 : i32, i32, i32
  }
  func.func @transform_1(%arg0: i32, %arg1: memref<8x64xi32, #tpu.memory_space<smem>>, %arg2: memref<8x64xi32, #tpu.memory_space<smem>>) -> (i32, i32) {
    %c0_i32 = arith.constant 0 : i32
    %c0_i32_0 = arith.constant 0 : i32
    %c0_i32_1 = arith.constant 0 : i32
    return %c0_i32, %c0_i32_0 : i32, i32
  }
  func.func @transform_2(%arg0: i32, %arg1: memref<8x64xi32, #tpu.memory_space<smem>>, %arg2: memref<8x64xi32, #tpu.memory_space<smem>>) -> i32 {
    %c0_i32 = arith.constant 0 : i32
    %c0_i32_0 = arith.constant 0 : i32
    return %c0_i32 : i32
  }
  func.func @transform_3(%arg0: i32, %arg1: memref<8x64xi32, #tpu.memory_space<smem>>, %arg2: memref<8x64xi32, #tpu.memory_space<smem>>) -> (i32, i32) {
    %c0_i32 = arith.constant 0 : i32
    %c0_i32_0 = arith.constant 0 : i32
    %c0_i32_1 = arith.constant 0 : i32
    return %c0_i32, %c0_i32_0 : i32, i32
  }
  func.func @transform_4(%arg0: i32, %arg1: memref<8x64xi32, #tpu.memory_space<smem>>, %arg2: memref<8x64xi32, #tpu.memory_space<smem>>) -> (i32, i32) {
    %c0_i32 = arith.constant 0 : i32
    %c0_i32_0 = arith.constant 0 : i32
    %c0_i32_1 = arith.constant 0 : i32
    return %c0_i32, %c0_i32_0 : i32, i32
  }
  func.func @transform_5(%arg0: i32, %arg1: memref<8x64xi32, #tpu.memory_space<smem>>, %arg2: memref<8x64xi32, #tpu.memory_space<smem>>) -> (i32, i32, i32) {
    %c0_i32 = arith.constant 0 : i32
    %c0_i32_0 = arith.constant 0 : i32
    %c0_i32_1 = arith.constant 0 : i32
    return %arg0, %c0_i32, %c0_i32_0 : i32, i32, i32
  }
}

module attributes {stable_mosaic.version = 14 : i64} {
  func.func @_pool_project_kernel(%arg0: i32, %arg1: memref<8x64xi32, #tpu.memory_space<smem>>, %arg2: memref<8x64xi32, #tpu.memory_space<smem>>, %arg3: memref<1x2048x256xf32, #tpu.memory_space<vmem>>, %arg4: memref<512x16xf32, #tpu.memory_space<vmem>>, %arg5: memref<16xf32, #tpu.memory_space<vmem>>, %arg6: memref<1x64x16xf32, #tpu.memory_space<vmem>>, %arg7: memref<1x64x16xf32, #tpu.memory_space<vmem>>, %arg8: memref<64x256xf32, #tpu.memory_space<vmem>>) attributes {dimension_semantics = [#tpu.dimension_semantics<arbitrary>], iteration_bounds = array<i64: 4>, scalar_prefetch = 2 : i64, scratch_operands = 1 : i64, tpu.core_type = #tpu.core_type<tc>, window_params = [{transform_indices = @transform_0, window_bounds = array<i64: 1, 2048, 256>}, {pipeline_mode = #tpu.pipeline_mode<synchronous>, transform_indices = @transform_1, window_bounds = array<i64: 512, 16>}, {pipeline_mode = #tpu.pipeline_mode<synchronous>, transform_indices = @transform_2, window_bounds = array<i64: 16>}, {transform_indices = @transform_3, window_bounds = array<i64: 1, 64, 16>}, {transform_indices = @transform_4, window_bounds = array<i64: 1, 64, 16>}]} {
    %add3A = arith.constant 4 : i32
    %add3A_0 = arith.addi %arg0, %add3A : i32
    %iota3A = tpu.iota {dimensions = array<i32: 0>} : vector<40x256xi32>
    %get3A = arith.index_cast %add3A_0 : i32 to index
    %get3A_1 = arith.constant 0 : index
    %get3A_2 = memref.load %arg1[%get3A, %get3A_1] : memref<8x64xi32, #tpu.memory_space<smem>>
    %get3A_3 = arith.index_cast %add3A_0 : i32 to index
    %get3A_4 = arith.constant 0 : index
    %get3A_5 = memref.load %arg2[%get3A_3, %get3A_4] : memref<8x64xi32, #tpu.memory_space<smem>>
    %jit3A = arith.constant 8 : i32
    %div3A = arith.divsi %get3A_2, %jit3A : i32
    %sign3A = arith.constant 0 : i32
    %sign3A_6 = arith.cmpi sgt, %get3A_2, %sign3A : i32
    %sign3A_7 = arith.extui %sign3A_6 : i1 to i32
    %sign3A_8 = arith.constant 0 : i32
    %sign3A_9 = arith.cmpi slt, %get3A_2, %sign3A_8 : i32
    %sign3A_10 = arith.extui %sign3A_9 : i1 to i32
    %sign3A_11 = arith.subi %sign3A_7, %sign3A_10 : i32
    %sign3A_12 = arith.constant 0 : i32
    %sign3A_13 = arith.cmpi sgt, %jit3A, %sign3A_12 : i32
    %sign3A_14 = arith.extui %sign3A_13 : i1 to i32
    %sign3A_15 = arith.constant 0 : i32
    %sign3A_16 = arith.cmpi slt, %jit3A, %sign3A_15 : i32
    %sign3A_17 = arith.extui %sign3A_16 : i1 to i32
    %sign3A_18 = arith.subi %sign3A_14, %sign3A_17 : i32
    %ne3A = arith.cmpi ne, %sign3A_11, %sign3A_18 : i32
    %rem3A = arith.remsi %get3A_2, %jit3A : i32
    %ne3A_19 = arith.constant 0 : i32
    %ne3A_20 = arith.cmpi ne, %rem3A, %ne3A_19 : i32
    %and3A = arith.andi %ne3A, %ne3A_20 : i1
    %sub3A = arith.constant 1 : i32
    %sub3A_21 = arith.subi %div3A, %sub3A : i32
    %select_n3A = arith.select %and3A, %sub3A_21, %div3A : i32
    %mul3A = arith.constant 8 : i32
    %mul3A_22 = arith.muli %select_n3A, %mul3A : i32
    %sub3A_23 = arith.subi %get3A_2, %mul3A_22 : i32
    %get3A_24 = arith.constant 0 : index
    %get3A_25 = arith.index_cast %mul3A_22 : i32 to index
    %get3A_26 = arith.constant 0 : index
    %get3A_27 = vector.load %arg3[%get3A_24, %get3A_25, %get3A_26] : memref<1x2048x256xf32, #tpu.memory_space<vmem>>, vector<1x40x256xf32>
    %get3A_28 = vector.shape_cast %get3A_27 : vector<1x40x256xf32> to vector<40x256xf32>
    %sub3A_29 = vector.broadcast %sub3A_23 : i32 to vector<40x256xi32>
    %sub3A_30 = arith.subi %iota3A, %sub3A_29 : vector<40x256xi32>
    %lt3A = vector.broadcast %get3A_5 : i32 to vector<40x256xi32>
    %lt3A_31 = arith.cmpi ult, %sub3A_30, %lt3A : vector<40x256xi32>
    %jit3A_32 = arith.constant -3.40282347E+38 : f32
    %broadcast_in_dim3A = vector.broadcast %jit3A_32 : f32 to vector<40x256xf32>
    %select_n3A_33 = arith.select %lt3A_31, %get3A_28, %broadcast_in_dim3A : vector<40x256xi1>, vector<40x256xf32>
    %reduce_max3A = arith.constant dense<0xFF800000> : vector<256xf32>
    %reduce_max3A_34 = vector.multi_reduction <maximumf>, %select_n3A_33, %reduce_max3A [0] : vector<40x256xf32> to vector<256xf32>
    %broadcast_in_dim3A_35 = vector.shape_cast %reduce_max3A_34 : vector<256xf32> to vector<1x256xf32>
    %get3A_36 = arith.index_cast %add3A_0 : i32 to index
    %get3A_37 = arith.constant 1 : index
    %get3A_38 = memref.load %arg1[%get3A_36, %get3A_37] : memref<8x64xi32, #tpu.memory_space<smem>>
    %get3A_39 = arith.index_cast %add3A_0 : i32 to index
    %get3A_40 = arith.constant 1 : index
    %get3A_41 = memref.load %arg2[%get3A_39, %get3A_40] : memref<8x64xi32, #tpu.memory_space<smem>>
    %jit3A_42 = arith.constant 8 : i32
    %div3A_43 = arith.divsi %get3A_38, %jit3A_42 : i32
    %sign3A_44 = arith.constant 0 : i32
    %sign3A_45 = arith.cmpi sgt, %get3A_38, %sign3A_44 : i32
    %sign3A_46 = arith.extui %sign3A_45 : i1 to i32
    %sign3A_47 = arith.constant 0 : i32
    %sign3A_48 = arith.cmpi slt, %get3A_38, %sign3A_47 : i32
    %sign3A_49 = arith.extui %sign3A_48 : i1 to i32
    %sign3A_50 = arith.subi %sign3A_46, %sign3A_49 : i32
    %sign3A_51 = arith.constant 0 : i32
    %sign3A_52 = arith.cmpi sgt, %jit3A_42, %sign3A_51 : i32
    %sign3A_53 = arith.extui %sign3A_52 : i1 to i32
    %sign3A_54 = arith.constant 0 : i32
    %sign3A_55 = arith.cmpi slt, %jit3A_42, %sign3A_54 : i32
    %sign3A_56 = arith.extui %sign3A_55 : i1 to i32
    %sign3A_57 = arith.subi %sign3A_53, %sign3A_56 : i32
    %ne3A_58 = arith.cmpi ne, %sign3A_50, %sign3A_57 : i32
    %rem3A_59 = arith.remsi %get3A_38, %jit3A_42 : i32
    %ne3A_60 = arith.constant 0 : i32
    %ne3A_61 = arith.cmpi ne, %rem3A_59, %ne3A_60 : i32
    %and3A_62 = arith.andi %ne3A_58, %ne3A_61 : i1
    %sub3A_63 = arith.constant 1 : i32
    %sub3A_64 = arith.subi %div3A_43, %sub3A_63 : i32
    %select_n3A_65 = arith.select %and3A_62, %sub3A_64, %div3A_43 : i32
    %mul3A_66 = arith.constant 8 : i32
    %mul3A_67 = arith.muli %select_n3A_65, %mul3A_66 : i32
    %sub3A_68 = arith.subi %get3A_38, %mul3A_67 : i32
    %get3A_69 = arith.constant 0 : index
    %get3A_70 = arith.index_cast %mul3A_67 : i32 to index
    %get3A_71 = arith.constant 0 : index
    %get3A_72 = vector.load %arg3[%get3A_69, %get3A_70, %get3A_71] : memref<1x2048x256xf32, #tpu.memory_space<vmem>>, vector<1x40x256xf32>
    %get3A_73 = vector.shape_cast %get3A_72 : vector<1x40x256xf32> to vector<40x256xf32>
    %sub3A_74 = vector.broadcast %sub3A_68 : i32 to vector<40x256xi32>
    %sub3A_75 = arith.subi %iota3A, %sub3A_74 : vector<40x256xi32>
    %lt3A_76 = vector.broadcast %get3A_41 : i32 to vector<40x256xi32>
    %lt3A_77 = arith.cmpi ult, %sub3A_75, %lt3A_76 : vector<40x256xi32>
    %jit3A_78 = arith.constant -3.40282347E+38 : f32
    %broadcast_in_dim3A_79 = vector.broadcast %jit3A_78 : f32 to vector<40x256xf32>
    %select_n3A_80 = arith.select %lt3A_77, %get3A_73, %broadcast_in_dim3A_79 : vector<40x256xi1>, vector<40x256xf32>
    %reduce_max3A_81 = arith.constant dense<0xFF800000> : vector<256xf32>
    %reduce_max3A_82 = vector.multi_reduction <maximumf>, %select_n3A_80, %reduce_max3A_81 [0] : vector<40x256xf32> to vector<256xf32>
    %broadcast_in_dim3A_83 = vector.shape_cast %reduce_max3A_82 : vector<256xf32> to vector<1x256xf32>
    %get3A_84 = arith.index_cast %add3A_0 : i32 to index
    %get3A_85 = arith.constant 2 : index
    %get3A_86 = memref.load %arg1[%get3A_84, %get3A_85] : memref<8x64xi32, #tpu.memory_space<smem>>
    %get3A_87 = arith.index_cast %add3A_0 : i32 to index
    %get3A_88 = arith.constant 2 : index
    %get3A_89 = memref.load %arg2[%get3A_87, %get3A_88] : memref<8x64xi32, #tpu.memory_space<smem>>
    %jit3A_90 = arith.constant 8 : i32
    %div3A_91 = arith.divsi %get3A_86, %jit3A_90 : i32
    %sign3A_92 = arith.constant 0 : i32
    %sign3A_93 = arith.cmpi sgt, %get3A_86, %sign3A_92 : i32
    %sign3A_94 = arith.extui %sign3A_93 : i1 to i32
    %sign3A_95 = arith.constant 0 : i32
    %sign3A_96 = arith.cmpi slt, %get3A_86, %sign3A_95 : i32
    %sign3A_97 = arith.extui %sign3A_96 : i1 to i32
    %sign3A_98 = arith.subi %sign3A_94, %sign3A_97 : i32
    %sign3A_99 = arith.constant 0 : i32
    %sign3A_100 = arith.cmpi sgt, %jit3A_90, %sign3A_99 : i32
    %sign3A_101 = arith.extui %sign3A_100 : i1 to i32
    %sign3A_102 = arith.constant 0 : i32
    %sign3A_103 = arith.cmpi slt, %jit3A_90, %sign3A_102 : i32
    %sign3A_104 = arith.extui %sign3A_103 : i1 to i32
    %sign3A_105 = arith.subi %sign3A_101, %sign3A_104 : i32
    %ne3A_106 = arith.cmpi ne, %sign3A_98, %sign3A_105 : i32
    %rem3A_107 = arith.remsi %get3A_86, %jit3A_90 : i32
    %ne3A_108 = arith.constant 0 : i32
    %ne3A_109 = arith.cmpi ne, %rem3A_107, %ne3A_108 : i32
    %and3A_110 = arith.andi %ne3A_106, %ne3A_109 : i1
    %sub3A_111 = arith.constant 1 : i32
    %sub3A_112 = arith.subi %div3A_91, %sub3A_111 : i32
    %select_n3A_113 = arith.select %and3A_110, %sub3A_112, %div3A_91 : i32
    %mul3A_114 = arith.constant 8 : i32
    %mul3A_115 = arith.muli %select_n3A_113, %mul3A_114 : i32
    %sub3A_116 = arith.subi %get3A_86, %mul3A_115 : i32
    %get3A_117 = arith.constant 0 : index
    %get3A_118 = arith.index_cast %mul3A_115 : i32 to index
    %get3A_119 = arith.constant 0 : index
    %get3A_120 = vector.load %arg3[%get3A_117, %get3A_118, %get3A_119] : memref<1x2048x256xf32, #tpu.memory_space<vmem>>, vector<1x40x256xf32>
    %get3A_121 = vector.shape_cast %get3A_120 : vector<1x40x256xf32> to vector<40x256xf32>
    %sub3A_122 = vector.broadcast %sub3A_116 : i32 to vector<40x256xi32>
    %sub3A_123 = arith.subi %iota3A, %sub3A_122 : vector<40x256xi32>
    %lt3A_124 = vector.broadcast %get3A_89 : i32 to vector<40x256xi32>
    %lt3A_125 = arith.cmpi ult, %sub3A_123, %lt3A_124 : vector<40x256xi32>
    %jit3A_126 = arith.constant -3.40282347E+38 : f32
    %broadcast_in_dim3A_127 = vector.broadcast %jit3A_126 : f32 to vector<40x256xf32>
    %select_n3A_128 = arith.select %lt3A_125, %get3A_121, %broadcast_in_dim3A_127 : vector<40x256xi1>, vector<40x256xf32>
    %reduce_max3A_129 = arith.constant dense<0xFF800000> : vector<256xf32>
    %reduce_max3A_130 = vector.multi_reduction <maximumf>, %select_n3A_128, %reduce_max3A_129 [0] : vector<40x256xf32> to vector<256xf32>
    %broadcast_in_dim3A_131 = vector.shape_cast %reduce_max3A_130 : vector<256xf32> to vector<1x256xf32>
    %get3A_132 = arith.index_cast %add3A_0 : i32 to index
    %get3A_133 = arith.constant 3 : index
    %get3A_134 = memref.load %arg1[%get3A_132, %get3A_133] : memref<8x64xi32, #tpu.memory_space<smem>>
    %get3A_135 = arith.index_cast %add3A_0 : i32 to index
    %get3A_136 = arith.constant 3 : index
    %get3A_137 = memref.load %arg2[%get3A_135, %get3A_136] : memref<8x64xi32, #tpu.memory_space<smem>>
    %jit3A_138 = arith.constant 8 : i32
    %div3A_139 = arith.divsi %get3A_134, %jit3A_138 : i32
    %sign3A_140 = arith.constant 0 : i32
    %sign3A_141 = arith.cmpi sgt, %get3A_134, %sign3A_140 : i32
    %sign3A_142 = arith.extui %sign3A_141 : i1 to i32
    %sign3A_143 = arith.constant 0 : i32
    %sign3A_144 = arith.cmpi slt, %get3A_134, %sign3A_143 : i32
    %sign3A_145 = arith.extui %sign3A_144 : i1 to i32
    %sign3A_146 = arith.subi %sign3A_142, %sign3A_145 : i32
    %sign3A_147 = arith.constant 0 : i32
    %sign3A_148 = arith.cmpi sgt, %jit3A_138, %sign3A_147 : i32
    %sign3A_149 = arith.extui %sign3A_148 : i1 to i32
    %sign3A_150 = arith.constant 0 : i32
    %sign3A_151 = arith.cmpi slt, %jit3A_138, %sign3A_150 : i32
    %sign3A_152 = arith.extui %sign3A_151 : i1 to i32
    %sign3A_153 = arith.subi %sign3A_149, %sign3A_152 : i32
    %ne3A_154 = arith.cmpi ne, %sign3A_146, %sign3A_153 : i32
    %rem3A_155 = arith.remsi %get3A_134, %jit3A_138 : i32
    %ne3A_156 = arith.constant 0 : i32
    %ne3A_157 = arith.cmpi ne, %rem3A_155, %ne3A_156 : i32
    %and3A_158 = arith.andi %ne3A_154, %ne3A_157 : i1
    %sub3A_159 = arith.constant 1 : i32
    %sub3A_160 = arith.subi %div3A_139, %sub3A_159 : i32
    %select_n3A_161 = arith.select %and3A_158, %sub3A_160, %div3A_139 : i32
    %mul3A_162 = arith.constant 8 : i32
    %mul3A_163 = arith.muli %select_n3A_161, %mul3A_162 : i32
    %sub3A_164 = arith.subi %get3A_134, %mul3A_163 : i32
    %get3A_165 = arith.constant 0 : index
    %get3A_166 = arith.index_cast %mul3A_163 : i32 to index
    %get3A_167 = arith.constant 0 : index
    %get3A_168 = vector.load %arg3[%get3A_165, %get3A_166, %get3A_167] : memref<1x2048x256xf32, #tpu.memory_space<vmem>>, vector<1x40x256xf32>
    %get3A_169 = vector.shape_cast %get3A_168 : vector<1x40x256xf32> to vector<40x256xf32>
    %sub3A_170 = vector.broadcast %sub3A_164 : i32 to vector<40x256xi32>
    %sub3A_171 = arith.subi %iota3A, %sub3A_170 : vector<40x256xi32>
    %lt3A_172 = vector.broadcast %get3A_137 : i32 to vector<40x256xi32>
    %lt3A_173 = arith.cmpi ult, %sub3A_171, %lt3A_172 : vector<40x256xi32>
    %jit3A_174 = arith.constant -3.40282347E+38 : f32
    %broadcast_in_dim3A_175 = vector.broadcast %jit3A_174 : f32 to vector<40x256xf32>
    %select_n3A_176 = arith.select %lt3A_173, %get3A_169, %broadcast_in_dim3A_175 : vector<40x256xi1>, vector<40x256xf32>
    %reduce_max3A_177 = arith.constant dense<0xFF800000> : vector<256xf32>
    %reduce_max3A_178 = vector.multi_reduction <maximumf>, %select_n3A_176, %reduce_max3A_177 [0] : vector<40x256xf32> to vector<256xf32>
    %broadcast_in_dim3A_179 = vector.shape_cast %reduce_max3A_178 : vector<256xf32> to vector<1x256xf32>
    %get3A_180 = arith.index_cast %add3A_0 : i32 to index
    %get3A_181 = arith.constant 4 : index
    %get3A_182 = memref.load %arg1[%get3A_180, %get3A_181] : memref<8x64xi32, #tpu.memory_space<smem>>
    %get3A_183 = arith.index_cast %add3A_0 : i32 to index
    %get3A_184 = arith.constant 4 : index
    %get3A_185 = memref.load %arg2[%get3A_183, %get3A_184] : memref<8x64xi32, #tpu.memory_space<smem>>
    %jit3A_186 = arith.constant 8 : i32
    %div3A_187 = arith.divsi %get3A_182, %jit3A_186 : i32
    %sign3A_188 = arith.constant 0 : i32
    %sign3A_189 = arith.cmpi sgt, %get3A_182, %sign3A_188 : i32
    %sign3A_190 = arith.extui %sign3A_189 : i1 to i32
    %sign3A_191 = arith.constant 0 : i32
    %sign3A_192 = arith.cmpi slt, %get3A_182, %sign3A_191 : i32
    %sign3A_193 = arith.extui %sign3A_192 : i1 to i32
    %sign3A_194 = arith.subi %sign3A_190, %sign3A_193 : i32
    %sign3A_195 = arith.constant 0 : i32
    %sign3A_196 = arith.cmpi sgt, %jit3A_186, %sign3A_195 : i32
    %sign3A_197 = arith.extui %sign3A_196 : i1 to i32
    %sign3A_198 = arith.constant 0 : i32
    %sign3A_199 = arith.cmpi slt, %jit3A_186, %sign3A_198 : i32
    %sign3A_200 = arith.extui %sign3A_199 : i1 to i32
    %sign3A_201 = arith.subi %sign3A_197, %sign3A_200 : i32
    %ne3A_202 = arith.cmpi ne, %sign3A_194, %sign3A_201 : i32
    %rem3A_203 = arith.remsi %get3A_182, %jit3A_186 : i32
    %ne3A_204 = arith.constant 0 : i32
    %ne3A_205 = arith.cmpi ne, %rem3A_203, %ne3A_204 : i32
    %and3A_206 = arith.andi %ne3A_202, %ne3A_205 : i1
    %sub3A_207 = arith.constant 1 : i32
    %sub3A_208 = arith.subi %div3A_187, %sub3A_207 : i32
    %select_n3A_209 = arith.select %and3A_206, %sub3A_208, %div3A_187 : i32
    %mul3A_210 = arith.constant 8 : i32
    %mul3A_211 = arith.muli %select_n3A_209, %mul3A_210 : i32
    %sub3A_212 = arith.subi %get3A_182, %mul3A_211 : i32
    %get3A_213 = arith.constant 0 : index
    %get3A_214 = arith.index_cast %mul3A_211 : i32 to index
    %get3A_215 = arith.constant 0 : index
    %get3A_216 = vector.load %arg3[%get3A_213, %get3A_214, %get3A_215] : memref<1x2048x256xf32, #tpu.memory_space<vmem>>, vector<1x40x256xf32>
    %get3A_217 = vector.shape_cast %get3A_216 : vector<1x40x256xf32> to vector<40x256xf32>
    %sub3A_218 = vector.broadcast %sub3A_212 : i32 to vector<40x256xi32>
    %sub3A_219 = arith.subi %iota3A, %sub3A_218 : vector<40x256xi32>
    %lt3A_220 = vector.broadcast %get3A_185 : i32 to vector<40x256xi32>
    %lt3A_221 = arith.cmpi ult, %sub3A_219, %lt3A_220 : vector<40x256xi32>
    %jit3A_222 = arith.constant -3.40282347E+38 : f32
    %broadcast_in_dim3A_223 = vector.broadcast %jit3A_222 : f32 to vector<40x256xf32>
    %select_n3A_224 = arith.select %lt3A_221, %get3A_217, %broadcast_in_dim3A_223 : vector<40x256xi1>, vector<40x256xf32>
    %reduce_max3A_225 = arith.constant dense<0xFF800000> : vector<256xf32>
    %reduce_max3A_226 = vector.multi_reduction <maximumf>, %select_n3A_224, %reduce_max3A_225 [0] : vector<40x256xf32> to vector<256xf32>
    %broadcast_in_dim3A_227 = vector.shape_cast %reduce_max3A_226 : vector<256xf32> to vector<1x256xf32>
    %get3A_228 = arith.index_cast %add3A_0 : i32 to index
    %get3A_229 = arith.constant 5 : index
    %get3A_230 = memref.load %arg1[%get3A_228, %get3A_229] : memref<8x64xi32, #tpu.memory_space<smem>>
    %get3A_231 = arith.index_cast %add3A_0 : i32 to index
    %get3A_232 = arith.constant 5 : index
    %get3A_233 = memref.load %arg2[%get3A_231, %get3A_232] : memref<8x64xi32, #tpu.memory_space<smem>>
    %jit3A_234 = arith.constant 8 : i32
    %div3A_235 = arith.divsi %get3A_230, %jit3A_234 : i32
    %sign3A_236 = arith.constant 0 : i32
    %sign3A_237 = arith.cmpi sgt, %get3A_230, %sign3A_236 : i32
    %sign3A_238 = arith.extui %sign3A_237 : i1 to i32
    %sign3A_239 = arith.constant 0 : i32
    %sign3A_240 = arith.cmpi slt, %get3A_230, %sign3A_239 : i32
    %sign3A_241 = arith.extui %sign3A_240 : i1 to i32
    %sign3A_242 = arith.subi %sign3A_238, %sign3A_241 : i32
    %sign3A_243 = arith.constant 0 : i32
    %sign3A_244 = arith.cmpi sgt, %jit3A_234, %sign3A_243 : i32
    %sign3A_245 = arith.extui %sign3A_244 : i1 to i32
    %sign3A_246 = arith.constant 0 : i32
    %sign3A_247 = arith.cmpi slt, %jit3A_234, %sign3A_246 : i32
    %sign3A_248 = arith.extui %sign3A_247 : i1 to i32
    %sign3A_249 = arith.subi %sign3A_245, %sign3A_248 : i32
    %ne3A_250 = arith.cmpi ne, %sign3A_242, %sign3A_249 : i32
    %rem3A_251 = arith.remsi %get3A_230, %jit3A_234 : i32
    %ne3A_252 = arith.constant 0 : i32
    %ne3A_253 = arith.cmpi ne, %rem3A_251, %ne3A_252 : i32
    %and3A_254 = arith.andi %ne3A_250, %ne3A_253 : i1
    %sub3A_255 = arith.constant 1 : i32
    %sub3A_256 = arith.subi %div3A_235, %sub3A_255 : i32
    %select_n3A_257 = arith.select %and3A_254, %sub3A_256, %div3A_235 : i32
    %mul3A_258 = arith.constant 8 : i32
    %mul3A_259 = arith.muli %select_n3A_257, %mul3A_258 : i32
    %sub3A_260 = arith.subi %get3A_230, %mul3A_259 : i32
    %get3A_261 = arith.constant 0 : index
    %get3A_262 = arith.index_cast %mul3A_259 : i32 to index
    %get3A_263 = arith.constant 0 : index
    %get3A_264 = vector.load %arg3[%get3A_261, %get3A_262, %get3A_263] : memref<1x2048x256xf32, #tpu.memory_space<vmem>>, vector<1x40x256xf32>
    %get3A_265 = vector.shape_cast %get3A_264 : vector<1x40x256xf32> to vector<40x256xf32>
    %sub3A_266 = vector.broadcast %sub3A_260 : i32 to vector<40x256xi32>
    %sub3A_267 = arith.subi %iota3A, %sub3A_266 : vector<40x256xi32>
    %lt3A_268 = vector.broadcast %get3A_233 : i32 to vector<40x256xi32>
    %lt3A_269 = arith.cmpi ult, %sub3A_267, %lt3A_268 : vector<40x256xi32>
    %jit3A_270 = arith.constant -3.40282347E+38 : f32
    %broadcast_in_dim3A_271 = vector.broadcast %jit3A_270 : f32 to vector<40x256xf32>
    %select_n3A_272 = arith.select %lt3A_269, %get3A_265, %broadcast_in_dim3A_271 : vector<40x256xi1>, vector<40x256xf32>
    %reduce_max3A_273 = arith.constant dense<0xFF800000> : vector<256xf32>
    %reduce_max3A_274 = vector.multi_reduction <maximumf>, %select_n3A_272, %reduce_max3A_273 [0] : vector<40x256xf32> to vector<256xf32>
    %broadcast_in_dim3A_275 = vector.shape_cast %reduce_max3A_274 : vector<256xf32> to vector<1x256xf32>
    %get3A_276 = arith.index_cast %add3A_0 : i32 to index
    %get3A_277 = arith.constant 6 : index
    %get3A_278 = memref.load %arg1[%get3A_276, %get3A_277] : memref<8x64xi32, #tpu.memory_space<smem>>
    %get3A_279 = arith.index_cast %add3A_0 : i32 to index
    %get3A_280 = arith.constant 6 : index
    %get3A_281 = memref.load %arg2[%get3A_279, %get3A_280] : memref<8x64xi32, #tpu.memory_space<smem>>
    %jit3A_282 = arith.constant 8 : i32
    %div3A_283 = arith.divsi %get3A_278, %jit3A_282 : i32
    %sign3A_284 = arith.constant 0 : i32
    %sign3A_285 = arith.cmpi sgt, %get3A_278, %sign3A_284 : i32
    %sign3A_286 = arith.extui %sign3A_285 : i1 to i32
    %sign3A_287 = arith.constant 0 : i32
    %sign3A_288 = arith.cmpi slt, %get3A_278, %sign3A_287 : i32
    %sign3A_289 = arith.extui %sign3A_288 : i1 to i32
    %sign3A_290 = arith.subi %sign3A_286, %sign3A_289 : i32
    %sign3A_291 = arith.constant 0 : i32
    %sign3A_292 = arith.cmpi sgt, %jit3A_282, %sign3A_291 : i32
    %sign3A_293 = arith.extui %sign3A_292 : i1 to i32
    %sign3A_294 = arith.constant 0 : i32
    %sign3A_295 = arith.cmpi slt, %jit3A_282, %sign3A_294 : i32
    %sign3A_296 = arith.extui %sign3A_295 : i1 to i32
    %sign3A_297 = arith.subi %sign3A_293, %sign3A_296 : i32
    %ne3A_298 = arith.cmpi ne, %sign3A_290, %sign3A_297 : i32
    %rem3A_299 = arith.remsi %get3A_278, %jit3A_282 : i32
    %ne3A_300 = arith.constant 0 : i32
    %ne3A_301 = arith.cmpi ne, %rem3A_299, %ne3A_300 : i32
    %and3A_302 = arith.andi %ne3A_298, %ne3A_301 : i1
    %sub3A_303 = arith.constant 1 : i32
    %sub3A_304 = arith.subi %div3A_283, %sub3A_303 : i32
    %select_n3A_305 = arith.select %and3A_302, %sub3A_304, %div3A_283 : i32
    %mul3A_306 = arith.constant 8 : i32
    %mul3A_307 = arith.muli %select_n3A_305, %mul3A_306 : i32
    %sub3A_308 = arith.subi %get3A_278, %mul3A_307 : i32
    %get3A_309 = arith.constant 0 : index
    %get3A_310 = arith.index_cast %mul3A_307 : i32 to index
    %get3A_311 = arith.constant 0 : index
    %get3A_312 = vector.load %arg3[%get3A_309, %get3A_310, %get3A_311] : memref<1x2048x256xf32, #tpu.memory_space<vmem>>, vector<1x40x256xf32>
    %get3A_313 = vector.shape_cast %get3A_312 : vector<1x40x256xf32> to vector<40x256xf32>
    %sub3A_314 = vector.broadcast %sub3A_308 : i32 to vector<40x256xi32>
    %sub3A_315 = arith.subi %iota3A, %sub3A_314 : vector<40x256xi32>
    %lt3A_316 = vector.broadcast %get3A_281 : i32 to vector<40x256xi32>
    %lt3A_317 = arith.cmpi ult, %sub3A_315, %lt3A_316 : vector<40x256xi32>
    %jit3A_318 = arith.constant -3.40282347E+38 : f32
    %broadcast_in_dim3A_319 = vector.broadcast %jit3A_318 : f32 to vector<40x256xf32>
    %select_n3A_320 = arith.select %lt3A_317, %get3A_313, %broadcast_in_dim3A_319 : vector<40x256xi1>, vector<40x256xf32>
    %reduce_max3A_321 = arith.constant dense<0xFF800000> : vector<256xf32>
    %reduce_max3A_322 = vector.multi_reduction <maximumf>, %select_n3A_320, %reduce_max3A_321 [0] : vector<40x256xf32> to vector<256xf32>
    %broadcast_in_dim3A_323 = vector.shape_cast %reduce_max3A_322 : vector<256xf32> to vector<1x256xf32>
    %get3A_324 = arith.index_cast %add3A_0 : i32 to index
    %get3A_325 = arith.constant 7 : index
    %get3A_326 = memref.load %arg1[%get3A_324, %get3A_325] : memref<8x64xi32, #tpu.memory_space<smem>>
    %get3A_327 = arith.index_cast %add3A_0 : i32 to index
    %get3A_328 = arith.constant 7 : index
    %get3A_329 = memref.load %arg2[%get3A_327, %get3A_328] : memref<8x64xi32, #tpu.memory_space<smem>>
    %jit3A_330 = arith.constant 8 : i32
    %div3A_331 = arith.divsi %get3A_326, %jit3A_330 : i32
    %sign3A_332 = arith.constant 0 : i32
    %sign3A_333 = arith.cmpi sgt, %get3A_326, %sign3A_332 : i32
    %sign3A_334 = arith.extui %sign3A_333 : i1 to i32
    %sign3A_335 = arith.constant 0 : i32
    %sign3A_336 = arith.cmpi slt, %get3A_326, %sign3A_335 : i32
    %sign3A_337 = arith.extui %sign3A_336 : i1 to i32
    %sign3A_338 = arith.subi %sign3A_334, %sign3A_337 : i32
    %sign3A_339 = arith.constant 0 : i32
    %sign3A_340 = arith.cmpi sgt, %jit3A_330, %sign3A_339 : i32
    %sign3A_341 = arith.extui %sign3A_340 : i1 to i32
    %sign3A_342 = arith.constant 0 : i32
    %sign3A_343 = arith.cmpi slt, %jit3A_330, %sign3A_342 : i32
    %sign3A_344 = arith.extui %sign3A_343 : i1 to i32
    %sign3A_345 = arith.subi %sign3A_341, %sign3A_344 : i32
    %ne3A_346 = arith.cmpi ne, %sign3A_338, %sign3A_345 : i32
    %rem3A_347 = arith.remsi %get3A_326, %jit3A_330 : i32
    %ne3A_348 = arith.constant 0 : i32
    %ne3A_349 = arith.cmpi ne, %rem3A_347, %ne3A_348 : i32
    %and3A_350 = arith.andi %ne3A_346, %ne3A_349 : i1
    %sub3A_351 = arith.constant 1 : i32
    %sub3A_352 = arith.subi %div3A_331, %sub3A_351 : i32
    %select_n3A_353 = arith.select %and3A_350, %sub3A_352, %div3A_331 : i32
    %mul3A_354 = arith.constant 8 : i32
    %mul3A_355 = arith.muli %select_n3A_353, %mul3A_354 : i32
    %sub3A_356 = arith.subi %get3A_326, %mul3A_355 : i32
    %get3A_357 = arith.constant 0 : index
    %get3A_358 = arith.index_cast %mul3A_355 : i32 to index
    %get3A_359 = arith.constant 0 : index
    %get3A_360 = vector.load %arg3[%get3A_357, %get3A_358, %get3A_359] : memref<1x2048x256xf32, #tpu.memory_space<vmem>>, vector<1x40x256xf32>
    %get3A_361 = vector.shape_cast %get3A_360 : vector<1x40x256xf32> to vector<40x256xf32>
    %sub3A_362 = vector.broadcast %sub3A_356 : i32 to vector<40x256xi32>
    %sub3A_363 = arith.subi %iota3A, %sub3A_362 : vector<40x256xi32>
    %lt3A_364 = vector.broadcast %get3A_329 : i32 to vector<40x256xi32>
    %lt3A_365 = arith.cmpi ult, %sub3A_363, %lt3A_364 : vector<40x256xi32>
    %jit3A_366 = arith.constant -3.40282347E+38 : f32
    %broadcast_in_dim3A_367 = vector.broadcast %jit3A_366 : f32 to vector<40x256xf32>
    %select_n3A_368 = arith.select %lt3A_365, %get3A_361, %broadcast_in_dim3A_367 : vector<40x256xi1>, vector<40x256xf32>
    %reduce_max3A_369 = arith.constant dense<0xFF800000> : vector<256xf32>
    %reduce_max3A_370 = vector.multi_reduction <maximumf>, %select_n3A_368, %reduce_max3A_369 [0] : vector<40x256xf32> to vector<256xf32>
    %broadcast_in_dim3A_371 = vector.shape_cast %reduce_max3A_370 : vector<256xf32> to vector<1x256xf32>
    %concatenate3A = tpu.concatenate %broadcast_in_dim3A_35, %broadcast_in_dim3A_83, %broadcast_in_dim3A_131, %broadcast_in_dim3A_179, %broadcast_in_dim3A_227, %broadcast_in_dim3A_275, %broadcast_in_dim3A_323, %broadcast_in_dim3A_371 in 0 : vector<1x256xf32>, vector<1x256xf32>, vector<1x256xf32>, vector<1x256xf32>, vector<1x256xf32>, vector<1x256xf32>, vector<1x256xf32>, vector<1x256xf32> -> vector<8x256xf32>
    %swap3A = arith.constant 0 : index
    %swap3A_372 = arith.constant 0 : index
    %swap3A_373 = vector.load %arg8[%swap3A, %swap3A_372] : memref<64x256xf32, #tpu.memory_space<vmem>>, vector<8x256xf32>
    tpu.vector_store %arg8[%swap3A, %swap3A_372], %concatenate3A {strides = array<i32>} : memref<64x256xf32, #tpu.memory_space<vmem>>, vector<8x256xf32>,
    %get3A_374 = arith.index_cast %add3A_0 : i32 to index
    %get3A_375 = arith.constant 8 : index
    %get3A_376 = memref.load %arg1[%get3A_374, %get3A_375] : memref<8x64xi32, #tpu.memory_space<smem>>
    %get3A_377 = arith.index_cast %add3A_0 : i32 to index
    %get3A_378 = arith.constant 8 : index
    %get3A_379 = memref.load %arg2[%get3A_377, %get3A_378] : memref<8x64xi32, #tpu.memory_space<smem>>
    %jit3A_380 = arith.constant 8 : i32
    %div3A_381 = arith.divsi %get3A_376, %jit3A_380 : i32
    %sign3A_382 = arith.constant 0 : i32
    %sign3A_383 = arith.cmpi sgt, %get3A_376, %sign3A_382 : i32
    %sign3A_384 = arith.extui %sign3A_383 : i1 to i32
    %sign3A_385 = arith.constant 0 : i32
    %sign3A_386 = arith.cmpi slt, %get3A_376, %sign3A_385 : i32
    %sign3A_387 = arith.extui %sign3A_386 : i1 to i32
    %sign3A_388 = arith.subi %sign3A_384, %sign3A_387 : i32
    %sign3A_389 = arith.constant 0 : i32
    %sign3A_390 = arith.cmpi sgt, %jit3A_380, %sign3A_389 : i32
    %sign3A_391 = arith.extui %sign3A_390 : i1 to i32
    %sign3A_392 = arith.constant 0 : i32
    %sign3A_393 = arith.cmpi slt, %jit3A_380, %sign3A_392 : i32
    %sign3A_394 = arith.extui %sign3A_393 : i1 to i32
    %sign3A_395 = arith.subi %sign3A_391, %sign3A_394 : i32
    %ne3A_396 = arith.cmpi ne, %sign3A_388, %sign3A_395 : i32
    %rem3A_397 = arith.remsi %get3A_376, %jit3A_380 : i32
    %ne3A_398 = arith.constant 0 : i32
    %ne3A_399 = arith.cmpi ne, %rem3A_397, %ne3A_398 : i32
    %and3A_400 = arith.andi %ne3A_396, %ne3A_399 : i1
    %sub3A_401 = arith.constant 1 : i32
    %sub3A_402 = arith.subi %div3A_381, %sub3A_401 : i32
    %select_n3A_403 = arith.select %and3A_400, %sub3A_402, %div3A_381 : i32
    %mul3A_404 = arith.constant 8 : i32
    %mul3A_405 = arith.muli %select_n3A_403, %mul3A_404 : i32
    %sub3A_406 = arith.subi %get3A_376, %mul3A_405 : i32
    %get3A_407 = arith.constant 0 : index
    %get3A_408 = arith.index_cast %mul3A_405 : i32 to index
    %get3A_409 = arith.constant 0 : index
    %get3A_410 = vector.load %arg3[%get3A_407, %get3A_408, %get3A_409] : memref<1x2048x256xf32, #tpu.memory_space<vmem>>, vector<1x40x256xf32>
    %get3A_411 = vector.shape_cast %get3A_410 : vector<1x40x256xf32> to vector<40x256xf32>
    %sub3A_412 = vector.broadcast %sub3A_406 : i32 to vector<40x256xi32>
    %sub3A_413 = arith.subi %iota3A, %sub3A_412 : vector<40x256xi32>
    %lt3A_414 = vector.broadcast %get3A_379 : i32 to vector<40x256xi32>
    %lt3A_415 = arith.cmpi ult, %sub3A_413, %lt3A_414 : vector<40x256xi32>
    %jit3A_416 = arith.constant -3.40282347E+38 : f32
    %broadcast_in_dim3A_417 = vector.broadcast %jit3A_416 : f32 to vector<40x256xf32>
    %select_n3A_418 = arith.select %lt3A_415, %get3A_411, %broadcast_in_dim3A_417 : vector<40x256xi1>, vector<40x256xf32>
    %reduce_max3A_419 = arith.constant dense<0xFF800000> : vector<256xf32>
    %reduce_max3A_420 = vector.multi_reduction <maximumf>, %select_n3A_418, %reduce_max3A_419 [0] : vector<40x256xf32> to vector<256xf32>
    %broadcast_in_dim3A_421 = vector.shape_cast %reduce_max3A_420 : vector<256xf32> to vector<1x256xf32>
    %get3A_422 = arith.index_cast %add3A_0 : i32 to index
    %get3A_423 = arith.constant 9 : index
    %get3A_424 = memref.load %arg1[%get3A_422, %get3A_423] : memref<8x64xi32, #tpu.memory_space<smem>>
    %get3A_425 = arith.index_cast %add3A_0 : i32 to index
    %get3A_426 = arith.constant 9 : index
    %get3A_427 = memref.load %arg2[%get3A_425, %get3A_426] : memref<8x64xi32, #tpu.memory_space<smem>>
    %jit3A_428 = arith.constant 8 : i32
    %div3A_429 = arith.divsi %get3A_424, %jit3A_428 : i32
    %sign3A_430 = arith.constant 0 : i32
    %sign3A_431 = arith.cmpi sgt, %get3A_424, %sign3A_430 : i32
    %sign3A_432 = arith.extui %sign3A_431 : i1 to i32
    %sign3A_433 = arith.constant 0 : i32
    %sign3A_434 = arith.cmpi slt, %get3A_424, %sign3A_433 : i32
    %sign3A_435 = arith.extui %sign3A_434 : i1 to i32
    %sign3A_436 = arith.subi %sign3A_432, %sign3A_435 : i32
    %sign3A_437 = arith.constant 0 : i32
    %sign3A_438 = arith.cmpi sgt, %jit3A_428, %sign3A_437 : i32
    %sign3A_439 = arith.extui %sign3A_438 : i1 to i32
    %sign3A_440 = arith.constant 0 : i32
    %sign3A_441 = arith.cmpi slt, %jit3A_428, %sign3A_440 : i32
    %sign3A_442 = arith.extui %sign3A_441 : i1 to i32
    %sign3A_443 = arith.subi %sign3A_439, %sign3A_442 : i32
    %ne3A_444 = arith.cmpi ne, %sign3A_436, %sign3A_443 : i32
    %rem3A_445 = arith.remsi %get3A_424, %jit3A_428 : i32
    %ne3A_446 = arith.constant 0 : i32
    %ne3A_447 = arith.cmpi ne, %rem3A_445, %ne3A_446 : i32
    %and3A_448 = arith.andi %ne3A_444, %ne3A_447 : i1
    %sub3A_449 = arith.constant 1 : i32
    %sub3A_450 = arith.subi %div3A_429, %sub3A_449 : i32
    %select_n3A_451 = arith.select %and3A_448, %sub3A_450, %div3A_429 : i32
    %mul3A_452 = arith.constant 8 : i32
    %mul3A_453 = arith.muli %select_n3A_451, %mul3A_452 : i32
    %sub3A_454 = arith.subi %get3A_424, %mul3A_453 : i32
    %get3A_455 = arith.constant 0 : index
    %get3A_456 = arith.index_cast %mul3A_453 : i32 to index
    %get3A_457 = arith.constant 0 : index
    %get3A_458 = vector.load %arg3[%get3A_455, %get3A_456, %get3A_457] : memref<1x2048x256xf32, #tpu.memory_space<vmem>>, vector<1x40x256xf32>
    %get3A_459 = vector.shape_cast %get3A_458 : vector<1x40x256xf32> to vector<40x256xf32>
    %sub3A_460 = vector.broadcast %sub3A_454 : i32 to vector<40x256xi32>
    %sub3A_461 = arith.subi %iota3A, %sub3A_460 : vector<40x256xi32>
    %lt3A_462 = vector.broadcast %get3A_427 : i32 to vector<40x256xi32>
    %lt3A_463 = arith.cmpi ult, %sub3A_461, %lt3A_462 : vector<40x256xi32>
    %jit3A_464 = arith.constant -3.40282347E+38 : f32
    %broadcast_in_dim3A_465 = vector.broadcast %jit3A_464 : f32 to vector<40x256xf32>
    %select_n3A_466 = arith.select %lt3A_463, %get3A_459, %broadcast_in_dim3A_465 : vector<40x256xi1>, vector<40x256xf32>
    %reduce_max3A_467 = arith.constant dense<0xFF800000> : vector<256xf32>
    %reduce_max3A_468 = vector.multi_reduction <maximumf>, %select_n3A_466, %reduce_max3A_467 [0] : vector<40x256xf32> to vector<256xf32>
    %broadcast_in_dim3A_469 = vector.shape_cast %reduce_max3A_468 : vector<256xf32> to vector<1x256xf32>
    %get3A_470 = arith.index_cast %add3A_0 : i32 to index
    %get3A_471 = arith.constant 10 : index
    %get3A_472 = memref.load %arg1[%get3A_470, %get3A_471] : memref<8x64xi32, #tpu.memory_space<smem>>
    %get3A_473 = arith.index_cast %add3A_0 : i32 to index
    %get3A_474 = arith.constant 10 : index
    %get3A_475 = memref.load %arg2[%get3A_473, %get3A_474] : memref<8x64xi32, #tpu.memory_space<smem>>
    %jit3A_476 = arith.constant 8 : i32
    %div3A_477 = arith.divsi %get3A_472, %jit3A_476 : i32
    %sign3A_478 = arith.constant 0 : i32
    %sign3A_479 = arith.cmpi sgt, %get3A_472, %sign3A_478 : i32
    %sign3A_480 = arith.extui %sign3A_479 : i1 to i32
    %sign3A_481 = arith.constant 0 : i32
    %sign3A_482 = arith.cmpi slt, %get3A_472, %sign3A_481 : i32
    %sign3A_483 = arith.extui %sign3A_482 : i1 to i32
    %sign3A_484 = arith.subi %sign3A_480, %sign3A_483 : i32
    %sign3A_485 = arith.constant 0 : i32
    %sign3A_486 = arith.cmpi sgt, %jit3A_476, %sign3A_485 : i32
    %sign3A_487 = arith.extui %sign3A_486 : i1 to i32
    %sign3A_488 = arith.constant 0 : i32
    %sign3A_489 = arith.cmpi slt, %jit3A_476, %sign3A_488 : i32
    %sign3A_490 = arith.extui %sign3A_489 : i1 to i32
    %sign3A_491 = arith.subi %sign3A_487, %sign3A_490 : i32
    %ne3A_492 = arith.cmpi ne, %sign3A_484, %sign3A_491 : i32
    %rem3A_493 = arith.remsi %get3A_472, %jit3A_476 : i32
    %ne3A_494 = arith.constant 0 : i32
    %ne3A_495 = arith.cmpi ne, %rem3A_493, %ne3A_494 : i32
    %and3A_496 = arith.andi %ne3A_492, %ne3A_495 : i1
    %sub3A_497 = arith.constant 1 : i32
    %sub3A_498 = arith.subi %div3A_477, %sub3A_497 : i32
    %select_n3A_499 = arith.select %and3A_496, %sub3A_498, %div3A_477 : i32
    %mul3A_500 = arith.constant 8 : i32
    %mul3A_501 = arith.muli %select_n3A_499, %mul3A_500 : i32
    %sub3A_502 = arith.subi %get3A_472, %mul3A_501 : i32
    %get3A_503 = arith.constant 0 : index
    %get3A_504 = arith.index_cast %mul3A_501 : i32 to index
    %get3A_505 = arith.constant 0 : index
    %get3A_506 = vector.load %arg3[%get3A_503, %get3A_504, %get3A_505] : memref<1x2048x256xf32, #tpu.memory_space<vmem>>, vector<1x40x256xf32>
    %get3A_507 = vector.shape_cast %get3A_506 : vector<1x40x256xf32> to vector<40x256xf32>
    %sub3A_508 = vector.broadcast %sub3A_502 : i32 to vector<40x256xi32>
    %sub3A_509 = arith.subi %iota3A, %sub3A_508 : vector<40x256xi32>
    %lt3A_510 = vector.broadcast %get3A_475 : i32 to vector<40x256xi32>
    %lt3A_511 = arith.cmpi ult, %sub3A_509, %lt3A_510 : vector<40x256xi32>
    %jit3A_512 = arith.constant -3.40282347E+38 : f32
    %broadcast_in_dim3A_513 = vector.broadcast %jit3A_512 : f32 to vector<40x256xf32>
    %select_n3A_514 = arith.select %lt3A_511, %get3A_507, %broadcast_in_dim3A_513 : vector<40x256xi1>, vector<40x256xf32>
    %reduce_max3A_515 = arith.constant dense<0xFF800000> : vector<256xf32>
    %reduce_max3A_516 = vector.multi_reduction <maximumf>, %select_n3A_514, %reduce_max3A_515 [0] : vector<40x256xf32> to vector<256xf32>
    %broadcast_in_dim3A_517 = vector.shape_cast %reduce_max3A_516 : vector<256xf32> to vector<1x256xf32>
    %get3A_518 = arith.index_cast %add3A_0 : i32 to index
    %get3A_519 = arith.constant 11 : index
    %get3A_520 = memref.load %arg1[%get3A_518, %get3A_519] : memref<8x64xi32, #tpu.memory_space<smem>>
    %get3A_521 = arith.index_cast %add3A_0 : i32 to index
    %get3A_522 = arith.constant 11 : index
    %get3A_523 = memref.load %arg2[%get3A_521, %get3A_522] : memref<8x64xi32, #tpu.memory_space<smem>>
    %jit3A_524 = arith.constant 8 : i32
    %div3A_525 = arith.divsi %get3A_520, %jit3A_524 : i32
    %sign3A_526 = arith.constant 0 : i32
    %sign3A_527 = arith.cmpi sgt, %get3A_520, %sign3A_526 : i32
    %sign3A_528 = arith.extui %sign3A_527 : i1 to i32
    %sign3A_529 = arith.constant 0 : i32
    %sign3A_530 = arith.cmpi slt, %get3A_520, %sign3A_529 : i32
    %sign3A_531 = arith.extui %sign3A_530 : i1 to i32
    %sign3A_532 = arith.subi %sign3A_528, %sign3A_531 : i32
    %sign3A_533 = arith.constant 0 : i32
    %sign3A_534 = arith.cmpi sgt, %jit3A_524, %sign3A_533 : i32
    %sign3A_535 = arith.extui %sign3A_534 : i1 to i32
    %sign3A_536 = arith.constant 0 : i32
    %sign3A_537 = arith.cmpi slt, %jit3A_524, %sign3A_536 : i32
    %sign3A_538 = arith.extui %sign3A_537 : i1 to i32
    %sign3A_539 = arith.subi %sign3A_535, %sign3A_538 : i32
    %ne3A_540 = arith.cmpi ne, %sign3A_532, %sign3A_539 : i32
    %rem3A_541 = arith.remsi %get3A_520, %jit3A_524 : i32
    %ne3A_542 = arith.constant 0 : i32
    %ne3A_543 = arith.cmpi ne, %rem3A_541, %ne3A_542 : i32
    %and3A_544 = arith.andi %ne3A_540, %ne3A_543 : i1
    %sub3A_545 = arith.constant 1 : i32
    %sub3A_546 = arith.subi %div3A_525, %sub3A_545 : i32
    %select_n3A_547 = arith.select %and3A_544, %sub3A_546, %div3A_525 : i32
    %mul3A_548 = arith.constant 8 : i32
    %mul3A_549 = arith.muli %select_n3A_547, %mul3A_548 : i32
    %sub3A_550 = arith.subi %get3A_520, %mul3A_549 : i32
    %get3A_551 = arith.constant 0 : index
    %get3A_552 = arith.index_cast %mul3A_549 : i32 to index
    %get3A_553 = arith.constant 0 : index
    %get3A_554 = vector.load %arg3[%get3A_551, %get3A_552, %get3A_553] : memref<1x2048x256xf32, #tpu.memory_space<vmem>>, vector<1x40x256xf32>
    %get3A_555 = vector.shape_cast %get3A_554 : vector<1x40x256xf32> to vector<40x256xf32>
    %sub3A_556 = vector.broadcast %sub3A_550 : i32 to vector<40x256xi32>
    %sub3A_557 = arith.subi %iota3A, %sub3A_556 : vector<40x256xi32>
    %lt3A_558 = vector.broadcast %get3A_523 : i32 to vector<40x256xi32>
    %lt3A_559 = arith.cmpi ult, %sub3A_557, %lt3A_558 : vector<40x256xi32>
    %jit3A_560 = arith.constant -3.40282347E+38 : f32
    %broadcast_in_dim3A_561 = vector.broadcast %jit3A_560 : f32 to vector<40x256xf32>
    %select_n3A_562 = arith.select %lt3A_559, %get3A_555, %broadcast_in_dim3A_561 : vector<40x256xi1>, vector<40x256xf32>
    %reduce_max3A_563 = arith.constant dense<0xFF800000> : vector<256xf32>
    %reduce_max3A_564 = vector.multi_reduction <maximumf>, %select_n3A_562, %reduce_max3A_563 [0] : vector<40x256xf32> to vector<256xf32>
    %broadcast_in_dim3A_565 = vector.shape_cast %reduce_max3A_564 : vector<256xf32> to vector<1x256xf32>
    %get3A_566 = arith.index_cast %add3A_0 : i32 to index
    %get3A_567 = arith.constant 12 : index
    %get3A_568 = memref.load %arg1[%get3A_566, %get3A_567] : memref<8x64xi32, #tpu.memory_space<smem>>
    %get3A_569 = arith.index_cast %add3A_0 : i32 to index
    %get3A_570 = arith.constant 12 : index
    %get3A_571 = memref.load %arg2[%get3A_569, %get3A_570] : memref<8x64xi32, #tpu.memory_space<smem>>
    %jit3A_572 = arith.constant 8 : i32
    %div3A_573 = arith.divsi %get3A_568, %jit3A_572 : i32
    %sign3A_574 = arith.constant 0 : i32
    %sign3A_575 = arith.cmpi sgt, %get3A_568, %sign3A_574 : i32
    %sign3A_576 = arith.extui %sign3A_575 : i1 to i32
    %sign3A_577 = arith.constant 0 : i32
    %sign3A_578 = arith.cmpi slt, %get3A_568, %sign3A_577 : i32
    %sign3A_579 = arith.extui %sign3A_578 : i1 to i32
    %sign3A_580 = arith.subi %sign3A_576, %sign3A_579 : i32
    %sign3A_581 = arith.constant 0 : i32
    %sign3A_582 = arith.cmpi sgt, %jit3A_572, %sign3A_581 : i32
    %sign3A_583 = arith.extui %sign3A_582 : i1 to i32
    %sign3A_584 = arith.constant 0 : i32
    %sign3A_585 = arith.cmpi slt, %jit3A_572, %sign3A_584 : i32
    %sign3A_586 = arith.extui %sign3A_585 : i1 to i32
    %sign3A_587 = arith.subi %sign3A_583, %sign3A_586 : i32
    %ne3A_588 = arith.cmpi ne, %sign3A_580, %sign3A_587 : i32
    %rem3A_589 = arith.remsi %get3A_568, %jit3A_572 : i32
    %ne3A_590 = arith.constant 0 : i32
    %ne3A_591 = arith.cmpi ne, %rem3A_589, %ne3A_590 : i32
    %and3A_592 = arith.andi %ne3A_588, %ne3A_591 : i1
    %sub3A_593 = arith.constant 1 : i32
    %sub3A_594 = arith.subi %div3A_573, %sub3A_593 : i32
    %select_n3A_595 = arith.select %and3A_592, %sub3A_594, %div3A_573 : i32
    %mul3A_596 = arith.constant 8 : i32
    %mul3A_597 = arith.muli %select_n3A_595, %mul3A_596 : i32
    %sub3A_598 = arith.subi %get3A_568, %mul3A_597 : i32
    %get3A_599 = arith.constant 0 : index
    %get3A_600 = arith.index_cast %mul3A_597 : i32 to index
    %get3A_601 = arith.constant 0 : index
    %get3A_602 = vector.load %arg3[%get3A_599, %get3A_600, %get3A_601] : memref<1x2048x256xf32, #tpu.memory_space<vmem>>, vector<1x40x256xf32>
    %get3A_603 = vector.shape_cast %get3A_602 : vector<1x40x256xf32> to vector<40x256xf32>
    %sub3A_604 = vector.broadcast %sub3A_598 : i32 to vector<40x256xi32>
    %sub3A_605 = arith.subi %iota3A, %sub3A_604 : vector<40x256xi32>
    %lt3A_606 = vector.broadcast %get3A_571 : i32 to vector<40x256xi32>
    %lt3A_607 = arith.cmpi ult, %sub3A_605, %lt3A_606 : vector<40x256xi32>
    %jit3A_608 = arith.constant -3.40282347E+38 : f32
    %broadcast_in_dim3A_609 = vector.broadcast %jit3A_608 : f32 to vector<40x256xf32>
    %select_n3A_610 = arith.select %lt3A_607, %get3A_603, %broadcast_in_dim3A_609 : vector<40x256xi1>, vector<40x256xf32>
    %reduce_max3A_611 = arith.constant dense<0xFF800000> : vector<256xf32>
    %reduce_max3A_612 = vector.multi_reduction <maximumf>, %select_n3A_610, %reduce_max3A_611 [0] : vector<40x256xf32> to vector<256xf32>
    %broadcast_in_dim3A_613 = vector.shape_cast %reduce_max3A_612 : vector<256xf32> to vector<1x256xf32>
    %get3A_614 = arith.index_cast %add3A_0 : i32 to index
    %get3A_615 = arith.constant 13 : index
    %get3A_616 = memref.load %arg1[%get3A_614, %get3A_615] : memref<8x64xi32, #tpu.memory_space<smem>>
    %get3A_617 = arith.index_cast %add3A_0 : i32 to index
    %get3A_618 = arith.constant 13 : index
    %get3A_619 = memref.load %arg2[%get3A_617, %get3A_618] : memref<8x64xi32, #tpu.memory_space<smem>>
    %jit3A_620 = arith.constant 8 : i32
    %div3A_621 = arith.divsi %get3A_616, %jit3A_620 : i32
    %sign3A_622 = arith.constant 0 : i32
    %sign3A_623 = arith.cmpi sgt, %get3A_616, %sign3A_622 : i32
    %sign3A_624 = arith.extui %sign3A_623 : i1 to i32
    %sign3A_625 = arith.constant 0 : i32
    %sign3A_626 = arith.cmpi slt, %get3A_616, %sign3A_625 : i32
    %sign3A_627 = arith.extui %sign3A_626 : i1 to i32
    %sign3A_628 = arith.subi %sign3A_624, %sign3A_627 : i32
    %sign3A_629 = arith.constant 0 : i32
    %sign3A_630 = arith.cmpi sgt, %jit3A_620, %sign3A_629 : i32
    %sign3A_631 = arith.extui %sign3A_630 : i1 to i32
    %sign3A_632 = arith.constant 0 : i32
    %sign3A_633 = arith.cmpi slt, %jit3A_620, %sign3A_632 : i32
    %sign3A_634 = arith.extui %sign3A_633 : i1 to i32
    %sign3A_635 = arith.subi %sign3A_631, %sign3A_634 : i32
    %ne3A_636 = arith.cmpi ne, %sign3A_628, %sign3A_635 : i32
    %rem3A_637 = arith.remsi %get3A_616, %jit3A_620 : i32
    %ne3A_638 = arith.constant 0 : i32
    %ne3A_639 = arith.cmpi ne, %rem3A_637, %ne3A_638 : i32
    %and3A_640 = arith.andi %ne3A_636, %ne3A_639 : i1
    %sub3A_641 = arith.constant 1 : i32
    %sub3A_642 = arith.subi %div3A_621, %sub3A_641 : i32
    %select_n3A_643 = arith.select %and3A_640, %sub3A_642, %div3A_621 : i32
    %mul3A_644 = arith.constant 8 : i32
    %mul3A_645 = arith.muli %select_n3A_643, %mul3A_644 : i32
    %sub3A_646 = arith.subi %get3A_616, %mul3A_645 : i32
    %get3A_647 = arith.constant 0 : index
    %get3A_648 = arith.index_cast %mul3A_645 : i32 to index
    %get3A_649 = arith.constant 0 : index
    %get3A_650 = vector.load %arg3[%get3A_647, %get3A_648, %get3A_649] : memref<1x2048x256xf32, #tpu.memory_space<vmem>>, vector<1x40x256xf32>
    %get3A_651 = vector.shape_cast %get3A_650 : vector<1x40x256xf32> to vector<40x256xf32>
    %sub3A_652 = vector.broadcast %sub3A_646 : i32 to vector<40x256xi32>
    %sub3A_653 = arith.subi %iota3A, %sub3A_652 : vector<40x256xi32>
    %lt3A_654 = vector.broadcast %get3A_619 : i32 to vector<40x256xi32>
    %lt3A_655 = arith.cmpi ult, %sub3A_653, %lt3A_654 : vector<40x256xi32>
    %jit3A_656 = arith.constant -3.40282347E+38 : f32
    %broadcast_in_dim3A_657 = vector.broadcast %jit3A_656 : f32 to vector<40x256xf32>
    %select_n3A_658 = arith.select %lt3A_655, %get3A_651, %broadcast_in_dim3A_657 : vector<40x256xi1>, vector<40x256xf32>
    %reduce_max3A_659 = arith.constant dense<0xFF800000> : vector<256xf32>
    %reduce_max3A_660 = vector.multi_reduction <maximumf>, %select_n3A_658, %reduce_max3A_659 [0] : vector<40x256xf32> to vector<256xf32>
    %broadcast_in_dim3A_661 = vector.shape_cast %reduce_max3A_660 : vector<256xf32> to vector<1x256xf32>
    %get3A_662 = arith.index_cast %add3A_0 : i32 to index
    %get3A_663 = arith.constant 14 : index
    %get3A_664 = memref.load %arg1[%get3A_662, %get3A_663] : memref<8x64xi32, #tpu.memory_space<smem>>
    %get3A_665 = arith.index_cast %add3A_0 : i32 to index
    %get3A_666 = arith.constant 14 : index
    %get3A_667 = memref.load %arg2[%get3A_665, %get3A_666] : memref<8x64xi32, #tpu.memory_space<smem>>
    %jit3A_668 = arith.constant 8 : i32
    %div3A_669 = arith.divsi %get3A_664, %jit3A_668 : i32
    %sign3A_670 = arith.constant 0 : i32
    %sign3A_671 = arith.cmpi sgt, %get3A_664, %sign3A_670 : i32
    %sign3A_672 = arith.extui %sign3A_671 : i1 to i32
    %sign3A_673 = arith.constant 0 : i32
    %sign3A_674 = arith.cmpi slt, %get3A_664, %sign3A_673 : i32
    %sign3A_675 = arith.extui %sign3A_674 : i1 to i32
    %sign3A_676 = arith.subi %sign3A_672, %sign3A_675 : i32
    %sign3A_677 = arith.constant 0 : i32
    %sign3A_678 = arith.cmpi sgt, %jit3A_668, %sign3A_677 : i32
    %sign3A_679 = arith.extui %sign3A_678 : i1 to i32
    %sign3A_680 = arith.constant 0 : i32
    %sign3A_681 = arith.cmpi slt, %jit3A_668, %sign3A_680 : i32
    %sign3A_682 = arith.extui %sign3A_681 : i1 to i32
    %sign3A_683 = arith.subi %sign3A_679, %sign3A_682 : i32
    %ne3A_684 = arith.cmpi ne, %sign3A_676, %sign3A_683 : i32
    %rem3A_685 = arith.remsi %get3A_664, %jit3A_668 : i32
    %ne3A_686 = arith.constant 0 : i32
    %ne3A_687 = arith.cmpi ne, %rem3A_685, %ne3A_686 : i32
    %and3A_688 = arith.andi %ne3A_684, %ne3A_687 : i1
    %sub3A_689 = arith.constant 1 : i32
    %sub3A_690 = arith.subi %div3A_669, %sub3A_689 : i32
    %select_n3A_691 = arith.select %and3A_688, %sub3A_690, %div3A_669 : i32
    %mul3A_692 = arith.constant 8 : i32
    %mul3A_693 = arith.muli %select_n3A_691, %mul3A_692 : i32
    %sub3A_694 = arith.subi %get3A_664, %mul3A_693 : i32
    %get3A_695 = arith.constant 0 : index
    %get3A_696 = arith.index_cast %mul3A_693 : i32 to index
    %get3A_697 = arith.constant 0 : index
    %get3A_698 = vector.load %arg3[%get3A_695, %get3A_696, %get3A_697] : memref<1x2048x256xf32, #tpu.memory_space<vmem>>, vector<1x40x256xf32>
    %get3A_699 = vector.shape_cast %get3A_698 : vector<1x40x256xf32> to vector<40x256xf32>
    %sub3A_700 = vector.broadcast %sub3A_694 : i32 to vector<40x256xi32>
    %sub3A_701 = arith.subi %iota3A, %sub3A_700 : vector<40x256xi32>
    %lt3A_702 = vector.broadcast %get3A_667 : i32 to vector<40x256xi32>
    %lt3A_703 = arith.cmpi ult, %sub3A_701, %lt3A_702 : vector<40x256xi32>
    %jit3A_704 = arith.constant -3.40282347E+38 : f32
    %broadcast_in_dim3A_705 = vector.broadcast %jit3A_704 : f32 to vector<40x256xf32>
    %select_n3A_706 = arith.select %lt3A_703, %get3A_699, %broadcast_in_dim3A_705 : vector<40x256xi1>, vector<40x256xf32>
    %reduce_max3A_707 = arith.constant dense<0xFF800000> : vector<256xf32>
    %reduce_max3A_708 = vector.multi_reduction <maximumf>, %select_n3A_706, %reduce_max3A_707 [0] : vector<40x256xf32> to vector<256xf32>
    %broadcast_in_dim3A_709 = vector.shape_cast %reduce_max3A_708 : vector<256xf32> to vector<1x256xf32>
    %get3A_710 = arith.index_cast %add3A_0 : i32 to index
    %get3A_711 = arith.constant 15 : index
    %get3A_712 = memref.load %arg1[%get3A_710, %get3A_711] : memref<8x64xi32, #tpu.memory_space<smem>>
    %get3A_713 = arith.index_cast %add3A_0 : i32 to index
    %get3A_714 = arith.constant 15 : index
    %get3A_715 = memref.load %arg2[%get3A_713, %get3A_714] : memref<8x64xi32, #tpu.memory_space<smem>>
    %jit3A_716 = arith.constant 8 : i32
    %div3A_717 = arith.divsi %get3A_712, %jit3A_716 : i32
    %sign3A_718 = arith.constant 0 : i32
    %sign3A_719 = arith.cmpi sgt, %get3A_712, %sign3A_718 : i32
    %sign3A_720 = arith.extui %sign3A_719 : i1 to i32
    %sign3A_721 = arith.constant 0 : i32
    %sign3A_722 = arith.cmpi slt, %get3A_712, %sign3A_721 : i32
    %sign3A_723 = arith.extui %sign3A_722 : i1 to i32
    %sign3A_724 = arith.subi %sign3A_720, %sign3A_723 : i32
    %sign3A_725 = arith.constant 0 : i32
    %sign3A_726 = arith.cmpi sgt, %jit3A_716, %sign3A_725 : i32
    %sign3A_727 = arith.extui %sign3A_726 : i1 to i32
    %sign3A_728 = arith.constant 0 : i32
    %sign3A_729 = arith.cmpi slt, %jit3A_716, %sign3A_728 : i32
    %sign3A_730 = arith.extui %sign3A_729 : i1 to i32
    %sign3A_731 = arith.subi %sign3A_727, %sign3A_730 : i32
    %ne3A_732 = arith.cmpi ne, %sign3A_724, %sign3A_731 : i32
    %rem3A_733 = arith.remsi %get3A_712, %jit3A_716 : i32
    %ne3A_734 = arith.constant 0 : i32
    %ne3A_735 = arith.cmpi ne, %rem3A_733, %ne3A_734 : i32
    %and3A_736 = arith.andi %ne3A_732, %ne3A_735 : i1
    %sub3A_737 = arith.constant 1 : i32
    %sub3A_738 = arith.subi %div3A_717, %sub3A_737 : i32
    %select_n3A_739 = arith.select %and3A_736, %sub3A_738, %div3A_717 : i32
    %mul3A_740 = arith.constant 8 : i32
    %mul3A_741 = arith.muli %select_n3A_739, %mul3A_740 : i32
    %sub3A_742 = arith.subi %get3A_712, %mul3A_741 : i32
    %get3A_743 = arith.constant 0 : index
    %get3A_744 = arith.index_cast %mul3A_741 : i32 to index
    %get3A_745 = arith.constant 0 : index
    %get3A_746 = vector.load %arg3[%get3A_743, %get3A_744, %get3A_745] : memref<1x2048x256xf32, #tpu.memory_space<vmem>>, vector<1x40x256xf32>
    %get3A_747 = vector.shape_cast %get3A_746 : vector<1x40x256xf32> to vector<40x256xf32>
    %sub3A_748 = vector.broadcast %sub3A_742 : i32 to vector<40x256xi32>
    %sub3A_749 = arith.subi %iota3A, %sub3A_748 : vector<40x256xi32>
    %lt3A_750 = vector.broadcast %get3A_715 : i32 to vector<40x256xi32>
    %lt3A_751 = arith.cmpi ult, %sub3A_749, %lt3A_750 : vector<40x256xi32>
    %jit3A_752 = arith.constant -3.40282347E+38 : f32
    %broadcast_in_dim3A_753 = vector.broadcast %jit3A_752 : f32 to vector<40x256xf32>
    %select_n3A_754 = arith.select %lt3A_751, %get3A_747, %broadcast_in_dim3A_753 : vector<40x256xi1>, vector<40x256xf32>
    %reduce_max3A_755 = arith.constant dense<0xFF800000> : vector<256xf32>
    %reduce_max3A_756 = vector.multi_reduction <maximumf>, %select_n3A_754, %reduce_max3A_755 [0] : vector<40x256xf32> to vector<256xf32>
    %broadcast_in_dim3A_757 = vector.shape_cast %reduce_max3A_756 : vector<256xf32> to vector<1x256xf32>
    %concatenate3A_758 = tpu.concatenate %broadcast_in_dim3A_421, %broadcast_in_dim3A_469, %broadcast_in_dim3A_517, %broadcast_in_dim3A_565, %broadcast_in_dim3A_613, %broadcast_in_dim3A_661, %broadcast_in_dim3A_709, %broadcast_in_dim3A_757 in 0 : vector<1x256xf32>, vector<1x256xf32>, vector<1x256xf32>, vector<1x256xf32>, vector<1x256xf32>, vector<1x256xf32>, vector<1x256xf32>, vector<1x256xf32> -> vector<8x256xf32>
    %swap3A_759 = arith.constant 8 : index
    %swap3A_760 = arith.constant 0 : index
    %swap3A_761 = vector.load %arg8[%swap3A_759, %swap3A_760] : memref<64x256xf32, #tpu.memory_space<vmem>>, vector<8x256xf32>
    tpu.vector_store %arg8[%swap3A_759, %swap3A_760], %concatenate3A_758 {strides = array<i32>} : memref<64x256xf32, #tpu.memory_space<vmem>>, vector<8x256xf32>,
    %get3A_762 = arith.index_cast %add3A_0 : i32 to index
    %get3A_763 = arith.constant 16 : index
    %get3A_764 = memref.load %arg1[%get3A_762, %get3A_763] : memref<8x64xi32, #tpu.memory_space<smem>>
    %get3A_765 = arith.index_cast %add3A_0 : i32 to index
    %get3A_766 = arith.constant 16 : index
    %get3A_767 = memref.load %arg2[%get3A_765, %get3A_766] : memref<8x64xi32, #tpu.memory_space<smem>>
    %jit3A_768 = arith.constant 8 : i32
    %div3A_769 = arith.divsi %get3A_764, %jit3A_768 : i32
    %sign3A_770 = arith.constant 0 : i32
    %sign3A_771 = arith.cmpi sgt, %get3A_764, %sign3A_770 : i32
    %sign3A_772 = arith.extui %sign3A_771 : i1 to i32
    %sign3A_773 = arith.constant 0 : i32
    %sign3A_774 = arith.cmpi slt, %get3A_764, %sign3A_773 : i32
    %sign3A_775 = arith.extui %sign3A_774 : i1 to i32
    %sign3A_776 = arith.subi %sign3A_772, %sign3A_775 : i32
    %sign3A_777 = arith.constant 0 : i32
    %sign3A_778 = arith.cmpi sgt, %jit3A_768, %sign3A_777 : i32
    %sign3A_779 = arith.extui %sign3A_778 : i1 to i32
    %sign3A_780 = arith.constant 0 : i32
    %sign3A_781 = arith.cmpi slt, %jit3A_768, %sign3A_780 : i32
    %sign3A_782 = arith.extui %sign3A_781 : i1 to i32
    %sign3A_783 = arith.subi %sign3A_779, %sign3A_782 : i32
    %ne3A_784 = arith.cmpi ne, %sign3A_776, %sign3A_783 : i32
    %rem3A_785 = arith.remsi %get3A_764, %jit3A_768 : i32
    %ne3A_786 = arith.constant 0 : i32
    %ne3A_787 = arith.cmpi ne, %rem3A_785, %ne3A_786 : i32
    %and3A_788 = arith.andi %ne3A_784, %ne3A_787 : i1
    %sub3A_789 = arith.constant 1 : i32
    %sub3A_790 = arith.subi %div3A_769, %sub3A_789 : i32
    %select_n3A_791 = arith.select %and3A_788, %sub3A_790, %div3A_769 : i32
    %mul3A_792 = arith.constant 8 : i32
    %mul3A_793 = arith.muli %select_n3A_791, %mul3A_792 : i32
    %sub3A_794 = arith.subi %get3A_764, %mul3A_793 : i32
    %get3A_795 = arith.constant 0 : index
    %get3A_796 = arith.index_cast %mul3A_793 : i32 to index
    %get3A_797 = arith.constant 0 : index
    %get3A_798 = vector.load %arg3[%get3A_795, %get3A_796, %get3A_797] : memref<1x2048x256xf32, #tpu.memory_space<vmem>>, vector<1x40x256xf32>
    %get3A_799 = vector.shape_cast %get3A_798 : vector<1x40x256xf32> to vector<40x256xf32>
    %sub3A_800 = vector.broadcast %sub3A_794 : i32 to vector<40x256xi32>
    %sub3A_801 = arith.subi %iota3A, %sub3A_800 : vector<40x256xi32>
    %lt3A_802 = vector.broadcast %get3A_767 : i32 to vector<40x256xi32>
    %lt3A_803 = arith.cmpi ult, %sub3A_801, %lt3A_802 : vector<40x256xi32>
    %jit3A_804 = arith.constant -3.40282347E+38 : f32
    %broadcast_in_dim3A_805 = vector.broadcast %jit3A_804 : f32 to vector<40x256xf32>
    %select_n3A_806 = arith.select %lt3A_803, %get3A_799, %broadcast_in_dim3A_805 : vector<40x256xi1>, vector<40x256xf32>
    %reduce_max3A_807 = arith.constant dense<0xFF800000> : vector<256xf32>
    %reduce_max3A_808 = vector.multi_reduction <maximumf>, %select_n3A_806, %reduce_max3A_807 [0] : vector<40x256xf32> to vector<256xf32>
    %broadcast_in_dim3A_809 = vector.shape_cast %reduce_max3A_808 : vector<256xf32> to vector<1x256xf32>
    %get3A_810 = arith.index_cast %add3A_0 : i32 to index
    %get3A_811 = arith.constant 17 : index
    %get3A_812 = memref.load %arg1[%get3A_810, %get3A_811] : memref<8x64xi32, #tpu.memory_space<smem>>
    %get3A_813 = arith.index_cast %add3A_0 : i32 to index
    %get3A_814 = arith.constant 17 : index
    %get3A_815 = memref.load %arg2[%get3A_813, %get3A_814] : memref<8x64xi32, #tpu.memory_space<smem>>
    %jit3A_816 = arith.constant 8 : i32
    %div3A_817 = arith.divsi %get3A_812, %jit3A_816 : i32
    %sign3A_818 = arith.constant 0 : i32
    %sign3A_819 = arith.cmpi sgt, %get3A_812, %sign3A_818 : i32
    %sign3A_820 = arith.extui %sign3A_819 : i1 to i32
    %sign3A_821 = arith.constant 0 : i32
    %sign3A_822 = arith.cmpi slt, %get3A_812, %sign3A_821 : i32
    %sign3A_823 = arith.extui %sign3A_822 : i1 to i32
    %sign3A_824 = arith.subi %sign3A_820, %sign3A_823 : i32
    %sign3A_825 = arith.constant 0 : i32
    %sign3A_826 = arith.cmpi sgt, %jit3A_816, %sign3A_825 : i32
    %sign3A_827 = arith.extui %sign3A_826 : i1 to i32
    %sign3A_828 = arith.constant 0 : i32
    %sign3A_829 = arith.cmpi slt, %jit3A_816, %sign3A_828 : i32
    %sign3A_830 = arith.extui %sign3A_829 : i1 to i32
    %sign3A_831 = arith.subi %sign3A_827, %sign3A_830 : i32
    %ne3A_832 = arith.cmpi ne, %sign3A_824, %sign3A_831 : i32
    %rem3A_833 = arith.remsi %get3A_812, %jit3A_816 : i32
    %ne3A_834 = arith.constant 0 : i32
    %ne3A_835 = arith.cmpi ne, %rem3A_833, %ne3A_834 : i32
    %and3A_836 = arith.andi %ne3A_832, %ne3A_835 : i1
    %sub3A_837 = arith.constant 1 : i32
    %sub3A_838 = arith.subi %div3A_817, %sub3A_837 : i32
    %select_n3A_839 = arith.select %and3A_836, %sub3A_838, %div3A_817 : i32
    %mul3A_840 = arith.constant 8 : i32
    %mul3A_841 = arith.muli %select_n3A_839, %mul3A_840 : i32
    %sub3A_842 = arith.subi %get3A_812, %mul3A_841 : i32
    %get3A_843 = arith.constant 0 : index
    %get3A_844 = arith.index_cast %mul3A_841 : i32 to index
    %get3A_845 = arith.constant 0 : index
    %get3A_846 = vector.load %arg3[%get3A_843, %get3A_844, %get3A_845] : memref<1x2048x256xf32, #tpu.memory_space<vmem>>, vector<1x40x256xf32>
    %get3A_847 = vector.shape_cast %get3A_846 : vector<1x40x256xf32> to vector<40x256xf32>
    %sub3A_848 = vector.broadcast %sub3A_842 : i32 to vector<40x256xi32>
    %sub3A_849 = arith.subi %iota3A, %sub3A_848 : vector<40x256xi32>
    %lt3A_850 = vector.broadcast %get3A_815 : i32 to vector<40x256xi32>
    %lt3A_851 = arith.cmpi ult, %sub3A_849, %lt3A_850 : vector<40x256xi32>
    %jit3A_852 = arith.constant -3.40282347E+38 : f32
    %broadcast_in_dim3A_853 = vector.broadcast %jit3A_852 : f32 to vector<40x256xf32>
    %select_n3A_854 = arith.select %lt3A_851, %get3A_847, %broadcast_in_dim3A_853 : vector<40x256xi1>, vector<40x256xf32>
    %reduce_max3A_855 = arith.constant dense<0xFF800000> : vector<256xf32>
    %reduce_max3A_856 = vector.multi_reduction <maximumf>, %select_n3A_854, %reduce_max3A_855 [0] : vector<40x256xf32> to vector<256xf32>
    %broadcast_in_dim3A_857 = vector.shape_cast %reduce_max3A_856 : vector<256xf32> to vector<1x256xf32>
    %get3A_858 = arith.index_cast %add3A_0 : i32 to index
    %get3A_859 = arith.constant 18 : index
    %get3A_860 = memref.load %arg1[%get3A_858, %get3A_859] : memref<8x64xi32, #tpu.memory_space<smem>>
    %get3A_861 = arith.index_cast %add3A_0 : i32 to index
    %get3A_862 = arith.constant 18 : index
    %get3A_863 = memref.load %arg2[%get3A_861, %get3A_862] : memref<8x64xi32, #tpu.memory_space<smem>>
    %jit3A_864 = arith.constant 8 : i32
    %div3A_865 = arith.divsi %get3A_860, %jit3A_864 : i32
    %sign3A_866 = arith.constant 0 : i32
    %sign3A_867 = arith.cmpi sgt, %get3A_860, %sign3A_866 : i32
    %sign3A_868 = arith.extui %sign3A_867 : i1 to i32
    %sign3A_869 = arith.constant 0 : i32
    %sign3A_870 = arith.cmpi slt, %get3A_860, %sign3A_869 : i32
    %sign3A_871 = arith.extui %sign3A_870 : i1 to i32
    %sign3A_872 = arith.subi %sign3A_868, %sign3A_871 : i32
    %sign3A_873 = arith.constant 0 : i32
    %sign3A_874 = arith.cmpi sgt, %jit3A_864, %sign3A_873 : i32
    %sign3A_875 = arith.extui %sign3A_874 : i1 to i32
    %sign3A_876 = arith.constant 0 : i32
    %sign3A_877 = arith.cmpi slt, %jit3A_864, %sign3A_876 : i32
    %sign3A_878 = arith.extui %sign3A_877 : i1 to i32
    %sign3A_879 = arith.subi %sign3A_875, %sign3A_878 : i32
    %ne3A_880 = arith.cmpi ne, %sign3A_872, %sign3A_879 : i32
    %rem3A_881 = arith.remsi %get3A_860, %jit3A_864 : i32
    %ne3A_882 = arith.constant 0 : i32
    %ne3A_883 = arith.cmpi ne, %rem3A_881, %ne3A_882 : i32
    %and3A_884 = arith.andi %ne3A_880, %ne3A_883 : i1
    %sub3A_885 = arith.constant 1 : i32
    %sub3A_886 = arith.subi %div3A_865, %sub3A_885 : i32
    %select_n3A_887 = arith.select %and3A_884, %sub3A_886, %div3A_865 : i32
    %mul3A_888 = arith.constant 8 : i32
    %mul3A_889 = arith.muli %select_n3A_887, %mul3A_888 : i32
    %sub3A_890 = arith.subi %get3A_860, %mul3A_889 : i32
    %get3A_891 = arith.constant 0 : index
    %get3A_892 = arith.index_cast %mul3A_889 : i32 to index
    %get3A_893 = arith.constant 0 : index
    %get3A_894 = vector.load %arg3[%get3A_891, %get3A_892, %get3A_893] : memref<1x2048x256xf32, #tpu.memory_space<vmem>>, vector<1x40x256xf32>
    %get3A_895 = vector.shape_cast %get3A_894 : vector<1x40x256xf32> to vector<40x256xf32>
    %sub3A_896 = vector.broadcast %sub3A_890 : i32 to vector<40x256xi32>
    %sub3A_897 = arith.subi %iota3A, %sub3A_896 : vector<40x256xi32>
    %lt3A_898 = vector.broadcast %get3A_863 : i32 to vector<40x256xi32>
    %lt3A_899 = arith.cmpi ult, %sub3A_897, %lt3A_898 : vector<40x256xi32>
    %jit3A_900 = arith.constant -3.40282347E+38 : f32
    %broadcast_in_dim3A_901 = vector.broadcast %jit3A_900 : f32 to vector<40x256xf32>
    %select_n3A_902 = arith.select %lt3A_899, %get3A_895, %broadcast_in_dim3A_901 : vector<40x256xi1>, vector<40x256xf32>
    %reduce_max3A_903 = arith.constant dense<0xFF800000> : vector<256xf32>
    %reduce_max3A_904 = vector.multi_reduction <maximumf>, %select_n3A_902, %reduce_max3A_903 [0] : vector<40x256xf32> to vector<256xf32>
    %broadcast_in_dim3A_905 = vector.shape_cast %reduce_max3A_904 : vector<256xf32> to vector<1x256xf32>
    %get3A_906 = arith.index_cast %add3A_0 : i32 to index
    %get3A_907 = arith.constant 19 : index
    %get3A_908 = memref.load %arg1[%get3A_906, %get3A_907] : memref<8x64xi32, #tpu.memory_space<smem>>
    %get3A_909 = arith.index_cast %add3A_0 : i32 to index
    %get3A_910 = arith.constant 19 : index
    %get3A_911 = memref.load %arg2[%get3A_909, %get3A_910] : memref<8x64xi32, #tpu.memory_space<smem>>
    %jit3A_912 = arith.constant 8 : i32
    %div3A_913 = arith.divsi %get3A_908, %jit3A_912 : i32
    %sign3A_914 = arith.constant 0 : i32
    %sign3A_915 = arith.cmpi sgt, %get3A_908, %sign3A_914 : i32
    %sign3A_916 = arith.extui %sign3A_915 : i1 to i32
    %sign3A_917 = arith.constant 0 : i32
    %sign3A_918 = arith.cmpi slt, %get3A_908, %sign3A_917 : i32
    %sign3A_919 = arith.extui %sign3A_918 : i1 to i32
    %sign3A_920 = arith.subi %sign3A_916, %sign3A_919 : i32
    %sign3A_921 = arith.constant 0 : i32
    %sign3A_922 = arith.cmpi sgt, %jit3A_912, %sign3A_921 : i32
    %sign3A_923 = arith.extui %sign3A_922 : i1 to i32
    %sign3A_924 = arith.constant 0 : i32
    %sign3A_925 = arith.cmpi slt, %jit3A_912, %sign3A_924 : i32
    %sign3A_926 = arith.extui %sign3A_925 : i1 to i32
    %sign3A_927 = arith.subi %sign3A_923, %sign3A_926 : i32
    %ne3A_928 = arith.cmpi ne, %sign3A_920, %sign3A_927 : i32
    %rem3A_929 = arith.remsi %get3A_908, %jit3A_912 : i32
    %ne3A_930 = arith.constant 0 : i32
    %ne3A_931 = arith.cmpi ne, %rem3A_929, %ne3A_930 : i32
    %and3A_932 = arith.andi %ne3A_928, %ne3A_931 : i1
    %sub3A_933 = arith.constant 1 : i32
    %sub3A_934 = arith.subi %div3A_913, %sub3A_933 : i32
    %select_n3A_935 = arith.select %and3A_932, %sub3A_934, %div3A_913 : i32
    %mul3A_936 = arith.constant 8 : i32
    %mul3A_937 = arith.muli %select_n3A_935, %mul3A_936 : i32
    %sub3A_938 = arith.subi %get3A_908, %mul3A_937 : i32
    %get3A_939 = arith.constant 0 : index
    %get3A_940 = arith.index_cast %mul3A_937 : i32 to index
    %get3A_941 = arith.constant 0 : index
    %get3A_942 = vector.load %arg3[%get3A_939, %get3A_940, %get3A_941] : memref<1x2048x256xf32, #tpu.memory_space<vmem>>, vector<1x40x256xf32>
    %get3A_943 = vector.shape_cast %get3A_942 : vector<1x40x256xf32> to vector<40x256xf32>
    %sub3A_944 = vector.broadcast %sub3A_938 : i32 to vector<40x256xi32>
    %sub3A_945 = arith.subi %iota3A, %sub3A_944 : vector<40x256xi32>
    %lt3A_946 = vector.broadcast %get3A_911 : i32 to vector<40x256xi32>
    %lt3A_947 = arith.cmpi ult, %sub3A_945, %lt3A_946 : vector<40x256xi32>
    %jit3A_948 = arith.constant -3.40282347E+38 : f32
    %broadcast_in_dim3A_949 = vector.broadcast %jit3A_948 : f32 to vector<40x256xf32>
    %select_n3A_950 = arith.select %lt3A_947, %get3A_943, %broadcast_in_dim3A_949 : vector<40x256xi1>, vector<40x256xf32>
    %reduce_max3A_951 = arith.constant dense<0xFF800000> : vector<256xf32>
    %reduce_max3A_952 = vector.multi_reduction <maximumf>, %select_n3A_950, %reduce_max3A_951 [0] : vector<40x256xf32> to vector<256xf32>
    %broadcast_in_dim3A_953 = vector.shape_cast %reduce_max3A_952 : vector<256xf32> to vector<1x256xf32>
    %get3A_954 = arith.index_cast %add3A_0 : i32 to index
    %get3A_955 = arith.constant 20 : index
    %get3A_956 = memref.load %arg1[%get3A_954, %get3A_955] : memref<8x64xi32, #tpu.memory_space<smem>>
    %get3A_957 = arith.index_cast %add3A_0 : i32 to index
    %get3A_958 = arith.constant 20 : index
    %get3A_959 = memref.load %arg2[%get3A_957, %get3A_958] : memref<8x64xi32, #tpu.memory_space<smem>>
    %jit3A_960 = arith.constant 8 : i32
    %div3A_961 = arith.divsi %get3A_956, %jit3A_960 : i32
    %sign3A_962 = arith.constant 0 : i32
    %sign3A_963 = arith.cmpi sgt, %get3A_956, %sign3A_962 : i32
    %sign3A_964 = arith.extui %sign3A_963 : i1 to i32
    %sign3A_965 = arith.constant 0 : i32
    %sign3A_966 = arith.cmpi slt, %get3A_956, %sign3A_965 : i32
    %sign3A_967 = arith.extui %sign3A_966 : i1 to i32
    %sign3A_968 = arith.subi %sign3A_964, %sign3A_967 : i32
    %sign3A_969 = arith.constant 0 : i32
    %sign3A_970 = arith.cmpi sgt, %jit3A_960, %sign3A_969 : i32
    %sign3A_971 = arith.extui %sign3A_970 : i1 to i32
    %sign3A_972 = arith.constant 0 : i32
    %sign3A_973 = arith.cmpi slt, %jit3A_960, %sign3A_972 : i32
    %sign3A_974 = arith.extui %sign3A_973 : i1 to i32
    %sign3A_975 = arith.subi %sign3A_971, %sign3A_974 : i32
    %ne3A_976 = arith.cmpi ne, %sign3A_968, %sign3A_975 : i32
    %rem3A_977 = arith.remsi %get3A_956, %jit3A_960 : i32
    %ne3A_978 = arith.constant 0 : i32
    %ne3A_979 = arith.cmpi ne, %rem3A_977, %ne3A_978 : i32
    %and3A_980 = arith.andi %ne3A_976, %ne3A_979 : i1
    %sub3A_981 = arith.constant 1 : i32
    %sub3A_982 = arith.subi %div3A_961, %sub3A_981 : i32
    %select_n3A_983 = arith.select %and3A_980, %sub3A_982, %div3A_961 : i32
    %mul3A_984 = arith.constant 8 : i32
    %mul3A_985 = arith.muli %select_n3A_983, %mul3A_984 : i32
    %sub3A_986 = arith.subi %get3A_956, %mul3A_985 : i32
    %get3A_987 = arith.constant 0 : index
    %get3A_988 = arith.index_cast %mul3A_985 : i32 to index
    %get3A_989 = arith.constant 0 : index
    %get3A_990 = vector.load %arg3[%get3A_987, %get3A_988, %get3A_989] : memref<1x2048x256xf32, #tpu.memory_space<vmem>>, vector<1x40x256xf32>
    %get3A_991 = vector.shape_cast %get3A_990 : vector<1x40x256xf32> to vector<40x256xf32>
    %sub3A_992 = vector.broadcast %sub3A_986 : i32 to vector<40x256xi32>
    %sub3A_993 = arith.subi %iota3A, %sub3A_992 : vector<40x256xi32>
    %lt3A_994 = vector.broadcast %get3A_959 : i32 to vector<40x256xi32>
    %lt3A_995 = arith.cmpi ult, %sub3A_993, %lt3A_994 : vector<40x256xi32>
    %jit3A_996 = arith.constant -3.40282347E+38 : f32
    %broadcast_in_dim3A_997 = vector.broadcast %jit3A_996 : f32 to vector<40x256xf32>
    %select_n3A_998 = arith.select %lt3A_995, %get3A_991, %broadcast_in_dim3A_997 : vector<40x256xi1>, vector<40x256xf32>
    %reduce_max3A_999 = arith.constant dense<0xFF800000> : vector<256xf32>
    %reduce_max3A_1000 = vector.multi_reduction <maximumf>, %select_n3A_998, %reduce_max3A_999 [0] : vector<40x256xf32> to vector<256xf32>
    %broadcast_in_dim3A_1001 = vector.shape_cast %reduce_max3A_1000 : vector<256xf32> to vector<1x256xf32>
    %get3A_1002 = arith.index_cast %add3A_0 : i32 to index
    %get3A_1003 = arith.constant 21 : index
    %get3A_1004 = memref.load %arg1[%get3A_1002, %get3A_1003] : memref<8x64xi32, #tpu.memory_space<smem>>
    %get3A_1005 = arith.index_cast %add3A_0 : i32 to index
    %get3A_1006 = arith.constant 21 : index
    %get3A_1007 = memref.load %arg2[%get3A_1005, %get3A_1006] : memref<8x64xi32, #tpu.memory_space<smem>>
    %jit3A_1008 = arith.constant 8 : i32
    %div3A_1009 = arith.divsi %get3A_1004, %jit3A_1008 : i32
    %sign3A_1010 = arith.constant 0 : i32
    %sign3A_1011 = arith.cmpi sgt, %get3A_1004, %sign3A_1010 : i32
    %sign3A_1012 = arith.extui %sign3A_1011 : i1 to i32
    %sign3A_1013 = arith.constant 0 : i32
    %sign3A_1014 = arith.cmpi slt, %get3A_1004, %sign3A_1013 : i32
    %sign3A_1015 = arith.extui %sign3A_1014 : i1 to i32
    %sign3A_1016 = arith.subi %sign3A_1012, %sign3A_1015 : i32
    %sign3A_1017 = arith.constant 0 : i32
    %sign3A_1018 = arith.cmpi sgt, %jit3A_1008, %sign3A_1017 : i32
    %sign3A_1019 = arith.extui %sign3A_1018 : i1 to i32
    %sign3A_1020 = arith.constant 0 : i32
    %sign3A_1021 = arith.cmpi slt, %jit3A_1008, %sign3A_1020 : i32
    %sign3A_1022 = arith.extui %sign3A_1021 : i1 to i32
    %sign3A_1023 = arith.subi %sign3A_1019, %sign3A_1022 : i32
    %ne3A_1024 = arith.cmpi ne, %sign3A_1016, %sign3A_1023 : i32
    %rem3A_1025 = arith.remsi %get3A_1004, %jit3A_1008 : i32
    %ne3A_1026 = arith.constant 0 : i32
    %ne3A_1027 = arith.cmpi ne, %rem3A_1025, %ne3A_1026 : i32
    %and3A_1028 = arith.andi %ne3A_1024, %ne3A_1027 : i1
    %sub3A_1029 = arith.constant 1 : i32
    %sub3A_1030 = arith.subi %div3A_1009, %sub3A_1029 : i32
    %select_n3A_1031 = arith.select %and3A_1028, %sub3A_1030, %div3A_1009 : i32
    %mul3A_1032 = arith.constant 8 : i32
    %mul3A_1033 = arith.muli %select_n3A_1031, %mul3A_1032 : i32
    %sub3A_1034 = arith.subi %get3A_1004, %mul3A_1033 : i32
    %get3A_1035 = arith.constant 0 : index
    %get3A_1036 = arith.index_cast %mul3A_1033 : i32 to index
    %get3A_1037 = arith.constant 0 : index
    %get3A_1038 = vector.load %arg3[%get3A_1035, %get3A_1036, %get3A_1037] : memref<1x2048x256xf32, #tpu.memory_space<vmem>>, vector<1x40x256xf32>
    %get3A_1039 = vector.shape_cast %get3A_1038 : vector<1x40x256xf32> to vector<40x256xf32>
    %sub3A_1040 = vector.broadcast %sub3A_1034 : i32 to vector<40x256xi32>
    %sub3A_1041 = arith.subi %iota3A, %sub3A_1040 : vector<40x256xi32>
    %lt3A_1042 = vector.broadcast %get3A_1007 : i32 to vector<40x256xi32>
    %lt3A_1043 = arith.cmpi ult, %sub3A_1041, %lt3A_1042 : vector<40x256xi32>
    %jit3A_1044 = arith.constant -3.40282347E+38 : f32
    %broadcast_in_dim3A_1045 = vector.broadcast %jit3A_1044 : f32 to vector<40x256xf32>
    %select_n3A_1046 = arith.select %lt3A_1043, %get3A_1039, %broadcast_in_dim3A_1045 : vector<40x256xi1>, vector<40x256xf32>
    %reduce_max3A_1047 = arith.constant dense<0xFF800000> : vector<256xf32>
    %reduce_max3A_1048 = vector.multi_reduction <maximumf>, %select_n3A_1046, %reduce_max3A_1047 [0] : vector<40x256xf32> to vector<256xf32>
    %broadcast_in_dim3A_1049 = vector.shape_cast %reduce_max3A_1048 : vector<256xf32> to vector<1x256xf32>
    %get3A_1050 = arith.index_cast %add3A_0 : i32 to index
    %get3A_1051 = arith.constant 22 : index
    %get3A_1052 = memref.load %arg1[%get3A_1050, %get3A_1051] : memref<8x64xi32, #tpu.memory_space<smem>>
    %get3A_1053 = arith.index_cast %add3A_0 : i32 to index
    %get3A_1054 = arith.constant 22 : index
    %get3A_1055 = memref.load %arg2[%get3A_1053, %get3A_1054] : memref<8x64xi32, #tpu.memory_space<smem>>
    %jit3A_1056 = arith.constant 8 : i32
    %div3A_1057 = arith.divsi %get3A_1052, %jit3A_1056 : i32
    %sign3A_1058 = arith.constant 0 : i32
    %sign3A_1059 = arith.cmpi sgt, %get3A_1052, %sign3A_1058 : i32
    %sign3A_1060 = arith.extui %sign3A_1059 : i1 to i32
    %sign3A_1061 = arith.constant 0 : i32
    %sign3A_1062 = arith.cmpi slt, %get3A_1052, %sign3A_1061 : i32
    %sign3A_1063 = arith.extui %sign3A_1062 : i1 to i32
    %sign3A_1064 = arith.subi %sign3A_1060, %sign3A_1063 : i32
    %sign3A_1065 = arith.constant 0 : i32
    %sign3A_1066 = arith.cmpi sgt, %jit3A_1056, %sign3A_1065 : i32
    %sign3A_1067 = arith.extui %sign3A_1066 : i1 to i32
    %sign3A_1068 = arith.constant 0 : i32
    %sign3A_1069 = arith.cmpi slt, %jit3A_1056, %sign3A_1068 : i32
    %sign3A_1070 = arith.extui %sign3A_1069 : i1 to i32
    %sign3A_1071 = arith.subi %sign3A_1067, %sign3A_1070 : i32
    %ne3A_1072 = arith.cmpi ne, %sign3A_1064, %sign3A_1071 : i32
    %rem3A_1073 = arith.remsi %get3A_1052, %jit3A_1056 : i32
    %ne3A_1074 = arith.constant 0 : i32
    %ne3A_1075 = arith.cmpi ne, %rem3A_1073, %ne3A_1074 : i32
    %and3A_1076 = arith.andi %ne3A_1072, %ne3A_1075 : i1
    %sub3A_1077 = arith.constant 1 : i32
    %sub3A_1078 = arith.subi %div3A_1057, %sub3A_1077 : i32
    %select_n3A_1079 = arith.select %and3A_1076, %sub3A_1078, %div3A_1057 : i32
    %mul3A_1080 = arith.constant 8 : i32
    %mul3A_1081 = arith.muli %select_n3A_1079, %mul3A_1080 : i32
    %sub3A_1082 = arith.subi %get3A_1052, %mul3A_1081 : i32
    %get3A_1083 = arith.constant 0 : index
    %get3A_1084 = arith.index_cast %mul3A_1081 : i32 to index
    %get3A_1085 = arith.constant 0 : index
    %get3A_1086 = vector.load %arg3[%get3A_1083, %get3A_1084, %get3A_1085] : memref<1x2048x256xf32, #tpu.memory_space<vmem>>, vector<1x40x256xf32>
    %get3A_1087 = vector.shape_cast %get3A_1086 : vector<1x40x256xf32> to vector<40x256xf32>
    %sub3A_1088 = vector.broadcast %sub3A_1082 : i32 to vector<40x256xi32>
    %sub3A_1089 = arith.subi %iota3A, %sub3A_1088 : vector<40x256xi32>
    %lt3A_1090 = vector.broadcast %get3A_1055 : i32 to vector<40x256xi32>
    %lt3A_1091 = arith.cmpi ult, %sub3A_1089, %lt3A_1090 : vector<40x256xi32>
    %jit3A_1092 = arith.constant -3.40282347E+38 : f32
    %broadcast_in_dim3A_1093 = vector.broadcast %jit3A_1092 : f32 to vector<40x256xf32>
    %select_n3A_1094 = arith.select %lt3A_1091, %get3A_1087, %broadcast_in_dim3A_1093 : vector<40x256xi1>, vector<40x256xf32>
    %reduce_max3A_1095 = arith.constant dense<0xFF800000> : vector<256xf32>
    %reduce_max3A_1096 = vector.multi_reduction <maximumf>, %select_n3A_1094, %reduce_max3A_1095 [0] : vector<40x256xf32> to vector<256xf32>
    %broadcast_in_dim3A_1097 = vector.shape_cast %reduce_max3A_1096 : vector<256xf32> to vector<1x256xf32>
    %get3A_1098 = arith.index_cast %add3A_0 : i32 to index
    %get3A_1099 = arith.constant 23 : index
    %get3A_1100 = memref.load %arg1[%get3A_1098, %get3A_1099] : memref<8x64xi32, #tpu.memory_space<smem>>
    %get3A_1101 = arith.index_cast %add3A_0 : i32 to index
    %get3A_1102 = arith.constant 23 : index
    %get3A_1103 = memref.load %arg2[%get3A_1101, %get3A_1102] : memref<8x64xi32, #tpu.memory_space<smem>>
    %jit3A_1104 = arith.constant 8 : i32
    %div3A_1105 = arith.divsi %get3A_1100, %jit3A_1104 : i32
    %sign3A_1106 = arith.constant 0 : i32
    %sign3A_1107 = arith.cmpi sgt, %get3A_1100, %sign3A_1106 : i32
    %sign3A_1108 = arith.extui %sign3A_1107 : i1 to i32
    %sign3A_1109 = arith.constant 0 : i32
    %sign3A_1110 = arith.cmpi slt, %get3A_1100, %sign3A_1109 : i32
    %sign3A_1111 = arith.extui %sign3A_1110 : i1 to i32
    %sign3A_1112 = arith.subi %sign3A_1108, %sign3A_1111 : i32
    %sign3A_1113 = arith.constant 0 : i32
    %sign3A_1114 = arith.cmpi sgt, %jit3A_1104, %sign3A_1113 : i32
    %sign3A_1115 = arith.extui %sign3A_1114 : i1 to i32
    %sign3A_1116 = arith.constant 0 : i32
    %sign3A_1117 = arith.cmpi slt, %jit3A_1104, %sign3A_1116 : i32
    %sign3A_1118 = arith.extui %sign3A_1117 : i1 to i32
    %sign3A_1119 = arith.subi %sign3A_1115, %sign3A_1118 : i32
    %ne3A_1120 = arith.cmpi ne, %sign3A_1112, %sign3A_1119 : i32
    %rem3A_1121 = arith.remsi %get3A_1100, %jit3A_1104 : i32
    %ne3A_1122 = arith.constant 0 : i32
    %ne3A_1123 = arith.cmpi ne, %rem3A_1121, %ne3A_1122 : i32
    %and3A_1124 = arith.andi %ne3A_1120, %ne3A_1123 : i1
    %sub3A_1125 = arith.constant 1 : i32
    %sub3A_1126 = arith.subi %div3A_1105, %sub3A_1125 : i32
    %select_n3A_1127 = arith.select %and3A_1124, %sub3A_1126, %div3A_1105 : i32
    %mul3A_1128 = arith.constant 8 : i32
    %mul3A_1129 = arith.muli %select_n3A_1127, %mul3A_1128 : i32
    %sub3A_1130 = arith.subi %get3A_1100, %mul3A_1129 : i32
    %get3A_1131 = arith.constant 0 : index
    %get3A_1132 = arith.index_cast %mul3A_1129 : i32 to index
    %get3A_1133 = arith.constant 0 : index
    %get3A_1134 = vector.load %arg3[%get3A_1131, %get3A_1132, %get3A_1133] : memref<1x2048x256xf32, #tpu.memory_space<vmem>>, vector<1x40x256xf32>
    %get3A_1135 = vector.shape_cast %get3A_1134 : vector<1x40x256xf32> to vector<40x256xf32>
    %sub3A_1136 = vector.broadcast %sub3A_1130 : i32 to vector<40x256xi32>
    %sub3A_1137 = arith.subi %iota3A, %sub3A_1136 : vector<40x256xi32>
    %lt3A_1138 = vector.broadcast %get3A_1103 : i32 to vector<40x256xi32>
    %lt3A_1139 = arith.cmpi ult, %sub3A_1137, %lt3A_1138 : vector<40x256xi32>
    %jit3A_1140 = arith.constant -3.40282347E+38 : f32
    %broadcast_in_dim3A_1141 = vector.broadcast %jit3A_1140 : f32 to vector<40x256xf32>
    %select_n3A_1142 = arith.select %lt3A_1139, %get3A_1135, %broadcast_in_dim3A_1141 : vector<40x256xi1>, vector<40x256xf32>
    %reduce_max3A_1143 = arith.constant dense<0xFF800000> : vector<256xf32>
    %reduce_max3A_1144 = vector.multi_reduction <maximumf>, %select_n3A_1142, %reduce_max3A_1143 [0] : vector<40x256xf32> to vector<256xf32>
    %broadcast_in_dim3A_1145 = vector.shape_cast %reduce_max3A_1144 : vector<256xf32> to vector<1x256xf32>
    %concatenate3A_1146 = tpu.concatenate %broadcast_in_dim3A_809, %broadcast_in_dim3A_857, %broadcast_in_dim3A_905, %broadcast_in_dim3A_953, %broadcast_in_dim3A_1001, %broadcast_in_dim3A_1049, %broadcast_in_dim3A_1097, %broadcast_in_dim3A_1145 in 0 : vector<1x256xf32>, vector<1x256xf32>, vector<1x256xf32>, vector<1x256xf32>, vector<1x256xf32>, vector<1x256xf32>, vector<1x256xf32>, vector<1x256xf32> -> vector<8x256xf32>
    %swap3A_1147 = arith.constant 16 : index
    %swap3A_1148 = arith.constant 0 : index
    %swap3A_1149 = vector.load %arg8[%swap3A_1147, %swap3A_1148] : memref<64x256xf32, #tpu.memory_space<vmem>>, vector<8x256xf32>
    tpu.vector_store %arg8[%swap3A_1147, %swap3A_1148], %concatenate3A_1146 {strides = array<i32>} : memref<64x256xf32, #tpu.memory_space<vmem>>, vector<8x256xf32>,
    %get3A_1150 = arith.index_cast %add3A_0 : i32 to index
    %get3A_1151 = arith.constant 24 : index
    %get3A_1152 = memref.load %arg1[%get3A_1150, %get3A_1151] : memref<8x64xi32, #tpu.memory_space<smem>>
    %get3A_1153 = arith.index_cast %add3A_0 : i32 to index
    %get3A_1154 = arith.constant 24 : index
    %get3A_1155 = memref.load %arg2[%get3A_1153, %get3A_1154] : memref<8x64xi32, #tpu.memory_space<smem>>
    %jit3A_1156 = arith.constant 8 : i32
    %div3A_1157 = arith.divsi %get3A_1152, %jit3A_1156 : i32
    %sign3A_1158 = arith.constant 0 : i32
    %sign3A_1159 = arith.cmpi sgt, %get3A_1152, %sign3A_1158 : i32
    %sign3A_1160 = arith.extui %sign3A_1159 : i1 to i32
    %sign3A_1161 = arith.constant 0 : i32
    %sign3A_1162 = arith.cmpi slt, %get3A_1152, %sign3A_1161 : i32
    %sign3A_1163 = arith.extui %sign3A_1162 : i1 to i32
    %sign3A_1164 = arith.subi %sign3A_1160, %sign3A_1163 : i32
    %sign3A_1165 = arith.constant 0 : i32
    %sign3A_1166 = arith.cmpi sgt, %jit3A_1156, %sign3A_1165 : i32
    %sign3A_1167 = arith.extui %sign3A_1166 : i1 to i32
    %sign3A_1168 = arith.constant 0 : i32
    %sign3A_1169 = arith.cmpi slt, %jit3A_1156, %sign3A_1168 : i32
    %sign3A_1170 = arith.extui %sign3A_1169 : i1 to i32
    %sign3A_1171 = arith.subi %sign3A_1167, %sign3A_1170 : i32
    %ne3A_1172 = arith.cmpi ne, %sign3A_1164, %sign3A_1171 : i32
    %rem3A_1173 = arith.remsi %get3A_1152, %jit3A_1156 : i32
    %ne3A_1174 = arith.constant 0 : i32
    %ne3A_1175 = arith.cmpi ne, %rem3A_1173, %ne3A_1174 : i32
    %and3A_1176 = arith.andi %ne3A_1172, %ne3A_1175 : i1
    %sub3A_1177 = arith.constant 1 : i32
    %sub3A_1178 = arith.subi %div3A_1157, %sub3A_1177 : i32
    %select_n3A_1179 = arith.select %and3A_1176, %sub3A_1178, %div3A_1157 : i32
    %mul3A_1180 = arith.constant 8 : i32
    %mul3A_1181 = arith.muli %select_n3A_1179, %mul3A_1180 : i32
    %sub3A_1182 = arith.subi %get3A_1152, %mul3A_1181 : i32
    %get3A_1183 = arith.constant 0 : index
    %get3A_1184 = arith.index_cast %mul3A_1181 : i32 to index
    %get3A_1185 = arith.constant 0 : index
    %get3A_1186 = vector.load %arg3[%get3A_1183, %get3A_1184, %get3A_1185] : memref<1x2048x256xf32, #tpu.memory_space<vmem>>, vector<1x40x256xf32>
    %get3A_1187 = vector.shape_cast %get3A_1186 : vector<1x40x256xf32> to vector<40x256xf32>
    %sub3A_1188 = vector.broadcast %sub3A_1182 : i32 to vector<40x256xi32>
    %sub3A_1189 = arith.subi %iota3A, %sub3A_1188 : vector<40x256xi32>
    %lt3A_1190 = vector.broadcast %get3A_1155 : i32 to vector<40x256xi32>
    %lt3A_1191 = arith.cmpi ult, %sub3A_1189, %lt3A_1190 : vector<40x256xi32>
    %jit3A_1192 = arith.constant -3.40282347E+38 : f32
    %broadcast_in_dim3A_1193 = vector.broadcast %jit3A_1192 : f32 to vector<40x256xf32>
    %select_n3A_1194 = arith.select %lt3A_1191, %get3A_1187, %broadcast_in_dim3A_1193 : vector<40x256xi1>, vector<40x256xf32>
    %reduce_max3A_1195 = arith.constant dense<0xFF800000> : vector<256xf32>
    %reduce_max3A_1196 = vector.multi_reduction <maximumf>, %select_n3A_1194, %reduce_max3A_1195 [0] : vector<40x256xf32> to vector<256xf32>
    %broadcast_in_dim3A_1197 = vector.shape_cast %reduce_max3A_1196 : vector<256xf32> to vector<1x256xf32>
    %get3A_1198 = arith.index_cast %add3A_0 : i32 to index
    %get3A_1199 = arith.constant 25 : index
    %get3A_1200 = memref.load %arg1[%get3A_1198, %get3A_1199] : memref<8x64xi32, #tpu.memory_space<smem>>
    %get3A_1201 = arith.index_cast %add3A_0 : i32 to index
    %get3A_1202 = arith.constant 25 : index
    %get3A_1203 = memref.load %arg2[%get3A_1201, %get3A_1202] : memref<8x64xi32, #tpu.memory_space<smem>>
    %jit3A_1204 = arith.constant 8 : i32
    %div3A_1205 = arith.divsi %get3A_1200, %jit3A_1204 : i32
    %sign3A_1206 = arith.constant 0 : i32
    %sign3A_1207 = arith.cmpi sgt, %get3A_1200, %sign3A_1206 : i32
    %sign3A_1208 = arith.extui %sign3A_1207 : i1 to i32
    %sign3A_1209 = arith.constant 0 : i32
    %sign3A_1210 = arith.cmpi slt, %get3A_1200, %sign3A_1209 : i32
    %sign3A_1211 = arith.extui %sign3A_1210 : i1 to i32
    %sign3A_1212 = arith.subi %sign3A_1208, %sign3A_1211 : i32
    %sign3A_1213 = arith.constant 0 : i32
    %sign3A_1214 = arith.cmpi sgt, %jit3A_1204, %sign3A_1213 : i32
    %sign3A_1215 = arith.extui %sign3A_1214 : i1 to i32
    %sign3A_1216 = arith.constant 0 : i32
    %sign3A_1217 = arith.cmpi slt, %jit3A_1204, %sign3A_1216 : i32
    %sign3A_1218 = arith.extui %sign3A_1217 : i1 to i32
    %sign3A_1219 = arith.subi %sign3A_1215, %sign3A_1218 : i32
    %ne3A_1220 = arith.cmpi ne, %sign3A_1212, %sign3A_1219 : i32
    %rem3A_1221 = arith.remsi %get3A_1200, %jit3A_1204 : i32
    %ne3A_1222 = arith.constant 0 : i32
    %ne3A_1223 = arith.cmpi ne, %rem3A_1221, %ne3A_1222 : i32
    %and3A_1224 = arith.andi %ne3A_1220, %ne3A_1223 : i1
    %sub3A_1225 = arith.constant 1 : i32
    %sub3A_1226 = arith.subi %div3A_1205, %sub3A_1225 : i32
    %select_n3A_1227 = arith.select %and3A_1224, %sub3A_1226, %div3A_1205 : i32
    %mul3A_1228 = arith.constant 8 : i32
    %mul3A_1229 = arith.muli %select_n3A_1227, %mul3A_1228 : i32
    %sub3A_1230 = arith.subi %get3A_1200, %mul3A_1229 : i32
    %get3A_1231 = arith.constant 0 : index
    %get3A_1232 = arith.index_cast %mul3A_1229 : i32 to index
    %get3A_1233 = arith.constant 0 : index
    %get3A_1234 = vector.load %arg3[%get3A_1231, %get3A_1232, %get3A_1233] : memref<1x2048x256xf32, #tpu.memory_space<vmem>>, vector<1x40x256xf32>
    %get3A_1235 = vector.shape_cast %get3A_1234 : vector<1x40x256xf32> to vector<40x256xf32>
    %sub3A_1236 = vector.broadcast %sub3A_1230 : i32 to vector<40x256xi32>
    %sub3A_1237 = arith.subi %iota3A, %sub3A_1236 : vector<40x256xi32>
    %lt3A_1238 = vector.broadcast %get3A_1203 : i32 to vector<40x256xi32>
    %lt3A_1239 = arith.cmpi ult, %sub3A_1237, %lt3A_1238 : vector<40x256xi32>
    %jit3A_1240 = arith.constant -3.40282347E+38 : f32
    %broadcast_in_dim3A_1241 = vector.broadcast %jit3A_1240 : f32 to vector<40x256xf32>
    %select_n3A_1242 = arith.select %lt3A_1239, %get3A_1235, %broadcast_in_dim3A_1241 : vector<40x256xi1>, vector<40x256xf32>
    %reduce_max3A_1243 = arith.constant dense<0xFF800000> : vector<256xf32>
    %reduce_max3A_1244 = vector.multi_reduction <maximumf>, %select_n3A_1242, %reduce_max3A_1243 [0] : vector<40x256xf32> to vector<256xf32>
    %broadcast_in_dim3A_1245 = vector.shape_cast %reduce_max3A_1244 : vector<256xf32> to vector<1x256xf32>
    %get3A_1246 = arith.index_cast %add3A_0 : i32 to index
    %get3A_1247 = arith.constant 26 : index
    %get3A_1248 = memref.load %arg1[%get3A_1246, %get3A_1247] : memref<8x64xi32, #tpu.memory_space<smem>>
    %get3A_1249 = arith.index_cast %add3A_0 : i32 to index
    %get3A_1250 = arith.constant 26 : index
    %get3A_1251 = memref.load %arg2[%get3A_1249, %get3A_1250] : memref<8x64xi32, #tpu.memory_space<smem>>
    %jit3A_1252 = arith.constant 8 : i32
    %div3A_1253 = arith.divsi %get3A_1248, %jit3A_1252 : i32
    %sign3A_1254 = arith.constant 0 : i32
    %sign3A_1255 = arith.cmpi sgt, %get3A_1248, %sign3A_1254 : i32
    %sign3A_1256 = arith.extui %sign3A_1255 : i1 to i32
    %sign3A_1257 = arith.constant 0 : i32
    %sign3A_1258 = arith.cmpi slt, %get3A_1248, %sign3A_1257 : i32
    %sign3A_1259 = arith.extui %sign3A_1258 : i1 to i32
    %sign3A_1260 = arith.subi %sign3A_1256, %sign3A_1259 : i32
    %sign3A_1261 = arith.constant 0 : i32
    %sign3A_1262 = arith.cmpi sgt, %jit3A_1252, %sign3A_1261 : i32
    %sign3A_1263 = arith.extui %sign3A_1262 : i1 to i32
    %sign3A_1264 = arith.constant 0 : i32
    %sign3A_1265 = arith.cmpi slt, %jit3A_1252, %sign3A_1264 : i32
    %sign3A_1266 = arith.extui %sign3A_1265 : i1 to i32
    %sign3A_1267 = arith.subi %sign3A_1263, %sign3A_1266 : i32
    %ne3A_1268 = arith.cmpi ne, %sign3A_1260, %sign3A_1267 : i32
    %rem3A_1269 = arith.remsi %get3A_1248, %jit3A_1252 : i32
    %ne3A_1270 = arith.constant 0 : i32
    %ne3A_1271 = arith.cmpi ne, %rem3A_1269, %ne3A_1270 : i32
    %and3A_1272 = arith.andi %ne3A_1268, %ne3A_1271 : i1
    %sub3A_1273 = arith.constant 1 : i32
    %sub3A_1274 = arith.subi %div3A_1253, %sub3A_1273 : i32
    %select_n3A_1275 = arith.select %and3A_1272, %sub3A_1274, %div3A_1253 : i32
    %mul3A_1276 = arith.constant 8 : i32
    %mul3A_1277 = arith.muli %select_n3A_1275, %mul3A_1276 : i32
    %sub3A_1278 = arith.subi %get3A_1248, %mul3A_1277 : i32
    %get3A_1279 = arith.constant 0 : index
    %get3A_1280 = arith.index_cast %mul3A_1277 : i32 to index
    %get3A_1281 = arith.constant 0 : index
    %get3A_1282 = vector.load %arg3[%get3A_1279, %get3A_1280, %get3A_1281] : memref<1x2048x256xf32, #tpu.memory_space<vmem>>, vector<1x40x256xf32>
    %get3A_1283 = vector.shape_cast %get3A_1282 : vector<1x40x256xf32> to vector<40x256xf32>
    %sub3A_1284 = vector.broadcast %sub3A_1278 : i32 to vector<40x256xi32>
    %sub3A_1285 = arith.subi %iota3A, %sub3A_1284 : vector<40x256xi32>
    %lt3A_1286 = vector.broadcast %get3A_1251 : i32 to vector<40x256xi32>
    %lt3A_1287 = arith.cmpi ult, %sub3A_1285, %lt3A_1286 : vector<40x256xi32>
    %jit3A_1288 = arith.constant -3.40282347E+38 : f32
    %broadcast_in_dim3A_1289 = vector.broadcast %jit3A_1288 : f32 to vector<40x256xf32>
    %select_n3A_1290 = arith.select %lt3A_1287, %get3A_1283, %broadcast_in_dim3A_1289 : vector<40x256xi1>, vector<40x256xf32>
    %reduce_max3A_1291 = arith.constant dense<0xFF800000> : vector<256xf32>
    %reduce_max3A_1292 = vector.multi_reduction <maximumf>, %select_n3A_1290, %reduce_max3A_1291 [0] : vector<40x256xf32> to vector<256xf32>
    %broadcast_in_dim3A_1293 = vector.shape_cast %reduce_max3A_1292 : vector<256xf32> to vector<1x256xf32>
    %get3A_1294 = arith.index_cast %add3A_0 : i32 to index
    %get3A_1295 = arith.constant 27 : index
    %get3A_1296 = memref.load %arg1[%get3A_1294, %get3A_1295] : memref<8x64xi32, #tpu.memory_space<smem>>
    %get3A_1297 = arith.index_cast %add3A_0 : i32 to index
    %get3A_1298 = arith.constant 27 : index
    %get3A_1299 = memref.load %arg2[%get3A_1297, %get3A_1298] : memref<8x64xi32, #tpu.memory_space<smem>>
    %jit3A_1300 = arith.constant 8 : i32
    %div3A_1301 = arith.divsi %get3A_1296, %jit3A_1300 : i32
    %sign3A_1302 = arith.constant 0 : i32
    %sign3A_1303 = arith.cmpi sgt, %get3A_1296, %sign3A_1302 : i32
    %sign3A_1304 = arith.extui %sign3A_1303 : i1 to i32
    %sign3A_1305 = arith.constant 0 : i32
    %sign3A_1306 = arith.cmpi slt, %get3A_1296, %sign3A_1305 : i32
    %sign3A_1307 = arith.extui %sign3A_1306 : i1 to i32
    %sign3A_1308 = arith.subi %sign3A_1304, %sign3A_1307 : i32
    %sign3A_1309 = arith.constant 0 : i32
    %sign3A_1310 = arith.cmpi sgt, %jit3A_1300, %sign3A_1309 : i32
    %sign3A_1311 = arith.extui %sign3A_1310 : i1 to i32
    %sign3A_1312 = arith.constant 0 : i32
    %sign3A_1313 = arith.cmpi slt, %jit3A_1300, %sign3A_1312 : i32
    %sign3A_1314 = arith.extui %sign3A_1313 : i1 to i32
    %sign3A_1315 = arith.subi %sign3A_1311, %sign3A_1314 : i32
    %ne3A_1316 = arith.cmpi ne, %sign3A_1308, %sign3A_1315 : i32
    %rem3A_1317 = arith.remsi %get3A_1296, %jit3A_1300 : i32
    %ne3A_1318 = arith.constant 0 : i32
    %ne3A_1319 = arith.cmpi ne, %rem3A_1317, %ne3A_1318 : i32
    %and3A_1320 = arith.andi %ne3A_1316, %ne3A_1319 : i1
    %sub3A_1321 = arith.constant 1 : i32
    %sub3A_1322 = arith.subi %div3A_1301, %sub3A_1321 : i32
    %select_n3A_1323 = arith.select %and3A_1320, %sub3A_1322, %div3A_1301 : i32
    %mul3A_1324 = arith.constant 8 : i32
    %mul3A_1325 = arith.muli %select_n3A_1323, %mul3A_1324 : i32
    %sub3A_1326 = arith.subi %get3A_1296, %mul3A_1325 : i32
    %get3A_1327 = arith.constant 0 : index
    %get3A_1328 = arith.index_cast %mul3A_1325 : i32 to index
    %get3A_1329 = arith.constant 0 : index
    %get3A_1330 = vector.load %arg3[%get3A_1327, %get3A_1328, %get3A_1329] : memref<1x2048x256xf32, #tpu.memory_space<vmem>>, vector<1x40x256xf32>
    %get3A_1331 = vector.shape_cast %get3A_1330 : vector<1x40x256xf32> to vector<40x256xf32>
    %sub3A_1332 = vector.broadcast %sub3A_1326 : i32 to vector<40x256xi32>
    %sub3A_1333 = arith.subi %iota3A, %sub3A_1332 : vector<40x256xi32>
    %lt3A_1334 = vector.broadcast %get3A_1299 : i32 to vector<40x256xi32>
    %lt3A_1335 = arith.cmpi ult, %sub3A_1333, %lt3A_1334 : vector<40x256xi32>
    %jit3A_1336 = arith.constant -3.40282347E+38 : f32
    %broadcast_in_dim3A_1337 = vector.broadcast %jit3A_1336 : f32 to vector<40x256xf32>
    %select_n3A_1338 = arith.select %lt3A_1335, %get3A_1331, %broadcast_in_dim3A_1337 : vector<40x256xi1>, vector<40x256xf32>
    %reduce_max3A_1339 = arith.constant dense<0xFF800000> : vector<256xf32>
    %reduce_max3A_1340 = vector.multi_reduction <maximumf>, %select_n3A_1338, %reduce_max3A_1339 [0] : vector<40x256xf32> to vector<256xf32>
    %broadcast_in_dim3A_1341 = vector.shape_cast %reduce_max3A_1340 : vector<256xf32> to vector<1x256xf32>
    %get3A_1342 = arith.index_cast %add3A_0 : i32 to index
    %get3A_1343 = arith.constant 28 : index
    %get3A_1344 = memref.load %arg1[%get3A_1342, %get3A_1343] : memref<8x64xi32, #tpu.memory_space<smem>>
    %get3A_1345 = arith.index_cast %add3A_0 : i32 to index
    %get3A_1346 = arith.constant 28 : index
    %get3A_1347 = memref.load %arg2[%get3A_1345, %get3A_1346] : memref<8x64xi32, #tpu.memory_space<smem>>
    %jit3A_1348 = arith.constant 8 : i32
    %div3A_1349 = arith.divsi %get3A_1344, %jit3A_1348 : i32
    %sign3A_1350 = arith.constant 0 : i32
    %sign3A_1351 = arith.cmpi sgt, %get3A_1344, %sign3A_1350 : i32
    %sign3A_1352 = arith.extui %sign3A_1351 : i1 to i32
    %sign3A_1353 = arith.constant 0 : i32
    %sign3A_1354 = arith.cmpi slt, %get3A_1344, %sign3A_1353 : i32
    %sign3A_1355 = arith.extui %sign3A_1354 : i1 to i32
    %sign3A_1356 = arith.subi %sign3A_1352, %sign3A_1355 : i32
    %sign3A_1357 = arith.constant 0 : i32
    %sign3A_1358 = arith.cmpi sgt, %jit3A_1348, %sign3A_1357 : i32
    %sign3A_1359 = arith.extui %sign3A_1358 : i1 to i32
    %sign3A_1360 = arith.constant 0 : i32
    %sign3A_1361 = arith.cmpi slt, %jit3A_1348, %sign3A_1360 : i32
    %sign3A_1362 = arith.extui %sign3A_1361 : i1 to i32
    %sign3A_1363 = arith.subi %sign3A_1359, %sign3A_1362 : i32
    %ne3A_1364 = arith.cmpi ne, %sign3A_1356, %sign3A_1363 : i32
    %rem3A_1365 = arith.remsi %get3A_1344, %jit3A_1348 : i32
    %ne3A_1366 = arith.constant 0 : i32
    %ne3A_1367 = arith.cmpi ne, %rem3A_1365, %ne3A_1366 : i32
    %and3A_1368 = arith.andi %ne3A_1364, %ne3A_1367 : i1
    %sub3A_1369 = arith.constant 1 : i32
    %sub3A_1370 = arith.subi %div3A_1349, %sub3A_1369 : i32
    %select_n3A_1371 = arith.select %and3A_1368, %sub3A_1370, %div3A_1349 : i32
    %mul3A_1372 = arith.constant 8 : i32
    %mul3A_1373 = arith.muli %select_n3A_1371, %mul3A_1372 : i32
    %sub3A_1374 = arith.subi %get3A_1344, %mul3A_1373 : i32
    %get3A_1375 = arith.constant 0 : index
    %get3A_1376 = arith.index_cast %mul3A_1373 : i32 to index
    %get3A_1377 = arith.constant 0 : index
    %get3A_1378 = vector.load %arg3[%get3A_1375, %get3A_1376, %get3A_1377] : memref<1x2048x256xf32, #tpu.memory_space<vmem>>, vector<1x40x256xf32>
    %get3A_1379 = vector.shape_cast %get3A_1378 : vector<1x40x256xf32> to vector<40x256xf32>
    %sub3A_1380 = vector.broadcast %sub3A_1374 : i32 to vector<40x256xi32>
    %sub3A_1381 = arith.subi %iota3A, %sub3A_1380 : vector<40x256xi32>
    %lt3A_1382 = vector.broadcast %get3A_1347 : i32 to vector<40x256xi32>
    %lt3A_1383 = arith.cmpi ult, %sub3A_1381, %lt3A_1382 : vector<40x256xi32>
    %jit3A_1384 = arith.constant -3.40282347E+38 : f32
    %broadcast_in_dim3A_1385 = vector.broadcast %jit3A_1384 : f32 to vector<40x256xf32>
    %select_n3A_1386 = arith.select %lt3A_1383, %get3A_1379, %broadcast_in_dim3A_1385 : vector<40x256xi1>, vector<40x256xf32>
    %reduce_max3A_1387 = arith.constant dense<0xFF800000> : vector<256xf32>
    %reduce_max3A_1388 = vector.multi_reduction <maximumf>, %select_n3A_1386, %reduce_max3A_1387 [0] : vector<40x256xf32> to vector<256xf32>
    %broadcast_in_dim3A_1389 = vector.shape_cast %reduce_max3A_1388 : vector<256xf32> to vector<1x256xf32>
    %get3A_1390 = arith.index_cast %add3A_0 : i32 to index
    %get3A_1391 = arith.constant 29 : index
    %get3A_1392 = memref.load %arg1[%get3A_1390, %get3A_1391] : memref<8x64xi32, #tpu.memory_space<smem>>
    %get3A_1393 = arith.index_cast %add3A_0 : i32 to index
    %get3A_1394 = arith.constant 29 : index
    %get3A_1395 = memref.load %arg2[%get3A_1393, %get3A_1394] : memref<8x64xi32, #tpu.memory_space<smem>>
    %jit3A_1396 = arith.constant 8 : i32
    %div3A_1397 = arith.divsi %get3A_1392, %jit3A_1396 : i32
    %sign3A_1398 = arith.constant 0 : i32
    %sign3A_1399 = arith.cmpi sgt, %get3A_1392, %sign3A_1398 : i32
    %sign3A_1400 = arith.extui %sign3A_1399 : i1 to i32
    %sign3A_1401 = arith.constant 0 : i32
    %sign3A_1402 = arith.cmpi slt, %get3A_1392, %sign3A_1401 : i32
    %sign3A_1403 = arith.extui %sign3A_1402 : i1 to i32
    %sign3A_1404 = arith.subi %sign3A_1400, %sign3A_1403 : i32
    %sign3A_1405 = arith.constant 0 : i32
    %sign3A_1406 = arith.cmpi sgt, %jit3A_1396, %sign3A_1405 : i32
    %sign3A_1407 = arith.extui %sign3A_1406 : i1 to i32
    %sign3A_1408 = arith.constant 0 : i32
    %sign3A_1409 = arith.cmpi slt, %jit3A_1396, %sign3A_1408 : i32
    %sign3A_1410 = arith.extui %sign3A_1409 : i1 to i32
    %sign3A_1411 = arith.subi %sign3A_1407, %sign3A_1410 : i32
    %ne3A_1412 = arith.cmpi ne, %sign3A_1404, %sign3A_1411 : i32
    %rem3A_1413 = arith.remsi %get3A_1392, %jit3A_1396 : i32
    %ne3A_1414 = arith.constant 0 : i32
    %ne3A_1415 = arith.cmpi ne, %rem3A_1413, %ne3A_1414 : i32
    %and3A_1416 = arith.andi %ne3A_1412, %ne3A_1415 : i1
    %sub3A_1417 = arith.constant 1 : i32
    %sub3A_1418 = arith.subi %div3A_1397, %sub3A_1417 : i32
    %select_n3A_1419 = arith.select %and3A_1416, %sub3A_1418, %div3A_1397 : i32
    %mul3A_1420 = arith.constant 8 : i32
    %mul3A_1421 = arith.muli %select_n3A_1419, %mul3A_1420 : i32
    %sub3A_1422 = arith.subi %get3A_1392, %mul3A_1421 : i32
    %get3A_1423 = arith.constant 0 : index
    %get3A_1424 = arith.index_cast %mul3A_1421 : i32 to index
    %get3A_1425 = arith.constant 0 : index
    %get3A_1426 = vector.load %arg3[%get3A_1423, %get3A_1424, %get3A_1425] : memref<1x2048x256xf32, #tpu.memory_space<vmem>>, vector<1x40x256xf32>
    %get3A_1427 = vector.shape_cast %get3A_1426 : vector<1x40x256xf32> to vector<40x256xf32>
    %sub3A_1428 = vector.broadcast %sub3A_1422 : i32 to vector<40x256xi32>
    %sub3A_1429 = arith.subi %iota3A, %sub3A_1428 : vector<40x256xi32>
    %lt3A_1430 = vector.broadcast %get3A_1395 : i32 to vector<40x256xi32>
    %lt3A_1431 = arith.cmpi ult, %sub3A_1429, %lt3A_1430 : vector<40x256xi32>
    %jit3A_1432 = arith.constant -3.40282347E+38 : f32
    %broadcast_in_dim3A_1433 = vector.broadcast %jit3A_1432 : f32 to vector<40x256xf32>
    %select_n3A_1434 = arith.select %lt3A_1431, %get3A_1427, %broadcast_in_dim3A_1433 : vector<40x256xi1>, vector<40x256xf32>
    %reduce_max3A_1435 = arith.constant dense<0xFF800000> : vector<256xf32>
    %reduce_max3A_1436 = vector.multi_reduction <maximumf>, %select_n3A_1434, %reduce_max3A_1435 [0] : vector<40x256xf32> to vector<256xf32>
    %broadcast_in_dim3A_1437 = vector.shape_cast %reduce_max3A_1436 : vector<256xf32> to vector<1x256xf32>
    %get3A_1438 = arith.index_cast %add3A_0 : i32 to index
    %get3A_1439 = arith.constant 30 : index
    %get3A_1440 = memref.load %arg1[%get3A_1438, %get3A_1439] : memref<8x64xi32, #tpu.memory_space<smem>>
    %get3A_1441 = arith.index_cast %add3A_0 : i32 to index
    %get3A_1442 = arith.constant 30 : index
    %get3A_1443 = memref.load %arg2[%get3A_1441, %get3A_1442] : memref<8x64xi32, #tpu.memory_space<smem>>
    %jit3A_1444 = arith.constant 8 : i32
    %div3A_1445 = arith.divsi %get3A_1440, %jit3A_1444 : i32
    %sign3A_1446 = arith.constant 0 : i32
    %sign3A_1447 = arith.cmpi sgt, %get3A_1440, %sign3A_1446 : i32
    %sign3A_1448 = arith.extui %sign3A_1447 : i1 to i32
    %sign3A_1449 = arith.constant 0 : i32
    %sign3A_1450 = arith.cmpi slt, %get3A_1440, %sign3A_1449 : i32
    %sign3A_1451 = arith.extui %sign3A_1450 : i1 to i32
    %sign3A_1452 = arith.subi %sign3A_1448, %sign3A_1451 : i32
    %sign3A_1453 = arith.constant 0 : i32
    %sign3A_1454 = arith.cmpi sgt, %jit3A_1444, %sign3A_1453 : i32
    %sign3A_1455 = arith.extui %sign3A_1454 : i1 to i32
    %sign3A_1456 = arith.constant 0 : i32
    %sign3A_1457 = arith.cmpi slt, %jit3A_1444, %sign3A_1456 : i32
    %sign3A_1458 = arith.extui %sign3A_1457 : i1 to i32
    %sign3A_1459 = arith.subi %sign3A_1455, %sign3A_1458 : i32
    %ne3A_1460 = arith.cmpi ne, %sign3A_1452, %sign3A_1459 : i32
    %rem3A_1461 = arith.remsi %get3A_1440, %jit3A_1444 : i32
    %ne3A_1462 = arith.constant 0 : i32
    %ne3A_1463 = arith.cmpi ne, %rem3A_1461, %ne3A_1462 : i32
    %and3A_1464 = arith.andi %ne3A_1460, %ne3A_1463 : i1
    %sub3A_1465 = arith.constant 1 : i32
    %sub3A_1466 = arith.subi %div3A_1445, %sub3A_1465 : i32
    %select_n3A_1467 = arith.select %and3A_1464, %sub3A_1466, %div3A_1445 : i32
    %mul3A_1468 = arith.constant 8 : i32
    %mul3A_1469 = arith.muli %select_n3A_1467, %mul3A_1468 : i32
    %sub3A_1470 = arith.subi %get3A_1440, %mul3A_1469 : i32
    %get3A_1471 = arith.constant 0 : index
    %get3A_1472 = arith.index_cast %mul3A_1469 : i32 to index
    %get3A_1473 = arith.constant 0 : index
    %get3A_1474 = vector.load %arg3[%get3A_1471, %get3A_1472, %get3A_1473] : memref<1x2048x256xf32, #tpu.memory_space<vmem>>, vector<1x40x256xf32>
    %get3A_1475 = vector.shape_cast %get3A_1474 : vector<1x40x256xf32> to vector<40x256xf32>
    %sub3A_1476 = vector.broadcast %sub3A_1470 : i32 to vector<40x256xi32>
    %sub3A_1477 = arith.subi %iota3A, %sub3A_1476 : vector<40x256xi32>
    %lt3A_1478 = vector.broadcast %get3A_1443 : i32 to vector<40x256xi32>
    %lt3A_1479 = arith.cmpi ult, %sub3A_1477, %lt3A_1478 : vector<40x256xi32>
    %jit3A_1480 = arith.constant -3.40282347E+38 : f32
    %broadcast_in_dim3A_1481 = vector.broadcast %jit3A_1480 : f32 to vector<40x256xf32>
    %select_n3A_1482 = arith.select %lt3A_1479, %get3A_1475, %broadcast_in_dim3A_1481 : vector<40x256xi1>, vector<40x256xf32>
    %reduce_max3A_1483 = arith.constant dense<0xFF800000> : vector<256xf32>
    %reduce_max3A_1484 = vector.multi_reduction <maximumf>, %select_n3A_1482, %reduce_max3A_1483 [0] : vector<40x256xf32> to vector<256xf32>
    %broadcast_in_dim3A_1485 = vector.shape_cast %reduce_max3A_1484 : vector<256xf32> to vector<1x256xf32>
    %get3A_1486 = arith.index_cast %add3A_0 : i32 to index
    %get3A_1487 = arith.constant 31 : index
    %get3A_1488 = memref.load %arg1[%get3A_1486, %get3A_1487] : memref<8x64xi32, #tpu.memory_space<smem>>
    %get3A_1489 = arith.index_cast %add3A_0 : i32 to index
    %get3A_1490 = arith.constant 31 : index
    %get3A_1491 = memref.load %arg2[%get3A_1489, %get3A_1490] : memref<8x64xi32, #tpu.memory_space<smem>>
    %jit3A_1492 = arith.constant 8 : i32
    %div3A_1493 = arith.divsi %get3A_1488, %jit3A_1492 : i32
    %sign3A_1494 = arith.constant 0 : i32
    %sign3A_1495 = arith.cmpi sgt, %get3A_1488, %sign3A_1494 : i32
    %sign3A_1496 = arith.extui %sign3A_1495 : i1 to i32
    %sign3A_1497 = arith.constant 0 : i32
    %sign3A_1498 = arith.cmpi slt, %get3A_1488, %sign3A_1497 : i32
    %sign3A_1499 = arith.extui %sign3A_1498 : i1 to i32
    %sign3A_1500 = arith.subi %sign3A_1496, %sign3A_1499 : i32
    %sign3A_1501 = arith.constant 0 : i32
    %sign3A_1502 = arith.cmpi sgt, %jit3A_1492, %sign3A_1501 : i32
    %sign3A_1503 = arith.extui %sign3A_1502 : i1 to i32
    %sign3A_1504 = arith.constant 0 : i32
    %sign3A_1505 = arith.cmpi slt, %jit3A_1492, %sign3A_1504 : i32
    %sign3A_1506 = arith.extui %sign3A_1505 : i1 to i32
    %sign3A_1507 = arith.subi %sign3A_1503, %sign3A_1506 : i32
    %ne3A_1508 = arith.cmpi ne, %sign3A_1500, %sign3A_1507 : i32
    %rem3A_1509 = arith.remsi %get3A_1488, %jit3A_1492 : i32
    %ne3A_1510 = arith.constant 0 : i32
    %ne3A_1511 = arith.cmpi ne, %rem3A_1509, %ne3A_1510 : i32
    %and3A_1512 = arith.andi %ne3A_1508, %ne3A_1511 : i1
    %sub3A_1513 = arith.constant 1 : i32
    %sub3A_1514 = arith.subi %div3A_1493, %sub3A_1513 : i32
    %select_n3A_1515 = arith.select %and3A_1512, %sub3A_1514, %div3A_1493 : i32
    %mul3A_1516 = arith.constant 8 : i32
    %mul3A_1517 = arith.muli %select_n3A_1515, %mul3A_1516 : i32
    %sub3A_1518 = arith.subi %get3A_1488, %mul3A_1517 : i32
    %get3A_1519 = arith.constant 0 : index
    %get3A_1520 = arith.index_cast %mul3A_1517 : i32 to index
    %get3A_1521 = arith.constant 0 : index
    %get3A_1522 = vector.load %arg3[%get3A_1519, %get3A_1520, %get3A_1521] : memref<1x2048x256xf32, #tpu.memory_space<vmem>>, vector<1x40x256xf32>
    %get3A_1523 = vector.shape_cast %get3A_1522 : vector<1x40x256xf32> to vector<40x256xf32>
    %sub3A_1524 = vector.broadcast %sub3A_1518 : i32 to vector<40x256xi32>
    %sub3A_1525 = arith.subi %iota3A, %sub3A_1524 : vector<40x256xi32>
    %lt3A_1526 = vector.broadcast %get3A_1491 : i32 to vector<40x256xi32>
    %lt3A_1527 = arith.cmpi ult, %sub3A_1525, %lt3A_1526 : vector<40x256xi32>
    %jit3A_1528 = arith.constant -3.40282347E+38 : f32
    %broadcast_in_dim3A_1529 = vector.broadcast %jit3A_1528 : f32 to vector<40x256xf32>
    %select_n3A_1530 = arith.select %lt3A_1527, %get3A_1523, %broadcast_in_dim3A_1529 : vector<40x256xi1>, vector<40x256xf32>
    %reduce_max3A_1531 = arith.constant dense<0xFF800000> : vector<256xf32>
    %reduce_max3A_1532 = vector.multi_reduction <maximumf>, %select_n3A_1530, %reduce_max3A_1531 [0] : vector<40x256xf32> to vector<256xf32>
    %broadcast_in_dim3A_1533 = vector.shape_cast %reduce_max3A_1532 : vector<256xf32> to vector<1x256xf32>
    %concatenate3A_1534 = tpu.concatenate %broadcast_in_dim3A_1197, %broadcast_in_dim3A_1245, %broadcast_in_dim3A_1293, %broadcast_in_dim3A_1341, %broadcast_in_dim3A_1389, %broadcast_in_dim3A_1437, %broadcast_in_dim3A_1485, %broadcast_in_dim3A_1533 in 0 : vector<1x256xf32>, vector<1x256xf32>, vector<1x256xf32>, vector<1x256xf32>, vector<1x256xf32>, vector<1x256xf32>, vector<1x256xf32>, vector<1x256xf32> -> vector<8x256xf32>
    %swap3A_1535 = arith.constant 24 : index
    %swap3A_1536 = arith.constant 0 : index
    %swap3A_1537 = vector.load %arg8[%swap3A_1535, %swap3A_1536] : memref<64x256xf32, #tpu.memory_space<vmem>>, vector<8x256xf32>
    tpu.vector_store %arg8[%swap3A_1535, %swap3A_1536], %concatenate3A_1534 {strides = array<i32>} : memref<64x256xf32, #tpu.memory_space<vmem>>, vector<8x256xf32>,
    %get3A_1538 = arith.index_cast %add3A_0 : i32 to index
    %get3A_1539 = arith.constant 32 : index
    %get3A_1540 = memref.load %arg1[%get3A_1538, %get3A_1539] : memref<8x64xi32, #tpu.memory_space<smem>>
    %get3A_1541 = arith.index_cast %add3A_0 : i32 to index
    %get3A_1542 = arith.constant 32 : index
    %get3A_1543 = memref.load %arg2[%get3A_1541, %get3A_1542] : memref<8x64xi32, #tpu.memory_space<smem>>
    %jit3A_1544 = arith.constant 8 : i32
    %div3A_1545 = arith.divsi %get3A_1540, %jit3A_1544 : i32
    %sign3A_1546 = arith.constant 0 : i32
    %sign3A_1547 = arith.cmpi sgt, %get3A_1540, %sign3A_1546 : i32
    %sign3A_1548 = arith.extui %sign3A_1547 : i1 to i32
    %sign3A_1549 = arith.constant 0 : i32
    %sign3A_1550 = arith.cmpi slt, %get3A_1540, %sign3A_1549 : i32
    %sign3A_1551 = arith.extui %sign3A_1550 : i1 to i32
    %sign3A_1552 = arith.subi %sign3A_1548, %sign3A_1551 : i32
    %sign3A_1553 = arith.constant 0 : i32
    %sign3A_1554 = arith.cmpi sgt, %jit3A_1544, %sign3A_1553 : i32
    %sign3A_1555 = arith.extui %sign3A_1554 : i1 to i32
    %sign3A_1556 = arith.constant 0 : i32
    %sign3A_1557 = arith.cmpi slt, %jit3A_1544, %sign3A_1556 : i32
    %sign3A_1558 = arith.extui %sign3A_1557 : i1 to i32
    %sign3A_1559 = arith.subi %sign3A_1555, %sign3A_1558 : i32
    %ne3A_1560 = arith.cmpi ne, %sign3A_1552, %sign3A_1559 : i32
    %rem3A_1561 = arith.remsi %get3A_1540, %jit3A_1544 : i32
    %ne3A_1562 = arith.constant 0 : i32
    %ne3A_1563 = arith.cmpi ne, %rem3A_1561, %ne3A_1562 : i32
    %and3A_1564 = arith.andi %ne3A_1560, %ne3A_1563 : i1
    %sub3A_1565 = arith.constant 1 : i32
    %sub3A_1566 = arith.subi %div3A_1545, %sub3A_1565 : i32
    %select_n3A_1567 = arith.select %and3A_1564, %sub3A_1566, %div3A_1545 : i32
    %mul3A_1568 = arith.constant 8 : i32
    %mul3A_1569 = arith.muli %select_n3A_1567, %mul3A_1568 : i32
    %sub3A_1570 = arith.subi %get3A_1540, %mul3A_1569 : i32
    %get3A_1571 = arith.constant 0 : index
    %get3A_1572 = arith.index_cast %mul3A_1569 : i32 to index
    %get3A_1573 = arith.constant 0 : index
    %get3A_1574 = vector.load %arg3[%get3A_1571, %get3A_1572, %get3A_1573] : memref<1x2048x256xf32, #tpu.memory_space<vmem>>, vector<1x40x256xf32>
    %get3A_1575 = vector.shape_cast %get3A_1574 : vector<1x40x256xf32> to vector<40x256xf32>
    %sub3A_1576 = vector.broadcast %sub3A_1570 : i32 to vector<40x256xi32>
    %sub3A_1577 = arith.subi %iota3A, %sub3A_1576 : vector<40x256xi32>
    %lt3A_1578 = vector.broadcast %get3A_1543 : i32 to vector<40x256xi32>
    %lt3A_1579 = arith.cmpi ult, %sub3A_1577, %lt3A_1578 : vector<40x256xi32>
    %jit3A_1580 = arith.constant -3.40282347E+38 : f32
    %broadcast_in_dim3A_1581 = vector.broadcast %jit3A_1580 : f32 to vector<40x256xf32>
    %select_n3A_1582 = arith.select %lt3A_1579, %get3A_1575, %broadcast_in_dim3A_1581 : vector<40x256xi1>, vector<40x256xf32>
    %reduce_max3A_1583 = arith.constant dense<0xFF800000> : vector<256xf32>
    %reduce_max3A_1584 = vector.multi_reduction <maximumf>, %select_n3A_1582, %reduce_max3A_1583 [0] : vector<40x256xf32> to vector<256xf32>
    %broadcast_in_dim3A_1585 = vector.shape_cast %reduce_max3A_1584 : vector<256xf32> to vector<1x256xf32>
    %get3A_1586 = arith.index_cast %add3A_0 : i32 to index
    %get3A_1587 = arith.constant 33 : index
    %get3A_1588 = memref.load %arg1[%get3A_1586, %get3A_1587] : memref<8x64xi32, #tpu.memory_space<smem>>
    %get3A_1589 = arith.index_cast %add3A_0 : i32 to index
    %get3A_1590 = arith.constant 33 : index
    %get3A_1591 = memref.load %arg2[%get3A_1589, %get3A_1590] : memref<8x64xi32, #tpu.memory_space<smem>>
    %jit3A_1592 = arith.constant 8 : i32
    %div3A_1593 = arith.divsi %get3A_1588, %jit3A_1592 : i32
    %sign3A_1594 = arith.constant 0 : i32
    %sign3A_1595 = arith.cmpi sgt, %get3A_1588, %sign3A_1594 : i32
    %sign3A_1596 = arith.extui %sign3A_1595 : i1 to i32
    %sign3A_1597 = arith.constant 0 : i32
    %sign3A_1598 = arith.cmpi slt, %get3A_1588, %sign3A_1597 : i32
    %sign3A_1599 = arith.extui %sign3A_1598 : i1 to i32
    %sign3A_1600 = arith.subi %sign3A_1596, %sign3A_1599 : i32
    %sign3A_1601 = arith.constant 0 : i32
    %sign3A_1602 = arith.cmpi sgt, %jit3A_1592, %sign3A_1601 : i32
    %sign3A_1603 = arith.extui %sign3A_1602 : i1 to i32
    %sign3A_1604 = arith.constant 0 : i32
    %sign3A_1605 = arith.cmpi slt, %jit3A_1592, %sign3A_1604 : i32
    %sign3A_1606 = arith.extui %sign3A_1605 : i1 to i32
    %sign3A_1607 = arith.subi %sign3A_1603, %sign3A_1606 : i32
    %ne3A_1608 = arith.cmpi ne, %sign3A_1600, %sign3A_1607 : i32
    %rem3A_1609 = arith.remsi %get3A_1588, %jit3A_1592 : i32
    %ne3A_1610 = arith.constant 0 : i32
    %ne3A_1611 = arith.cmpi ne, %rem3A_1609, %ne3A_1610 : i32
    %and3A_1612 = arith.andi %ne3A_1608, %ne3A_1611 : i1
    %sub3A_1613 = arith.constant 1 : i32
    %sub3A_1614 = arith.subi %div3A_1593, %sub3A_1613 : i32
    %select_n3A_1615 = arith.select %and3A_1612, %sub3A_1614, %div3A_1593 : i32
    %mul3A_1616 = arith.constant 8 : i32
    %mul3A_1617 = arith.muli %select_n3A_1615, %mul3A_1616 : i32
    %sub3A_1618 = arith.subi %get3A_1588, %mul3A_1617 : i32
    %get3A_1619 = arith.constant 0 : index
    %get3A_1620 = arith.index_cast %mul3A_1617 : i32 to index
    %get3A_1621 = arith.constant 0 : index
    %get3A_1622 = vector.load %arg3[%get3A_1619, %get3A_1620, %get3A_1621] : memref<1x2048x256xf32, #tpu.memory_space<vmem>>, vector<1x40x256xf32>
    %get3A_1623 = vector.shape_cast %get3A_1622 : vector<1x40x256xf32> to vector<40x256xf32>
    %sub3A_1624 = vector.broadcast %sub3A_1618 : i32 to vector<40x256xi32>
    %sub3A_1625 = arith.subi %iota3A, %sub3A_1624 : vector<40x256xi32>
    %lt3A_1626 = vector.broadcast %get3A_1591 : i32 to vector<40x256xi32>
    %lt3A_1627 = arith.cmpi ult, %sub3A_1625, %lt3A_1626 : vector<40x256xi32>
    %jit3A_1628 = arith.constant -3.40282347E+38 : f32
    %broadcast_in_dim3A_1629 = vector.broadcast %jit3A_1628 : f32 to vector<40x256xf32>
    %select_n3A_1630 = arith.select %lt3A_1627, %get3A_1623, %broadcast_in_dim3A_1629 : vector<40x256xi1>, vector<40x256xf32>
    %reduce_max3A_1631 = arith.constant dense<0xFF800000> : vector<256xf32>
    %reduce_max3A_1632 = vector.multi_reduction <maximumf>, %select_n3A_1630, %reduce_max3A_1631 [0] : vector<40x256xf32> to vector<256xf32>
    %broadcast_in_dim3A_1633 = vector.shape_cast %reduce_max3A_1632 : vector<256xf32> to vector<1x256xf32>
    %get3A_1634 = arith.index_cast %add3A_0 : i32 to index
    %get3A_1635 = arith.constant 34 : index
    %get3A_1636 = memref.load %arg1[%get3A_1634, %get3A_1635] : memref<8x64xi32, #tpu.memory_space<smem>>
    %get3A_1637 = arith.index_cast %add3A_0 : i32 to index
    %get3A_1638 = arith.constant 34 : index
    %get3A_1639 = memref.load %arg2[%get3A_1637, %get3A_1638] : memref<8x64xi32, #tpu.memory_space<smem>>
    %jit3A_1640 = arith.constant 8 : i32
    %div3A_1641 = arith.divsi %get3A_1636, %jit3A_1640 : i32
    %sign3A_1642 = arith.constant 0 : i32
    %sign3A_1643 = arith.cmpi sgt, %get3A_1636, %sign3A_1642 : i32
    %sign3A_1644 = arith.extui %sign3A_1643 : i1 to i32
    %sign3A_1645 = arith.constant 0 : i32
    %sign3A_1646 = arith.cmpi slt, %get3A_1636, %sign3A_1645 : i32
    %sign3A_1647 = arith.extui %sign3A_1646 : i1 to i32
    %sign3A_1648 = arith.subi %sign3A_1644, %sign3A_1647 : i32
    %sign3A_1649 = arith.constant 0 : i32
    %sign3A_1650 = arith.cmpi sgt, %jit3A_1640, %sign3A_1649 : i32
    %sign3A_1651 = arith.extui %sign3A_1650 : i1 to i32
    %sign3A_1652 = arith.constant 0 : i32
    %sign3A_1653 = arith.cmpi slt, %jit3A_1640, %sign3A_1652 : i32
    %sign3A_1654 = arith.extui %sign3A_1653 : i1 to i32
    %sign3A_1655 = arith.subi %sign3A_1651, %sign3A_1654 : i32
    %ne3A_1656 = arith.cmpi ne, %sign3A_1648, %sign3A_1655 : i32
    %rem3A_1657 = arith.remsi %get3A_1636, %jit3A_1640 : i32
    %ne3A_1658 = arith.constant 0 : i32
    %ne3A_1659 = arith.cmpi ne, %rem3A_1657, %ne3A_1658 : i32
    %and3A_1660 = arith.andi %ne3A_1656, %ne3A_1659 : i1
    %sub3A_1661 = arith.constant 1 : i32
    %sub3A_1662 = arith.subi %div3A_1641, %sub3A_1661 : i32
    %select_n3A_1663 = arith.select %and3A_1660, %sub3A_1662, %div3A_1641 : i32
    %mul3A_1664 = arith.constant 8 : i32
    %mul3A_1665 = arith.muli %select_n3A_1663, %mul3A_1664 : i32
    %sub3A_1666 = arith.subi %get3A_1636, %mul3A_1665 : i32
    %get3A_1667 = arith.constant 0 : index
    %get3A_1668 = arith.index_cast %mul3A_1665 : i32 to index
    %get3A_1669 = arith.constant 0 : index
    %get3A_1670 = vector.load %arg3[%get3A_1667, %get3A_1668, %get3A_1669] : memref<1x2048x256xf32, #tpu.memory_space<vmem>>, vector<1x40x256xf32>
    %get3A_1671 = vector.shape_cast %get3A_1670 : vector<1x40x256xf32> to vector<40x256xf32>
    %sub3A_1672 = vector.broadcast %sub3A_1666 : i32 to vector<40x256xi32>
    %sub3A_1673 = arith.subi %iota3A, %sub3A_1672 : vector<40x256xi32>
    %lt3A_1674 = vector.broadcast %get3A_1639 : i32 to vector<40x256xi32>
    %lt3A_1675 = arith.cmpi ult, %sub3A_1673, %lt3A_1674 : vector<40x256xi32>
    %jit3A_1676 = arith.constant -3.40282347E+38 : f32
    %broadcast_in_dim3A_1677 = vector.broadcast %jit3A_1676 : f32 to vector<40x256xf32>
    %select_n3A_1678 = arith.select %lt3A_1675, %get3A_1671, %broadcast_in_dim3A_1677 : vector<40x256xi1>, vector<40x256xf32>
    %reduce_max3A_1679 = arith.constant dense<0xFF800000> : vector<256xf32>
    %reduce_max3A_1680 = vector.multi_reduction <maximumf>, %select_n3A_1678, %reduce_max3A_1679 [0] : vector<40x256xf32> to vector<256xf32>
    %broadcast_in_dim3A_1681 = vector.shape_cast %reduce_max3A_1680 : vector<256xf32> to vector<1x256xf32>
    %get3A_1682 = arith.index_cast %add3A_0 : i32 to index
    %get3A_1683 = arith.constant 35 : index
    %get3A_1684 = memref.load %arg1[%get3A_1682, %get3A_1683] : memref<8x64xi32, #tpu.memory_space<smem>>
    %get3A_1685 = arith.index_cast %add3A_0 : i32 to index
    %get3A_1686 = arith.constant 35 : index
    %get3A_1687 = memref.load %arg2[%get3A_1685, %get3A_1686] : memref<8x64xi32, #tpu.memory_space<smem>>
    %jit3A_1688 = arith.constant 8 : i32
    %div3A_1689 = arith.divsi %get3A_1684, %jit3A_1688 : i32
    %sign3A_1690 = arith.constant 0 : i32
    %sign3A_1691 = arith.cmpi sgt, %get3A_1684, %sign3A_1690 : i32
    %sign3A_1692 = arith.extui %sign3A_1691 : i1 to i32
    %sign3A_1693 = arith.constant 0 : i32
    %sign3A_1694 = arith.cmpi slt, %get3A_1684, %sign3A_1693 : i32
    %sign3A_1695 = arith.extui %sign3A_1694 : i1 to i32
    %sign3A_1696 = arith.subi %sign3A_1692, %sign3A_1695 : i32
    %sign3A_1697 = arith.constant 0 : i32
    %sign3A_1698 = arith.cmpi sgt, %jit3A_1688, %sign3A_1697 : i32
    %sign3A_1699 = arith.extui %sign3A_1698 : i1 to i32
    %sign3A_1700 = arith.constant 0 : i32
    %sign3A_1701 = arith.cmpi slt, %jit3A_1688, %sign3A_1700 : i32
    %sign3A_1702 = arith.extui %sign3A_1701 : i1 to i32
    %sign3A_1703 = arith.subi %sign3A_1699, %sign3A_1702 : i32
    %ne3A_1704 = arith.cmpi ne, %sign3A_1696, %sign3A_1703 : i32
    %rem3A_1705 = arith.remsi %get3A_1684, %jit3A_1688 : i32
    %ne3A_1706 = arith.constant 0 : i32
    %ne3A_1707 = arith.cmpi ne, %rem3A_1705, %ne3A_1706 : i32
    %and3A_1708 = arith.andi %ne3A_1704, %ne3A_1707 : i1
    %sub3A_1709 = arith.constant 1 : i32
    %sub3A_1710 = arith.subi %div3A_1689, %sub3A_1709 : i32
    %select_n3A_1711 = arith.select %and3A_1708, %sub3A_1710, %div3A_1689 : i32
    %mul3A_1712 = arith.constant 8 : i32
    %mul3A_1713 = arith.muli %select_n3A_1711, %mul3A_1712 : i32
    %sub3A_1714 = arith.subi %get3A_1684, %mul3A_1713 : i32
    %get3A_1715 = arith.constant 0 : index
    %get3A_1716 = arith.index_cast %mul3A_1713 : i32 to index
    %get3A_1717 = arith.constant 0 : index
    %get3A_1718 = vector.load %arg3[%get3A_1715, %get3A_1716, %get3A_1717] : memref<1x2048x256xf32, #tpu.memory_space<vmem>>, vector<1x40x256xf32>
    %get3A_1719 = vector.shape_cast %get3A_1718 : vector<1x40x256xf32> to vector<40x256xf32>
    %sub3A_1720 = vector.broadcast %sub3A_1714 : i32 to vector<40x256xi32>
    %sub3A_1721 = arith.subi %iota3A, %sub3A_1720 : vector<40x256xi32>
    %lt3A_1722 = vector.broadcast %get3A_1687 : i32 to vector<40x256xi32>
    %lt3A_1723 = arith.cmpi ult, %sub3A_1721, %lt3A_1722 : vector<40x256xi32>
    %jit3A_1724 = arith.constant -3.40282347E+38 : f32
    %broadcast_in_dim3A_1725 = vector.broadcast %jit3A_1724 : f32 to vector<40x256xf32>
    %select_n3A_1726 = arith.select %lt3A_1723, %get3A_1719, %broadcast_in_dim3A_1725 : vector<40x256xi1>, vector<40x256xf32>
    %reduce_max3A_1727 = arith.constant dense<0xFF800000> : vector<256xf32>
    %reduce_max3A_1728 = vector.multi_reduction <maximumf>, %select_n3A_1726, %reduce_max3A_1727 [0] : vector<40x256xf32> to vector<256xf32>
    %broadcast_in_dim3A_1729 = vector.shape_cast %reduce_max3A_1728 : vector<256xf32> to vector<1x256xf32>
    %get3A_1730 = arith.index_cast %add3A_0 : i32 to index
    %get3A_1731 = arith.constant 36 : index
    %get3A_1732 = memref.load %arg1[%get3A_1730, %get3A_1731] : memref<8x64xi32, #tpu.memory_space<smem>>
    %get3A_1733 = arith.index_cast %add3A_0 : i32 to index
    %get3A_1734 = arith.constant 36 : index
    %get3A_1735 = memref.load %arg2[%get3A_1733, %get3A_1734] : memref<8x64xi32, #tpu.memory_space<smem>>
    %jit3A_1736 = arith.constant 8 : i32
    %div3A_1737 = arith.divsi %get3A_1732, %jit3A_1736 : i32
    %sign3A_1738 = arith.constant 0 : i32
    %sign3A_1739 = arith.cmpi sgt, %get3A_1732, %sign3A_1738 : i32
    %sign3A_1740 = arith.extui %sign3A_1739 : i1 to i32
    %sign3A_1741 = arith.constant 0 : i32
    %sign3A_1742 = arith.cmpi slt, %get3A_1732, %sign3A_1741 : i32
    %sign3A_1743 = arith.extui %sign3A_1742 : i1 to i32
    %sign3A_1744 = arith.subi %sign3A_1740, %sign3A_1743 : i32
    %sign3A_1745 = arith.constant 0 : i32
    %sign3A_1746 = arith.cmpi sgt, %jit3A_1736, %sign3A_1745 : i32
    %sign3A_1747 = arith.extui %sign3A_1746 : i1 to i32
    %sign3A_1748 = arith.constant 0 : i32
    %sign3A_1749 = arith.cmpi slt, %jit3A_1736, %sign3A_1748 : i32
    %sign3A_1750 = arith.extui %sign3A_1749 : i1 to i32
    %sign3A_1751 = arith.subi %sign3A_1747, %sign3A_1750 : i32
    %ne3A_1752 = arith.cmpi ne, %sign3A_1744, %sign3A_1751 : i32
    %rem3A_1753 = arith.remsi %get3A_1732, %jit3A_1736 : i32
    %ne3A_1754 = arith.constant 0 : i32
    %ne3A_1755 = arith.cmpi ne, %rem3A_1753, %ne3A_1754 : i32
    %and3A_1756 = arith.andi %ne3A_1752, %ne3A_1755 : i1
    %sub3A_1757 = arith.constant 1 : i32
    %sub3A_1758 = arith.subi %div3A_1737, %sub3A_1757 : i32
    %select_n3A_1759 = arith.select %and3A_1756, %sub3A_1758, %div3A_1737 : i32
    %mul3A_1760 = arith.constant 8 : i32
    %mul3A_1761 = arith.muli %select_n3A_1759, %mul3A_1760 : i32
    %sub3A_1762 = arith.subi %get3A_1732, %mul3A_1761 : i32
    %get3A_1763 = arith.constant 0 : index
    %get3A_1764 = arith.index_cast %mul3A_1761 : i32 to index
    %get3A_1765 = arith.constant 0 : index
    %get3A_1766 = vector.load %arg3[%get3A_1763, %get3A_1764, %get3A_1765] : memref<1x2048x256xf32, #tpu.memory_space<vmem>>, vector<1x40x256xf32>
    %get3A_1767 = vector.shape_cast %get3A_1766 : vector<1x40x256xf32> to vector<40x256xf32>
    %sub3A_1768 = vector.broadcast %sub3A_1762 : i32 to vector<40x256xi32>
    %sub3A_1769 = arith.subi %iota3A, %sub3A_1768 : vector<40x256xi32>
    %lt3A_1770 = vector.broadcast %get3A_1735 : i32 to vector<40x256xi32>
    %lt3A_1771 = arith.cmpi ult, %sub3A_1769, %lt3A_1770 : vector<40x256xi32>
    %jit3A_1772 = arith.constant -3.40282347E+38 : f32
    %broadcast_in_dim3A_1773 = vector.broadcast %jit3A_1772 : f32 to vector<40x256xf32>
    %select_n3A_1774 = arith.select %lt3A_1771, %get3A_1767, %broadcast_in_dim3A_1773 : vector<40x256xi1>, vector<40x256xf32>
    %reduce_max3A_1775 = arith.constant dense<0xFF800000> : vector<256xf32>
    %reduce_max3A_1776 = vector.multi_reduction <maximumf>, %select_n3A_1774, %reduce_max3A_1775 [0] : vector<40x256xf32> to vector<256xf32>
    %broadcast_in_dim3A_1777 = vector.shape_cast %reduce_max3A_1776 : vector<256xf32> to vector<1x256xf32>
    %get3A_1778 = arith.index_cast %add3A_0 : i32 to index
    %get3A_1779 = arith.constant 37 : index
    %get3A_1780 = memref.load %arg1[%get3A_1778, %get3A_1779] : memref<8x64xi32, #tpu.memory_space<smem>>
    %get3A_1781 = arith.index_cast %add3A_0 : i32 to index
    %get3A_1782 = arith.constant 37 : index
    %get3A_1783 = memref.load %arg2[%get3A_1781, %get3A_1782] : memref<8x64xi32, #tpu.memory_space<smem>>
    %jit3A_1784 = arith.constant 8 : i32
    %div3A_1785 = arith.divsi %get3A_1780, %jit3A_1784 : i32
    %sign3A_1786 = arith.constant 0 : i32
    %sign3A_1787 = arith.cmpi sgt, %get3A_1780, %sign3A_1786 : i32
    %sign3A_1788 = arith.extui %sign3A_1787 : i1 to i32
    %sign3A_1789 = arith.constant 0 : i32
    %sign3A_1790 = arith.cmpi slt, %get3A_1780, %sign3A_1789 : i32
    %sign3A_1791 = arith.extui %sign3A_1790 : i1 to i32
    %sign3A_1792 = arith.subi %sign3A_1788, %sign3A_1791 : i32
    %sign3A_1793 = arith.constant 0 : i32
    %sign3A_1794 = arith.cmpi sgt, %jit3A_1784, %sign3A_1793 : i32
    %sign3A_1795 = arith.extui %sign3A_1794 : i1 to i32
    %sign3A_1796 = arith.constant 0 : i32
    %sign3A_1797 = arith.cmpi slt, %jit3A_1784, %sign3A_1796 : i32
    %sign3A_1798 = arith.extui %sign3A_1797 : i1 to i32
    %sign3A_1799 = arith.subi %sign3A_1795, %sign3A_1798 : i32
    %ne3A_1800 = arith.cmpi ne, %sign3A_1792, %sign3A_1799 : i32
    %rem3A_1801 = arith.remsi %get3A_1780, %jit3A_1784 : i32
    %ne3A_1802 = arith.constant 0 : i32
    %ne3A_1803 = arith.cmpi ne, %rem3A_1801, %ne3A_1802 : i32
    %and3A_1804 = arith.andi %ne3A_1800, %ne3A_1803 : i1
    %sub3A_1805 = arith.constant 1 : i32
    %sub3A_1806 = arith.subi %div3A_1785, %sub3A_1805 : i32
    %select_n3A_1807 = arith.select %and3A_1804, %sub3A_1806, %div3A_1785 : i32
    %mul3A_1808 = arith.constant 8 : i32
    %mul3A_1809 = arith.muli %select_n3A_1807, %mul3A_1808 : i32
    %sub3A_1810 = arith.subi %get3A_1780, %mul3A_1809 : i32
    %get3A_1811 = arith.constant 0 : index
    %get3A_1812 = arith.index_cast %mul3A_1809 : i32 to index
    %get3A_1813 = arith.constant 0 : index
    %get3A_1814 = vector.load %arg3[%get3A_1811, %get3A_1812, %get3A_1813] : memref<1x2048x256xf32, #tpu.memory_space<vmem>>, vector<1x40x256xf32>
    %get3A_1815 = vector.shape_cast %get3A_1814 : vector<1x40x256xf32> to vector<40x256xf32>
    %sub3A_1816 = vector.broadcast %sub3A_1810 : i32 to vector<40x256xi32>
    %sub3A_1817 = arith.subi %iota3A, %sub3A_1816 : vector<40x256xi32>
    %lt3A_1818 = vector.broadcast %get3A_1783 : i32 to vector<40x256xi32>
    %lt3A_1819 = arith.cmpi ult, %sub3A_1817, %lt3A_1818 : vector<40x256xi32>
    %jit3A_1820 = arith.constant -3.40282347E+38 : f32
    %broadcast_in_dim3A_1821 = vector.broadcast %jit3A_1820 : f32 to vector<40x256xf32>
    %select_n3A_1822 = arith.select %lt3A_1819, %get3A_1815, %broadcast_in_dim3A_1821 : vector<40x256xi1>, vector<40x256xf32>
    %reduce_max3A_1823 = arith.constant dense<0xFF800000> : vector<256xf32>
    %reduce_max3A_1824 = vector.multi_reduction <maximumf>, %select_n3A_1822, %reduce_max3A_1823 [0] : vector<40x256xf32> to vector<256xf32>
    %broadcast_in_dim3A_1825 = vector.shape_cast %reduce_max3A_1824 : vector<256xf32> to vector<1x256xf32>
    %get3A_1826 = arith.index_cast %add3A_0 : i32 to index
    %get3A_1827 = arith.constant 38 : index
    %get3A_1828 = memref.load %arg1[%get3A_1826, %get3A_1827] : memref<8x64xi32, #tpu.memory_space<smem>>
    %get3A_1829 = arith.index_cast %add3A_0 : i32 to index
    %get3A_1830 = arith.constant 38 : index
    %get3A_1831 = memref.load %arg2[%get3A_1829, %get3A_1830] : memref<8x64xi32, #tpu.memory_space<smem>>
    %jit3A_1832 = arith.constant 8 : i32
    %div3A_1833 = arith.divsi %get3A_1828, %jit3A_1832 : i32
    %sign3A_1834 = arith.constant 0 : i32
    %sign3A_1835 = arith.cmpi sgt, %get3A_1828, %sign3A_1834 : i32
    %sign3A_1836 = arith.extui %sign3A_1835 : i1 to i32
    %sign3A_1837 = arith.constant 0 : i32
    %sign3A_1838 = arith.cmpi slt, %get3A_1828, %sign3A_1837 : i32
    %sign3A_1839 = arith.extui %sign3A_1838 : i1 to i32
    %sign3A_1840 = arith.subi %sign3A_1836, %sign3A_1839 : i32
    %sign3A_1841 = arith.constant 0 : i32
    %sign3A_1842 = arith.cmpi sgt, %jit3A_1832, %sign3A_1841 : i32
    %sign3A_1843 = arith.extui %sign3A_1842 : i1 to i32
    %sign3A_1844 = arith.constant 0 : i32
    %sign3A_1845 = arith.cmpi slt, %jit3A_1832, %sign3A_1844 : i32
    %sign3A_1846 = arith.extui %sign3A_1845 : i1 to i32
    %sign3A_1847 = arith.subi %sign3A_1843, %sign3A_1846 : i32
    %ne3A_1848 = arith.cmpi ne, %sign3A_1840, %sign3A_1847 : i32
    %rem3A_1849 = arith.remsi %get3A_1828, %jit3A_1832 : i32
    %ne3A_1850 = arith.constant 0 : i32
    %ne3A_1851 = arith.cmpi ne, %rem3A_1849, %ne3A_1850 : i32
    %and3A_1852 = arith.andi %ne3A_1848, %ne3A_1851 : i1
    %sub3A_1853 = arith.constant 1 : i32
    %sub3A_1854 = arith.subi %div3A_1833, %sub3A_1853 : i32
    %select_n3A_1855 = arith.select %and3A_1852, %sub3A_1854, %div3A_1833 : i32
    %mul3A_1856 = arith.constant 8 : i32
    %mul3A_1857 = arith.muli %select_n3A_1855, %mul3A_1856 : i32
    %sub3A_1858 = arith.subi %get3A_1828, %mul3A_1857 : i32
    %get3A_1859 = arith.constant 0 : index
    %get3A_1860 = arith.index_cast %mul3A_1857 : i32 to index
    %get3A_1861 = arith.constant 0 : index
    %get3A_1862 = vector.load %arg3[%get3A_1859, %get3A_1860, %get3A_1861] : memref<1x2048x256xf32, #tpu.memory_space<vmem>>, vector<1x40x256xf32>
    %get3A_1863 = vector.shape_cast %get3A_1862 : vector<1x40x256xf32> to vector<40x256xf32>
    %sub3A_1864 = vector.broadcast %sub3A_1858 : i32 to vector<40x256xi32>
    %sub3A_1865 = arith.subi %iota3A, %sub3A_1864 : vector<40x256xi32>
    %lt3A_1866 = vector.broadcast %get3A_1831 : i32 to vector<40x256xi32>
    %lt3A_1867 = arith.cmpi ult, %sub3A_1865, %lt3A_1866 : vector<40x256xi32>
    %jit3A_1868 = arith.constant -3.40282347E+38 : f32
    %broadcast_in_dim3A_1869 = vector.broadcast %jit3A_1868 : f32 to vector<40x256xf32>
    %select_n3A_1870 = arith.select %lt3A_1867, %get3A_1863, %broadcast_in_dim3A_1869 : vector<40x256xi1>, vector<40x256xf32>
    %reduce_max3A_1871 = arith.constant dense<0xFF800000> : vector<256xf32>
    %reduce_max3A_1872 = vector.multi_reduction <maximumf>, %select_n3A_1870, %reduce_max3A_1871 [0] : vector<40x256xf32> to vector<256xf32>
    %broadcast_in_dim3A_1873 = vector.shape_cast %reduce_max3A_1872 : vector<256xf32> to vector<1x256xf32>
    %get3A_1874 = arith.index_cast %add3A_0 : i32 to index
    %get3A_1875 = arith.constant 39 : index
    %get3A_1876 = memref.load %arg1[%get3A_1874, %get3A_1875] : memref<8x64xi32, #tpu.memory_space<smem>>
    %get3A_1877 = arith.index_cast %add3A_0 : i32 to index
    %get3A_1878 = arith.constant 39 : index
    %get3A_1879 = memref.load %arg2[%get3A_1877, %get3A_1878] : memref<8x64xi32, #tpu.memory_space<smem>>
    %jit3A_1880 = arith.constant 8 : i32
    %div3A_1881 = arith.divsi %get3A_1876, %jit3A_1880 : i32
    %sign3A_1882 = arith.constant 0 : i32
    %sign3A_1883 = arith.cmpi sgt, %get3A_1876, %sign3A_1882 : i32
    %sign3A_1884 = arith.extui %sign3A_1883 : i1 to i32
    %sign3A_1885 = arith.constant 0 : i32
    %sign3A_1886 = arith.cmpi slt, %get3A_1876, %sign3A_1885 : i32
    %sign3A_1887 = arith.extui %sign3A_1886 : i1 to i32
    %sign3A_1888 = arith.subi %sign3A_1884, %sign3A_1887 : i32
    %sign3A_1889 = arith.constant 0 : i32
    %sign3A_1890 = arith.cmpi sgt, %jit3A_1880, %sign3A_1889 : i32
    %sign3A_1891 = arith.extui %sign3A_1890 : i1 to i32
    %sign3A_1892 = arith.constant 0 : i32
    %sign3A_1893 = arith.cmpi slt, %jit3A_1880, %sign3A_1892 : i32
    %sign3A_1894 = arith.extui %sign3A_1893 : i1 to i32
    %sign3A_1895 = arith.subi %sign3A_1891, %sign3A_1894 : i32
    %ne3A_1896 = arith.cmpi ne, %sign3A_1888, %sign3A_1895 : i32
    %rem3A_1897 = arith.remsi %get3A_1876, %jit3A_1880 : i32
    %ne3A_1898 = arith.constant 0 : i32
    %ne3A_1899 = arith.cmpi ne, %rem3A_1897, %ne3A_1898 : i32
    %and3A_1900 = arith.andi %ne3A_1896, %ne3A_1899 : i1
    %sub3A_1901 = arith.constant 1 : i32
    %sub3A_1902 = arith.subi %div3A_1881, %sub3A_1901 : i32
    %select_n3A_1903 = arith.select %and3A_1900, %sub3A_1902, %div3A_1881 : i32
    %mul3A_1904 = arith.constant 8 : i32
    %mul3A_1905 = arith.muli %select_n3A_1903, %mul3A_1904 : i32
    %sub3A_1906 = arith.subi %get3A_1876, %mul3A_1905 : i32
    %get3A_1907 = arith.constant 0 : index
    %get3A_1908 = arith.index_cast %mul3A_1905 : i32 to index
    %get3A_1909 = arith.constant 0 : index
    %get3A_1910 = vector.load %arg3[%get3A_1907, %get3A_1908, %get3A_1909] : memref<1x2048x256xf32, #tpu.memory_space<vmem>>, vector<1x40x256xf32>
    %get3A_1911 = vector.shape_cast %get3A_1910 : vector<1x40x256xf32> to vector<40x256xf32>
    %sub3A_1912 = vector.broadcast %sub3A_1906 : i32 to vector<40x256xi32>
    %sub3A_1913 = arith.subi %iota3A, %sub3A_1912 : vector<40x256xi32>
    %lt3A_1914 = vector.broadcast %get3A_1879 : i32 to vector<40x256xi32>
    %lt3A_1915 = arith.cmpi ult, %sub3A_1913, %lt3A_1914 : vector<40x256xi32>
    %jit3A_1916 = arith.constant -3.40282347E+38 : f32
    %broadcast_in_dim3A_1917 = vector.broadcast %jit3A_1916 : f32 to vector<40x256xf32>
    %select_n3A_1918 = arith.select %lt3A_1915, %get3A_1911, %broadcast_in_dim3A_1917 : vector<40x256xi1>, vector<40x256xf32>
    %reduce_max3A_1919 = arith.constant dense<0xFF800000> : vector<256xf32>
    %reduce_max3A_1920 = vector.multi_reduction <maximumf>, %select_n3A_1918, %reduce_max3A_1919 [0] : vector<40x256xf32> to vector<256xf32>
    %broadcast_in_dim3A_1921 = vector.shape_cast %reduce_max3A_1920 : vector<256xf32> to vector<1x256xf32>
    %concatenate3A_1922 = tpu.concatenate %broadcast_in_dim3A_1585, %broadcast_in_dim3A_1633, %broadcast_in_dim3A_1681, %broadcast_in_dim3A_1729, %broadcast_in_dim3A_1777, %broadcast_in_dim3A_1825, %broadcast_in_dim3A_1873, %broadcast_in_dim3A_1921 in 0 : vector<1x256xf32>, vector<1x256xf32>, vector<1x256xf32>, vector<1x256xf32>, vector<1x256xf32>, vector<1x256xf32>, vector<1x256xf32>, vector<1x256xf32> -> vector<8x256xf32>
    %swap3A_1923 = arith.constant 32 : index
    %swap3A_1924 = arith.constant 0 : index
    %swap3A_1925 = vector.load %arg8[%swap3A_1923, %swap3A_1924] : memref<64x256xf32, #tpu.memory_space<vmem>>, vector<8x256xf32>
    tpu.vector_store %arg8[%swap3A_1923, %swap3A_1924], %concatenate3A_1922 {strides = array<i32>} : memref<64x256xf32, #tpu.memory_space<vmem>>, vector<8x256xf32>,
    %get3A_1926 = arith.index_cast %add3A_0 : i32 to index
    %get3A_1927 = arith.constant 40 : index
    %get3A_1928 = memref.load %arg1[%get3A_1926, %get3A_1927] : memref<8x64xi32, #tpu.memory_space<smem>>
    %get3A_1929 = arith.index_cast %add3A_0 : i32 to index
    %get3A_1930 = arith.constant 40 : index
    %get3A_1931 = memref.load %arg2[%get3A_1929, %get3A_1930] : memref<8x64xi32, #tpu.memory_space<smem>>
    %jit3A_1932 = arith.constant 8 : i32
    %div3A_1933 = arith.divsi %get3A_1928, %jit3A_1932 : i32
    %sign3A_1934 = arith.constant 0 : i32
    %sign3A_1935 = arith.cmpi sgt, %get3A_1928, %sign3A_1934 : i32
    %sign3A_1936 = arith.extui %sign3A_1935 : i1 to i32
    %sign3A_1937 = arith.constant 0 : i32
    %sign3A_1938 = arith.cmpi slt, %get3A_1928, %sign3A_1937 : i32
    %sign3A_1939 = arith.extui %sign3A_1938 : i1 to i32
    %sign3A_1940 = arith.subi %sign3A_1936, %sign3A_1939 : i32
    %sign3A_1941 = arith.constant 0 : i32
    %sign3A_1942 = arith.cmpi sgt, %jit3A_1932, %sign3A_1941 : i32
    %sign3A_1943 = arith.extui %sign3A_1942 : i1 to i32
    %sign3A_1944 = arith.constant 0 : i32
    %sign3A_1945 = arith.cmpi slt, %jit3A_1932, %sign3A_1944 : i32
    %sign3A_1946 = arith.extui %sign3A_1945 : i1 to i32
    %sign3A_1947 = arith.subi %sign3A_1943, %sign3A_1946 : i32
    %ne3A_1948 = arith.cmpi ne, %sign3A_1940, %sign3A_1947 : i32
    %rem3A_1949 = arith.remsi %get3A_1928, %jit3A_1932 : i32
    %ne3A_1950 = arith.constant 0 : i32
    %ne3A_1951 = arith.cmpi ne, %rem3A_1949, %ne3A_1950 : i32
    %and3A_1952 = arith.andi %ne3A_1948, %ne3A_1951 : i1
    %sub3A_1953 = arith.constant 1 : i32
    %sub3A_1954 = arith.subi %div3A_1933, %sub3A_1953 : i32
    %select_n3A_1955 = arith.select %and3A_1952, %sub3A_1954, %div3A_1933 : i32
    %mul3A_1956 = arith.constant 8 : i32
    %mul3A_1957 = arith.muli %select_n3A_1955, %mul3A_1956 : i32
    %sub3A_1958 = arith.subi %get3A_1928, %mul3A_1957 : i32
    %get3A_1959 = arith.constant 0 : index
    %get3A_1960 = arith.index_cast %mul3A_1957 : i32 to index
    %get3A_1961 = arith.constant 0 : index
    %get3A_1962 = vector.load %arg3[%get3A_1959, %get3A_1960, %get3A_1961] : memref<1x2048x256xf32, #tpu.memory_space<vmem>>, vector<1x40x256xf32>
    %get3A_1963 = vector.shape_cast %get3A_1962 : vector<1x40x256xf32> to vector<40x256xf32>
    %sub3A_1964 = vector.broadcast %sub3A_1958 : i32 to vector<40x256xi32>
    %sub3A_1965 = arith.subi %iota3A, %sub3A_1964 : vector<40x256xi32>
    %lt3A_1966 = vector.broadcast %get3A_1931 : i32 to vector<40x256xi32>
    %lt3A_1967 = arith.cmpi ult, %sub3A_1965, %lt3A_1966 : vector<40x256xi32>
    %jit3A_1968 = arith.constant -3.40282347E+38 : f32
    %broadcast_in_dim3A_1969 = vector.broadcast %jit3A_1968 : f32 to vector<40x256xf32>
    %select_n3A_1970 = arith.select %lt3A_1967, %get3A_1963, %broadcast_in_dim3A_1969 : vector<40x256xi1>, vector<40x256xf32>
    %reduce_max3A_1971 = arith.constant dense<0xFF800000> : vector<256xf32>
    %reduce_max3A_1972 = vector.multi_reduction <maximumf>, %select_n3A_1970, %reduce_max3A_1971 [0] : vector<40x256xf32> to vector<256xf32>
    %broadcast_in_dim3A_1973 = vector.shape_cast %reduce_max3A_1972 : vector<256xf32> to vector<1x256xf32>
    %get3A_1974 = arith.index_cast %add3A_0 : i32 to index
    %get3A_1975 = arith.constant 41 : index
    %get3A_1976 = memref.load %arg1[%get3A_1974, %get3A_1975] : memref<8x64xi32, #tpu.memory_space<smem>>
    %get3A_1977 = arith.index_cast %add3A_0 : i32 to index
    %get3A_1978 = arith.constant 41 : index
    %get3A_1979 = memref.load %arg2[%get3A_1977, %get3A_1978] : memref<8x64xi32, #tpu.memory_space<smem>>
    %jit3A_1980 = arith.constant 8 : i32
    %div3A_1981 = arith.divsi %get3A_1976, %jit3A_1980 : i32
    %sign3A_1982 = arith.constant 0 : i32
    %sign3A_1983 = arith.cmpi sgt, %get3A_1976, %sign3A_1982 : i32
    %sign3A_1984 = arith.extui %sign3A_1983 : i1 to i32
    %sign3A_1985 = arith.constant 0 : i32
    %sign3A_1986 = arith.cmpi slt, %get3A_1976, %sign3A_1985 : i32
    %sign3A_1987 = arith.extui %sign3A_1986 : i1 to i32
    %sign3A_1988 = arith.subi %sign3A_1984, %sign3A_1987 : i32
    %sign3A_1989 = arith.constant 0 : i32
    %sign3A_1990 = arith.cmpi sgt, %jit3A_1980, %sign3A_1989 : i32
    %sign3A_1991 = arith.extui %sign3A_1990 : i1 to i32
    %sign3A_1992 = arith.constant 0 : i32
    %sign3A_1993 = arith.cmpi slt, %jit3A_1980, %sign3A_1992 : i32
    %sign3A_1994 = arith.extui %sign3A_1993 : i1 to i32
    %sign3A_1995 = arith.subi %sign3A_1991, %sign3A_1994 : i32
    %ne3A_1996 = arith.cmpi ne, %sign3A_1988, %sign3A_1995 : i32
    %rem3A_1997 = arith.remsi %get3A_1976, %jit3A_1980 : i32
    %ne3A_1998 = arith.constant 0 : i32
    %ne3A_1999 = arith.cmpi ne, %rem3A_1997, %ne3A_1998 : i32
    %and3A_2000 = arith.andi %ne3A_1996, %ne3A_1999 : i1
    %sub3A_2001 = arith.constant 1 : i32
    %sub3A_2002 = arith.subi %div3A_1981, %sub3A_2001 : i32
    %select_n3A_2003 = arith.select %and3A_2000, %sub3A_2002, %div3A_1981 : i32
    %mul3A_2004 = arith.constant 8 : i32
    %mul3A_2005 = arith.muli %select_n3A_2003, %mul3A_2004 : i32
    %sub3A_2006 = arith.subi %get3A_1976, %mul3A_2005 : i32
    %get3A_2007 = arith.constant 0 : index
    %get3A_2008 = arith.index_cast %mul3A_2005 : i32 to index
    %get3A_2009 = arith.constant 0 : index
    %get3A_2010 = vector.load %arg3[%get3A_2007, %get3A_2008, %get3A_2009] : memref<1x2048x256xf32, #tpu.memory_space<vmem>>, vector<1x40x256xf32>
    %get3A_2011 = vector.shape_cast %get3A_2010 : vector<1x40x256xf32> to vector<40x256xf32>
    %sub3A_2012 = vector.broadcast %sub3A_2006 : i32 to vector<40x256xi32>
    %sub3A_2013 = arith.subi %iota3A, %sub3A_2012 : vector<40x256xi32>
    %lt3A_2014 = vector.broadcast %get3A_1979 : i32 to vector<40x256xi32>
    %lt3A_2015 = arith.cmpi ult, %sub3A_2013, %lt3A_2014 : vector<40x256xi32>
    %jit3A_2016 = arith.constant -3.40282347E+38 : f32
    %broadcast_in_dim3A_2017 = vector.broadcast %jit3A_2016 : f32 to vector<40x256xf32>
    %select_n3A_2018 = arith.select %lt3A_2015, %get3A_2011, %broadcast_in_dim3A_2017 : vector<40x256xi1>, vector<40x256xf32>
    %reduce_max3A_2019 = arith.constant dense<0xFF800000> : vector<256xf32>
    %reduce_max3A_2020 = vector.multi_reduction <maximumf>, %select_n3A_2018, %reduce_max3A_2019 [0] : vector<40x256xf32> to vector<256xf32>
    %broadcast_in_dim3A_2021 = vector.shape_cast %reduce_max3A_2020 : vector<256xf32> to vector<1x256xf32>
    %get3A_2022 = arith.index_cast %add3A_0 : i32 to index
    %get3A_2023 = arith.constant 42 : index
    %get3A_2024 = memref.load %arg1[%get3A_2022, %get3A_2023] : memref<8x64xi32, #tpu.memory_space<smem>>
    %get3A_2025 = arith.index_cast %add3A_0 : i32 to index
    %get3A_2026 = arith.constant 42 : index
    %get3A_2027 = memref.load %arg2[%get3A_2025, %get3A_2026] : memref<8x64xi32, #tpu.memory_space<smem>>
    %jit3A_2028 = arith.constant 8 : i32
    %div3A_2029 = arith.divsi %get3A_2024, %jit3A_2028 : i32
    %sign3A_2030 = arith.constant 0 : i32
    %sign3A_2031 = arith.cmpi sgt, %get3A_2024, %sign3A_2030 : i32
    %sign3A_2032 = arith.extui %sign3A_2031 : i1 to i32
    %sign3A_2033 = arith.constant 0 : i32
    %sign3A_2034 = arith.cmpi slt, %get3A_2024, %sign3A_2033 : i32
    %sign3A_2035 = arith.extui %sign3A_2034 : i1 to i32
    %sign3A_2036 = arith.subi %sign3A_2032, %sign3A_2035 : i32
    %sign3A_2037 = arith.constant 0 : i32
    %sign3A_2038 = arith.cmpi sgt, %jit3A_2028, %sign3A_2037 : i32
    %sign3A_2039 = arith.extui %sign3A_2038 : i1 to i32
    %sign3A_2040 = arith.constant 0 : i32
    %sign3A_2041 = arith.cmpi slt, %jit3A_2028, %sign3A_2040 : i32
    %sign3A_2042 = arith.extui %sign3A_2041 : i1 to i32
    %sign3A_2043 = arith.subi %sign3A_2039, %sign3A_2042 : i32
    %ne3A_2044 = arith.cmpi ne, %sign3A_2036, %sign3A_2043 : i32
    %rem3A_2045 = arith.remsi %get3A_2024, %jit3A_2028 : i32
    %ne3A_2046 = arith.constant 0 : i32
    %ne3A_2047 = arith.cmpi ne, %rem3A_2045, %ne3A_2046 : i32
    %and3A_2048 = arith.andi %ne3A_2044, %ne3A_2047 : i1
    %sub3A_2049 = arith.constant 1 : i32
    %sub3A_2050 = arith.subi %div3A_2029, %sub3A_2049 : i32
    %select_n3A_2051 = arith.select %and3A_2048, %sub3A_2050, %div3A_2029 : i32
    %mul3A_2052 = arith.constant 8 : i32
    %mul3A_2053 = arith.muli %select_n3A_2051, %mul3A_2052 : i32
    %sub3A_2054 = arith.subi %get3A_2024, %mul3A_2053 : i32
    %get3A_2055 = arith.constant 0 : index
    %get3A_2056 = arith.index_cast %mul3A_2053 : i32 to index
    %get3A_2057 = arith.constant 0 : index
    %get3A_2058 = vector.load %arg3[%get3A_2055, %get3A_2056, %get3A_2057] : memref<1x2048x256xf32, #tpu.memory_space<vmem>>, vector<1x40x256xf32>
    %get3A_2059 = vector.shape_cast %get3A_2058 : vector<1x40x256xf32> to vector<40x256xf32>
    %sub3A_2060 = vector.broadcast %sub3A_2054 : i32 to vector<40x256xi32>
    %sub3A_2061 = arith.subi %iota3A, %sub3A_2060 : vector<40x256xi32>
    %lt3A_2062 = vector.broadcast %get3A_2027 : i32 to vector<40x256xi32>
    %lt3A_2063 = arith.cmpi ult, %sub3A_2061, %lt3A_2062 : vector<40x256xi32>
    %jit3A_2064 = arith.constant -3.40282347E+38 : f32
    %broadcast_in_dim3A_2065 = vector.broadcast %jit3A_2064 : f32 to vector<40x256xf32>
    %select_n3A_2066 = arith.select %lt3A_2063, %get3A_2059, %broadcast_in_dim3A_2065 : vector<40x256xi1>, vector<40x256xf32>
    %reduce_max3A_2067 = arith.constant dense<0xFF800000> : vector<256xf32>
    %reduce_max3A_2068 = vector.multi_reduction <maximumf>, %select_n3A_2066, %reduce_max3A_2067 [0] : vector<40x256xf32> to vector<256xf32>
    %broadcast_in_dim3A_2069 = vector.shape_cast %reduce_max3A_2068 : vector<256xf32> to vector<1x256xf32>
    %get3A_2070 = arith.index_cast %add3A_0 : i32 to index
    %get3A_2071 = arith.constant 43 : index
    %get3A_2072 = memref.load %arg1[%get3A_2070, %get3A_2071] : memref<8x64xi32, #tpu.memory_space<smem>>
    %get3A_2073 = arith.index_cast %add3A_0 : i32 to index
    %get3A_2074 = arith.constant 43 : index
    %get3A_2075 = memref.load %arg2[%get3A_2073, %get3A_2074] : memref<8x64xi32, #tpu.memory_space<smem>>
    %jit3A_2076 = arith.constant 8 : i32
    %div3A_2077 = arith.divsi %get3A_2072, %jit3A_2076 : i32
    %sign3A_2078 = arith.constant 0 : i32
    %sign3A_2079 = arith.cmpi sgt, %get3A_2072, %sign3A_2078 : i32
    %sign3A_2080 = arith.extui %sign3A_2079 : i1 to i32
    %sign3A_2081 = arith.constant 0 : i32
    %sign3A_2082 = arith.cmpi slt, %get3A_2072, %sign3A_2081 : i32
    %sign3A_2083 = arith.extui %sign3A_2082 : i1 to i32
    %sign3A_2084 = arith.subi %sign3A_2080, %sign3A_2083 : i32
    %sign3A_2085 = arith.constant 0 : i32
    %sign3A_2086 = arith.cmpi sgt, %jit3A_2076, %sign3A_2085 : i32
    %sign3A_2087 = arith.extui %sign3A_2086 : i1 to i32
    %sign3A_2088 = arith.constant 0 : i32
    %sign3A_2089 = arith.cmpi slt, %jit3A_2076, %sign3A_2088 : i32
    %sign3A_2090 = arith.extui %sign3A_2089 : i1 to i32
    %sign3A_2091 = arith.subi %sign3A_2087, %sign3A_2090 : i32
    %ne3A_2092 = arith.cmpi ne, %sign3A_2084, %sign3A_2091 : i32
    %rem3A_2093 = arith.remsi %get3A_2072, %jit3A_2076 : i32
    %ne3A_2094 = arith.constant 0 : i32
    %ne3A_2095 = arith.cmpi ne, %rem3A_2093, %ne3A_2094 : i32
    %and3A_2096 = arith.andi %ne3A_2092, %ne3A_2095 : i1
    %sub3A_2097 = arith.constant 1 : i32
    %sub3A_2098 = arith.subi %div3A_2077, %sub3A_2097 : i32
    %select_n3A_2099 = arith.select %and3A_2096, %sub3A_2098, %div3A_2077 : i32
    %mul3A_2100 = arith.constant 8 : i32
    %mul3A_2101 = arith.muli %select_n3A_2099, %mul3A_2100 : i32
    %sub3A_2102 = arith.subi %get3A_2072, %mul3A_2101 : i32
    %get3A_2103 = arith.constant 0 : index
    %get3A_2104 = arith.index_cast %mul3A_2101 : i32 to index
    %get3A_2105 = arith.constant 0 : index
    %get3A_2106 = vector.load %arg3[%get3A_2103, %get3A_2104, %get3A_2105] : memref<1x2048x256xf32, #tpu.memory_space<vmem>>, vector<1x40x256xf32>
    %get3A_2107 = vector.shape_cast %get3A_2106 : vector<1x40x256xf32> to vector<40x256xf32>
    %sub3A_2108 = vector.broadcast %sub3A_2102 : i32 to vector<40x256xi32>
    %sub3A_2109 = arith.subi %iota3A, %sub3A_2108 : vector<40x256xi32>
    %lt3A_2110 = vector.broadcast %get3A_2075 : i32 to vector<40x256xi32>
    %lt3A_2111 = arith.cmpi ult, %sub3A_2109, %lt3A_2110 : vector<40x256xi32>
    %jit3A_2112 = arith.constant -3.40282347E+38 : f32
    %broadcast_in_dim3A_2113 = vector.broadcast %jit3A_2112 : f32 to vector<40x256xf32>
    %select_n3A_2114 = arith.select %lt3A_2111, %get3A_2107, %broadcast_in_dim3A_2113 : vector<40x256xi1>, vector<40x256xf32>
    %reduce_max3A_2115 = arith.constant dense<0xFF800000> : vector<256xf32>
    %reduce_max3A_2116 = vector.multi_reduction <maximumf>, %select_n3A_2114, %reduce_max3A_2115 [0] : vector<40x256xf32> to vector<256xf32>
    %broadcast_in_dim3A_2117 = vector.shape_cast %reduce_max3A_2116 : vector<256xf32> to vector<1x256xf32>
    %get3A_2118 = arith.index_cast %add3A_0 : i32 to index
    %get3A_2119 = arith.constant 44 : index
    %get3A_2120 = memref.load %arg1[%get3A_2118, %get3A_2119] : memref<8x64xi32, #tpu.memory_space<smem>>
    %get3A_2121 = arith.index_cast %add3A_0 : i32 to index
    %get3A_2122 = arith.constant 44 : index
    %get3A_2123 = memref.load %arg2[%get3A_2121, %get3A_2122] : memref<8x64xi32, #tpu.memory_space<smem>>
    %jit3A_2124 = arith.constant 8 : i32
    %div3A_2125 = arith.divsi %get3A_2120, %jit3A_2124 : i32
    %sign3A_2126 = arith.constant 0 : i32
    %sign3A_2127 = arith.cmpi sgt, %get3A_2120, %sign3A_2126 : i32
    %sign3A_2128 = arith.extui %sign3A_2127 : i1 to i32
    %sign3A_2129 = arith.constant 0 : i32
    %sign3A_2130 = arith.cmpi slt, %get3A_2120, %sign3A_2129 : i32
    %sign3A_2131 = arith.extui %sign3A_2130 : i1 to i32
    %sign3A_2132 = arith.subi %sign3A_2128, %sign3A_2131 : i32
    %sign3A_2133 = arith.constant 0 : i32
    %sign3A_2134 = arith.cmpi sgt, %jit3A_2124, %sign3A_2133 : i32
    %sign3A_2135 = arith.extui %sign3A_2134 : i1 to i32
    %sign3A_2136 = arith.constant 0 : i32
    %sign3A_2137 = arith.cmpi slt, %jit3A_2124, %sign3A_2136 : i32
    %sign3A_2138 = arith.extui %sign3A_2137 : i1 to i32
    %sign3A_2139 = arith.subi %sign3A_2135, %sign3A_2138 : i32
    %ne3A_2140 = arith.cmpi ne, %sign3A_2132, %sign3A_2139 : i32
    %rem3A_2141 = arith.remsi %get3A_2120, %jit3A_2124 : i32
    %ne3A_2142 = arith.constant 0 : i32
    %ne3A_2143 = arith.cmpi ne, %rem3A_2141, %ne3A_2142 : i32
    %and3A_2144 = arith.andi %ne3A_2140, %ne3A_2143 : i1
    %sub3A_2145 = arith.constant 1 : i32
    %sub3A_2146 = arith.subi %div3A_2125, %sub3A_2145 : i32
    %select_n3A_2147 = arith.select %and3A_2144, %sub3A_2146, %div3A_2125 : i32
    %mul3A_2148 = arith.constant 8 : i32
    %mul3A_2149 = arith.muli %select_n3A_2147, %mul3A_2148 : i32
    %sub3A_2150 = arith.subi %get3A_2120, %mul3A_2149 : i32
    %get3A_2151 = arith.constant 0 : index
    %get3A_2152 = arith.index_cast %mul3A_2149 : i32 to index
    %get3A_2153 = arith.constant 0 : index
    %get3A_2154 = vector.load %arg3[%get3A_2151, %get3A_2152, %get3A_2153] : memref<1x2048x256xf32, #tpu.memory_space<vmem>>, vector<1x40x256xf32>
    %get3A_2155 = vector.shape_cast %get3A_2154 : vector<1x40x256xf32> to vector<40x256xf32>
    %sub3A_2156 = vector.broadcast %sub3A_2150 : i32 to vector<40x256xi32>
    %sub3A_2157 = arith.subi %iota3A, %sub3A_2156 : vector<40x256xi32>
    %lt3A_2158 = vector.broadcast %get3A_2123 : i32 to vector<40x256xi32>
    %lt3A_2159 = arith.cmpi ult, %sub3A_2157, %lt3A_2158 : vector<40x256xi32>
    %jit3A_2160 = arith.constant -3.40282347E+38 : f32
    %broadcast_in_dim3A_2161 = vector.broadcast %jit3A_2160 : f32 to vector<40x256xf32>
    %select_n3A_2162 = arith.select %lt3A_2159, %get3A_2155, %broadcast_in_dim3A_2161 : vector<40x256xi1>, vector<40x256xf32>
    %reduce_max3A_2163 = arith.constant dense<0xFF800000> : vector<256xf32>
    %reduce_max3A_2164 = vector.multi_reduction <maximumf>, %select_n3A_2162, %reduce_max3A_2163 [0] : vector<40x256xf32> to vector<256xf32>
    %broadcast_in_dim3A_2165 = vector.shape_cast %reduce_max3A_2164 : vector<256xf32> to vector<1x256xf32>
    %get3A_2166 = arith.index_cast %add3A_0 : i32 to index
    %get3A_2167 = arith.constant 45 : index
    %get3A_2168 = memref.load %arg1[%get3A_2166, %get3A_2167] : memref<8x64xi32, #tpu.memory_space<smem>>
    %get3A_2169 = arith.index_cast %add3A_0 : i32 to index
    %get3A_2170 = arith.constant 45 : index
    %get3A_2171 = memref.load %arg2[%get3A_2169, %get3A_2170] : memref<8x64xi32, #tpu.memory_space<smem>>
    %jit3A_2172 = arith.constant 8 : i32
    %div3A_2173 = arith.divsi %get3A_2168, %jit3A_2172 : i32
    %sign3A_2174 = arith.constant 0 : i32
    %sign3A_2175 = arith.cmpi sgt, %get3A_2168, %sign3A_2174 : i32
    %sign3A_2176 = arith.extui %sign3A_2175 : i1 to i32
    %sign3A_2177 = arith.constant 0 : i32
    %sign3A_2178 = arith.cmpi slt, %get3A_2168, %sign3A_2177 : i32
    %sign3A_2179 = arith.extui %sign3A_2178 : i1 to i32
    %sign3A_2180 = arith.subi %sign3A_2176, %sign3A_2179 : i32
    %sign3A_2181 = arith.constant 0 : i32
    %sign3A_2182 = arith.cmpi sgt, %jit3A_2172, %sign3A_2181 : i32
    %sign3A_2183 = arith.extui %sign3A_2182 : i1 to i32
    %sign3A_2184 = arith.constant 0 : i32
    %sign3A_2185 = arith.cmpi slt, %jit3A_2172, %sign3A_2184 : i32
    %sign3A_2186 = arith.extui %sign3A_2185 : i1 to i32
    %sign3A_2187 = arith.subi %sign3A_2183, %sign3A_2186 : i32
    %ne3A_2188 = arith.cmpi ne, %sign3A_2180, %sign3A_2187 : i32
    %rem3A_2189 = arith.remsi %get3A_2168, %jit3A_2172 : i32
    %ne3A_2190 = arith.constant 0 : i32
    %ne3A_2191 = arith.cmpi ne, %rem3A_2189, %ne3A_2190 : i32
    %and3A_2192 = arith.andi %ne3A_2188, %ne3A_2191 : i1
    %sub3A_2193 = arith.constant 1 : i32
    %sub3A_2194 = arith.subi %div3A_2173, %sub3A_2193 : i32
    %select_n3A_2195 = arith.select %and3A_2192, %sub3A_2194, %div3A_2173 : i32
    %mul3A_2196 = arith.constant 8 : i32
    %mul3A_2197 = arith.muli %select_n3A_2195, %mul3A_2196 : i32
    %sub3A_2198 = arith.subi %get3A_2168, %mul3A_2197 : i32
    %get3A_2199 = arith.constant 0 : index
    %get3A_2200 = arith.index_cast %mul3A_2197 : i32 to index
    %get3A_2201 = arith.constant 0 : index
    %get3A_2202 = vector.load %arg3[%get3A_2199, %get3A_2200, %get3A_2201] : memref<1x2048x256xf32, #tpu.memory_space<vmem>>, vector<1x40x256xf32>
    %get3A_2203 = vector.shape_cast %get3A_2202 : vector<1x40x256xf32> to vector<40x256xf32>
    %sub3A_2204 = vector.broadcast %sub3A_2198 : i32 to vector<40x256xi32>
    %sub3A_2205 = arith.subi %iota3A, %sub3A_2204 : vector<40x256xi32>
    %lt3A_2206 = vector.broadcast %get3A_2171 : i32 to vector<40x256xi32>
    %lt3A_2207 = arith.cmpi ult, %sub3A_2205, %lt3A_2206 : vector<40x256xi32>
    %jit3A_2208 = arith.constant -3.40282347E+38 : f32
    %broadcast_in_dim3A_2209 = vector.broadcast %jit3A_2208 : f32 to vector<40x256xf32>
    %select_n3A_2210 = arith.select %lt3A_2207, %get3A_2203, %broadcast_in_dim3A_2209 : vector<40x256xi1>, vector<40x256xf32>
    %reduce_max3A_2211 = arith.constant dense<0xFF800000> : vector<256xf32>
    %reduce_max3A_2212 = vector.multi_reduction <maximumf>, %select_n3A_2210, %reduce_max3A_2211 [0] : vector<40x256xf32> to vector<256xf32>
    %broadcast_in_dim3A_2213 = vector.shape_cast %reduce_max3A_2212 : vector<256xf32> to vector<1x256xf32>
    %get3A_2214 = arith.index_cast %add3A_0 : i32 to index
    %get3A_2215 = arith.constant 46 : index
    %get3A_2216 = memref.load %arg1[%get3A_2214, %get3A_2215] : memref<8x64xi32, #tpu.memory_space<smem>>
    %get3A_2217 = arith.index_cast %add3A_0 : i32 to index
    %get3A_2218 = arith.constant 46 : index
    %get3A_2219 = memref.load %arg2[%get3A_2217, %get3A_2218] : memref<8x64xi32, #tpu.memory_space<smem>>
    %jit3A_2220 = arith.constant 8 : i32
    %div3A_2221 = arith.divsi %get3A_2216, %jit3A_2220 : i32
    %sign3A_2222 = arith.constant 0 : i32
    %sign3A_2223 = arith.cmpi sgt, %get3A_2216, %sign3A_2222 : i32
    %sign3A_2224 = arith.extui %sign3A_2223 : i1 to i32
    %sign3A_2225 = arith.constant 0 : i32
    %sign3A_2226 = arith.cmpi slt, %get3A_2216, %sign3A_2225 : i32
    %sign3A_2227 = arith.extui %sign3A_2226 : i1 to i32
    %sign3A_2228 = arith.subi %sign3A_2224, %sign3A_2227 : i32
    %sign3A_2229 = arith.constant 0 : i32
    %sign3A_2230 = arith.cmpi sgt, %jit3A_2220, %sign3A_2229 : i32
    %sign3A_2231 = arith.extui %sign3A_2230 : i1 to i32
    %sign3A_2232 = arith.constant 0 : i32
    %sign3A_2233 = arith.cmpi slt, %jit3A_2220, %sign3A_2232 : i32
    %sign3A_2234 = arith.extui %sign3A_2233 : i1 to i32
    %sign3A_2235 = arith.subi %sign3A_2231, %sign3A_2234 : i32
    %ne3A_2236 = arith.cmpi ne, %sign3A_2228, %sign3A_2235 : i32
    %rem3A_2237 = arith.remsi %get3A_2216, %jit3A_2220 : i32
    %ne3A_2238 = arith.constant 0 : i32
    %ne3A_2239 = arith.cmpi ne, %rem3A_2237, %ne3A_2238 : i32
    %and3A_2240 = arith.andi %ne3A_2236, %ne3A_2239 : i1
    %sub3A_2241 = arith.constant 1 : i32
    %sub3A_2242 = arith.subi %div3A_2221, %sub3A_2241 : i32
    %select_n3A_2243 = arith.select %and3A_2240, %sub3A_2242, %div3A_2221 : i32
    %mul3A_2244 = arith.constant 8 : i32
    %mul3A_2245 = arith.muli %select_n3A_2243, %mul3A_2244 : i32
    %sub3A_2246 = arith.subi %get3A_2216, %mul3A_2245 : i32
    %get3A_2247 = arith.constant 0 : index
    %get3A_2248 = arith.index_cast %mul3A_2245 : i32 to index
    %get3A_2249 = arith.constant 0 : index
    %get3A_2250 = vector.load %arg3[%get3A_2247, %get3A_2248, %get3A_2249] : memref<1x2048x256xf32, #tpu.memory_space<vmem>>, vector<1x40x256xf32>
    %get3A_2251 = vector.shape_cast %get3A_2250 : vector<1x40x256xf32> to vector<40x256xf32>
    %sub3A_2252 = vector.broadcast %sub3A_2246 : i32 to vector<40x256xi32>
    %sub3A_2253 = arith.subi %iota3A, %sub3A_2252 : vector<40x256xi32>
    %lt3A_2254 = vector.broadcast %get3A_2219 : i32 to vector<40x256xi32>
    %lt3A_2255 = arith.cmpi ult, %sub3A_2253, %lt3A_2254 : vector<40x256xi32>
    %jit3A_2256 = arith.constant -3.40282347E+38 : f32
    %broadcast_in_dim3A_2257 = vector.broadcast %jit3A_2256 : f32 to vector<40x256xf32>
    %select_n3A_2258 = arith.select %lt3A_2255, %get3A_2251, %broadcast_in_dim3A_2257 : vector<40x256xi1>, vector<40x256xf32>
    %reduce_max3A_2259 = arith.constant dense<0xFF800000> : vector<256xf32>
    %reduce_max3A_2260 = vector.multi_reduction <maximumf>, %select_n3A_2258, %reduce_max3A_2259 [0] : vector<40x256xf32> to vector<256xf32>
    %broadcast_in_dim3A_2261 = vector.shape_cast %reduce_max3A_2260 : vector<256xf32> to vector<1x256xf32>
    %get3A_2262 = arith.index_cast %add3A_0 : i32 to index
    %get3A_2263 = arith.constant 47 : index
    %get3A_2264 = memref.load %arg1[%get3A_2262, %get3A_2263] : memref<8x64xi32, #tpu.memory_space<smem>>
    %get3A_2265 = arith.index_cast %add3A_0 : i32 to index
    %get3A_2266 = arith.constant 47 : index
    %get3A_2267 = memref.load %arg2[%get3A_2265, %get3A_2266] : memref<8x64xi32, #tpu.memory_space<smem>>
    %jit3A_2268 = arith.constant 8 : i32
    %div3A_2269 = arith.divsi %get3A_2264, %jit3A_2268 : i32
    %sign3A_2270 = arith.constant 0 : i32
    %sign3A_2271 = arith.cmpi sgt, %get3A_2264, %sign3A_2270 : i32
    %sign3A_2272 = arith.extui %sign3A_2271 : i1 to i32
    %sign3A_2273 = arith.constant 0 : i32
    %sign3A_2274 = arith.cmpi slt, %get3A_2264, %sign3A_2273 : i32
    %sign3A_2275 = arith.extui %sign3A_2274 : i1 to i32
    %sign3A_2276 = arith.subi %sign3A_2272, %sign3A_2275 : i32
    %sign3A_2277 = arith.constant 0 : i32
    %sign3A_2278 = arith.cmpi sgt, %jit3A_2268, %sign3A_2277 : i32
    %sign3A_2279 = arith.extui %sign3A_2278 : i1 to i32
    %sign3A_2280 = arith.constant 0 : i32
    %sign3A_2281 = arith.cmpi slt, %jit3A_2268, %sign3A_2280 : i32
    %sign3A_2282 = arith.extui %sign3A_2281 : i1 to i32
    %sign3A_2283 = arith.subi %sign3A_2279, %sign3A_2282 : i32
    %ne3A_2284 = arith.cmpi ne, %sign3A_2276, %sign3A_2283 : i32
    %rem3A_2285 = arith.remsi %get3A_2264, %jit3A_2268 : i32
    %ne3A_2286 = arith.constant 0 : i32
    %ne3A_2287 = arith.cmpi ne, %rem3A_2285, %ne3A_2286 : i32
    %and3A_2288 = arith.andi %ne3A_2284, %ne3A_2287 : i1
    %sub3A_2289 = arith.constant 1 : i32
    %sub3A_2290 = arith.subi %div3A_2269, %sub3A_2289 : i32
    %select_n3A_2291 = arith.select %and3A_2288, %sub3A_2290, %div3A_2269 : i32
    %mul3A_2292 = arith.constant 8 : i32
    %mul3A_2293 = arith.muli %select_n3A_2291, %mul3A_2292 : i32
    %sub3A_2294 = arith.subi %get3A_2264, %mul3A_2293 : i32
    %get3A_2295 = arith.constant 0 : index
    %get3A_2296 = arith.index_cast %mul3A_2293 : i32 to index
    %get3A_2297 = arith.constant 0 : index
    %get3A_2298 = vector.load %arg3[%get3A_2295, %get3A_2296, %get3A_2297] : memref<1x2048x256xf32, #tpu.memory_space<vmem>>, vector<1x40x256xf32>
    %get3A_2299 = vector.shape_cast %get3A_2298 : vector<1x40x256xf32> to vector<40x256xf32>
    %sub3A_2300 = vector.broadcast %sub3A_2294 : i32 to vector<40x256xi32>
    %sub3A_2301 = arith.subi %iota3A, %sub3A_2300 : vector<40x256xi32>
    %lt3A_2302 = vector.broadcast %get3A_2267 : i32 to vector<40x256xi32>
    %lt3A_2303 = arith.cmpi ult, %sub3A_2301, %lt3A_2302 : vector<40x256xi32>
    %jit3A_2304 = arith.constant -3.40282347E+38 : f32
    %broadcast_in_dim3A_2305 = vector.broadcast %jit3A_2304 : f32 to vector<40x256xf32>
    %select_n3A_2306 = arith.select %lt3A_2303, %get3A_2299, %broadcast_in_dim3A_2305 : vector<40x256xi1>, vector<40x256xf32>
    %reduce_max3A_2307 = arith.constant dense<0xFF800000> : vector<256xf32>
    %reduce_max3A_2308 = vector.multi_reduction <maximumf>, %select_n3A_2306, %reduce_max3A_2307 [0] : vector<40x256xf32> to vector<256xf32>
    %broadcast_in_dim3A_2309 = vector.shape_cast %reduce_max3A_2308 : vector<256xf32> to vector<1x256xf32>
    %concatenate3A_2310 = tpu.concatenate %broadcast_in_dim3A_1973, %broadcast_in_dim3A_2021, %broadcast_in_dim3A_2069, %broadcast_in_dim3A_2117, %broadcast_in_dim3A_2165, %broadcast_in_dim3A_2213, %broadcast_in_dim3A_2261, %broadcast_in_dim3A_2309 in 0 : vector<1x256xf32>, vector<1x256xf32>, vector<1x256xf32>, vector<1x256xf32>, vector<1x256xf32>, vector<1x256xf32>, vector<1x256xf32>, vector<1x256xf32> -> vector<8x256xf32>
    %swap3A_2311 = arith.constant 40 : index
    %swap3A_2312 = arith.constant 0 : index
    %swap3A_2313 = vector.load %arg8[%swap3A_2311, %swap3A_2312] : memref<64x256xf32, #tpu.memory_space<vmem>>, vector<8x256xf32>
    tpu.vector_store %arg8[%swap3A_2311, %swap3A_2312], %concatenate3A_2310 {strides = array<i32>} : memref<64x256xf32, #tpu.memory_space<vmem>>, vector<8x256xf32>,
    %get3A_2314 = arith.index_cast %add3A_0 : i32 to index
    %get3A_2315 = arith.constant 48 : index
    %get3A_2316 = memref.load %arg1[%get3A_2314, %get3A_2315] : memref<8x64xi32, #tpu.memory_space<smem>>
    %get3A_2317 = arith.index_cast %add3A_0 : i32 to index
    %get3A_2318 = arith.constant 48 : index
    %get3A_2319 = memref.load %arg2[%get3A_2317, %get3A_2318] : memref<8x64xi32, #tpu.memory_space<smem>>
    %jit3A_2320 = arith.constant 8 : i32
    %div3A_2321 = arith.divsi %get3A_2316, %jit3A_2320 : i32
    %sign3A_2322 = arith.constant 0 : i32
    %sign3A_2323 = arith.cmpi sgt, %get3A_2316, %sign3A_2322 : i32
    %sign3A_2324 = arith.extui %sign3A_2323 : i1 to i32
    %sign3A_2325 = arith.constant 0 : i32
    %sign3A_2326 = arith.cmpi slt, %get3A_2316, %sign3A_2325 : i32
    %sign3A_2327 = arith.extui %sign3A_2326 : i1 to i32
    %sign3A_2328 = arith.subi %sign3A_2324, %sign3A_2327 : i32
    %sign3A_2329 = arith.constant 0 : i32
    %sign3A_2330 = arith.cmpi sgt, %jit3A_2320, %sign3A_2329 : i32
    %sign3A_2331 = arith.extui %sign3A_2330 : i1 to i32
    %sign3A_2332 = arith.constant 0 : i32
    %sign3A_2333 = arith.cmpi slt, %jit3A_2320, %sign3A_2332 : i32
    %sign3A_2334 = arith.extui %sign3A_2333 : i1 to i32
    %sign3A_2335 = arith.subi %sign3A_2331, %sign3A_2334 : i32
    %ne3A_2336 = arith.cmpi ne, %sign3A_2328, %sign3A_2335 : i32
    %rem3A_2337 = arith.remsi %get3A_2316, %jit3A_2320 : i32
    %ne3A_2338 = arith.constant 0 : i32
    %ne3A_2339 = arith.cmpi ne, %rem3A_2337, %ne3A_2338 : i32
    %and3A_2340 = arith.andi %ne3A_2336, %ne3A_2339 : i1
    %sub3A_2341 = arith.constant 1 : i32
    %sub3A_2342 = arith.subi %div3A_2321, %sub3A_2341 : i32
    %select_n3A_2343 = arith.select %and3A_2340, %sub3A_2342, %div3A_2321 : i32
    %mul3A_2344 = arith.constant 8 : i32
    %mul3A_2345 = arith.muli %select_n3A_2343, %mul3A_2344 : i32
    %sub3A_2346 = arith.subi %get3A_2316, %mul3A_2345 : i32
    %get3A_2347 = arith.constant 0 : index
    %get3A_2348 = arith.index_cast %mul3A_2345 : i32 to index
    %get3A_2349 = arith.constant 0 : index
    %get3A_2350 = vector.load %arg3[%get3A_2347, %get3A_2348, %get3A_2349] : memref<1x2048x256xf32, #tpu.memory_space<vmem>>, vector<1x40x256xf32>
    %get3A_2351 = vector.shape_cast %get3A_2350 : vector<1x40x256xf32> to vector<40x256xf32>
    %sub3A_2352 = vector.broadcast %sub3A_2346 : i32 to vector<40x256xi32>
    %sub3A_2353 = arith.subi %iota3A, %sub3A_2352 : vector<40x256xi32>
    %lt3A_2354 = vector.broadcast %get3A_2319 : i32 to vector<40x256xi32>
    %lt3A_2355 = arith.cmpi ult, %sub3A_2353, %lt3A_2354 : vector<40x256xi32>
    %jit3A_2356 = arith.constant -3.40282347E+38 : f32
    %broadcast_in_dim3A_2357 = vector.broadcast %jit3A_2356 : f32 to vector<40x256xf32>
    %select_n3A_2358 = arith.select %lt3A_2355, %get3A_2351, %broadcast_in_dim3A_2357 : vector<40x256xi1>, vector<40x256xf32>
    %reduce_max3A_2359 = arith.constant dense<0xFF800000> : vector<256xf32>
    %reduce_max3A_2360 = vector.multi_reduction <maximumf>, %select_n3A_2358, %reduce_max3A_2359 [0] : vector<40x256xf32> to vector<256xf32>
    %broadcast_in_dim3A_2361 = vector.shape_cast %reduce_max3A_2360 : vector<256xf32> to vector<1x256xf32>
    %get3A_2362 = arith.index_cast %add3A_0 : i32 to index
    %get3A_2363 = arith.constant 49 : index
    %get3A_2364 = memref.load %arg1[%get3A_2362, %get3A_2363] : memref<8x64xi32, #tpu.memory_space<smem>>
    %get3A_2365 = arith.index_cast %add3A_0 : i32 to index
    %get3A_2366 = arith.constant 49 : index
    %get3A_2367 = memref.load %arg2[%get3A_2365, %get3A_2366] : memref<8x64xi32, #tpu.memory_space<smem>>
    %jit3A_2368 = arith.constant 8 : i32
    %div3A_2369 = arith.divsi %get3A_2364, %jit3A_2368 : i32
    %sign3A_2370 = arith.constant 0 : i32
    %sign3A_2371 = arith.cmpi sgt, %get3A_2364, %sign3A_2370 : i32
    %sign3A_2372 = arith.extui %sign3A_2371 : i1 to i32
    %sign3A_2373 = arith.constant 0 : i32
    %sign3A_2374 = arith.cmpi slt, %get3A_2364, %sign3A_2373 : i32
    %sign3A_2375 = arith.extui %sign3A_2374 : i1 to i32
    %sign3A_2376 = arith.subi %sign3A_2372, %sign3A_2375 : i32
    %sign3A_2377 = arith.constant 0 : i32
    %sign3A_2378 = arith.cmpi sgt, %jit3A_2368, %sign3A_2377 : i32
    %sign3A_2379 = arith.extui %sign3A_2378 : i1 to i32
    %sign3A_2380 = arith.constant 0 : i32
    %sign3A_2381 = arith.cmpi slt, %jit3A_2368, %sign3A_2380 : i32
    %sign3A_2382 = arith.extui %sign3A_2381 : i1 to i32
    %sign3A_2383 = arith.subi %sign3A_2379, %sign3A_2382 : i32
    %ne3A_2384 = arith.cmpi ne, %sign3A_2376, %sign3A_2383 : i32
    %rem3A_2385 = arith.remsi %get3A_2364, %jit3A_2368 : i32
    %ne3A_2386 = arith.constant 0 : i32
    %ne3A_2387 = arith.cmpi ne, %rem3A_2385, %ne3A_2386 : i32
    %and3A_2388 = arith.andi %ne3A_2384, %ne3A_2387 : i1
    %sub3A_2389 = arith.constant 1 : i32
    %sub3A_2390 = arith.subi %div3A_2369, %sub3A_2389 : i32
    %select_n3A_2391 = arith.select %and3A_2388, %sub3A_2390, %div3A_2369 : i32
    %mul3A_2392 = arith.constant 8 : i32
    %mul3A_2393 = arith.muli %select_n3A_2391, %mul3A_2392 : i32
    %sub3A_2394 = arith.subi %get3A_2364, %mul3A_2393 : i32
    %get3A_2395 = arith.constant 0 : index
    %get3A_2396 = arith.index_cast %mul3A_2393 : i32 to index
    %get3A_2397 = arith.constant 0 : index
    %get3A_2398 = vector.load %arg3[%get3A_2395, %get3A_2396, %get3A_2397] : memref<1x2048x256xf32, #tpu.memory_space<vmem>>, vector<1x40x256xf32>
    %get3A_2399 = vector.shape_cast %get3A_2398 : vector<1x40x256xf32> to vector<40x256xf32>
    %sub3A_2400 = vector.broadcast %sub3A_2394 : i32 to vector<40x256xi32>
    %sub3A_2401 = arith.subi %iota3A, %sub3A_2400 : vector<40x256xi32>
    %lt3A_2402 = vector.broadcast %get3A_2367 : i32 to vector<40x256xi32>
    %lt3A_2403 = arith.cmpi ult, %sub3A_2401, %lt3A_2402 : vector<40x256xi32>
    %jit3A_2404 = arith.constant -3.40282347E+38 : f32
    %broadcast_in_dim3A_2405 = vector.broadcast %jit3A_2404 : f32 to vector<40x256xf32>
    %select_n3A_2406 = arith.select %lt3A_2403, %get3A_2399, %broadcast_in_dim3A_2405 : vector<40x256xi1>, vector<40x256xf32>
    %reduce_max3A_2407 = arith.constant dense<0xFF800000> : vector<256xf32>
    %reduce_max3A_2408 = vector.multi_reduction <maximumf>, %select_n3A_2406, %reduce_max3A_2407 [0] : vector<40x256xf32> to vector<256xf32>
    %broadcast_in_dim3A_2409 = vector.shape_cast %reduce_max3A_2408 : vector<256xf32> to vector<1x256xf32>
    %get3A_2410 = arith.index_cast %add3A_0 : i32 to index
    %get3A_2411 = arith.constant 50 : index
    %get3A_2412 = memref.load %arg1[%get3A_2410, %get3A_2411] : memref<8x64xi32, #tpu.memory_space<smem>>
    %get3A_2413 = arith.index_cast %add3A_0 : i32 to index
    %get3A_2414 = arith.constant 50 : index
    %get3A_2415 = memref.load %arg2[%get3A_2413, %get3A_2414] : memref<8x64xi32, #tpu.memory_space<smem>>
    %jit3A_2416 = arith.constant 8 : i32
    %div3A_2417 = arith.divsi %get3A_2412, %jit3A_2416 : i32
    %sign3A_2418 = arith.constant 0 : i32
    %sign3A_2419 = arith.cmpi sgt, %get3A_2412, %sign3A_2418 : i32
    %sign3A_2420 = arith.extui %sign3A_2419 : i1 to i32
    %sign3A_2421 = arith.constant 0 : i32
    %sign3A_2422 = arith.cmpi slt, %get3A_2412, %sign3A_2421 : i32
    %sign3A_2423 = arith.extui %sign3A_2422 : i1 to i32
    %sign3A_2424 = arith.subi %sign3A_2420, %sign3A_2423 : i32
    %sign3A_2425 = arith.constant 0 : i32
    %sign3A_2426 = arith.cmpi sgt, %jit3A_2416, %sign3A_2425 : i32
    %sign3A_2427 = arith.extui %sign3A_2426 : i1 to i32
    %sign3A_2428 = arith.constant 0 : i32
    %sign3A_2429 = arith.cmpi slt, %jit3A_2416, %sign3A_2428 : i32
    %sign3A_2430 = arith.extui %sign3A_2429 : i1 to i32
    %sign3A_2431 = arith.subi %sign3A_2427, %sign3A_2430 : i32
    %ne3A_2432 = arith.cmpi ne, %sign3A_2424, %sign3A_2431 : i32
    %rem3A_2433 = arith.remsi %get3A_2412, %jit3A_2416 : i32
    %ne3A_2434 = arith.constant 0 : i32
    %ne3A_2435 = arith.cmpi ne, %rem3A_2433, %ne3A_2434 : i32
    %and3A_2436 = arith.andi %ne3A_2432, %ne3A_2435 : i1
    %sub3A_2437 = arith.constant 1 : i32
    %sub3A_2438 = arith.subi %div3A_2417, %sub3A_2437 : i32
    %select_n3A_2439 = arith.select %and3A_2436, %sub3A_2438, %div3A_2417 : i32
    %mul3A_2440 = arith.constant 8 : i32
    %mul3A_2441 = arith.muli %select_n3A_2439, %mul3A_2440 : i32
    %sub3A_2442 = arith.subi %get3A_2412, %mul3A_2441 : i32
    %get3A_2443 = arith.constant 0 : index
    %get3A_2444 = arith.index_cast %mul3A_2441 : i32 to index
    %get3A_2445 = arith.constant 0 : index
    %get3A_2446 = vector.load %arg3[%get3A_2443, %get3A_2444, %get3A_2445] : memref<1x2048x256xf32, #tpu.memory_space<vmem>>, vector<1x40x256xf32>
    %get3A_2447 = vector.shape_cast %get3A_2446 : vector<1x40x256xf32> to vector<40x256xf32>
    %sub3A_2448 = vector.broadcast %sub3A_2442 : i32 to vector<40x256xi32>
    %sub3A_2449 = arith.subi %iota3A, %sub3A_2448 : vector<40x256xi32>
    %lt3A_2450 = vector.broadcast %get3A_2415 : i32 to vector<40x256xi32>
    %lt3A_2451 = arith.cmpi ult, %sub3A_2449, %lt3A_2450 : vector<40x256xi32>
    %jit3A_2452 = arith.constant -3.40282347E+38 : f32
    %broadcast_in_dim3A_2453 = vector.broadcast %jit3A_2452 : f32 to vector<40x256xf32>
    %select_n3A_2454 = arith.select %lt3A_2451, %get3A_2447, %broadcast_in_dim3A_2453 : vector<40x256xi1>, vector<40x256xf32>
    %reduce_max3A_2455 = arith.constant dense<0xFF800000> : vector<256xf32>
    %reduce_max3A_2456 = vector.multi_reduction <maximumf>, %select_n3A_2454, %reduce_max3A_2455 [0] : vector<40x256xf32> to vector<256xf32>
    %broadcast_in_dim3A_2457 = vector.shape_cast %reduce_max3A_2456 : vector<256xf32> to vector<1x256xf32>
    %get3A_2458 = arith.index_cast %add3A_0 : i32 to index
    %get3A_2459 = arith.constant 51 : index
    %get3A_2460 = memref.load %arg1[%get3A_2458, %get3A_2459] : memref<8x64xi32, #tpu.memory_space<smem>>
    %get3A_2461 = arith.index_cast %add3A_0 : i32 to index
    %get3A_2462 = arith.constant 51 : index
    %get3A_2463 = memref.load %arg2[%get3A_2461, %get3A_2462] : memref<8x64xi32, #tpu.memory_space<smem>>
    %jit3A_2464 = arith.constant 8 : i32
    %div3A_2465 = arith.divsi %get3A_2460, %jit3A_2464 : i32
    %sign3A_2466 = arith.constant 0 : i32
    %sign3A_2467 = arith.cmpi sgt, %get3A_2460, %sign3A_2466 : i32
    %sign3A_2468 = arith.extui %sign3A_2467 : i1 to i32
    %sign3A_2469 = arith.constant 0 : i32
    %sign3A_2470 = arith.cmpi slt, %get3A_2460, %sign3A_2469 : i32
    %sign3A_2471 = arith.extui %sign3A_2470 : i1 to i32
    %sign3A_2472 = arith.subi %sign3A_2468, %sign3A_2471 : i32
    %sign3A_2473 = arith.constant 0 : i32
    %sign3A_2474 = arith.cmpi sgt, %jit3A_2464, %sign3A_2473 : i32
    %sign3A_2475 = arith.extui %sign3A_2474 : i1 to i32
    %sign3A_2476 = arith.constant 0 : i32
    %sign3A_2477 = arith.cmpi slt, %jit3A_2464, %sign3A_2476 : i32
    %sign3A_2478 = arith.extui %sign3A_2477 : i1 to i32
    %sign3A_2479 = arith.subi %sign3A_2475, %sign3A_2478 : i32
    %ne3A_2480 = arith.cmpi ne, %sign3A_2472, %sign3A_2479 : i32
    %rem3A_2481 = arith.remsi %get3A_2460, %jit3A_2464 : i32
    %ne3A_2482 = arith.constant 0 : i32
    %ne3A_2483 = arith.cmpi ne, %rem3A_2481, %ne3A_2482 : i32
    %and3A_2484 = arith.andi %ne3A_2480, %ne3A_2483 : i1
    %sub3A_2485 = arith.constant 1 : i32
    %sub3A_2486 = arith.subi %div3A_2465, %sub3A_2485 : i32
    %select_n3A_2487 = arith.select %and3A_2484, %sub3A_2486, %div3A_2465 : i32
    %mul3A_2488 = arith.constant 8 : i32
    %mul3A_2489 = arith.muli %select_n3A_2487, %mul3A_2488 : i32
    %sub3A_2490 = arith.subi %get3A_2460, %mul3A_2489 : i32
    %get3A_2491 = arith.constant 0 : index
    %get3A_2492 = arith.index_cast %mul3A_2489 : i32 to index
    %get3A_2493 = arith.constant 0 : index
    %get3A_2494 = vector.load %arg3[%get3A_2491, %get3A_2492, %get3A_2493] : memref<1x2048x256xf32, #tpu.memory_space<vmem>>, vector<1x40x256xf32>
    %get3A_2495 = vector.shape_cast %get3A_2494 : vector<1x40x256xf32> to vector<40x256xf32>
    %sub3A_2496 = vector.broadcast %sub3A_2490 : i32 to vector<40x256xi32>
    %sub3A_2497 = arith.subi %iota3A, %sub3A_2496 : vector<40x256xi32>
    %lt3A_2498 = vector.broadcast %get3A_2463 : i32 to vector<40x256xi32>
    %lt3A_2499 = arith.cmpi ult, %sub3A_2497, %lt3A_2498 : vector<40x256xi32>
    %jit3A_2500 = arith.constant -3.40282347E+38 : f32
    %broadcast_in_dim3A_2501 = vector.broadcast %jit3A_2500 : f32 to vector<40x256xf32>
    %select_n3A_2502 = arith.select %lt3A_2499, %get3A_2495, %broadcast_in_dim3A_2501 : vector<40x256xi1>, vector<40x256xf32>
    %reduce_max3A_2503 = arith.constant dense<0xFF800000> : vector<256xf32>
    %reduce_max3A_2504 = vector.multi_reduction <maximumf>, %select_n3A_2502, %reduce_max3A_2503 [0] : vector<40x256xf32> to vector<256xf32>
    %broadcast_in_dim3A_2505 = vector.shape_cast %reduce_max3A_2504 : vector<256xf32> to vector<1x256xf32>
    %get3A_2506 = arith.index_cast %add3A_0 : i32 to index
    %get3A_2507 = arith.constant 52 : index
    %get3A_2508 = memref.load %arg1[%get3A_2506, %get3A_2507] : memref<8x64xi32, #tpu.memory_space<smem>>
    %get3A_2509 = arith.index_cast %add3A_0 : i32 to index
    %get3A_2510 = arith.constant 52 : index
    %get3A_2511 = memref.load %arg2[%get3A_2509, %get3A_2510] : memref<8x64xi32, #tpu.memory_space<smem>>
    %jit3A_2512 = arith.constant 8 : i32
    %div3A_2513 = arith.divsi %get3A_2508, %jit3A_2512 : i32
    %sign3A_2514 = arith.constant 0 : i32
    %sign3A_2515 = arith.cmpi sgt, %get3A_2508, %sign3A_2514 : i32
    %sign3A_2516 = arith.extui %sign3A_2515 : i1 to i32
    %sign3A_2517 = arith.constant 0 : i32
    %sign3A_2518 = arith.cmpi slt, %get3A_2508, %sign3A_2517 : i32
    %sign3A_2519 = arith.extui %sign3A_2518 : i1 to i32
    %sign3A_2520 = arith.subi %sign3A_2516, %sign3A_2519 : i32
    %sign3A_2521 = arith.constant 0 : i32
    %sign3A_2522 = arith.cmpi sgt, %jit3A_2512, %sign3A_2521 : i32
    %sign3A_2523 = arith.extui %sign3A_2522 : i1 to i32
    %sign3A_2524 = arith.constant 0 : i32
    %sign3A_2525 = arith.cmpi slt, %jit3A_2512, %sign3A_2524 : i32
    %sign3A_2526 = arith.extui %sign3A_2525 : i1 to i32
    %sign3A_2527 = arith.subi %sign3A_2523, %sign3A_2526 : i32
    %ne3A_2528 = arith.cmpi ne, %sign3A_2520, %sign3A_2527 : i32
    %rem3A_2529 = arith.remsi %get3A_2508, %jit3A_2512 : i32
    %ne3A_2530 = arith.constant 0 : i32
    %ne3A_2531 = arith.cmpi ne, %rem3A_2529, %ne3A_2530 : i32
    %and3A_2532 = arith.andi %ne3A_2528, %ne3A_2531 : i1
    %sub3A_2533 = arith.constant 1 : i32
    %sub3A_2534 = arith.subi %div3A_2513, %sub3A_2533 : i32
    %select_n3A_2535 = arith.select %and3A_2532, %sub3A_2534, %div3A_2513 : i32
    %mul3A_2536 = arith.constant 8 : i32
    %mul3A_2537 = arith.muli %select_n3A_2535, %mul3A_2536 : i32
    %sub3A_2538 = arith.subi %get3A_2508, %mul3A_2537 : i32
    %get3A_2539 = arith.constant 0 : index
    %get3A_2540 = arith.index_cast %mul3A_2537 : i32 to index
    %get3A_2541 = arith.constant 0 : index
    %get3A_2542 = vector.load %arg3[%get3A_2539, %get3A_2540, %get3A_2541] : memref<1x2048x256xf32, #tpu.memory_space<vmem>>, vector<1x40x256xf32>
    %get3A_2543 = vector.shape_cast %get3A_2542 : vector<1x40x256xf32> to vector<40x256xf32>
    %sub3A_2544 = vector.broadcast %sub3A_2538 : i32 to vector<40x256xi32>
    %sub3A_2545 = arith.subi %iota3A, %sub3A_2544 : vector<40x256xi32>
    %lt3A_2546 = vector.broadcast %get3A_2511 : i32 to vector<40x256xi32>
    %lt3A_2547 = arith.cmpi ult, %sub3A_2545, %lt3A_2546 : vector<40x256xi32>
    %jit3A_2548 = arith.constant -3.40282347E+38 : f32
    %broadcast_in_dim3A_2549 = vector.broadcast %jit3A_2548 : f32 to vector<40x256xf32>
    %select_n3A_2550 = arith.select %lt3A_2547, %get3A_2543, %broadcast_in_dim3A_2549 : vector<40x256xi1>, vector<40x256xf32>
    %reduce_max3A_2551 = arith.constant dense<0xFF800000> : vector<256xf32>
    %reduce_max3A_2552 = vector.multi_reduction <maximumf>, %select_n3A_2550, %reduce_max3A_2551 [0] : vector<40x256xf32> to vector<256xf32>
    %broadcast_in_dim3A_2553 = vector.shape_cast %reduce_max3A_2552 : vector<256xf32> to vector<1x256xf32>
    %get3A_2554 = arith.index_cast %add3A_0 : i32 to index
    %get3A_2555 = arith.constant 53 : index
    %get3A_2556 = memref.load %arg1[%get3A_2554, %get3A_2555] : memref<8x64xi32, #tpu.memory_space<smem>>
    %get3A_2557 = arith.index_cast %add3A_0 : i32 to index
    %get3A_2558 = arith.constant 53 : index
    %get3A_2559 = memref.load %arg2[%get3A_2557, %get3A_2558] : memref<8x64xi32, #tpu.memory_space<smem>>
    %jit3A_2560 = arith.constant 8 : i32
    %div3A_2561 = arith.divsi %get3A_2556, %jit3A_2560 : i32
    %sign3A_2562 = arith.constant 0 : i32
    %sign3A_2563 = arith.cmpi sgt, %get3A_2556, %sign3A_2562 : i32
    %sign3A_2564 = arith.extui %sign3A_2563 : i1 to i32
    %sign3A_2565 = arith.constant 0 : i32
    %sign3A_2566 = arith.cmpi slt, %get3A_2556, %sign3A_2565 : i32
    %sign3A_2567 = arith.extui %sign3A_2566 : i1 to i32
    %sign3A_2568 = arith.subi %sign3A_2564, %sign3A_2567 : i32
    %sign3A_2569 = arith.constant 0 : i32
    %sign3A_2570 = arith.cmpi sgt, %jit3A_2560, %sign3A_2569 : i32
    %sign3A_2571 = arith.extui %sign3A_2570 : i1 to i32
    %sign3A_2572 = arith.constant 0 : i32
    %sign3A_2573 = arith.cmpi slt, %jit3A_2560, %sign3A_2572 : i32
    %sign3A_2574 = arith.extui %sign3A_2573 : i1 to i32
    %sign3A_2575 = arith.subi %sign3A_2571, %sign3A_2574 : i32
    %ne3A_2576 = arith.cmpi ne, %sign3A_2568, %sign3A_2575 : i32
    %rem3A_2577 = arith.remsi %get3A_2556, %jit3A_2560 : i32
    %ne3A_2578 = arith.constant 0 : i32
    %ne3A_2579 = arith.cmpi ne, %rem3A_2577, %ne3A_2578 : i32
    %and3A_2580 = arith.andi %ne3A_2576, %ne3A_2579 : i1
    %sub3A_2581 = arith.constant 1 : i32
    %sub3A_2582 = arith.subi %div3A_2561, %sub3A_2581 : i32
    %select_n3A_2583 = arith.select %and3A_2580, %sub3A_2582, %div3A_2561 : i32
    %mul3A_2584 = arith.constant 8 : i32
    %mul3A_2585 = arith.muli %select_n3A_2583, %mul3A_2584 : i32
    %sub3A_2586 = arith.subi %get3A_2556, %mul3A_2585 : i32
    %get3A_2587 = arith.constant 0 : index
    %get3A_2588 = arith.index_cast %mul3A_2585 : i32 to index
    %get3A_2589 = arith.constant 0 : index
    %get3A_2590 = vector.load %arg3[%get3A_2587, %get3A_2588, %get3A_2589] : memref<1x2048x256xf32, #tpu.memory_space<vmem>>, vector<1x40x256xf32>
    %get3A_2591 = vector.shape_cast %get3A_2590 : vector<1x40x256xf32> to vector<40x256xf32>
    %sub3A_2592 = vector.broadcast %sub3A_2586 : i32 to vector<40x256xi32>
    %sub3A_2593 = arith.subi %iota3A, %sub3A_2592 : vector<40x256xi32>
    %lt3A_2594 = vector.broadcast %get3A_2559 : i32 to vector<40x256xi32>
    %lt3A_2595 = arith.cmpi ult, %sub3A_2593, %lt3A_2594 : vector<40x256xi32>
    %jit3A_2596 = arith.constant -3.40282347E+38 : f32
    %broadcast_in_dim3A_2597 = vector.broadcast %jit3A_2596 : f32 to vector<40x256xf32>
    %select_n3A_2598 = arith.select %lt3A_2595, %get3A_2591, %broadcast_in_dim3A_2597 : vector<40x256xi1>, vector<40x256xf32>
    %reduce_max3A_2599 = arith.constant dense<0xFF800000> : vector<256xf32>
    %reduce_max3A_2600 = vector.multi_reduction <maximumf>, %select_n3A_2598, %reduce_max3A_2599 [0] : vector<40x256xf32> to vector<256xf32>
    %broadcast_in_dim3A_2601 = vector.shape_cast %reduce_max3A_2600 : vector<256xf32> to vector<1x256xf32>
    %get3A_2602 = arith.index_cast %add3A_0 : i32 to index
    %get3A_2603 = arith.constant 54 : index
    %get3A_2604 = memref.load %arg1[%get3A_2602, %get3A_2603] : memref<8x64xi32, #tpu.memory_space<smem>>
    %get3A_2605 = arith.index_cast %add3A_0 : i32 to index
    %get3A_2606 = arith.constant 54 : index
    %get3A_2607 = memref.load %arg2[%get3A_2605, %get3A_2606] : memref<8x64xi32, #tpu.memory_space<smem>>
    %jit3A_2608 = arith.constant 8 : i32
    %div3A_2609 = arith.divsi %get3A_2604, %jit3A_2608 : i32
    %sign3A_2610 = arith.constant 0 : i32
    %sign3A_2611 = arith.cmpi sgt, %get3A_2604, %sign3A_2610 : i32
    %sign3A_2612 = arith.extui %sign3A_2611 : i1 to i32
    %sign3A_2613 = arith.constant 0 : i32
    %sign3A_2614 = arith.cmpi slt, %get3A_2604, %sign3A_2613 : i32
    %sign3A_2615 = arith.extui %sign3A_2614 : i1 to i32
    %sign3A_2616 = arith.subi %sign3A_2612, %sign3A_2615 : i32
    %sign3A_2617 = arith.constant 0 : i32
    %sign3A_2618 = arith.cmpi sgt, %jit3A_2608, %sign3A_2617 : i32
    %sign3A_2619 = arith.extui %sign3A_2618 : i1 to i32
    %sign3A_2620 = arith.constant 0 : i32
    %sign3A_2621 = arith.cmpi slt, %jit3A_2608, %sign3A_2620 : i32
    %sign3A_2622 = arith.extui %sign3A_2621 : i1 to i32
    %sign3A_2623 = arith.subi %sign3A_2619, %sign3A_2622 : i32
    %ne3A_2624 = arith.cmpi ne, %sign3A_2616, %sign3A_2623 : i32
    %rem3A_2625 = arith.remsi %get3A_2604, %jit3A_2608 : i32
    %ne3A_2626 = arith.constant 0 : i32
    %ne3A_2627 = arith.cmpi ne, %rem3A_2625, %ne3A_2626 : i32
    %and3A_2628 = arith.andi %ne3A_2624, %ne3A_2627 : i1
    %sub3A_2629 = arith.constant 1 : i32
    %sub3A_2630 = arith.subi %div3A_2609, %sub3A_2629 : i32
    %select_n3A_2631 = arith.select %and3A_2628, %sub3A_2630, %div3A_2609 : i32
    %mul3A_2632 = arith.constant 8 : i32
    %mul3A_2633 = arith.muli %select_n3A_2631, %mul3A_2632 : i32
    %sub3A_2634 = arith.subi %get3A_2604, %mul3A_2633 : i32
    %get3A_2635 = arith.constant 0 : index
    %get3A_2636 = arith.index_cast %mul3A_2633 : i32 to index
    %get3A_2637 = arith.constant 0 : index
    %get3A_2638 = vector.load %arg3[%get3A_2635, %get3A_2636, %get3A_2637] : memref<1x2048x256xf32, #tpu.memory_space<vmem>>, vector<1x40x256xf32>
    %get3A_2639 = vector.shape_cast %get3A_2638 : vector<1x40x256xf32> to vector<40x256xf32>
    %sub3A_2640 = vector.broadcast %sub3A_2634 : i32 to vector<40x256xi32>
    %sub3A_2641 = arith.subi %iota3A, %sub3A_2640 : vector<40x256xi32>
    %lt3A_2642 = vector.broadcast %get3A_2607 : i32 to vector<40x256xi32>
    %lt3A_2643 = arith.cmpi ult, %sub3A_2641, %lt3A_2642 : vector<40x256xi32>
    %jit3A_2644 = arith.constant -3.40282347E+38 : f32
    %broadcast_in_dim3A_2645 = vector.broadcast %jit3A_2644 : f32 to vector<40x256xf32>
    %select_n3A_2646 = arith.select %lt3A_2643, %get3A_2639, %broadcast_in_dim3A_2645 : vector<40x256xi1>, vector<40x256xf32>
    %reduce_max3A_2647 = arith.constant dense<0xFF800000> : vector<256xf32>
    %reduce_max3A_2648 = vector.multi_reduction <maximumf>, %select_n3A_2646, %reduce_max3A_2647 [0] : vector<40x256xf32> to vector<256xf32>
    %broadcast_in_dim3A_2649 = vector.shape_cast %reduce_max3A_2648 : vector<256xf32> to vector<1x256xf32>
    %get3A_2650 = arith.index_cast %add3A_0 : i32 to index
    %get3A_2651 = arith.constant 55 : index
    %get3A_2652 = memref.load %arg1[%get3A_2650, %get3A_2651] : memref<8x64xi32, #tpu.memory_space<smem>>
    %get3A_2653 = arith.index_cast %add3A_0 : i32 to index
    %get3A_2654 = arith.constant 55 : index
    %get3A_2655 = memref.load %arg2[%get3A_2653, %get3A_2654] : memref<8x64xi32, #tpu.memory_space<smem>>
    %jit3A_2656 = arith.constant 8 : i32
    %div3A_2657 = arith.divsi %get3A_2652, %jit3A_2656 : i32
    %sign3A_2658 = arith.constant 0 : i32
    %sign3A_2659 = arith.cmpi sgt, %get3A_2652, %sign3A_2658 : i32
    %sign3A_2660 = arith.extui %sign3A_2659 : i1 to i32
    %sign3A_2661 = arith.constant 0 : i32
    %sign3A_2662 = arith.cmpi slt, %get3A_2652, %sign3A_2661 : i32
    %sign3A_2663 = arith.extui %sign3A_2662 : i1 to i32
    %sign3A_2664 = arith.subi %sign3A_2660, %sign3A_2663 : i32
    %sign3A_2665 = arith.constant 0 : i32
    %sign3A_2666 = arith.cmpi sgt, %jit3A_2656, %sign3A_2665 : i32
    %sign3A_2667 = arith.extui %sign3A_2666 : i1 to i32
    %sign3A_2668 = arith.constant 0 : i32
    %sign3A_2669 = arith.cmpi slt, %jit3A_2656, %sign3A_2668 : i32
    %sign3A_2670 = arith.extui %sign3A_2669 : i1 to i32
    %sign3A_2671 = arith.subi %sign3A_2667, %sign3A_2670 : i32
    %ne3A_2672 = arith.cmpi ne, %sign3A_2664, %sign3A_2671 : i32
    %rem3A_2673 = arith.remsi %get3A_2652, %jit3A_2656 : i32
    %ne3A_2674 = arith.constant 0 : i32
    %ne3A_2675 = arith.cmpi ne, %rem3A_2673, %ne3A_2674 : i32
    %and3A_2676 = arith.andi %ne3A_2672, %ne3A_2675 : i1
    %sub3A_2677 = arith.constant 1 : i32
    %sub3A_2678 = arith.subi %div3A_2657, %sub3A_2677 : i32
    %select_n3A_2679 = arith.select %and3A_2676, %sub3A_2678, %div3A_2657 : i32
    %mul3A_2680 = arith.constant 8 : i32
    %mul3A_2681 = arith.muli %select_n3A_2679, %mul3A_2680 : i32
    %sub3A_2682 = arith.subi %get3A_2652, %mul3A_2681 : i32
    %get3A_2683 = arith.constant 0 : index
    %get3A_2684 = arith.index_cast %mul3A_2681 : i32 to index
    %get3A_2685 = arith.constant 0 : index
    %get3A_2686 = vector.load %arg3[%get3A_2683, %get3A_2684, %get3A_2685] : memref<1x2048x256xf32, #tpu.memory_space<vmem>>, vector<1x40x256xf32>
    %get3A_2687 = vector.shape_cast %get3A_2686 : vector<1x40x256xf32> to vector<40x256xf32>
    %sub3A_2688 = vector.broadcast %sub3A_2682 : i32 to vector<40x256xi32>
    %sub3A_2689 = arith.subi %iota3A, %sub3A_2688 : vector<40x256xi32>
    %lt3A_2690 = vector.broadcast %get3A_2655 : i32 to vector<40x256xi32>
    %lt3A_2691 = arith.cmpi ult, %sub3A_2689, %lt3A_2690 : vector<40x256xi32>
    %jit3A_2692 = arith.constant -3.40282347E+38 : f32
    %broadcast_in_dim3A_2693 = vector.broadcast %jit3A_2692 : f32 to vector<40x256xf32>
    %select_n3A_2694 = arith.select %lt3A_2691, %get3A_2687, %broadcast_in_dim3A_2693 : vector<40x256xi1>, vector<40x256xf32>
    %reduce_max3A_2695 = arith.constant dense<0xFF800000> : vector<256xf32>
    %reduce_max3A_2696 = vector.multi_reduction <maximumf>, %select_n3A_2694, %reduce_max3A_2695 [0] : vector<40x256xf32> to vector<256xf32>
    %broadcast_in_dim3A_2697 = vector.shape_cast %reduce_max3A_2696 : vector<256xf32> to vector<1x256xf32>
    %concatenate3A_2698 = tpu.concatenate %broadcast_in_dim3A_2361, %broadcast_in_dim3A_2409, %broadcast_in_dim3A_2457, %broadcast_in_dim3A_2505, %broadcast_in_dim3A_2553, %broadcast_in_dim3A_2601, %broadcast_in_dim3A_2649, %broadcast_in_dim3A_2697 in 0 : vector<1x256xf32>, vector<1x256xf32>, vector<1x256xf32>, vector<1x256xf32>, vector<1x256xf32>, vector<1x256xf32>, vector<1x256xf32>, vector<1x256xf32> -> vector<8x256xf32>
    %swap3A_2699 = arith.constant 48 : index
    %swap3A_2700 = arith.constant 0 : index
    %swap3A_2701 = vector.load %arg8[%swap3A_2699, %swap3A_2700] : memref<64x256xf32, #tpu.memory_space<vmem>>, vector<8x256xf32>
    tpu.vector_store %arg8[%swap3A_2699, %swap3A_2700], %concatenate3A_2698 {strides = array<i32>} : memref<64x256xf32, #tpu.memory_space<vmem>>, vector<8x256xf32>,
    %get3A_2702 = arith.index_cast %add3A_0 : i32 to index
    %get3A_2703 = arith.constant 56 : index
    %get3A_2704 = memref.load %arg1[%get3A_2702, %get3A_2703] : memref<8x64xi32, #tpu.memory_space<smem>>
    %get3A_2705 = arith.index_cast %add3A_0 : i32 to index
    %get3A_2706 = arith.constant 56 : index
    %get3A_2707 = memref.load %arg2[%get3A_2705, %get3A_2706] : memref<8x64xi32, #tpu.memory_space<smem>>
    %jit3A_2708 = arith.constant 8 : i32
    %div3A_2709 = arith.divsi %get3A_2704, %jit3A_2708 : i32
    %sign3A_2710 = arith.constant 0 : i32
    %sign3A_2711 = arith.cmpi sgt, %get3A_2704, %sign3A_2710 : i32
    %sign3A_2712 = arith.extui %sign3A_2711 : i1 to i32
    %sign3A_2713 = arith.constant 0 : i32
    %sign3A_2714 = arith.cmpi slt, %get3A_2704, %sign3A_2713 : i32
    %sign3A_2715 = arith.extui %sign3A_2714 : i1 to i32
    %sign3A_2716 = arith.subi %sign3A_2712, %sign3A_2715 : i32
    %sign3A_2717 = arith.constant 0 : i32
    %sign3A_2718 = arith.cmpi sgt, %jit3A_2708, %sign3A_2717 : i32
    %sign3A_2719 = arith.extui %sign3A_2718 : i1 to i32
    %sign3A_2720 = arith.constant 0 : i32
    %sign3A_2721 = arith.cmpi slt, %jit3A_2708, %sign3A_2720 : i32
    %sign3A_2722 = arith.extui %sign3A_2721 : i1 to i32
    %sign3A_2723 = arith.subi %sign3A_2719, %sign3A_2722 : i32
    %ne3A_2724 = arith.cmpi ne, %sign3A_2716, %sign3A_2723 : i32
    %rem3A_2725 = arith.remsi %get3A_2704, %jit3A_2708 : i32
    %ne3A_2726 = arith.constant 0 : i32
    %ne3A_2727 = arith.cmpi ne, %rem3A_2725, %ne3A_2726 : i32
    %and3A_2728 = arith.andi %ne3A_2724, %ne3A_2727 : i1
    %sub3A_2729 = arith.constant 1 : i32
    %sub3A_2730 = arith.subi %div3A_2709, %sub3A_2729 : i32
    %select_n3A_2731 = arith.select %and3A_2728, %sub3A_2730, %div3A_2709 : i32
    %mul3A_2732 = arith.constant 8 : i32
    %mul3A_2733 = arith.muli %select_n3A_2731, %mul3A_2732 : i32
    %sub3A_2734 = arith.subi %get3A_2704, %mul3A_2733 : i32
    %get3A_2735 = arith.constant 0 : index
    %get3A_2736 = arith.index_cast %mul3A_2733 : i32 to index
    %get3A_2737 = arith.constant 0 : index
    %get3A_2738 = vector.load %arg3[%get3A_2735, %get3A_2736, %get3A_2737] : memref<1x2048x256xf32, #tpu.memory_space<vmem>>, vector<1x40x256xf32>
    %get3A_2739 = vector.shape_cast %get3A_2738 : vector<1x40x256xf32> to vector<40x256xf32>
    %sub3A_2740 = vector.broadcast %sub3A_2734 : i32 to vector<40x256xi32>
    %sub3A_2741 = arith.subi %iota3A, %sub3A_2740 : vector<40x256xi32>
    %lt3A_2742 = vector.broadcast %get3A_2707 : i32 to vector<40x256xi32>
    %lt3A_2743 = arith.cmpi ult, %sub3A_2741, %lt3A_2742 : vector<40x256xi32>
    %jit3A_2744 = arith.constant -3.40282347E+38 : f32
    %broadcast_in_dim3A_2745 = vector.broadcast %jit3A_2744 : f32 to vector<40x256xf32>
    %select_n3A_2746 = arith.select %lt3A_2743, %get3A_2739, %broadcast_in_dim3A_2745 : vector<40x256xi1>, vector<40x256xf32>
    %reduce_max3A_2747 = arith.constant dense<0xFF800000> : vector<256xf32>
    %reduce_max3A_2748 = vector.multi_reduction <maximumf>, %select_n3A_2746, %reduce_max3A_2747 [0] : vector<40x256xf32> to vector<256xf32>
    %broadcast_in_dim3A_2749 = vector.shape_cast %reduce_max3A_2748 : vector<256xf32> to vector<1x256xf32>
    %get3A_2750 = arith.index_cast %add3A_0 : i32 to index
    %get3A_2751 = arith.constant 57 : index
    %get3A_2752 = memref.load %arg1[%get3A_2750, %get3A_2751] : memref<8x64xi32, #tpu.memory_space<smem>>
    %get3A_2753 = arith.index_cast %add3A_0 : i32 to index
    %get3A_2754 = arith.constant 57 : index
    %get3A_2755 = memref.load %arg2[%get3A_2753, %get3A_2754] : memref<8x64xi32, #tpu.memory_space<smem>>
    %jit3A_2756 = arith.constant 8 : i32
    %div3A_2757 = arith.divsi %get3A_2752, %jit3A_2756 : i32
    %sign3A_2758 = arith.constant 0 : i32
    %sign3A_2759 = arith.cmpi sgt, %get3A_2752, %sign3A_2758 : i32
    %sign3A_2760 = arith.extui %sign3A_2759 : i1 to i32
    %sign3A_2761 = arith.constant 0 : i32
    %sign3A_2762 = arith.cmpi slt, %get3A_2752, %sign3A_2761 : i32
    %sign3A_2763 = arith.extui %sign3A_2762 : i1 to i32
    %sign3A_2764 = arith.subi %sign3A_2760, %sign3A_2763 : i32
    %sign3A_2765 = arith.constant 0 : i32
    %sign3A_2766 = arith.cmpi sgt, %jit3A_2756, %sign3A_2765 : i32
    %sign3A_2767 = arith.extui %sign3A_2766 : i1 to i32
    %sign3A_2768 = arith.constant 0 : i32
    %sign3A_2769 = arith.cmpi slt, %jit3A_2756, %sign3A_2768 : i32
    %sign3A_2770 = arith.extui %sign3A_2769 : i1 to i32
    %sign3A_2771 = arith.subi %sign3A_2767, %sign3A_2770 : i32
    %ne3A_2772 = arith.cmpi ne, %sign3A_2764, %sign3A_2771 : i32
    %rem3A_2773 = arith.remsi %get3A_2752, %jit3A_2756 : i32
    %ne3A_2774 = arith.constant 0 : i32
    %ne3A_2775 = arith.cmpi ne, %rem3A_2773, %ne3A_2774 : i32
    %and3A_2776 = arith.andi %ne3A_2772, %ne3A_2775 : i1
    %sub3A_2777 = arith.constant 1 : i32
    %sub3A_2778 = arith.subi %div3A_2757, %sub3A_2777 : i32
    %select_n3A_2779 = arith.select %and3A_2776, %sub3A_2778, %div3A_2757 : i32
    %mul3A_2780 = arith.constant 8 : i32
    %mul3A_2781 = arith.muli %select_n3A_2779, %mul3A_2780 : i32
    %sub3A_2782 = arith.subi %get3A_2752, %mul3A_2781 : i32
    %get3A_2783 = arith.constant 0 : index
    %get3A_2784 = arith.index_cast %mul3A_2781 : i32 to index
    %get3A_2785 = arith.constant 0 : index
    %get3A_2786 = vector.load %arg3[%get3A_2783, %get3A_2784, %get3A_2785] : memref<1x2048x256xf32, #tpu.memory_space<vmem>>, vector<1x40x256xf32>
    %get3A_2787 = vector.shape_cast %get3A_2786 : vector<1x40x256xf32> to vector<40x256xf32>
    %sub3A_2788 = vector.broadcast %sub3A_2782 : i32 to vector<40x256xi32>
    %sub3A_2789 = arith.subi %iota3A, %sub3A_2788 : vector<40x256xi32>
    %lt3A_2790 = vector.broadcast %get3A_2755 : i32 to vector<40x256xi32>
    %lt3A_2791 = arith.cmpi ult, %sub3A_2789, %lt3A_2790 : vector<40x256xi32>
    %jit3A_2792 = arith.constant -3.40282347E+38 : f32
    %broadcast_in_dim3A_2793 = vector.broadcast %jit3A_2792 : f32 to vector<40x256xf32>
    %select_n3A_2794 = arith.select %lt3A_2791, %get3A_2787, %broadcast_in_dim3A_2793 : vector<40x256xi1>, vector<40x256xf32>
    %reduce_max3A_2795 = arith.constant dense<0xFF800000> : vector<256xf32>
    %reduce_max3A_2796 = vector.multi_reduction <maximumf>, %select_n3A_2794, %reduce_max3A_2795 [0] : vector<40x256xf32> to vector<256xf32>
    %broadcast_in_dim3A_2797 = vector.shape_cast %reduce_max3A_2796 : vector<256xf32> to vector<1x256xf32>
    %get3A_2798 = arith.index_cast %add3A_0 : i32 to index
    %get3A_2799 = arith.constant 58 : index
    %get3A_2800 = memref.load %arg1[%get3A_2798, %get3A_2799] : memref<8x64xi32, #tpu.memory_space<smem>>
    %get3A_2801 = arith.index_cast %add3A_0 : i32 to index
    %get3A_2802 = arith.constant 58 : index
    %get3A_2803 = memref.load %arg2[%get3A_2801, %get3A_2802] : memref<8x64xi32, #tpu.memory_space<smem>>
    %jit3A_2804 = arith.constant 8 : i32
    %div3A_2805 = arith.divsi %get3A_2800, %jit3A_2804 : i32
    %sign3A_2806 = arith.constant 0 : i32
    %sign3A_2807 = arith.cmpi sgt, %get3A_2800, %sign3A_2806 : i32
    %sign3A_2808 = arith.extui %sign3A_2807 : i1 to i32
    %sign3A_2809 = arith.constant 0 : i32
    %sign3A_2810 = arith.cmpi slt, %get3A_2800, %sign3A_2809 : i32
    %sign3A_2811 = arith.extui %sign3A_2810 : i1 to i32
    %sign3A_2812 = arith.subi %sign3A_2808, %sign3A_2811 : i32
    %sign3A_2813 = arith.constant 0 : i32
    %sign3A_2814 = arith.cmpi sgt, %jit3A_2804, %sign3A_2813 : i32
    %sign3A_2815 = arith.extui %sign3A_2814 : i1 to i32
    %sign3A_2816 = arith.constant 0 : i32
    %sign3A_2817 = arith.cmpi slt, %jit3A_2804, %sign3A_2816 : i32
    %sign3A_2818 = arith.extui %sign3A_2817 : i1 to i32
    %sign3A_2819 = arith.subi %sign3A_2815, %sign3A_2818 : i32
    %ne3A_2820 = arith.cmpi ne, %sign3A_2812, %sign3A_2819 : i32
    %rem3A_2821 = arith.remsi %get3A_2800, %jit3A_2804 : i32
    %ne3A_2822 = arith.constant 0 : i32
    %ne3A_2823 = arith.cmpi ne, %rem3A_2821, %ne3A_2822 : i32
    %and3A_2824 = arith.andi %ne3A_2820, %ne3A_2823 : i1
    %sub3A_2825 = arith.constant 1 : i32
    %sub3A_2826 = arith.subi %div3A_2805, %sub3A_2825 : i32
    %select_n3A_2827 = arith.select %and3A_2824, %sub3A_2826, %div3A_2805 : i32
    %mul3A_2828 = arith.constant 8 : i32
    %mul3A_2829 = arith.muli %select_n3A_2827, %mul3A_2828 : i32
    %sub3A_2830 = arith.subi %get3A_2800, %mul3A_2829 : i32
    %get3A_2831 = arith.constant 0 : index
    %get3A_2832 = arith.index_cast %mul3A_2829 : i32 to index
    %get3A_2833 = arith.constant 0 : index
    %get3A_2834 = vector.load %arg3[%get3A_2831, %get3A_2832, %get3A_2833] : memref<1x2048x256xf32, #tpu.memory_space<vmem>>, vector<1x40x256xf32>
    %get3A_2835 = vector.shape_cast %get3A_2834 : vector<1x40x256xf32> to vector<40x256xf32>
    %sub3A_2836 = vector.broadcast %sub3A_2830 : i32 to vector<40x256xi32>
    %sub3A_2837 = arith.subi %iota3A, %sub3A_2836 : vector<40x256xi32>
    %lt3A_2838 = vector.broadcast %get3A_2803 : i32 to vector<40x256xi32>
    %lt3A_2839 = arith.cmpi ult, %sub3A_2837, %lt3A_2838 : vector<40x256xi32>
    %jit3A_2840 = arith.constant -3.40282347E+38 : f32
    %broadcast_in_dim3A_2841 = vector.broadcast %jit3A_2840 : f32 to vector<40x256xf32>
    %select_n3A_2842 = arith.select %lt3A_2839, %get3A_2835, %broadcast_in_dim3A_2841 : vector<40x256xi1>, vector<40x256xf32>
    %reduce_max3A_2843 = arith.constant dense<0xFF800000> : vector<256xf32>
    %reduce_max3A_2844 = vector.multi_reduction <maximumf>, %select_n3A_2842, %reduce_max3A_2843 [0] : vector<40x256xf32> to vector<256xf32>
    %broadcast_in_dim3A_2845 = vector.shape_cast %reduce_max3A_2844 : vector<256xf32> to vector<1x256xf32>
    %get3A_2846 = arith.index_cast %add3A_0 : i32 to index
    %get3A_2847 = arith.constant 59 : index
    %get3A_2848 = memref.load %arg1[%get3A_2846, %get3A_2847] : memref<8x64xi32, #tpu.memory_space<smem>>
    %get3A_2849 = arith.index_cast %add3A_0 : i32 to index
    %get3A_2850 = arith.constant 59 : index
    %get3A_2851 = memref.load %arg2[%get3A_2849, %get3A_2850] : memref<8x64xi32, #tpu.memory_space<smem>>
    %jit3A_2852 = arith.constant 8 : i32
    %div3A_2853 = arith.divsi %get3A_2848, %jit3A_2852 : i32
    %sign3A_2854 = arith.constant 0 : i32
    %sign3A_2855 = arith.cmpi sgt, %get3A_2848, %sign3A_2854 : i32
    %sign3A_2856 = arith.extui %sign3A_2855 : i1 to i32
    %sign3A_2857 = arith.constant 0 : i32
    %sign3A_2858 = arith.cmpi slt, %get3A_2848, %sign3A_2857 : i32
    %sign3A_2859 = arith.extui %sign3A_2858 : i1 to i32
    %sign3A_2860 = arith.subi %sign3A_2856, %sign3A_2859 : i32
    %sign3A_2861 = arith.constant 0 : i32
    %sign3A_2862 = arith.cmpi sgt, %jit3A_2852, %sign3A_2861 : i32
    %sign3A_2863 = arith.extui %sign3A_2862 : i1 to i32
    %sign3A_2864 = arith.constant 0 : i32
    %sign3A_2865 = arith.cmpi slt, %jit3A_2852, %sign3A_2864 : i32
    %sign3A_2866 = arith.extui %sign3A_2865 : i1 to i32
    %sign3A_2867 = arith.subi %sign3A_2863, %sign3A_2866 : i32
    %ne3A_2868 = arith.cmpi ne, %sign3A_2860, %sign3A_2867 : i32
    %rem3A_2869 = arith.remsi %get3A_2848, %jit3A_2852 : i32
    %ne3A_2870 = arith.constant 0 : i32
    %ne3A_2871 = arith.cmpi ne, %rem3A_2869, %ne3A_2870 : i32
    %and3A_2872 = arith.andi %ne3A_2868, %ne3A_2871 : i1
    %sub3A_2873 = arith.constant 1 : i32
    %sub3A_2874 = arith.subi %div3A_2853, %sub3A_2873 : i32
    %select_n3A_2875 = arith.select %and3A_2872, %sub3A_2874, %div3A_2853 : i32
    %mul3A_2876 = arith.constant 8 : i32
    %mul3A_2877 = arith.muli %select_n3A_2875, %mul3A_2876 : i32
    %sub3A_2878 = arith.subi %get3A_2848, %mul3A_2877 : i32
    %get3A_2879 = arith.constant 0 : index
    %get3A_2880 = arith.index_cast %mul3A_2877 : i32 to index
    %get3A_2881 = arith.constant 0 : index
    %get3A_2882 = vector.load %arg3[%get3A_2879, %get3A_2880, %get3A_2881] : memref<1x2048x256xf32, #tpu.memory_space<vmem>>, vector<1x40x256xf32>
    %get3A_2883 = vector.shape_cast %get3A_2882 : vector<1x40x256xf32> to vector<40x256xf32>
    %sub3A_2884 = vector.broadcast %sub3A_2878 : i32 to vector<40x256xi32>
    %sub3A_2885 = arith.subi %iota3A, %sub3A_2884 : vector<40x256xi32>
    %lt3A_2886 = vector.broadcast %get3A_2851 : i32 to vector<40x256xi32>
    %lt3A_2887 = arith.cmpi ult, %sub3A_2885, %lt3A_2886 : vector<40x256xi32>
    %jit3A_2888 = arith.constant -3.40282347E+38 : f32
    %broadcast_in_dim3A_2889 = vector.broadcast %jit3A_2888 : f32 to vector<40x256xf32>
    %select_n3A_2890 = arith.select %lt3A_2887, %get3A_2883, %broadcast_in_dim3A_2889 : vector<40x256xi1>, vector<40x256xf32>
    %reduce_max3A_2891 = arith.constant dense<0xFF800000> : vector<256xf32>
    %reduce_max3A_2892 = vector.multi_reduction <maximumf>, %select_n3A_2890, %reduce_max3A_2891 [0] : vector<40x256xf32> to vector<256xf32>
    %broadcast_in_dim3A_2893 = vector.shape_cast %reduce_max3A_2892 : vector<256xf32> to vector<1x256xf32>
    %get3A_2894 = arith.index_cast %add3A_0 : i32 to index
    %get3A_2895 = arith.constant 60 : index
    %get3A_2896 = memref.load %arg1[%get3A_2894, %get3A_2895] : memref<8x64xi32, #tpu.memory_space<smem>>
    %get3A_2897 = arith.index_cast %add3A_0 : i32 to index
    %get3A_2898 = arith.constant 60 : index
    %get3A_2899 = memref.load %arg2[%get3A_2897, %get3A_2898] : memref<8x64xi32, #tpu.memory_space<smem>>
    %jit3A_2900 = arith.constant 8 : i32
    %div3A_2901 = arith.divsi %get3A_2896, %jit3A_2900 : i32
    %sign3A_2902 = arith.constant 0 : i32
    %sign3A_2903 = arith.cmpi sgt, %get3A_2896, %sign3A_2902 : i32
    %sign3A_2904 = arith.extui %sign3A_2903 : i1 to i32
    %sign3A_2905 = arith.constant 0 : i32
    %sign3A_2906 = arith.cmpi slt, %get3A_2896, %sign3A_2905 : i32
    %sign3A_2907 = arith.extui %sign3A_2906 : i1 to i32
    %sign3A_2908 = arith.subi %sign3A_2904, %sign3A_2907 : i32
    %sign3A_2909 = arith.constant 0 : i32
    %sign3A_2910 = arith.cmpi sgt, %jit3A_2900, %sign3A_2909 : i32
    %sign3A_2911 = arith.extui %sign3A_2910 : i1 to i32
    %sign3A_2912 = arith.constant 0 : i32
    %sign3A_2913 = arith.cmpi slt, %jit3A_2900, %sign3A_2912 : i32
    %sign3A_2914 = arith.extui %sign3A_2913 : i1 to i32
    %sign3A_2915 = arith.subi %sign3A_2911, %sign3A_2914 : i32
    %ne3A_2916 = arith.cmpi ne, %sign3A_2908, %sign3A_2915 : i32
    %rem3A_2917 = arith.remsi %get3A_2896, %jit3A_2900 : i32
    %ne3A_2918 = arith.constant 0 : i32
    %ne3A_2919 = arith.cmpi ne, %rem3A_2917, %ne3A_2918 : i32
    %and3A_2920 = arith.andi %ne3A_2916, %ne3A_2919 : i1
    %sub3A_2921 = arith.constant 1 : i32
    %sub3A_2922 = arith.subi %div3A_2901, %sub3A_2921 : i32
    %select_n3A_2923 = arith.select %and3A_2920, %sub3A_2922, %div3A_2901 : i32
    %mul3A_2924 = arith.constant 8 : i32
    %mul3A_2925 = arith.muli %select_n3A_2923, %mul3A_2924 : i32
    %sub3A_2926 = arith.subi %get3A_2896, %mul3A_2925 : i32
    %get3A_2927 = arith.constant 0 : index
    %get3A_2928 = arith.index_cast %mul3A_2925 : i32 to index
    %get3A_2929 = arith.constant 0 : index
    %get3A_2930 = vector.load %arg3[%get3A_2927, %get3A_2928, %get3A_2929] : memref<1x2048x256xf32, #tpu.memory_space<vmem>>, vector<1x40x256xf32>
    %get3A_2931 = vector.shape_cast %get3A_2930 : vector<1x40x256xf32> to vector<40x256xf32>
    %sub3A_2932 = vector.broadcast %sub3A_2926 : i32 to vector<40x256xi32>
    %sub3A_2933 = arith.subi %iota3A, %sub3A_2932 : vector<40x256xi32>
    %lt3A_2934 = vector.broadcast %get3A_2899 : i32 to vector<40x256xi32>
    %lt3A_2935 = arith.cmpi ult, %sub3A_2933, %lt3A_2934 : vector<40x256xi32>
    %jit3A_2936 = arith.constant -3.40282347E+38 : f32
    %broadcast_in_dim3A_2937 = vector.broadcast %jit3A_2936 : f32 to vector<40x256xf32>
    %select_n3A_2938 = arith.select %lt3A_2935, %get3A_2931, %broadcast_in_dim3A_2937 : vector<40x256xi1>, vector<40x256xf32>
    %reduce_max3A_2939 = arith.constant dense<0xFF800000> : vector<256xf32>
    %reduce_max3A_2940 = vector.multi_reduction <maximumf>, %select_n3A_2938, %reduce_max3A_2939 [0] : vector<40x256xf32> to vector<256xf32>
    %broadcast_in_dim3A_2941 = vector.shape_cast %reduce_max3A_2940 : vector<256xf32> to vector<1x256xf32>
    %get3A_2942 = arith.index_cast %add3A_0 : i32 to index
    %get3A_2943 = arith.constant 61 : index
    %get3A_2944 = memref.load %arg1[%get3A_2942, %get3A_2943] : memref<8x64xi32, #tpu.memory_space<smem>>
    %get3A_2945 = arith.index_cast %add3A_0 : i32 to index
    %get3A_2946 = arith.constant 61 : index
    %get3A_2947 = memref.load %arg2[%get3A_2945, %get3A_2946] : memref<8x64xi32, #tpu.memory_space<smem>>
    %jit3A_2948 = arith.constant 8 : i32
    %div3A_2949 = arith.divsi %get3A_2944, %jit3A_2948 : i32
    %sign3A_2950 = arith.constant 0 : i32
    %sign3A_2951 = arith.cmpi sgt, %get3A_2944, %sign3A_2950 : i32
    %sign3A_2952 = arith.extui %sign3A_2951 : i1 to i32
    %sign3A_2953 = arith.constant 0 : i32
    %sign3A_2954 = arith.cmpi slt, %get3A_2944, %sign3A_2953 : i32
    %sign3A_2955 = arith.extui %sign3A_2954 : i1 to i32
    %sign3A_2956 = arith.subi %sign3A_2952, %sign3A_2955 : i32
    %sign3A_2957 = arith.constant 0 : i32
    %sign3A_2958 = arith.cmpi sgt, %jit3A_2948, %sign3A_2957 : i32
    %sign3A_2959 = arith.extui %sign3A_2958 : i1 to i32
    %sign3A_2960 = arith.constant 0 : i32
    %sign3A_2961 = arith.cmpi slt, %jit3A_2948, %sign3A_2960 : i32
    %sign3A_2962 = arith.extui %sign3A_2961 : i1 to i32
    %sign3A_2963 = arith.subi %sign3A_2959, %sign3A_2962 : i32
    %ne3A_2964 = arith.cmpi ne, %sign3A_2956, %sign3A_2963 : i32
    %rem3A_2965 = arith.remsi %get3A_2944, %jit3A_2948 : i32
    %ne3A_2966 = arith.constant 0 : i32
    %ne3A_2967 = arith.cmpi ne, %rem3A_2965, %ne3A_2966 : i32
    %and3A_2968 = arith.andi %ne3A_2964, %ne3A_2967 : i1
    %sub3A_2969 = arith.constant 1 : i32
    %sub3A_2970 = arith.subi %div3A_2949, %sub3A_2969 : i32
    %select_n3A_2971 = arith.select %and3A_2968, %sub3A_2970, %div3A_2949 : i32
    %mul3A_2972 = arith.constant 8 : i32
    %mul3A_2973 = arith.muli %select_n3A_2971, %mul3A_2972 : i32
    %sub3A_2974 = arith.subi %get3A_2944, %mul3A_2973 : i32
    %get3A_2975 = arith.constant 0 : index
    %get3A_2976 = arith.index_cast %mul3A_2973 : i32 to index
    %get3A_2977 = arith.constant 0 : index
    %get3A_2978 = vector.load %arg3[%get3A_2975, %get3A_2976, %get3A_2977] : memref<1x2048x256xf32, #tpu.memory_space<vmem>>, vector<1x40x256xf32>
    %get3A_2979 = vector.shape_cast %get3A_2978 : vector<1x40x256xf32> to vector<40x256xf32>
    %sub3A_2980 = vector.broadcast %sub3A_2974 : i32 to vector<40x256xi32>
    %sub3A_2981 = arith.subi %iota3A, %sub3A_2980 : vector<40x256xi32>
    %lt3A_2982 = vector.broadcast %get3A_2947 : i32 to vector<40x256xi32>
    %lt3A_2983 = arith.cmpi ult, %sub3A_2981, %lt3A_2982 : vector<40x256xi32>
    %jit3A_2984 = arith.constant -3.40282347E+38 : f32
    %broadcast_in_dim3A_2985 = vector.broadcast %jit3A_2984 : f32 to vector<40x256xf32>
    %select_n3A_2986 = arith.select %lt3A_2983, %get3A_2979, %broadcast_in_dim3A_2985 : vector<40x256xi1>, vector<40x256xf32>
    %reduce_max3A_2987 = arith.constant dense<0xFF800000> : vector<256xf32>
    %reduce_max3A_2988 = vector.multi_reduction <maximumf>, %select_n3A_2986, %reduce_max3A_2987 [0] : vector<40x256xf32> to vector<256xf32>
    %broadcast_in_dim3A_2989 = vector.shape_cast %reduce_max3A_2988 : vector<256xf32> to vector<1x256xf32>
    %get3A_2990 = arith.index_cast %add3A_0 : i32 to index
    %get3A_2991 = arith.constant 62 : index
    %get3A_2992 = memref.load %arg1[%get3A_2990, %get3A_2991] : memref<8x64xi32, #tpu.memory_space<smem>>
    %get3A_2993 = arith.index_cast %add3A_0 : i32 to index
    %get3A_2994 = arith.constant 62 : index
    %get3A_2995 = memref.load %arg2[%get3A_2993, %get3A_2994] : memref<8x64xi32, #tpu.memory_space<smem>>
    %jit3A_2996 = arith.constant 8 : i32
    %div3A_2997 = arith.divsi %get3A_2992, %jit3A_2996 : i32
    %sign3A_2998 = arith.constant 0 : i32
    %sign3A_2999 = arith.cmpi sgt, %get3A_2992, %sign3A_2998 : i32
    %sign3A_3000 = arith.extui %sign3A_2999 : i1 to i32
    %sign3A_3001 = arith.constant 0 : i32
    %sign3A_3002 = arith.cmpi slt, %get3A_2992, %sign3A_3001 : i32
    %sign3A_3003 = arith.extui %sign3A_3002 : i1 to i32
    %sign3A_3004 = arith.subi %sign3A_3000, %sign3A_3003 : i32
    %sign3A_3005 = arith.constant 0 : i32
    %sign3A_3006 = arith.cmpi sgt, %jit3A_2996, %sign3A_3005 : i32
    %sign3A_3007 = arith.extui %sign3A_3006 : i1 to i32
    %sign3A_3008 = arith.constant 0 : i32
    %sign3A_3009 = arith.cmpi slt, %jit3A_2996, %sign3A_3008 : i32
    %sign3A_3010 = arith.extui %sign3A_3009 : i1 to i32
    %sign3A_3011 = arith.subi %sign3A_3007, %sign3A_3010 : i32
    %ne3A_3012 = arith.cmpi ne, %sign3A_3004, %sign3A_3011 : i32
    %rem3A_3013 = arith.remsi %get3A_2992, %jit3A_2996 : i32
    %ne3A_3014 = arith.constant 0 : i32
    %ne3A_3015 = arith.cmpi ne, %rem3A_3013, %ne3A_3014 : i32
    %and3A_3016 = arith.andi %ne3A_3012, %ne3A_3015 : i1
    %sub3A_3017 = arith.constant 1 : i32
    %sub3A_3018 = arith.subi %div3A_2997, %sub3A_3017 : i32
    %select_n3A_3019 = arith.select %and3A_3016, %sub3A_3018, %div3A_2997 : i32
    %mul3A_3020 = arith.constant 8 : i32
    %mul3A_3021 = arith.muli %select_n3A_3019, %mul3A_3020 : i32
    %sub3A_3022 = arith.subi %get3A_2992, %mul3A_3021 : i32
    %get3A_3023 = arith.constant 0 : index
    %get3A_3024 = arith.index_cast %mul3A_3021 : i32 to index
    %get3A_3025 = arith.constant 0 : index
    %get3A_3026 = vector.load %arg3[%get3A_3023, %get3A_3024, %get3A_3025] : memref<1x2048x256xf32, #tpu.memory_space<vmem>>, vector<1x40x256xf32>
    %get3A_3027 = vector.shape_cast %get3A_3026 : vector<1x40x256xf32> to vector<40x256xf32>
    %sub3A_3028 = vector.broadcast %sub3A_3022 : i32 to vector<40x256xi32>
    %sub3A_3029 = arith.subi %iota3A, %sub3A_3028 : vector<40x256xi32>
    %lt3A_3030 = vector.broadcast %get3A_2995 : i32 to vector<40x256xi32>
    %lt3A_3031 = arith.cmpi ult, %sub3A_3029, %lt3A_3030 : vector<40x256xi32>
    %jit3A_3032 = arith.constant -3.40282347E+38 : f32
    %broadcast_in_dim3A_3033 = vector.broadcast %jit3A_3032 : f32 to vector<40x256xf32>
    %select_n3A_3034 = arith.select %lt3A_3031, %get3A_3027, %broadcast_in_dim3A_3033 : vector<40x256xi1>, vector<40x256xf32>
    %reduce_max3A_3035 = arith.constant dense<0xFF800000> : vector<256xf32>
    %reduce_max3A_3036 = vector.multi_reduction <maximumf>, %select_n3A_3034, %reduce_max3A_3035 [0] : vector<40x256xf32> to vector<256xf32>
    %broadcast_in_dim3A_3037 = vector.shape_cast %reduce_max3A_3036 : vector<256xf32> to vector<1x256xf32>
    %get3A_3038 = arith.index_cast %add3A_0 : i32 to index
    %get3A_3039 = arith.constant 63 : index
    %get3A_3040 = memref.load %arg1[%get3A_3038, %get3A_3039] : memref<8x64xi32, #tpu.memory_space<smem>>
    %get3A_3041 = arith.index_cast %add3A_0 : i32 to index
    %get3A_3042 = arith.constant 63 : index
    %get3A_3043 = memref.load %arg2[%get3A_3041, %get3A_3042] : memref<8x64xi32, #tpu.memory_space<smem>>
    %jit3A_3044 = arith.constant 8 : i32
    %div3A_3045 = arith.divsi %get3A_3040, %jit3A_3044 : i32
    %sign3A_3046 = arith.constant 0 : i32
    %sign3A_3047 = arith.cmpi sgt, %get3A_3040, %sign3A_3046 : i32
    %sign3A_3048 = arith.extui %sign3A_3047 : i1 to i32
    %sign3A_3049 = arith.constant 0 : i32
    %sign3A_3050 = arith.cmpi slt, %get3A_3040, %sign3A_3049 : i32
    %sign3A_3051 = arith.extui %sign3A_3050 : i1 to i32
    %sign3A_3052 = arith.subi %sign3A_3048, %sign3A_3051 : i32
    %sign3A_3053 = arith.constant 0 : i32
    %sign3A_3054 = arith.cmpi sgt, %jit3A_3044, %sign3A_3053 : i32
    %sign3A_3055 = arith.extui %sign3A_3054 : i1 to i32
    %sign3A_3056 = arith.constant 0 : i32
    %sign3A_3057 = arith.cmpi slt, %jit3A_3044, %sign3A_3056 : i32
    %sign3A_3058 = arith.extui %sign3A_3057 : i1 to i32
    %sign3A_3059 = arith.subi %sign3A_3055, %sign3A_3058 : i32
    %ne3A_3060 = arith.cmpi ne, %sign3A_3052, %sign3A_3059 : i32
    %rem3A_3061 = arith.remsi %get3A_3040, %jit3A_3044 : i32
    %ne3A_3062 = arith.constant 0 : i32
    %ne3A_3063 = arith.cmpi ne, %rem3A_3061, %ne3A_3062 : i32
    %and3A_3064 = arith.andi %ne3A_3060, %ne3A_3063 : i1
    %sub3A_3065 = arith.constant 1 : i32
    %sub3A_3066 = arith.subi %div3A_3045, %sub3A_3065 : i32
    %select_n3A_3067 = arith.select %and3A_3064, %sub3A_3066, %div3A_3045 : i32
    %mul3A_3068 = arith.constant 8 : i32
    %mul3A_3069 = arith.muli %select_n3A_3067, %mul3A_3068 : i32
    %sub3A_3070 = arith.subi %get3A_3040, %mul3A_3069 : i32
    %get3A_3071 = arith.constant 0 : index
    %get3A_3072 = arith.index_cast %mul3A_3069 : i32 to index
    %get3A_3073 = arith.constant 0 : index
    %get3A_3074 = vector.load %arg3[%get3A_3071, %get3A_3072, %get3A_3073] : memref<1x2048x256xf32, #tpu.memory_space<vmem>>, vector<1x40x256xf32>
    %get3A_3075 = vector.shape_cast %get3A_3074 : vector<1x40x256xf32> to vector<40x256xf32>
    %sub3A_3076 = vector.broadcast %sub3A_3070 : i32 to vector<40x256xi32>
    %sub3A_3077 = arith.subi %iota3A, %sub3A_3076 : vector<40x256xi32>
    %lt3A_3078 = vector.broadcast %get3A_3043 : i32 to vector<40x256xi32>
    %lt3A_3079 = arith.cmpi ult, %sub3A_3077, %lt3A_3078 : vector<40x256xi32>
    %jit3A_3080 = arith.constant -3.40282347E+38 : f32
    %broadcast_in_dim3A_3081 = vector.broadcast %jit3A_3080 : f32 to vector<40x256xf32>
    %select_n3A_3082 = arith.select %lt3A_3079, %get3A_3075, %broadcast_in_dim3A_3081 : vector<40x256xi1>, vector<40x256xf32>
    %reduce_max3A_3083 = arith.constant dense<0xFF800000> : vector<256xf32>
    %reduce_max3A_3084 = vector.multi_reduction <maximumf>, %select_n3A_3082, %reduce_max3A_3083 [0] : vector<40x256xf32> to vector<256xf32>
    %broadcast_in_dim3A_3085 = vector.shape_cast %reduce_max3A_3084 : vector<256xf32> to vector<1x256xf32>
    %concatenate3A_3086 = tpu.concatenate %broadcast_in_dim3A_2749, %broadcast_in_dim3A_2797, %broadcast_in_dim3A_2845, %broadcast_in_dim3A_2893, %broadcast_in_dim3A_2941, %broadcast_in_dim3A_2989, %broadcast_in_dim3A_3037, %broadcast_in_dim3A_3085 in 0 : vector<1x256xf32>, vector<1x256xf32>, vector<1x256xf32>, vector<1x256xf32>, vector<1x256xf32>, vector<1x256xf32>, vector<1x256xf32>, vector<1x256xf32> -> vector<8x256xf32>
    %swap3A_3087 = arith.constant 56 : index
    %swap3A_3088 = arith.constant 0 : index
    %swap3A_3089 = vector.load %arg8[%swap3A_3087, %swap3A_3088] : memref<64x256xf32, #tpu.memory_space<vmem>>, vector<8x256xf32>
    tpu.vector_store %arg8[%swap3A_3087, %swap3A_3088], %concatenate3A_3086 {strides = array<i32>} : memref<64x256xf32, #tpu.memory_space<vmem>>, vector<8x256xf32>,
    %get3A_3090 = arith.constant 0 : index
    %get3A_3091 = arith.constant 0 : index
    %get3A_3092 = vector.load %arg8[%get3A_3090, %get3A_3091] : memref<64x256xf32, #tpu.memory_space<vmem>>, vector<64x256xf32>
    %get3A_3093 = arith.constant 0 : index
    %get3A_3094 = arith.constant 0 : index
    %get3A_3095 = vector.load %arg4[%get3A_3093, %get3A_3094] : memref<512x16xf32, #tpu.memory_space<vmem>>, vector<256x16xf32>
    %dot_general3A = arith.constant dense<0.000000e+00> : vector<64x16xf32>
    %dot_general3A_3096 = tpu.matmul %get3A_3092, %get3A_3095, %dot_general3A {dimension_numbers = #tpu.dot_dimension_numbers<[1], [0], [0], [1], [0, 0, 1, 1], [], []>, transpose_lhs_hint = false} : vector<64x256xf32>, vector<256x16xf32>, vector<64x16xf32> -> vector<64x16xf32>
    %get3A_3097 = arith.constant 0 : index
    %get3A_3098 = vector.load %arg5[%get3A_3097] : memref<16xf32, #tpu.memory_space<vmem>>, vector<16xf32>
    %broadcast_in_dim3A_3099 = vector.shape_cast %get3A_3098 : vector<16xf32> to vector<1x16xf32>
    %add3A_3100 = vector.broadcast %broadcast_in_dim3A_3099 : vector<1x16xf32> to vector<64x16xf32>
    %add3A_3101 = arith.addf %dot_general3A_3096, %add3A_3100 : vector<64x16xf32>
    %swap3A_3102 = arith.constant 0 : index
    %swap3A_3103 = arith.constant 0 : index
    %swap3A_3104 = arith.constant 0 : index
    %swap3A_3105 = vector.load %arg6[%swap3A_3102, %swap3A_3103, %swap3A_3104] : memref<1x64x16xf32, #tpu.memory_space<vmem>>, vector<1x64x16xf32>
    %swap3A_3106 = vector.shape_cast %swap3A_3105 : vector<1x64x16xf32> to vector<64x16xf32>
    %swap3A_3107 = vector.shape_cast %add3A_3101 : vector<64x16xf32> to vector<1x64x16xf32>
    tpu.vector_store %arg6[%swap3A_3102, %swap3A_3103, %swap3A_3104], %swap3A_3107 {strides = array<i32>} : memref<1x64x16xf32, #tpu.memory_space<vmem>>, vector<1x64x16xf32>,
    %get3A_3108 = arith.constant 256 : index
    %get3A_3109 = arith.constant 0 : index
    %get3A_3110 = vector.load %arg4[%get3A_3108, %get3A_3109] : memref<512x16xf32, #tpu.memory_space<vmem>>, vector<256x16xf32>
    %dot_general3A_3111 = arith.constant dense<0.000000e+00> : vector<64x16xf32>
    %dot_general3A_3112 = tpu.matmul %get3A_3092, %get3A_3110, %dot_general3A_3111 {dimension_numbers = #tpu.dot_dimension_numbers<[1], [0], [0], [1], [0, 0, 1, 1], [], []>, transpose_lhs_hint = false} : vector<64x256xf32>, vector<256x16xf32>, vector<64x16xf32> -> vector<64x16xf32>
    %swap3A_3113 = arith.constant 0 : index
    %swap3A_3114 = arith.constant 0 : index
    %swap3A_3115 = arith.constant 0 : index
    %swap3A_3116 = vector.load %arg7[%swap3A_3113, %swap3A_3114, %swap3A_3115] : memref<1x64x16xf32, #tpu.memory_space<vmem>>, vector<1x64x16xf32>
    %swap3A_3117 = vector.shape_cast %swap3A_3116 : vector<1x64x16xf32> to vector<64x16xf32>
    %swap3A_3118 = vector.shape_cast %dot_general3A_3112 : vector<64x16xf32> to vector<1x64x16xf32>
    tpu.vector_store %arg7[%swap3A_3113, %swap3A_3114, %swap3A_3115], %swap3A_3118 {strides = array<i32>} : memref<1x64x16xf32, #tpu.memory_space<vmem>>, vector<1x64x16xf32>,
    return
  }
  func.func @transform_0(%arg0: i32, %arg1: memref<8x64xi32, #tpu.memory_space<smem>>, %arg2: memref<8x64xi32, #tpu.memory_space<smem>>) -> (i32, i32, i32) {
    %add3A = arith.constant 8 : i32
    %add3A_0 = arith.addi %arg0, %add3A : i32
    %sub3A = arith.constant 4 : i32
    %sub3A_1 = arith.subi %add3A_0, %sub3A : i32
    %c0_i32 = arith.constant 0 : i32
    %c0_i32_2 = arith.constant 0 : i32
    %c0_i32_3 = arith.constant 0 : i32
    return %sub3A_1, %c0_i32, %c0_i32_2 : i32, i32, i32
  }
  func.func @transform_1(%arg0: i32, %arg1: memref<8x64xi32, #tpu.memory_space<smem>>, %arg2: memref<8x64xi32, #tpu.memory_space<smem>>) -> (i32, i32) {
    %c0_i32 = arith.constant 0 : i32
    %c0_i32_0 = arith.constant 0 : i32
    %c0_i32_1 = arith.constant 0 : i32
    return %c0_i32, %c0_i32_0 : i32, i32
  }
  func.func @transform_2(%arg0: i32, %arg1: memref<8x64xi32, #tpu.memory_space<smem>>, %arg2: memref<8x64xi32, #tpu.memory_space<smem>>) -> i32 {
    %c0_i32 = arith.constant 0 : i32
    %c0_i32_0 = arith.constant 0 : i32
    return %c0_i32 : i32
  }
  func.func @transform_3(%arg0: i32, %arg1: memref<8x64xi32, #tpu.memory_space<smem>>, %arg2: memref<8x64xi32, #tpu.memory_space<smem>>) -> (i32, i32, i32) {
    %c0_i32 = arith.constant 0 : i32
    %c0_i32_0 = arith.constant 0 : i32
    %c0_i32_1 = arith.constant 0 : i32
    return %arg0, %c0_i32, %c0_i32_0 : i32, i32, i32
  }
  func.func @transform_4(%arg0: i32, %arg1: memref<8x64xi32, #tpu.memory_space<smem>>, %arg2: memref<8x64xi32, #tpu.memory_space<smem>>) -> (i32, i32, i32) {
    %c0_i32 = arith.constant 0 : i32
    %c0_i32_0 = arith.constant 0 : i32
    %c0_i32_1 = arith.constant 0 : i32
    return %arg0, %c0_i32, %c0_i32_0 : i32, i32, i32
  }
}

</mosaic_0001>

<sc_bundles>
// kernel: kernel.5.cloned.1.call-start
scs
__scs_entry_jumppad:
0x0: {  	(pc) =	sbr.rel $0x88, $3  }
0x1: {  	(tag) =	ssettag $0x0;
	lr =	simm.s32 $0x1  }
0x2: {  	[smem:$0x3F9A] =	sst lr;
	_ =	strace $0xD0000000  }
0x3: {  	_ = 	snop  }
0x4: {  	_ = 	snop  }
0x5: {  	_ = 	snop  }
0x6: {  	_ = 	snop  }
0x7: {  	_ = 	snop  }
__scs_overlays_trampoline_lowered:
0x8: {  	[smem:$0x3FA9] =	sst s0  }
0x9: {  	[smem:$0x3FAA] =	sst s1  }
0xa: {  	[smem:$0x3FAB] =	sst s2  }
0xb: {  	[smem:$0x3FAC] =	sst s3  }
0xc: {  	[smem:$0x3FAD] =	sst s4  }
0xd: {  	[smem:$0x3FAE] =	sst s5  }
0xe: {  	[smem:$0x3FAF] =	sst s6  }
0xf: {  	[smem:$0x3FB0] =	sst s7  }
0x10: {  	[smem:$0x3FB1] =	sst s8  }
0x11: {  	[smem:$0x3FB2] =	sst s9;
	s0 =	simm.s32 @!p0 $0x0  }
0x12: {  	s1 =	sld [smem:$0x3F98];
	s0 =	simm.s32 @p0 $0x1  }
0x13: {  	[smem:$0x3FB3] =	sst s0;
	s0 =	simm.s32 @!p1 $0x0  }
0x14: {  	s2 =	sld [smem:$0x3F97];
	s0 =	simm.s32 @p1 $0x1  }
0x15: {  	[smem:$0x3FB4] =	sst s0;
	s0 =	simm.s32 @!p2 $0x0  }
0x16: {  	s3 =	sld [smem:$0x3FDB];
	s0 =	simm.s32 @p2 $0x1  }
0x17: {  	s4 =	simm.s32 $0x1BF5;
	[smem:$0x3FB6] =	sst s0  }
0x18: {  	s0 =	sld [smem:$0x3F99];
	_ =	swait.ge [sflag:s4], $0x0  }
0x19: {  	s7 =	sld [smem:$0x3F9A]  }
0x1a: {  	s8 =	sadd.s32 $0xFFFFE003, lr  }
0x1b: {  	s9 =	sadd.s32 $0xFFFFFEF7, lr;
	s5 =	simm.s32 $0xFFFFFFFF;
	p2 =	slt.u32 s8, $0xFFFFF086  }
0x1c: {  	p1 =	slt.u32 s9, $0xF7A;
	s5 =	simm.s32 @!p2 $0x0  }
0x1d: {  	s5 =	simm.s32 @p1 $0x1;
	p0 =	seq.s32 s7, s2  }
0x1e: {  	s7 =	smul.u32 @!p0 $0xF7A, s2;
	p2 =	seq.s32 @!p0 s5, $0x0  }
0x1f: {  	s9 =	smul.u32 $0xF7A, s1;
	s8 =	simm.s32 @!p0 $0x1BF5;
	p2 =	por !p2, p0  }
0x20: {  	[sflag:s8] =	ssyncset.s32 @!p0 $0xFFFFF086;
	s6 =	sadd.s32 @!p0 s3, s7;
	s7 =	simm.s32 @!p0 $0x108  }
0x21: {  	s3 =	sadd.s32 s3, s9;
	s6 =	sadd.s32 @!p0 $0x88, s6;
	s7 =	simm.s32 @p2 $0x1082  }
0x22: {  	[simem:s7], [sflag:s8] =	dma.local @!p0 [hbm:s6], $0xF7A  }
0x23: {  	s9 =	sor.u32 $0xD0000000, s2;
	s6 =	simm.s32 $0x108;
	_ =	swait.ge @!p0 [sflag:s8], $0x0  }
0x24: {  	s3 =	sadd.s32 $0x88, s3;
	s6 =	simm.s32 @!p1 $0x1082;
	[sflag:s4] =	ssyncset.s32 $0xFFFFF086  }
0x25: {  	[simem:s6], [sflag:s4] =	dma.local [hbm:s3], $0xF7A  }
0x26: {  	[smem:$0x3F9A] =	sst s1;
	(tag) =	ssettag s2;
	_ =	strace s9  }
0x27: {  	s1 =	sld [smem:$0x3FAA]  }
0x28: {  	s2 =	sld [smem:$0x3FAB]  }
0x29: {  	s4 =	sld [smem:$0x3FAD]  }
0x2a: {  	p0 =	seq.s32 s5, $0x0;
	s5 =	sld [smem:$0x3FAE]  }
0x2b: {  	s6 =	sld [smem:$0x3FAF]  }
0x2c: {  	s7 =	sld [smem:$0x3FB0]  }
0x2d: {  	s3 =	simm.s32 $0x108;
	s8 =	sld [smem:$0x3FB1]  }
0x2e: {  	s3 =	simm.s32 @!p0 $0x1082;
	s9 =	sld [smem:$0x3FB2]  }
0x2f: {  	lr =	sadd.s32 s0, s3;
	s0 =	sld [smem:$0x3FA9]  }
0x30: {  	s3 =	sld [smem:$0x3FAC]  }
0x31: {  	[smem:$0x3FB5] =	sst s10  }
0x32: {  	s10 =	sld [smem:$0x3FB3];
	_ =	sdelay $0x3  }
0x33: {  	p0 =	seq.s32 s10, $0x1;
	s10 =	sld [smem:$0x3FB5];
	_ =	sdelay $0x3  }
0x34: {  	[smem:$0x3FB5] =	sst s10  }
0x35: {  	s10 =	sld [smem:$0x3FB4];
	_ =	sdelay $0x3  }
0x36: {  	p1 =	seq.s32 s10, $0x1;
	s10 =	sld [smem:$0x3FB5];
	_ =	sdelay $0x3  }
0x37: {  	[smem:$0x3FB5] =	sst s10  }
0x38: {  	s10 =	sld [smem:$0x3FB6]  }
0x39: {  	_ = 	snop;
	(pc) =	sbr.ind lr, $3  }
0x3a: {  	_ = 	snop  }
0x3b: {  	_ = 	snop  }
0x3c: {  	p2 =	seq.s32 s10, $0x1;
	s10 =	sld [smem:$0x3FB5]  }
0x3d: {  	_ =	shalt  }
0x3e: {  	_ =	shalt  }
0x3f: {  	_ =	shalt  }
0x40: {  	_ =	shalt  }
0x41: {  	_ =	shalt  }
0x42: {  	_ =	shalt  }
0x43: {  	_ =	shalt  }
0x44: {  	_ =	shalt  }
0x45: {  	_ =	shalt  }
0x46: {  	_ =	shalt  }
0x47: {  	_ =	shalt  }
0x48: {  	_ =	shalt  }
0x49: {  	_ =	shalt  }
0x4a: {  	_ =	shalt  }
0x4b: {  	_ =	shalt  }
0x4c: {  	_ =	shalt  }
0x4d: {  	_ =	shalt  }
0x4e: {  	_ =	shalt  }
0x4f: {  	_ =	shalt  }
0x50: {  	_ =	shalt  }
0x51: {  	_ =	shalt  }
0x52: {  	_ =	shalt  }
0x53: {  	_ =	shalt  }
0x54: {  	_ =	shalt  }
0x55: {  	_ =	shalt  }
0x56: {  	_ =	shalt  }
0x57: {  	_ =	shalt  }
0x58: {  	_ =	shalt  }
0x59: {  	_ =	shalt  }
0x5a: {  	_ =	shalt  }
0x5b: {  	_ =	shalt  }
0x5c: {  	_ =	shalt  }
0x5d: {  	_ =	shalt  }
0x5e: {  	_ =	shalt  }
0x5f: {  	_ =	shalt  }
0x60: {  	_ =	shalt  }
0x61: {  	_ =	shalt  }
0x62: {  	_ =	shalt  }
0x63: {  	_ =	shalt  }
0x64: {  	_ =	shalt  }
0x65: {  	_ =	shalt  }
0x66: {  	_ =	shalt  }
0x67: {  	_ =	shalt  }
0x68: {  	_ =	shalt  }
0x69: {  	_ =	shalt  }
0x6a: {  	_ =	shalt  }
0x6b: {  	_ =	shalt  }
0x6c: {  	_ =	shalt  }
0x6d: {  	_ =	shalt  }
0x6e: {  	_ =	shalt  }
0x6f: {  	_ =	shalt  }
0x70: {  	_ =	shalt  }
0x71: {  	_ =	shalt  }
0x72: {  	_ =	shalt  }
0x73: {  	_ =	shalt  }
0x74: {  	_ =	shalt  }
0x75: {  	_ =	shalt  }
0x76: {  	_ =	shalt  }
0x77: {  	_ =	shalt  }
0x78: {  	_ =	shalt  }
0x79: {  	_ =	shalt  }
0x7a: {  	_ =	shalt  }
0x7b: {  	_ =	shalt  }
0x7c: {  	_ =	shalt  }
0x7d: {  	_ =	shalt  }
0x7e: {  	_ =	shalt  }
0x7f: {  	_ =	shalt  }
0x80: {  	_ =	shalt  }
0x81: {  	_ =	shalt  }
0x82: {  	_ =	shalt  }
0x83: {  	_ =	shalt  }
0x84: {  	_ =	shalt  }
0x85: {  	_ =	shalt  }
0x86: {  	_ =	shalt  }
0x87: {  	_ =	shalt  }
.Lfunc_end0:
.L_simem_size_0:
called_computation_lowered:
.L_overlay_start_0:
0x88: {  	s2 =	sld [smem:$0x3FD9]  }
0x89: {  	s3 =	sld [smem:$0x3FFE];
	_ =	sdelay $0x1  }
0x8a: {  	s1 =	srdreg.scid  }
0x8b: {  	s0 =	sand.u32 $0x1, s1  }
0x8c: {  	s17 =	sshll.u32 s0, $0xA;
	s2 =	sadd.s32 s3, s2  }
0x8d: {  	s2 =	sadd.s32 s2, s17  }
0x8e: {  	[smem:$0x3FC1] =	sst s2  }
0x8f: {  	_ = 	snop  }
0x90: {  	s2 =	sld [smem:$0x3FC6]  }
0x91: {  	s18 =	sld [smem:$0x3FC5]  }
0x92: {  	s4 =	sld [smem:$0x3FD0];
	(tm) =	ssettm $0x1  }
0x93: {  	s5 =	sld [smem:$0x3FFB];
	_ =	sdelay $0x3  }
0x94: {  	_ =	strace s5  }
0x95: {  	s5 =	sld [smem:$0x3FFC];
	_ =	sdelay $0x3  }
0x96: {  	_ =	strace s5  }
0x97: {  	s5 =	sld [smem:$0x3FFD];
	_ =	sdelay $0x3  }
0x98: {  	_ =	strace s5  }
0x99: {  	_ =	strace $0x8FFFFFFF  }
0x9a: {  	s19 =	sld [smem:$0x3FDB];
	_ =	sdelay $0x1  }
0x9b: {  	s6 =	simm.s32 $_scs_section_size  }
0x9c: {  	s7 =	simm.s32 $_size__tile_overlayer_lowered;
	s8 =	simm.s32 $_tile_overlayer_lowered  }
0x9d: {  	s22 =	simm.s32 $0x1BFF;
	s21 =	sshll.u32 s8, $0x1;
	s5 =	sadd.s32 s6, s19  }
0x9e: {  	s9 =	simm.s32 $0x0;
	s20 =	sshll.u32 s7, $0x1;
	s7 =	sadd.s32 s21, s5  }
0x9f: {  	[timem:s9], [sflag:s22] =	dma.local [hbm:s7], s20  }
0xa0: {  	_ =	swait.ge [sflag:s22], s20  }
0xa1: {  	s6 =	ssub.s32 $0x0, s20;
	[sflag:s22] =	ssyncset.done $0x0  }
0xa2: {  	[sflag:s22] =	ssyncadd.s32 s6;
	_ =	sdelay $0x1  }
0xa3: {  	s23 =	simm.s32 $0x1B8B  }
0xa4: {  	_ =	swait.ge [sflag:s23], $0x1  }
0xa5: {  	[sflag:s23] =	ssyncset.done $0x0  }
0xa6: {  	s25 =	simm.s32 $0x1B8E;
	s24 =	sld [smem:$0x3FFE];
	[sflag:s23] =	ssyncadd.s32 $0xFFFFFFFF  }
0xa7: {  	s26 =	simm.s32 $execute0_lowered;
	[smem:$0x3FD2] =	sst s25  }
0xa8: {  	s7 =	sshll.u32 s26, $0x1;
	_ =	strace $0x80000046;
	[dreg:$0x1] =	wrdreg $0xFFFFFFFF  }
0xa9: {  	s28 =	simm.s32 $_size_execute0_lowered;
	s5 =	sadd.s32 s5, s7;
	[dreg:$0x0] =	wrdreg $0x0  }
0xaa: {  	s7 =	sshll.u32 s28, $0x1;
	[dreg:$0x2] =	wrdreg s5  }
0xab: {  	[dreg:$0x3] =	wrdreg s7  }
0xac: {  	[dreg:$0x4] =	wrdreg $0xC0  }
0xad: {  	_ =	task [dreg:s9], $0x5FFFF  }
0xae: {  	[dreg:$0x1] =	wrdreg $0xFFFFFFFF  }
0xaf: {  	[dreg:$0x0] =	wrdreg $0x60  }
0xb0: {  	[dreg:$0x2] =	wrdreg s4  }
0xb1: {  	[dreg:$0x3] =	wrdreg s24  }
0xb2: {  	[dreg:$0x4] =	wrdreg s2  }
0xb3: {  	[dreg:$0x5] =	wrdreg s18  }
0xb4: {  	[dreg:$0x6] =	wrdreg $0x9  }
0xb5: {  	_ =	task.clear_ibuf [dreg:s9], $0x7FFFF;
	_ =	strace $0x90000046  }
0xb6: {  	s29 =	simm.s32 $0x9;
	_ =	strace $0x80000048  }
0xb7: {  	_ =	swait.ge [sflag:s29], $0x1  }
0xb8: {  	[sflag:s29] =	ssyncadd.s32 $0xFFFFFFFF  }
0xb9: {  	_ =	strace $0x90000048  }
0xba: {  	_ =	sfence  }
0xbb: {  	s30 =	sld [smem:$0x0];
	_ =	sdelay $0x2  }
0xbc: {  	s31 =	sshll.u32 s1, $0xD;
	s1 =	sshrl.u32 s1, $0x2  }
0xbd: {  	s3 =	sand.u32 $0x4000, s31;
	s1 =	sadd.s32 s1, s30  }
0xbe: {  	s0 =	sor.u32 s3, s0;
	s1 =	sshll.u32 s1, $0x11  }
0xbf: {  	s0 =	sor.u32 s1, s0  }
0xc0: {  	s0 =	sadd.s32 $0x8F2B, s0  }
0xc1: {  	[sflag:s0] =	ssyncadd.remote.s32 $0x1  }
0xc2: {  	_ =	sfence.sel $0xFFFF  }
0xc3: {  	[dreg:$0x0] =	wrdreg $0xFFFFFFFF;
	(pc) =	sbr.abs _section_cstart, $3  }
0xc4: {  	[dreg:$0x1] =	wrdreg $0xFFFFFFFF  }
0xc5: {  	_ =	task.clear_ibuf [dreg:s9], $0x2FFFF;
	_ =	strace $0x9FFFFFFF  }
0xc6: {  	(tm) =	ssettm $0x7FFFFFFF  }
0xc7: {  	_ =	shalt  }
tec
execute0_lowered:
.L_overlay_start_1:
0x0: {  	(tag) =	ssettag $0x1  }
0x1: {  	s3 =	rddreg [dreg:$0x0]  }
0x2: {  	s4 =	rddreg [dreg:$0x1]  }
0x3: {  	s5 =	rddreg [dreg:$0x2]  }
0x4: {  	s6 =	rddreg [dreg:$0x3]  }
0x5: {  	s0 =	rddreg [dreg:$0x4];
	s2 =	simm.s32 $0x0;
	s1 =	stileid.u32  }
0x6: {  	s9 =	srdreg.scid;
	s15 =	simm.s32 $0x2;
	s16 =	simm.s32 $0x3  }
0x7: {  	s17 =	simm.s32 $0x4;
	s18 =	simm.s32 $0x4200;
	s19 =	simm.s32 $0x5  }
0x8: {  	s20 =	simm.s32 $0x0;
	[smem:$0x7FF] =	sst s2;
	s7 =	sshrl.u32 s1, $0x2  }
0x9: {  	s10 =	sshll.u32 s1, $0x1;
	s9 =	sand.u32 $0x1, s9;
	_ =	strace $0x80000047  }
0xa: {  	s8 =	sshll.u32 s7, $0xA;
	s10 =	sand.u32 $0x6, s10;
	s12 =	sshll.u32 s7, $0xF  }
0xb: {  	s13 =	ssub.s32 $0x2, s9;
	s7 =	sshll.u32 s7, $0x4;
	s11 =	sadd.s32 s8, s4  }
0xc: {  	s9 =	sor.u32 s9, s10;
	s28 =	sshrl.u32 s13, $0x1;
	s12 =	sadd.s32 s12, s4  }
0xd: {  	s3 =	sadd.s32 s3, s8;
	s14 =	sshll.u32 s9, $0x8;
	s10 =	ssub.s32 s13, s28  }
0xe: {  	s30 =	sshll.u32 s9, $0xC;
	s4 =	sadd.s32 $0x1C00, s11;
	s9 =	simm.s32 $0x2000  }
0xf: {  	s11 =	simm.s32 $0x400;
	s13 =	simm.s32 $0x4100;
	s29 =	sor.u32 s7, s14  }
0x10: {  	s7 =	sadd.s32 s30, s12;
	s8 =	smax.u32 s10, $0x1;
	s10 =	simm.s32 $0x80  }
0x11: {  	s12 =	simm.s32 $0x4000;
	s14 =	simm.s32 $0x1;
	s31 =	sor.u32 $0x40, s29  }
0x12: {  	s7 =	sadd.s32 $0x2C00, s7;
	s5 =	sadd.s32 s5, s31;
	s6 =	sadd.s32 s6, s31  }
.LBB2_1:
0x13: {  	[tilespmem:s2], [sflag:$0x1] =	stream.linear.gather [hbm4b:s3+s2], $0x2000, $0x38;
	[tilespmem:$0xC200] =	vst v63  }
0x14: {  	_ = 	snop  }
0x15: {  	[tilespmem:s9], [sflag:$0x2] =	stream.linear.gather [hbm4b:s4+s2], $0x2000, $0x38;
	[tilespmem:$0xC200] =	vst v63  }
0x16: {  	_ = 	snop  }
0x17: {  	[tilespmem:s12], [sflag:$0x3] =	stream.strided.gather [hbm4b:s5+s10], $0x100, s11, s10, $0x38;
	[tilespmem:$0xC200] =	vst v63  }
0x18: {  	_ = 	snop  }
0x19: {  	[tilespmem:s13], [sflag:$0x4] =	stream.strided.gather [hbm4b:s6+s10], $0x100, s11, s10, $0x38;
	[tilespmem:$0xC200] =	vst v63  }
0x1a: {  	_ =	swait.ge [sflag:s14], $0x2000  }
0x1b: {  	[sflag:s14] =	ssyncset.done $0x0  }
0x1c: {  	[sflag:s14] =	ssyncadd.s32 $0xFFFFE000  }
0x1d: {  	_ =	swait.ge [sflag:s15], $0x2000  }
0x1e: {  	[sflag:s15] =	ssyncset.done $0x0  }
0x1f: {  	[sflag:s15] =	ssyncadd.s32 $0xFFFFE000  }
0x20: {  	_ =	swait.ge [sflag:s16], $0x100  }
0x21: {  	[sflag:s16] =	ssyncset.done $0x0  }
0x22: {  	[sflag:s16] =	ssyncadd.s32 $0xFFFFFF00  }
0x23: {  	_ =	swait.ge [sflag:s17], $0x100  }
0x24: {  	[sflag:s17] =	ssyncset.done $0x0  }
0x25: {  	s21 =	simm.s32 $0x0;
	[sflag:s17] =	ssyncadd.s32 $0xFFFFFF00  }
0x26: {  	v0 =	vld [tilespmem:s21+$0x4100];
	_ =	sdelay $0x1  }
0x27: {  	v1 =	vld [tilespmem:s21+$0x4000];
	_ =	sdelay $0x2  }
0x28: {  	v0 =	vshll.u32 v0, $0x9  }
0x29: {  	v0 =	vshra.s32 v0, $0x2  }
0x2a: {  	v1 =	vshll.u32 v1, $0x9;
	v0 =	vadd.s32 $0x2000, v0  }
0x2b: {  	v1 =	vshra.s32 v1, $0x2;
	(v2sf) =	vpush v0, $0x0  }
0x2c: {  	(v2sf) =	vpush v1, $0x0;
	_ =	sdelay $0x7  }
0x2d: {  	(v2sf) =	vpush v1, $0x1  }
0x2e: {  	(v2sf) =	vpush v0, $0x1;
	_ =	sdelay $0x4  }
0x2f: {  	s28 =	spop (v2sf)  }
0x30: {  	v2 =	vld [tilespmem:s28+$0x0];
	s29 =	spop (v2sf)  }
0x31: {  	v3 =	vld [tilespmem:s29+$0x0]  }
0x32: {  	(v2sf) =	vpush v1, $0x2  }
0x33: {  	(v2sf) =	vpush v0, $0x2;
	_ =	sdelay $0x2  }
0x34: {  	v2 =	vadd.f32 v2, v3  }
0x35: {  	s21 =	simm.s32 $0x4600  }
0x36: {  	s22 =	spop (v2sf);
	[tilespmem:s21+$0xFFFFFC00] =	vst v2  }
0x37: {  	s30 =	spop (v2sf);
	v2 =	vld [tilespmem:s22+$0x0]  }
0x38: {  	v3 =	vld [tilespmem:s30+$0x0]  }
0x39: {  	(v2sf) =	vpush v1, $0x3  }
0x3a: {  	(v2sf) =	vpush v0, $0x3;
	_ =	sdelay $0x2  }
0x3b: {  	v2 =	vadd.f32 v3, v2;
	_ =	sdelay $0x1  }
0x3c: {  	s31 =	spop (v2sf);
	[tilespmem:s21+$0xFFFFFC80] =	vst v2  }
0x3d: {  	s23 =	spop (v2sf);
	v2 =	vld [tilespmem:s31+$0x0]  }
0x3e: {  	v3 =	vld [tilespmem:s23+$0x0]  }
0x3f: {  	(v2sf) =	vpush v1, $0x4  }
0x40: {  	(v2sf) =	vpush v0, $0x4;
	_ =	sdelay $0x2  }
0x41: {  	v2 =	vadd.f32 v3, v2;
	_ =	sdelay $0x1  }
0x42: {  	s24 =	spop (v2sf);
	[tilespmem:s21+$0xFFFFFD00] =	vst v2  }
0x43: {  	s25 =	spop (v2sf);
	v2 =	vld [tilespmem:s24+$0x0]  }
0x44: {  	v3 =	vld [tilespmem:s25+$0x0]  }
0x45: {  	(v2sf) =	vpush v1, $0x5  }
0x46: {  	(v2sf) =	vpush v0, $0x5;
	_ =	sdelay $0x2  }
0x47: {  	v2 =	vadd.f32 v3, v2;
	_ =	sdelay $0x1  }
0x48: {  	s26 =	spop (v2sf);
	[tilespmem:s21+$0xFFFFFD80] =	vst v2  }
0x49: {  	s28 =	spop (v2sf);
	v2 =	vld [tilespmem:s26+$0x0]  }
0x4a: {  	v3 =	vld [tilespmem:s28+$0x0]  }
0x4b: {  	(v2sf) =	vpush v1, $0x6  }
0x4c: {  	(v2sf) =	vpush v0, $0x6;
	_ =	sdelay $0x2  }
0x4d: {  	v2 =	vadd.f32 v3, v2;
	_ =	sdelay $0x1  }
0x4e: {  	s29 =	spop (v2sf);
	[tilespmem:s21+$0xFFFFFE00] =	vst v2  }
0x4f: {  	s30 =	spop (v2sf);
	v2 =	vld [tilespmem:s29+$0x0]  }
0x50: {  	v3 =	vld [tilespmem:s30+$0x0]  }
0x51: {  	(v2sf) =	vpush v1, $0x7  }
0x52: {  	(v2sf) =	vpush v0, $0x7;
	_ =	sdelay $0x2  }
0x53: {  	v2 =	vadd.f32 v3, v2;
	_ =	sdelay $0x1  }
0x54: {  	s31 =	spop (v2sf);
	[tilespmem:s21+$0xFFFFFE80] =	vst v2  }
0x55: {  	s23 =	spop (v2sf);
	v2 =	vld [tilespmem:s31+$0x0]  }
0x56: {  	v3 =	vld [tilespmem:s23+$0x0]  }
0x57: {  	(v2sf) =	vpush v1, $0x8  }
0x58: {  	(v2sf) =	vpush v0, $0x8;
	_ =	sdelay $0x2  }
0x59: {  	v2 =	vadd.f32 v3, v2;
	_ =	sdelay $0x1  }
0x5a: {  	s24 =	spop (v2sf);
	[tilespmem:s21+$0xFFFFFF00] =	vst v2  }
0x5b: {  	s25 =	spop (v2sf);
	v2 =	vld [tilespmem:s24+$0x0]  }
0x5c: {  	v3 =	vld [tilespmem:s25+$0x0]  }
0x5d: {  	(v2sf) =	vpush v1, $0x9  }
0x5e: {  	(v2sf) =	vpush v0, $0x9;
	_ =	sdelay $0x2  }
0x5f: {  	v2 =	vadd.f32 v3, v2;
	_ =	sdelay $0x1  }
0x60: {  	s26 =	spop (v2sf);
	[tilespmem:s21+$0xFFFFFF80] =	vst v2  }
0x61: {  	s28 =	spop (v2sf);
	v2 =	vld [tilespmem:s26+$0x0]  }
0x62: {  	v3 =	vld [tilespmem:s28+$0x0]  }
0x63: {  	(v2sf) =	vpush v1, $0xA  }
0x64: {  	(v2sf) =	vpush v0, $0xA;
	_ =	sdelay $0x2  }
0x65: {  	v2 =	vadd.f32 v3, v2;
	_ =	sdelay $0x1  }
0x66: {  	s29 =	spop (v2sf);
	[tilespmem:s21+$0x0] =	vst v2  }
0x67: {  	s30 =	spop (v2sf);
	v2 =	vld [tilespmem:s29+$0x0]  }
0x68: {  	v3 =	vld [tilespmem:s30+$0x0]  }
0x69: {  	(v2sf) =	vpush v1, $0xB  }
0x6a: {  	(v2sf) =	vpush v0, $0xB;
	_ =	sdelay $0x2  }
0x6b: {  	v2 =	vadd.f32 v3, v2;
	_ =	sdelay $0x1  }
0x6c: {  	s31 =	spop (v2sf);
	[tilespmem:s21+$0x80] =	vst v2  }
0x6d: {  	(v2sf) =	vpush v1, $0xC;
	s23 =	spop (v2sf);
	v2 =	vld [tilespmem:s31+$0x0]  }
0x6e: {  	v3 =	vld [tilespmem:s23+$0x0];
	_ =	sdelay $0x1  }
0x6f: {  	(v2sf) =	vpush v0, $0xC;
	_ =	sdelay $0x2  }
0x70: {  	v2 =	vadd.f32 v3, v2;
	_ =	sdelay $0x1  }
0x71: {  	s24 =	spop (v2sf);
	[tilespmem:s21+$0x100] =	vst v2  }
0x72: {  	s25 =	spop (v2sf);
	v2 =	vld [tilespmem:s24+$0x0]  }
0x73: {  	v3 =	vld [tilespmem:s25+$0x0]  }
0x74: {  	(v2sf) =	vpush v1, $0xD  }
0x75: {  	(v2sf) =	vpush v0, $0xD;
	_ =	sdelay $0x2  }
0x76: {  	s26 =	spop (v2sf);
	(v2sf) =	vpush v1, $0xE;
	v2 =	vadd.f32 v3, v2;
	_ =	sdelay $0x1  }
0x77: {  	[tilespmem:s21+$0x180] =	vst v2  }
0x78: {  	s28 =	spop (v2sf);
	v2 =	vld [tilespmem:s26+$0x0]  }
0x79: {  	v3 =	vld [tilespmem:s28+$0x0];
	_ =	sdelay $0x1  }
0x7a: {  	(v2sf) =	vpush v0, $0xE;
	_ =	sdelay $0x2  }
0x7b: {  	v2 =	vadd.f32 v3, v2;
	_ =	sdelay $0x1  }
0x7c: {  	s29 =	spop (v2sf);
	[tilespmem:s21+$0x200] =	vst v2  }
0x7d: {  	s30 =	spop (v2sf);
	v2 =	vld [tilespmem:s29+$0x0]  }
0x7e: {  	v3 =	vld [tilespmem:s30+$0x0]  }
0x7f: {  	(v2sf) =	vpush v0, $0xF  }
0x80: {  	s31 =	spop (v2sf);
	(v2sf) =	vpush v1, $0xF;
	_ =	sdelay $0x2  }
0x81: {  	v2 =	vadd.f32 v3, v2;
	_ =	sdelay $0x1  }
0x82: {  	[tilespmem:s21+$0x280] =	vst v2  }
0x83: {  	s22 =	simm.s32 $0x4600;
	s23 =	simm.s32 $0x40;
	s24 =	spop (v2sf);
	v0 =	vld [tilespmem:s31+$0x0]  }
.LBB2_2:
0x84: {  	p0 =	sne.s32 s23, $0x3C0  }
0x85: {  	v1 =	vld [tilespmem:s24+$0x0];
	s21 =	sadd.s32 $0x800, s21;
	s24 =	smov.u32 s23;
	s23 =	sadd.s32 $0x40, s23  }
0x86: {  	_ =	sdelay $0x3  }
0x87: {  	v0 =	vadd.f32 v1, v0  }
0x88: {  	s25 =	spop (v2sf)  }
0x89: {  	[tilespmem:s22+$0x300] =	vst v0;
	s26 =	spop (v2sf)  }
0x8a: {  	v0 =	vld [tilespmem:s26+$0x0]  }
0x8b: {  	v1 =	vld [tilespmem:s25+$0x0];
	_ =	sdelay $0x4  }
0x8c: {  	v0 =	vadd.f32 v1, v0;
	_ =	sdelay $0x1  }
0x8d: {  	s24 =	sshra.s32 s24, $0x2;
	[tilespmem:s22+$0x380] =	vst v0;
	s22 =	smov.u32 s21  }
0x8e: {  	v0 =	vld [tilespmem:s24+$0x4100]  }
0x8f: {  	v1 =	vld [tilespmem:s24+$0x4000];
	_ =	sdelay $0x3  }
0x90: {  	v0 =	vshll.u32 v0, $0x9  }
0x91: {  	v1 =	vshll.u32 v1, $0x9;
	v2 =	vshra.s32 v0, $0x2  }
0x92: {  	v0 =	vshra.s32 v1, $0x2;
	v1 =	vadd.s32 $0x2000, v2  }
0x93: {  	(v2sf) =	vpush v1, $0x0  }
0x94: {  	(v2sf) =	vpush v0, $0x0;
	_ =	sdelay $0x7  }
0x95: {  	(v2sf) =	vpush v0, $0x1  }
0x96: {  	(v2sf) =	vpush v1, $0x1;
	_ =	sdelay $0x4  }
0x97: {  	s24 =	spop (v2sf)  }
0x98: {  	v2 =	vld [tilespmem:s24+$0x0];
	s24 =	spop (v2sf)  }
0x99: {  	v3 =	vld [tilespmem:s24+$0x0]  }
0x9a: {  	(v2sf) =	vpush v0, $0x2  }
0x9b: {  	(v2sf) =	vpush v1, $0x2;
	_ =	sdelay $0x2  }
0x9c: {  	v2 =	vadd.f32 v2, v3;
	_ =	sdelay $0x1  }
0x9d: {  	[tilespmem:s21+$0xFFFFFC00] =	vst v2;
	s24 =	spop (v2sf)  }
0x9e: {  	v2 =	vld [tilespmem:s24+$0x0];
	s24 =	spop (v2sf)  }
0x9f: {  	v3 =	vld [tilespmem:s24+$0x0]  }
0xa0: {  	(v2sf) =	vpush v0, $0x3  }
0xa1: {  	(v2sf) =	vpush v1, $0x3;
	_ =	sdelay $0x2  }
0xa2: {  	v2 =	vadd.f32 v3, v2;
	_ =	sdelay $0x1  }
0xa3: {  	[tilespmem:s21+$0xFFFFFC80] =	vst v2;
	s24 =	spop (v2sf)  }
0xa4: {  	v2 =	vld [tilespmem:s24+$0x0];
	s24 =	spop (v2sf)  }
0xa5: {  	v3 =	vld [tilespmem:s24+$0x0]  }
0xa6: {  	(v2sf) =	vpush v0, $0x4  }
0xa7: {  	(v2sf) =	vpush v1, $0x4;
	_ =	sdelay $0x2  }
0xa8: {  	v2 =	vadd.f32 v3, v2;
	_ =	sdelay $0x1  }
0xa9: {  	[tilespmem:s21+$0xFFFFFD00] =	vst v2;
	s24 =	spop (v2sf)  }
0xaa: {  	v2 =	vld [tilespmem:s24+$0x0];
	s24 =	spop (v2sf)  }
0xab: {  	v3 =	vld [tilespmem:s24+$0x0]  }
0xac: {  	(v2sf) =	vpush v0, $0x5  }
0xad: {  	(v2sf) =	vpush v1, $0x5;
	_ =	sdelay $0x2  }
0xae: {  	v2 =	vadd.f32 v3, v2;
	_ =	sdelay $0x1  }
0xaf: {  	[tilespmem:s21+$0xFFFFFD80] =	vst v2;
	s24 =	spop (v2sf)  }
0xb0: {  	v2 =	vld [tilespmem:s24+$0x0];
	s24 =	spop (v2sf)  }
0xb1: {  	v3 =	vld [tilespmem:s24+$0x0]  }
0xb2: {  	(v2sf) =	vpush v0, $0x6  }
0xb3: {  	(v2sf) =	vpush v1, $0x6;
	_ =	sdelay $0x2  }
0xb4: {  	v2 =	vadd.f32 v3, v2;
	_ =	sdelay $0x1  }
0xb5: {  	[tilespmem:s21+$0xFFFFFE00] =	vst v2;
	s24 =	spop (v2sf)  }
0xb6: {  	v2 =	vld [tilespmem:s24+$0x0];
	s24 =	spop (v2sf)  }
0xb7: {  	v3 =	vld [tilespmem:s24+$0x0]  }
0xb8: {  	(v2sf) =	vpush v0, $0x7  }
0xb9: {  	(v2sf) =	vpush v1, $0x7;
	_ =	sdelay $0x2  }
0xba: {  	v2 =	vadd.f32 v3, v2;
	_ =	sdelay $0x1  }
0xbb: {  	[tilespmem:s21+$0xFFFFFE80] =	vst v2;
	s24 =	spop (v2sf)  }
0xbc: {  	v2 =	vld [tilespmem:s24+$0x0];
	s24 =	spop (v2sf)  }
0xbd: {  	v3 =	vld [tilespmem:s24+$0x0]  }
0xbe: {  	(v2sf) =	vpush v0, $0x8  }
0xbf: {  	(v2sf) =	vpush v1, $0x8;
	_ =	sdelay $0x2  }
0xc0: {  	v2 =	vadd.f32 v3, v2;
	_ =	sdelay $0x1  }
0xc1: {  	[tilespmem:s21+$0xFFFFFF00] =	vst v2;
	s24 =	spop (v2sf)  }
0xc2: {  	v2 =	vld [tilespmem:s24+$0x0];
	s24 =	spop (v2sf)  }
0xc3: {  	v3 =	vld [tilespmem:s24+$0x0]  }
0xc4: {  	(v2sf) =	vpush v0, $0x9  }
0xc5: {  	(v2sf) =	vpush v1, $0x9;
	_ =	sdelay $0x2  }
0xc6: {  	v2 =	vadd.f32 v3, v2;
	_ =	sdelay $0x1  }
0xc7: {  	[tilespmem:s21+$0xFFFFFF80] =	vst v2;
	s24 =	spop (v2sf)  }
0xc8: {  	v2 =	vld [tilespmem:s24+$0x0];
	s24 =	spop (v2sf)  }
0xc9: {  	v3 =	vld [tilespmem:s24+$0x0]  }
0xca: {  	(v2sf) =	vpush v0, $0xA  }
0xcb: {  	(v2sf) =	vpush v1, $0xA;
	_ =	sdelay $0x2  }
0xcc: {  	v2 =	vadd.f32 v3, v2;
	_ =	sdelay $0x1  }
0xcd: {  	[tilespmem:s21+$0x0] =	vst v2;
	s24 =	spop (v2sf)  }
0xce: {  	v2 =	vld [tilespmem:s24+$0x0];
	s24 =	spop (v2sf)  }
0xcf: {  	v3 =	vld [tilespmem:s24+$0x0]  }
0xd0: {  	(v2sf) =	vpush v0, $0xB  }
0xd1: {  	(v2sf) =	vpush v1, $0xB;
	_ =	sdelay $0x2  }
0xd2: {  	v2 =	vadd.f32 v3, v2;
	_ =	sdelay $0x1  }
0xd3: {  	[tilespmem:s21+$0x80] =	vst v2;
	s24 =	spop (v2sf)  }
0xd4: {  	v2 =	vld [tilespmem:s24+$0x0];
	s24 =	spop (v2sf)  }
0xd5: {  	v3 =	vld [tilespmem:s24+$0x0]  }
0xd6: {  	(v2sf) =	vpush v0, $0xC  }
0xd7: {  	(v2sf) =	vpush v1, $0xC;
	_ =	sdelay $0x2  }
0xd8: {  	v2 =	vadd.f32 v3, v2;
	_ =	sdelay $0x1  }
0xd9: {  	[tilespmem:s21+$0x100] =	vst v2;
	s24 =	spop (v2sf)  }
0xda: {  	v2 =	vld [tilespmem:s24+$0x0];
	s24 =	spop (v2sf)  }
0xdb: {  	v3 =	vld [tilespmem:s24+$0x0]  }
0xdc: {  	(v2sf) =	vpush v0, $0xD  }
0xdd: {  	(v2sf) =	vpush v1, $0xD;
	_ =	sdelay $0x2  }
0xde: {  	v2 =	vadd.f32 v3, v2;
	_ =	sdelay $0x1  }
0xdf: {  	[tilespmem:s21+$0x180] =	vst v2;
	s24 =	spop (v2sf)  }
0xe0: {  	v2 =	vld [tilespmem:s24+$0x0];
	s24 =	spop (v2sf)  }
0xe1: {  	v3 =	vld [tilespmem:s24+$0x0]  }
0xe2: {  	(v2sf) =	vpush v0, $0xE  }
0xe3: {  	(v2sf) =	vpush v1, $0xE;
	_ =	sdelay $0x2  }
0xe4: {  	v2 =	vadd.f32 v3, v2;
	_ =	sdelay $0x1  }
0xe5: {  	[tilespmem:s21+$0x200] =	vst v2;
	s24 =	spop (v2sf)  }
0xe6: {  	v2 =	vld [tilespmem:s24+$0x0];
	s24 =	spop (v2sf)  }
0xe7: {  	v3 =	vld [tilespmem:s24+$0x0];
	(v2sf) =	vpush v1, $0xF  }
0xe8: {  	(v2sf) =	vpush v0, $0xF;
	_ =	sdelay $0x2  }
.Ltmp0:
0xe9: {  	(pc) =	sbr.rel @p0 .LBB2_2-.Ltmp0, $3  }
0xea: {  	v0 =	vadd.f32 v3, v2;
	_ =	sdelay $0x1  }
0xeb: {  	[tilespmem:s21+$0x280] =	vst v0;
	s24 =	spop (v2sf)  }
0xec: {  	v0 =	vld [tilespmem:s24+$0x0];
	s24 =	spop (v2sf)  }
0xed: {  	v1 =	vld [tilespmem:s24+$0x0];
	_ =	sdelay $0x4  }
0xee: {  	v0 =	vadd.f32 v1, v0  }
0xef: {  	s21 =	spop (v2sf)  }
0xf0: {  	[tilespmem:s22+$0x300] =	vst v0;
	s23 =	spop (v2sf)  }
0xf1: {  	v0 =	vld [tilespmem:s23+$0x0]  }
0xf2: {  	v63 =	vld [tilespmem:s21+$0x0];
	_ =	sdelay $0x4  }
0xf3: {  	s20 =	sadd.s32 $0x1, s20;
	v0 =	vadd.f32 v63, v0  }
0xf4: {  	p0 =	sne.s32 s20, s8  }
.Ltmp1:
0xf5: {  	[tilespmem:s22+$0x380] =	vst v0;
	(pc) =	sbr.rel @p0 .LBB2_1-.Ltmp1, $4  }
0xf6: {  	[hbm4b:s7+s2] =	stream.linear.scatter [tilespmem:s18], [sflag:$0x5], $0x8000, $0x38;
	[tilespmem:$0xC200] =	vst v63  }
0xf7: {  	_ =	swait.ge [sflag:s19], $0x8000  }
0xf8: {  	[sflag:s19] =	ssyncset.done $0x0  }
0xf9: {  	[sflag:s19] =	ssyncadd.s32 $0xFFFF8000  }
0xfa: {  	_ =	sfence.sel $0x180000  }
0xfb: {  	[bflag:$0x0] =	sbarrier.arrive $0xFFFF  }
0xfc: {  	p0 =	sne.s32 s1, $0x0;
	_ =	strace $0x90000047  }
0xfd: {  	s0 =	sadd.s32 @!p0 $0x100000, s0;
	[bflag:$0x2] =	sbarrier.arrive $0xFFFF  }
0xfe: {  	[sflag:s0] =	ssyncadd.tile.s32 @!p0 $0x1;
	_ =	shalt  }
.Lfunc_end2:
_tile_overlayer_lowered:
.L_overlay_start_2:
0xff: {  	(tag) =	ssettag $0x2  }
0x100: {  	s0 =	rddreg [dreg:$0x0];
	s2 =	stileid.u32  }
0x101: {  	s1 =	rddreg [dreg:$0x1];
	p0 =	sne.s32 s2, $0x0  }
0x102: {  	s3 =	rddreg [dreg:$0x2];
	[bflag:$0x3] =	sbarrier.arrive $0xFFFF;
	s2 =	simm.s32 @!p0 $0x1C05  }
0x103: {  	[timem:s3], [sflag:s2] =	dma.local @!p0 [hbm:s0], s1  }
0x104: {  	s0 =	simm.s32 @!p0 $0x5  }
0x105: {  	_ =	swait.ge @!p0 [sflag:s0], s1  }
0x106: {  	s1 =	ssub.s32 @!p0 $0x0, s1;
	[sflag:s0] =	ssyncset.done @!p0 $0x0  }
0x107: {  	[sflag:s0] =	ssyncadd.s32 @!p0 s1  }
0x108: {  	[bflag:$0x3] =	sbarrier.arrive $0xFFFF  }
0x109: {  	_ =	shalt  }

</sc_bundles>
